<compile_context>
chip_gen: v7x
topology: tpu7x:2x2x1
jax: 0.10.2.dev20260603
libtpu: 0.0.44.dev20260713+nightly
codegen_flags: <defaults>
</compile_context>

<pallas_src>
import jax
import jax.numpy as jnp
from jax import lax
from jax.experimental import pallas as pl
from jax.experimental.pallas import tpu as pltpu
from jax.experimental.pallas import tpu_sc as plsc

N0 = 100000
NPAD = 100352
NL = NPAD // 8
RPT_N = NPAD // 16
E0 = 3200000
EPT = E0 // 32
SUPE = 1024
NFULL = 97
TAIL = EPT - NFULL * SUPE

_MESH = plsc.VectorSubcoreMesh(core_axis_name="c", subcore_axis_name="s",
                               num_cores=2, num_subcores=16)



def _deg_body(dst1, degp, idxd0, idxd1, idxt, ones_v, zbuf, accd,
              semd0, semd1):
    cid = lax.axis_index("c")
    sid = lax.axis_index("s")
    wid = sid * 2 + cid
    zv = jnp.zeros((16,), jnp.float32)
    ov = jnp.ones((16,), jnp.float32)

    def fill_z(k, carry):
        zbuf[pl.ds(k * 16, 16)] = zv
        return carry
    lax.fori_loop(0, RPT_N // 16, fill_z, 0)

    def fill_o(i, carry):
        ones_v[pl.ds(i * 16, 16)] = ov
        return carry
    lax.fori_loop(0, SUPE // 16, fill_o, 0)

    nb = sid * RPT_N
    pltpu.sync_copy(zbuf, accd.at[pl.ds(nb, RPT_N)])
    plsc.subcore_barrier()

    eb = wid * EPT

    idxd = (idxd0, idxd1)
    pltpu.sync_copy(dst1.at[pl.ds(eb, SUPE)], idxd[0])

    def dpair(s, carry):
        for b in range(2):
            c = s * 2 + b
            p = b
            q = 1 - b
            sc = pltpu.async_copy(ones_v, accd.at[idxd[p]],
                                  semd0 if b == 0 else semd1, add=True)
            pltpu.sync_copy(dst1.at[pl.ds(eb + (c + 1) * SUPE, SUPE)],
                            idxd[q])
            sc.wait()
        return carry
    lax.fori_loop(0, (NFULL - 1) // 2, dpair, 0)
    sc = pltpu.async_copy(ones_v, accd.at[idxd[0]], semd0, add=True)
    pltpu.sync_copy(dst1.at[pl.ds(eb + NFULL * SUPE, TAIL)], idxt)
    sc.wait()
    pltpu.async_copy(ones_v.at[pl.ds(0, TAIL)], accd.at[idxt], semd1,
                     add=True).wait()
    plsc.subcore_barrier()
    pltpu.sync_copy(accd.at[pl.ds(nb, RPT_N)], degp.at[cid, pl.ds(nb, RPT_N)])


_deg_call = pl.kernel(
    _deg_body,
    out_type=jax.ShapeDtypeStruct((2, NPAD), jnp.float32),
    mesh=_MESH,
    scratch_types=[
        pltpu.VMEM((SUPE,), jnp.int32),
        pltpu.VMEM((SUPE,), jnp.int32),
        pltpu.VMEM((TAIL,), jnp.int32),
        pltpu.VMEM((SUPE,), jnp.float32),
        pltpu.VMEM((RPT_N,), jnp.float32),
        pltpu.VMEM_SHARED((NPAD,), jnp.float32),
        pltpu.SemaphoreType.DMA,
        pltpu.SemaphoreType.DMA,
    ],
    compiler_params=pltpu.CompilerParams(use_tc_tiling_on_sc=False),
)



def _agg_body(table, src1, dst1, aggp,
              idxs0, idxd0, rows0, idxs1, idxd1, idxst, idxdt, zbuf, acc,
              semg0, semg1, sems0):
    cid = lax.axis_index("c")
    sid = lax.axis_index("s")
    wid = sid * 2 + cid
    zv = jnp.zeros((16,), jnp.float32)

    idxs = (idxs0, idxs1)
    idxd = (idxd0, idxd1)

    def fill_z(i, carry):
        zbuf[i, :] = zv
        return carry
    lax.fori_loop(0, 128, fill_z, 0)

    nb = sid * RPT_N
    zcps = [pltpu.async_copy(zbuf, acc.at[pl.ds(nb + j * 128, 128)], semg1)
            for j in range(RPT_N // 128)]
    for cp in zcps:
        cp.wait()
    plsc.subcore_barrier()

    eb = wid * EPT

    def load_idx(c, p):
        rb = eb + c * SUPE
        pltpu.sync_copy(src1.at[pl.ds(rb, SUPE)], idxs[p])
        pltpu.sync_copy(dst1.at[pl.ds(rb, SUPE)], idxd[p])

    load_idx(0, 0)

    def pair(s, carry):
        for b in range(2):
            c = s * 2 + b
            p = b
            q = 1 - b
            pltpu.async_copy(table.at[idxs[p]], rows0, semg0).wait()
            sc = pltpu.async_copy(rows0, acc.at[idxd[p]], sems0, add=True)
            load_idx(c + 1, q)
            sc.wait()
        return carry
    lax.fori_loop(0, (NFULL - 1) // 2, pair, 0)
    pltpu.async_copy(table.at[idxs[0]], rows0, semg0).wait()
    sc = pltpu.async_copy(rows0, acc.at[idxd[0]], sems0, add=True)
    tb = eb + NFULL * SUPE
    pltpu.sync_copy(src1.at[pl.ds(tb, TAIL)], idxst)
    pltpu.sync_copy(dst1.at[pl.ds(tb, TAIL)], idxdt)
    sc.wait()
    pltpu.async_copy(table.at[idxst], rows0.at[pl.ds(0, TAIL)], semg0).wait()
    pltpu.async_copy(rows0.at[pl.ds(0, TAIL)], acc.at[idxdt], sems0,
                     add=True).wait()
    plsc.subcore_barrier()
    pltpu.sync_copy(acc.at[pl.ds(nb, RPT_N)], aggp.at[cid, pl.ds(nb, RPT_N)])


_agg_call = pl.kernel(
    _agg_body,
    out_type=jax.ShapeDtypeStruct((2, NPAD, 16), jnp.float32),
    mesh=_MESH,
    scratch_types=[
        pltpu.VMEM((SUPE,), jnp.int32),
        pltpu.VMEM((SUPE,), jnp.int32),
        pltpu.VMEM((SUPE, 16), jnp.float32),
        pltpu.VMEM((SUPE,), jnp.int32),
        pltpu.VMEM((SUPE,), jnp.int32),
        pltpu.VMEM((TAIL,), jnp.int32),
        pltpu.VMEM((TAIL,), jnp.int32),
        pltpu.VMEM((128, 16), jnp.float32),
        pltpu.VMEM_SHARED((NPAD, 16), jnp.float32),
        pltpu.SemaphoreType.DMA,
        pltpu.SemaphoreType.DMA,
        pltpu.SemaphoreType.DMA,
    ],
    compiler_params=pltpu.CompilerParams(use_tc_tiling_on_sc=False),
)


BR = 14336
BL = BR // 8
GRID = NPAD // BR


def _lin_body(xv, bw, xl_lin):
    xl_lin[:] = jnp.dot(xv[:], bw[:], preferred_element_type=jnp.float32)


_lin_call = pl.pallas_call(
    _lin_body,
    grid=(GRID,),
    in_specs=[
        pl.BlockSpec((BL, 40), lambda i: (i, 0)),
        pl.BlockSpec((40, 128), lambda i: (0, 0)),
    ],
    out_specs=pl.BlockSpec((BL, 128), lambda i: (i, 0)),
    out_shape=jax.ShapeDtypeStruct((NL, 128), jnp.float32),
)


def _scale_body(d0, d1, xl, e8, y1, dinv_e):
    di = lax.rsqrt(1.0 + d0[:] + d1[:])
    de = jnp.dot(di, e8[:], preferred_element_type=jnp.float32)
    dinv_e[:] = de
    y1[:] = xl[:] * de


_scale_call = pl.pallas_call(
    _scale_body,
    grid=(GRID,),
    in_specs=[
        pl.BlockSpec((BL, 8), lambda i: (i, 0)),
        pl.BlockSpec((BL, 8), lambda i: (i + GRID, 0)),
        pl.BlockSpec((BL, 128), lambda i: (i, 0)),
        pl.BlockSpec((8, 128), lambda i: (0, 0)),
    ],
    out_specs=[
        pl.BlockSpec((BL, 128), lambda i: (i, 0)),
        pl.BlockSpec((BL, 128), lambda i: (i, 0)),
    ],
    out_shape=[
        jax.ShapeDtypeStruct((NL, 128), jnp.float32),
        jax.ShapeDtypeStruct((NL, 128), jnp.float32),
    ],
)


def _mid_body(a0, a1, y1, de, b1e, z2):
    i = pl.program_id(0)
    h = de[:] * (a0[:] + a1[:] + y1[:]) + b1e[:][None, :]
    h = jnp.maximum(h, 0.0)
    rows = i * BL + lax.broadcasted_iota(jnp.int32, (BL, 1), 0)
    z2[:] = jnp.where(rows < N0 // 8, de[:] * h, 0.0)


_mid_call = pl.pallas_call(
    _mid_body,
    grid=(GRID,),
    in_specs=[
        pl.BlockSpec((BL, 128), lambda i: (i, 0)),
        pl.BlockSpec((BL, 128), lambda i: (i + GRID, 0)),
        pl.BlockSpec((BL, 128), lambda i: (i, 0)),
        pl.BlockSpec((BL, 128), lambda i: (i, 0)),
        pl.BlockSpec((128,), lambda i: (0,)),
    ],
    out_specs=pl.BlockSpec((BL, 128), lambda i: (i, 0)),
    out_shape=jax.ShapeDtypeStruct((NL, 128), jnp.float32),
)


def _fin_body(a0, a1, z2, de, w2b, b2e, swp, o):
    g = de[:] * (a0[:] + a1[:] + z2[:])
    t = jnp.dot(g, w2b[:], preferred_element_type=jnp.float32)
    t = t + b2e[:][None, :]
    tsw = jnp.dot(t, swp[:], preferred_element_type=jnp.float32)
    m = jnp.maximum(t, tsw)
    s = t - m
    es = jnp.exp(s)
    essw = jnp.dot(es, swp[:], preferred_element_type=jnp.float32)
    o[:] = s - jnp.log(es + essw)


_fin_call = pl.pallas_call(
    _fin_body,
    grid=(GRID,),
    in_specs=[
        pl.BlockSpec((BL, 128), lambda i: (i, 0)),
        pl.BlockSpec((BL, 128), lambda i: (i + GRID, 0)),
        pl.BlockSpec((BL, 128), lambda i: (i, 0)),
        pl.BlockSpec((BL, 128), lambda i: (i, 0)),
        pl.BlockSpec((128, 16), lambda i: (0, 0)),
        pl.BlockSpec((16,), lambda i: (0,)),
        pl.BlockSpec((16, 16), lambda i: (0, 0)),
    ],
    out_specs=pl.BlockSpec((BL, 16), lambda i: (i, 0)),
    out_shape=jax.ShapeDtypeStruct((N0 // 8, 16), jnp.float32),
)



def kernel(x, edge_index, W1, b1, W2, b2):
    src1 = edge_index[0]
    dst1 = edge_index[1]
    xv = jnp.zeros((NL, 40), jnp.float32).at[:N0 // 8].set(
        x.astype(jnp.float32).reshape(N0 // 8, 40))
    eye8 = jnp.eye(8, dtype=jnp.float32)
    bw = jnp.kron(eye8, W1)
    e8 = jnp.kron(eye8, jnp.ones((1, 16), jnp.float32))
    w2b = jnp.kron(eye8, W2)
    swp = jnp.kron(eye8, jnp.array([[0., 1.], [1., 0.]],
                                   jnp.float32))
    b1e = jnp.tile(b1, 8)
    b2e = jnp.tile(b2, 8)

    xl = _lin_call(xv, bw)
    degp8 = _deg_call(dst1).reshape(2 * NL, 8)
    y1, dinv_e = _scale_call(degp8, degp8, xl, e8)
    a1 = _agg_call(y1.reshape(NPAD, 16), src1, dst1).reshape(2 * NL, 128)
    z2 = _mid_call(a1, a1, y1, dinv_e, b1e)
    a2 = _agg_call(z2.reshape(NPAD, 16), src1, dst1).reshape(2 * NL, 128)
    o16 = _fin_call(a2, a2, z2, dinv_e, w2b, b2e, swp)
    return o16.reshape(N0, 2)

# --- scband reference (transcript-rebuilt; emitter-appended) ---
"""Pipeline reference for scband-gcn-56384330662074 (READ-ONLY COPY).

The authoritative reference and input builder live on the scoring server;
editing this copy changes nothing except your own understanding.
"""

import jax, jax.numpy as jnp
import numpy as np

N = 100000
E = 3200000


def gcn_conv(x, edge_index, W, b, num_nodes):
    # linear transform (GCNConv lin has no bias; bias added after aggregation)
    x = x @ W
    # add self-loops
    loop = jnp.arange(num_nodes, dtype=edge_index.dtype)
    row = jnp.concatenate([edge_index[0], loop])
    col = jnp.concatenate([edge_index[1], loop])
    # symmetric normalization: deg over destination nodes (col)
    deg = jnp.zeros((num_nodes,), x.dtype).at[col].add(1.0)
    deg_inv_sqrt = jnp.where(deg > 0, jax.lax.rsqrt(jnp.maximum(deg, 1e-12)), 0.0)
    norm = deg_inv_sqrt[row] * deg_inv_sqrt[col]
    # message = norm * x[src]; aggregate (scatter-add) into dst
    msg = x[row] * norm[:, None]
    out = jnp.zeros((num_nodes, x.shape[1]), x.dtype).at[col].add(msg)
    return out + b


def setup_inputs(seed: int = 0) -> dict:
    key = jax.random.key(seed)
    k1, k2, k3, k4 = jax.random.split(key, 4)
    x = jax.random.normal(k1, (N, 5), dtype=jnp.float32)
    edge_index = jax.random.randint(k2, (2, E), 0, N, dtype=jnp.int32)
    # glorot-style init for GCNConv weights, zero bias (PyG default)
    W1 = jax.random.normal(k3, (5, 16), dtype=jnp.float32) * (1.0 / np.sqrt(5.0))
    b1 = jnp.zeros((16,), dtype=jnp.float32)
    W2 = jax.random.normal(k4, (16, 2), dtype=jnp.float32) * (1.0 / np.sqrt(16.0))
    b2 = jnp.zeros((2,), dtype=jnp.float32)
    return {"x": x, "edge_index": edge_index, "W1": W1, "b1": b1, "W2": W2, "b2": b2}


def reference(x, edge_index, W1, b1, W2, b2):
    h = gcn_conv(x, edge_index, W1, b1, N)
    h = jax.nn.relu(h)
    h = gcn_conv(h, edge_index, W2, b2, N)
    return jax.nn.log_softmax(h, axis=1)

if __name__ == "__main__":
    import jax
    _d = setup_inputs()
    print(jax.jit(kernel)(*tuple(_d.values())))

</pallas_src>

<mosaic_0001>
#map = affine_map<(d0, d1) -> (0, 0)>
#map1 = affine_map<(d0, d1) -> (0)>
#map2 = affine_map<(d0, d1) -> (0, 0, 0)>
module attributes {stable_mosaic.version = 14 : i64} {
  func.func @_agg_body(%arg0: i32, %arg1: i32, %arg2: memref<100352x16xf32, #tpu.memory_space<hbm>>, %arg3: memref<3200000xi32, #tpu.memory_space<hbm>>, %arg4: memref<3200000xi32, #tpu.memory_space<hbm>>, %arg5: memref<2x100352x16xf32, #tpu.memory_space<hbm>>, %arg6: memref<1024xi32, #tpu.memory_space<vmem>>, %arg7: memref<1024xi32, #tpu.memory_space<vmem>>, %arg8: memref<1024x16xf32, #tpu.memory_space<vmem>>, %arg9: memref<1024xi32, #tpu.memory_space<vmem>>, %arg10: memref<1024xi32, #tpu.memory_space<vmem>>, %arg11: memref<672xi32, #tpu.memory_space<vmem>>, %arg12: memref<672xi32, #tpu.memory_space<vmem>>, %arg13: memref<128x16xf32, #tpu.memory_space<vmem>>, %arg14: memref<100352x16xf32, #tpu.memory_space<vmem_shared>>, %arg15: memref<!tpu.dma_semaphore, #tpu.memory_space<semaphore_mem>>, %arg16: memref<!tpu.dma_semaphore, #tpu.memory_space<semaphore_mem>>, %arg17: memref<!tpu.dma_semaphore, #tpu.memory_space<semaphore_mem>>) attributes {dimension_semantics = [#tpu.dimension_semantics<core_parallel>, #tpu.dimension_semantics<subcore_parallel>], iteration_bounds = array<i64: 2, 16>, scalar_prefetch = 0 : i64, scratch_operands = 12 : i64, tpu.core_type = #tpu.core_type<sc_vector_subcore>, window_params = [{transform_indices = #map}, {transform_indices = #map1}, {transform_indices = #map1}, {transform_indices = #map2}]} {
    %mul3A = arith.constant 2 : i32
    %mul3A_0 = arith.muli %arg1, %mul3A : i32
    %add3A = arith.addi %mul3A_0, %arg0 : i32
    %broadcast_in_dim3A = arith.constant 0.000000e+00 : f32
    %broadcast_in_dim3A_1 = vector.broadcast %broadcast_in_dim3A : f32 to vector<16xf32>
    %scan3A = arith.constant 0 : i32
    %scan3A_2 = arith.constant 0 : i32
    %scan3A_3 = arith.constant 128 : i32
    %scan3A_4 = arith.addi %scan3A_2, %scan3A_3 : i32
    %scan3A_5 = arith.constant 1 : i32
    scf.for %scan3A_546 = %scan3A_2 to %scan3A_4 step %scan3A_5  : i32 {
      %swap3A = arith.index_cast %scan3A_546 : i32 to index
      %swap3A_547 = arith.constant 0 : index
      %swap3A_548 = tpu.vector_load %arg13[%swap3A, %swap3A_547] {strides = array<i32>} : memref<128x16xf32, #tpu.memory_space<vmem>>, vector<1x16xf32>,
      %swap3A_549 = vector.shape_cast %swap3A_548 : vector<1x16xf32> to vector<16xf32>
      %swap3A_550 = vector.shape_cast %broadcast_in_dim3A_1 : vector<16xf32> to vector<1x16xf32>
      tpu.vector_store %arg13[%swap3A, %swap3A_547], %swap3A_550 {strides = array<i32>} : memref<128x16xf32, #tpu.memory_space<vmem>>, vector<1x16xf32>,
    }
    %scan3A_6 = arith.constant 128 : i32
    %mul3A_7 = arith.constant 6272 : i32
    %mul3A_8 = arith.muli %arg1, %mul3A_7 : i32
    %add3A_9 = arith.constant 0 : i32
    %add3A_10 = arith.addi %mul3A_8, %add3A_9 : i32
    %dma_start3A = arith.constant 0 : i32
    %dma_start3A_11 = tpu.memref_slice %arg14[%add3A_10, %dma_start3A] : memref<100352x16xf32, #tpu.memory_space<vmem_shared>> -> memref<128x16xf32, #tpu.memory_space<vmem_shared>>
    %dma_start3A_12 = arith.constant 0 : i32
    %dma_start3A_13 = tpu.memref_slice %arg14[%add3A_10, %dma_start3A_12] : memref<100352x16xf32, #tpu.memory_space<vmem_shared>> -> memref<128x16xf32, #tpu.memory_space<vmem_shared>>
    tpu.enqueue_dma source(%arg13 : memref<128x16xf32, #tpu.memory_space<vmem>>) target(%dma_start3A_13 : memref<128x16xf32, #tpu.memory_space<vmem_shared>>) target_semaphore(%arg16 : memref<!tpu.dma_semaphore, #tpu.memory_space<semaphore_mem>>)
    %add3A_14 = arith.constant 128 : i32
    %add3A_15 = arith.addi %mul3A_8, %add3A_14 : i32
    %dma_start3A_16 = arith.constant 0 : i32
    %dma_start3A_17 = tpu.memref_slice %arg14[%add3A_15, %dma_start3A_16] : memref<100352x16xf32, #tpu.memory_space<vmem_shared>> -> memref<128x16xf32, #tpu.memory_space<vmem_shared>>
    %dma_start3A_18 = arith.constant 0 : i32
    %dma_start3A_19 = tpu.memref_slice %arg14[%add3A_15, %dma_start3A_18] : memref<100352x16xf32, #tpu.memory_space<vmem_shared>> -> memref<128x16xf32, #tpu.memory_space<vmem_shared>>
    tpu.enqueue_dma source(%arg13 : memref<128x16xf32, #tpu.memory_space<vmem>>) target(%dma_start3A_19 : memref<128x16xf32, #tpu.memory_space<vmem_shared>>) target_semaphore(%arg16 : memref<!tpu.dma_semaphore, #tpu.memory_space<semaphore_mem>>)
    %add3A_20 = arith.constant 256 : i32
    %add3A_21 = arith.addi %mul3A_8, %add3A_20 : i32
    %dma_start3A_22 = arith.constant 0 : i32
    %dma_start3A_23 = tpu.memref_slice %arg14[%add3A_21, %dma_start3A_22] : memref<100352x16xf32, #tpu.memory_space<vmem_shared>> -> memref<128x16xf32, #tpu.memory_space<vmem_shared>>
    %dma_start3A_24 = arith.constant 0 : i32
    %dma_start3A_25 = tpu.memref_slice %arg14[%add3A_21, %dma_start3A_24] : memref<100352x16xf32, #tpu.memory_space<vmem_shared>> -> memref<128x16xf32, #tpu.memory_space<vmem_shared>>
    tpu.enqueue_dma source(%arg13 : memref<128x16xf32, #tpu.memory_space<vmem>>) target(%dma_start3A_25 : memref<128x16xf32, #tpu.memory_space<vmem_shared>>) target_semaphore(%arg16 : memref<!tpu.dma_semaphore, #tpu.memory_space<semaphore_mem>>)
    %add3A_26 = arith.constant 384 : i32
    %add3A_27 = arith.addi %mul3A_8, %add3A_26 : i32
    %dma_start3A_28 = arith.constant 0 : i32
    %dma_start3A_29 = tpu.memref_slice %arg14[%add3A_27, %dma_start3A_28] : memref<100352x16xf32, #tpu.memory_space<vmem_shared>> -> memref<128x16xf32, #tpu.memory_space<vmem_shared>>
    %dma_start3A_30 = arith.constant 0 : i32
    %dma_start3A_31 = tpu.memref_slice %arg14[%add3A_27, %dma_start3A_30] : memref<100352x16xf32, #tpu.memory_space<vmem_shared>> -> memref<128x16xf32, #tpu.memory_space<vmem_shared>>
    tpu.enqueue_dma source(%arg13 : memref<128x16xf32, #tpu.memory_space<vmem>>) target(%dma_start3A_31 : memref<128x16xf32, #tpu.memory_space<vmem_shared>>) target_semaphore(%arg16 : memref<!tpu.dma_semaphore, #tpu.memory_space<semaphore_mem>>)
    %add3A_32 = arith.constant 512 : i32
    %add3A_33 = arith.addi %mul3A_8, %add3A_32 : i32
    %dma_start3A_34 = arith.constant 0 : i32
    %dma_start3A_35 = tpu.memref_slice %arg14[%add3A_33, %dma_start3A_34] : memref<100352x16xf32, #tpu.memory_space<vmem_shared>> -> memref<128x16xf32, #tpu.memory_space<vmem_shared>>
    %dma_start3A_36 = arith.constant 0 : i32
    %dma_start3A_37 = tpu.memref_slice %arg14[%add3A_33, %dma_start3A_36] : memref<100352x16xf32, #tpu.memory_space<vmem_shared>> -> memref<128x16xf32, #tpu.memory_space<vmem_shared>>
    tpu.enqueue_dma source(%arg13 : memref<128x16xf32, #tpu.memory_space<vmem>>) target(%dma_start3A_37 : memref<128x16xf32, #tpu.memory_space<vmem_shared>>) target_semaphore(%arg16 : memref<!tpu.dma_semaphore, #tpu.memory_space<semaphore_mem>>)
    %add3A_38 = arith.constant 640 : i32
    %add3A_39 = arith.addi %mul3A_8, %add3A_38 : i32
    %dma_start3A_40 = arith.constant 0 : i32
    %dma_start3A_41 = tpu.memref_slice %arg14[%add3A_39, %dma_start3A_40] : memref<100352x16xf32, #tpu.memory_space<vmem_shared>> -> memref<128x16xf32, #tpu.memory_space<vmem_shared>>
    %dma_start3A_42 = arith.constant 0 : i32
    %dma_start3A_43 = tpu.memref_slice %arg14[%add3A_39, %dma_start3A_42] : memref<100352x16xf32, #tpu.memory_space<vmem_shared>> -> memref<128x16xf32, #tpu.memory_space<vmem_shared>>
    tpu.enqueue_dma source(%arg13 : memref<128x16xf32, #tpu.memory_space<vmem>>) target(%dma_start3A_43 : memref<128x16xf32, #tpu.memory_space<vmem_shared>>) target_semaphore(%arg16 : memref<!tpu.dma_semaphore, #tpu.memory_space<semaphore_mem>>)
    %add3A_44 = arith.constant 768 : i32
    %add3A_45 = arith.addi %mul3A_8, %add3A_44 : i32
    %dma_start3A_46 = arith.constant 0 : i32
    %dma_start3A_47 = tpu.memref_slice %arg14[%add3A_45, %dma_start3A_46] : memref<100352x16xf32, #tpu.memory_space<vmem_shared>> -> memref<128x16xf32, #tpu.memory_space<vmem_shared>>
    %dma_start3A_48 = arith.constant 0 : i32
    %dma_start3A_49 = tpu.memref_slice %arg14[%add3A_45, %dma_start3A_48] : memref<100352x16xf32, #tpu.memory_space<vmem_shared>> -> memref<128x16xf32, #tpu.memory_space<vmem_shared>>
    tpu.enqueue_dma source(%arg13 : memref<128x16xf32, #tpu.memory_space<vmem>>) target(%dma_start3A_49 : memref<128x16xf32, #tpu.memory_space<vmem_shared>>) target_semaphore(%arg16 : memref<!tpu.dma_semaphore, #tpu.memory_space<semaphore_mem>>)
    %add3A_50 = arith.constant 896 : i32
    %add3A_51 = arith.addi %mul3A_8, %add3A_50 : i32
    %dma_start3A_52 = arith.constant 0 : i32
    %dma_start3A_53 = tpu.memref_slice %arg14[%add3A_51, %dma_start3A_52] : memref<100352x16xf32, #tpu.memory_space<vmem_shared>> -> memref<128x16xf32, #tpu.memory_space<vmem_shared>>
    %dma_start3A_54 = arith.constant 0 : i32
    %dma_start3A_55 = tpu.memref_slice %arg14[%add3A_51, %dma_start3A_54] : memref<100352x16xf32, #tpu.memory_space<vmem_shared>> -> memref<128x16xf32, #tpu.memory_space<vmem_shared>>
    tpu.enqueue_dma source(%arg13 : memref<128x16xf32, #tpu.memory_space<vmem>>) target(%dma_start3A_55 : memref<128x16xf32, #tpu.memory_space<vmem_shared>>) target_semaphore(%arg16 : memref<!tpu.dma_semaphore, #tpu.memory_space<semaphore_mem>>)
    %add3A_56 = arith.constant 1024 : i32
    %add3A_57 = arith.addi %mul3A_8, %add3A_56 : i32
    %dma_start3A_58 = arith.constant 0 : i32
    %dma_start3A_59 = tpu.memref_slice %arg14[%add3A_57, %dma_start3A_58] : memref<100352x16xf32, #tpu.memory_space<vmem_shared>> -> memref<128x16xf32, #tpu.memory_space<vmem_shared>>
    %dma_start3A_60 = arith.constant 0 : i32
    %dma_start3A_61 = tpu.memref_slice %arg14[%add3A_57, %dma_start3A_60] : memref<100352x16xf32, #tpu.memory_space<vmem_shared>> -> memref<128x16xf32, #tpu.memory_space<vmem_shared>>
    tpu.enqueue_dma source(%arg13 : memref<128x16xf32, #tpu.memory_space<vmem>>) target(%dma_start3A_61 : memref<128x16xf32, #tpu.memory_space<vmem_shared>>) target_semaphore(%arg16 : memref<!tpu.dma_semaphore, #tpu.memory_space<semaphore_mem>>)
    %add3A_62 = arith.constant 1152 : i32
    %add3A_63 = arith.addi %mul3A_8, %add3A_62 : i32
    %dma_start3A_64 = arith.constant 0 : i32
    %dma_start3A_65 = tpu.memref_slice %arg14[%add3A_63, %dma_start3A_64] : memref<100352x16xf32, #tpu.memory_space<vmem_shared>> -> memref<128x16xf32, #tpu.memory_space<vmem_shared>>
    %dma_start3A_66 = arith.constant 0 : i32
    %dma_start3A_67 = tpu.memref_slice %arg14[%add3A_63, %dma_start3A_66] : memref<100352x16xf32, #tpu.memory_space<vmem_shared>> -> memref<128x16xf32, #tpu.memory_space<vmem_shared>>
    tpu.enqueue_dma source(%arg13 : memref<128x16xf32, #tpu.memory_space<vmem>>) target(%dma_start3A_67 : memref<128x16xf32, #tpu.memory_space<vmem_shared>>) target_semaphore(%arg16 : memref<!tpu.dma_semaphore, #tpu.memory_space<semaphore_mem>>)
    %add3A_68 = arith.constant 1280 : i32
    %add3A_69 = arith.addi %mul3A_8, %add3A_68 : i32
    %dma_start3A_70 = arith.constant 0 : i32
    %dma_start3A_71 = tpu.memref_slice %arg14[%add3A_69, %dma_start3A_70] : memref<100352x16xf32, #tpu.memory_space<vmem_shared>> -> memref<128x16xf32, #tpu.memory_space<vmem_shared>>
    %dma_start3A_72 = arith.constant 0 : i32
    %dma_start3A_73 = tpu.memref_slice %arg14[%add3A_69, %dma_start3A_72] : memref<100352x16xf32, #tpu.memory_space<vmem_shared>> -> memref<128x16xf32, #tpu.memory_space<vmem_shared>>
    tpu.enqueue_dma source(%arg13 : memref<128x16xf32, #tpu.memory_space<vmem>>) target(%dma_start3A_73 : memref<128x16xf32, #tpu.memory_space<vmem_shared>>) target_semaphore(%arg16 : memref<!tpu.dma_semaphore, #tpu.memory_space<semaphore_mem>>)
    %add3A_74 = arith.constant 1408 : i32
    %add3A_75 = arith.addi %mul3A_8, %add3A_74 : i32
    %dma_start3A_76 = arith.constant 0 : i32
    %dma_start3A_77 = tpu.memref_slice %arg14[%add3A_75, %dma_start3A_76] : memref<100352x16xf32, #tpu.memory_space<vmem_shared>> -> memref<128x16xf32, #tpu.memory_space<vmem_shared>>
    %dma_start3A_78 = arith.constant 0 : i32
    %dma_start3A_79 = tpu.memref_slice %arg14[%add3A_75, %dma_start3A_78] : memref<100352x16xf32, #tpu.memory_space<vmem_shared>> -> memref<128x16xf32, #tpu.memory_space<vmem_shared>>
    tpu.enqueue_dma source(%arg13 : memref<128x16xf32, #tpu.memory_space<vmem>>) target(%dma_start3A_79 : memref<128x16xf32, #tpu.memory_space<vmem_shared>>) target_semaphore(%arg16 : memref<!tpu.dma_semaphore, #tpu.memory_space<semaphore_mem>>)
    %add3A_80 = arith.constant 1536 : i32
    %add3A_81 = arith.addi %mul3A_8, %add3A_80 : i32
    %dma_start3A_82 = arith.constant 0 : i32
    %dma_start3A_83 = tpu.memref_slice %arg14[%add3A_81, %dma_start3A_82] : memref<100352x16xf32, #tpu.memory_space<vmem_shared>> -> memref<128x16xf32, #tpu.memory_space<vmem_shared>>
    %dma_start3A_84 = arith.constant 0 : i32
    %dma_start3A_85 = tpu.memref_slice %arg14[%add3A_81, %dma_start3A_84] : memref<100352x16xf32, #tpu.memory_space<vmem_shared>> -> memref<128x16xf32, #tpu.memory_space<vmem_shared>>
    tpu.enqueue_dma source(%arg13 : memref<128x16xf32, #tpu.memory_space<vmem>>) target(%dma_start3A_85 : memref<128x16xf32, #tpu.memory_space<vmem_shared>>) target_semaphore(%arg16 : memref<!tpu.dma_semaphore, #tpu.memory_space<semaphore_mem>>)
    %add3A_86 = arith.constant 1664 : i32
    %add3A_87 = arith.addi %mul3A_8, %add3A_86 : i32
    %dma_start3A_88 = arith.constant 0 : i32
    %dma_start3A_89 = tpu.memref_slice %arg14[%add3A_87, %dma_start3A_88] : memref<100352x16xf32, #tpu.memory_space<vmem_shared>> -> memref<128x16xf32, #tpu.memory_space<vmem_shared>>
    %dma_start3A_90 = arith.constant 0 : i32
    %dma_start3A_91 = tpu.memref_slice %arg14[%add3A_87, %dma_start3A_90] : memref<100352x16xf32, #tpu.memory_space<vmem_shared>> -> memref<128x16xf32, #tpu.memory_space<vmem_shared>>
    tpu.enqueue_dma source(%arg13 : memref<128x16xf32, #tpu.memory_space<vmem>>) target(%dma_start3A_91 : memref<128x16xf32, #tpu.memory_space<vmem_shared>>) target_semaphore(%arg16 : memref<!tpu.dma_semaphore, #tpu.memory_space<semaphore_mem>>)
    %add3A_92 = arith.constant 1792 : i32
    %add3A_93 = arith.addi %mul3A_8, %add3A_92 : i32
    %dma_start3A_94 = arith.constant 0 : i32
    %dma_start3A_95 = tpu.memref_slice %arg14[%add3A_93, %dma_start3A_94] : memref<100352x16xf32, #tpu.memory_space<vmem_shared>> -> memref<128x16xf32, #tpu.memory_space<vmem_shared>>
    %dma_start3A_96 = arith.constant 0 : i32
    %dma_start3A_97 = tpu.memref_slice %arg14[%add3A_93, %dma_start3A_96] : memref<100352x16xf32, #tpu.memory_space<vmem_shared>> -> memref<128x16xf32, #tpu.memory_space<vmem_shared>>
    tpu.enqueue_dma source(%arg13 : memref<128x16xf32, #tpu.memory_space<vmem>>) target(%dma_start3A_97 : memref<128x16xf32, #tpu.memory_space<vmem_shared>>) target_semaphore(%arg16 : memref<!tpu.dma_semaphore, #tpu.memory_space<semaphore_mem>>)
    %add3A_98 = arith.constant 1920 : i32
    %add3A_99 = arith.addi %mul3A_8, %add3A_98 : i32
    %dma_start3A_100 = arith.constant 0 : i32
    %dma_start3A_101 = tpu.memref_slice %arg14[%add3A_99, %dma_start3A_100] : memref<100352x16xf32, #tpu.memory_space<vmem_shared>> -> memref<128x16xf32, #tpu.memory_space<vmem_shared>>
    %dma_start3A_102 = arith.constant 0 : i32
    %dma_start3A_103 = tpu.memref_slice %arg14[%add3A_99, %dma_start3A_102] : memref<100352x16xf32, #tpu.memory_space<vmem_shared>> -> memref<128x16xf32, #tpu.memory_space<vmem_shared>>
    tpu.enqueue_dma source(%arg13 : memref<128x16xf32, #tpu.memory_space<vmem>>) target(%dma_start3A_103 : memref<128x16xf32, #tpu.memory_space<vmem_shared>>) target_semaphore(%arg16 : memref<!tpu.dma_semaphore, #tpu.memory_space<semaphore_mem>>)
    %add3A_104 = arith.constant 2048 : i32
    %add3A_105 = arith.addi %mul3A_8, %add3A_104 : i32
    %dma_start3A_106 = arith.constant 0 : i32
    %dma_start3A_107 = tpu.memref_slice %arg14[%add3A_105, %dma_start3A_106] : memref<100352x16xf32, #tpu.memory_space<vmem_shared>> -> memref<128x16xf32, #tpu.memory_space<vmem_shared>>
    %dma_start3A_108 = arith.constant 0 : i32
    %dma_start3A_109 = tpu.memref_slice %arg14[%add3A_105, %dma_start3A_108] : memref<100352x16xf32, #tpu.memory_space<vmem_shared>> -> memref<128x16xf32, #tpu.memory_space<vmem_shared>>
    tpu.enqueue_dma source(%arg13 : memref<128x16xf32, #tpu.memory_space<vmem>>) target(%dma_start3A_109 : memref<128x16xf32, #tpu.memory_space<vmem_shared>>) target_semaphore(%arg16 : memref<!tpu.dma_semaphore, #tpu.memory_space<semaphore_mem>>)
    %add3A_110 = arith.constant 2176 : i32
    %add3A_111 = arith.addi %mul3A_8, %add3A_110 : i32
    %dma_start3A_112 = arith.constant 0 : i32
    %dma_start3A_113 = tpu.memref_slice %arg14[%add3A_111, %dma_start3A_112] : memref<100352x16xf32, #tpu.memory_space<vmem_shared>> -> memref<128x16xf32, #tpu.memory_space<vmem_shared>>
    %dma_start3A_114 = arith.constant 0 : i32
    %dma_start3A_115 = tpu.memref_slice %arg14[%add3A_111, %dma_start3A_114] : memref<100352x16xf32, #tpu.memory_space<vmem_shared>> -> memref<128x16xf32, #tpu.memory_space<vmem_shared>>
    tpu.enqueue_dma source(%arg13 : memref<128x16xf32, #tpu.memory_space<vmem>>) target(%dma_start3A_115 : memref<128x16xf32, #tpu.memory_space<vmem_shared>>) target_semaphore(%arg16 : memref<!tpu.dma_semaphore, #tpu.memory_space<semaphore_mem>>)
    %add3A_116 = arith.constant 2304 : i32
    %add3A_117 = arith.addi %mul3A_8, %add3A_116 : i32
    %dma_start3A_118 = arith.constant 0 : i32
    %dma_start3A_119 = tpu.memref_slice %arg14[%add3A_117, %dma_start3A_118] : memref<100352x16xf32, #tpu.memory_space<vmem_shared>> -> memref<128x16xf32, #tpu.memory_space<vmem_shared>>
    %dma_start3A_120 = arith.constant 0 : i32
    %dma_start3A_121 = tpu.memref_slice %arg14[%add3A_117, %dma_start3A_120] : memref<100352x16xf32, #tpu.memory_space<vmem_shared>> -> memref<128x16xf32, #tpu.memory_space<vmem_shared>>
    tpu.enqueue_dma source(%arg13 : memref<128x16xf32, #tpu.memory_space<vmem>>) target(%dma_start3A_121 : memref<128x16xf32, #tpu.memory_space<vmem_shared>>) target_semaphore(%arg16 : memref<!tpu.dma_semaphore, #tpu.memory_space<semaphore_mem>>)
    %add3A_122 = arith.constant 2432 : i32
    %add3A_123 = arith.addi %mul3A_8, %add3A_122 : i32
    %dma_start3A_124 = arith.constant 0 : i32
    %dma_start3A_125 = tpu.memref_slice %arg14[%add3A_123, %dma_start3A_124] : memref<100352x16xf32, #tpu.memory_space<vmem_shared>> -> memref<128x16xf32, #tpu.memory_space<vmem_shared>>
    %dma_start3A_126 = arith.constant 0 : i32
    %dma_start3A_127 = tpu.memref_slice %arg14[%add3A_123, %dma_start3A_126] : memref<100352x16xf32, #tpu.memory_space<vmem_shared>> -> memref<128x16xf32, #tpu.memory_space<vmem_shared>>
    tpu.enqueue_dma source(%arg13 : memref<128x16xf32, #tpu.memory_space<vmem>>) target(%dma_start3A_127 : memref<128x16xf32, #tpu.memory_space<vmem_shared>>) target_semaphore(%arg16 : memref<!tpu.dma_semaphore, #tpu.memory_space<semaphore_mem>>)
    %add3A_128 = arith.constant 2560 : i32
    %add3A_129 = arith.addi %mul3A_8, %add3A_128 : i32
    %dma_start3A_130 = arith.constant 0 : i32
    %dma_start3A_131 = tpu.memref_slice %arg14[%add3A_129, %dma_start3A_130] : memref<100352x16xf32, #tpu.memory_space<vmem_shared>> -> memref<128x16xf32, #tpu.memory_space<vmem_shared>>
    %dma_start3A_132 = arith.constant 0 : i32
    %dma_start3A_133 = tpu.memref_slice %arg14[%add3A_129, %dma_start3A_132] : memref<100352x16xf32, #tpu.memory_space<vmem_shared>> -> memref<128x16xf32, #tpu.memory_space<vmem_shared>>
    tpu.enqueue_dma source(%arg13 : memref<128x16xf32, #tpu.memory_space<vmem>>) target(%dma_start3A_133 : memref<128x16xf32, #tpu.memory_space<vmem_shared>>) target_semaphore(%arg16 : memref<!tpu.dma_semaphore, #tpu.memory_space<semaphore_mem>>)
    %add3A_134 = arith.constant 2688 : i32
    %add3A_135 = arith.addi %mul3A_8, %add3A_134 : i32
    %dma_start3A_136 = arith.constant 0 : i32
    %dma_start3A_137 = tpu.memref_slice %arg14[%add3A_135, %dma_start3A_136] : memref<100352x16xf32, #tpu.memory_space<vmem_shared>> -> memref<128x16xf32, #tpu.memory_space<vmem_shared>>
    %dma_start3A_138 = arith.constant 0 : i32
    %dma_start3A_139 = tpu.memref_slice %arg14[%add3A_135, %dma_start3A_138] : memref<100352x16xf32, #tpu.memory_space<vmem_shared>> -> memref<128x16xf32, #tpu.memory_space<vmem_shared>>
    tpu.enqueue_dma source(%arg13 : memref<128x16xf32, #tpu.memory_space<vmem>>) target(%dma_start3A_139 : memref<128x16xf32, #tpu.memory_space<vmem_shared>>) target_semaphore(%arg16 : memref<!tpu.dma_semaphore, #tpu.memory_space<semaphore_mem>>)
    %add3A_140 = arith.constant 2816 : i32
    %add3A_141 = arith.addi %mul3A_8, %add3A_140 : i32
    %dma_start3A_142 = arith.constant 0 : i32
    %dma_start3A_143 = tpu.memref_slice %arg14[%add3A_141, %dma_start3A_142] : memref<100352x16xf32, #tpu.memory_space<vmem_shared>> -> memref<128x16xf32, #tpu.memory_space<vmem_shared>>
    %dma_start3A_144 = arith.constant 0 : i32
    %dma_start3A_145 = tpu.memref_slice %arg14[%add3A_141, %dma_start3A_144] : memref<100352x16xf32, #tpu.memory_space<vmem_shared>> -> memref<128x16xf32, #tpu.memory_space<vmem_shared>>
    tpu.enqueue_dma source(%arg13 : memref<128x16xf32, #tpu.memory_space<vmem>>) target(%dma_start3A_145 : memref<128x16xf32, #tpu.memory_space<vmem_shared>>) target_semaphore(%arg16 : memref<!tpu.dma_semaphore, #tpu.memory_space<semaphore_mem>>)
    %add3A_146 = arith.constant 2944 : i32
    %add3A_147 = arith.addi %mul3A_8, %add3A_146 : i32
    %dma_start3A_148 = arith.constant 0 : i32
    %dma_start3A_149 = tpu.memref_slice %arg14[%add3A_147, %dma_start3A_148] : memref<100352x16xf32, #tpu.memory_space<vmem_shared>> -> memref<128x16xf32, #tpu.memory_space<vmem_shared>>
    %dma_start3A_150 = arith.constant 0 : i32
    %dma_start3A_151 = tpu.memref_slice %arg14[%add3A_147, %dma_start3A_150] : memref<100352x16xf32, #tpu.memory_space<vmem_shared>> -> memref<128x16xf32, #tpu.memory_space<vmem_shared>>
    tpu.enqueue_dma source(%arg13 : memref<128x16xf32, #tpu.memory_space<vmem>>) target(%dma_start3A_151 : memref<128x16xf32, #tpu.memory_space<vmem_shared>>) target_semaphore(%arg16 : memref<!tpu.dma_semaphore, #tpu.memory_space<semaphore_mem>>)
    %add3A_152 = arith.constant 3072 : i32
    %add3A_153 = arith.addi %mul3A_8, %add3A_152 : i32
    %dma_start3A_154 = arith.constant 0 : i32
    %dma_start3A_155 = tpu.memref_slice %arg14[%add3A_153, %dma_start3A_154] : memref<100352x16xf32, #tpu.memory_space<vmem_shared>> -> memref<128x16xf32, #tpu.memory_space<vmem_shared>>
    %dma_start3A_156 = arith.constant 0 : i32
    %dma_start3A_157 = tpu.memref_slice %arg14[%add3A_153, %dma_start3A_156] : memref<100352x16xf32, #tpu.memory_space<vmem_shared>> -> memref<128x16xf32, #tpu.memory_space<vmem_shared>>
    tpu.enqueue_dma source(%arg13 : memref<128x16xf32, #tpu.memory_space<vmem>>) target(%dma_start3A_157 : memref<128x16xf32, #tpu.memory_space<vmem_shared>>) target_semaphore(%arg16 : memref<!tpu.dma_semaphore, #tpu.memory_space<semaphore_mem>>)
    %add3A_158 = arith.constant 3200 : i32
    %add3A_159 = arith.addi %mul3A_8, %add3A_158 : i32
    %dma_start3A_160 = arith.constant 0 : i32
    %dma_start3A_161 = tpu.memref_slice %arg14[%add3A_159, %dma_start3A_160] : memref<100352x16xf32, #tpu.memory_space<vmem_shared>> -> memref<128x16xf32, #tpu.memory_space<vmem_shared>>
    %dma_start3A_162 = arith.constant 0 : i32
    %dma_start3A_163 = tpu.memref_slice %arg14[%add3A_159, %dma_start3A_162] : memref<100352x16xf32, #tpu.memory_space<vmem_shared>> -> memref<128x16xf32, #tpu.memory_space<vmem_shared>>
    tpu.enqueue_dma source(%arg13 : memref<128x16xf32, #tpu.memory_space<vmem>>) target(%dma_start3A_163 : memref<128x16xf32, #tpu.memory_space<vmem_shared>>) target_semaphore(%arg16 : memref<!tpu.dma_semaphore, #tpu.memory_space<semaphore_mem>>)
    %add3A_164 = arith.constant 3328 : i32
    %add3A_165 = arith.addi %mul3A_8, %add3A_164 : i32
    %dma_start3A_166 = arith.constant 0 : i32
    %dma_start3A_167 = tpu.memref_slice %arg14[%add3A_165, %dma_start3A_166] : memref<100352x16xf32, #tpu.memory_space<vmem_shared>> -> memref<128x16xf32, #tpu.memory_space<vmem_shared>>
    %dma_start3A_168 = arith.constant 0 : i32
    %dma_start3A_169 = tpu.memref_slice %arg14[%add3A_165, %dma_start3A_168] : memref<100352x16xf32, #tpu.memory_space<vmem_shared>> -> memref<128x16xf32, #tpu.memory_space<vmem_shared>>
    tpu.enqueue_dma source(%arg13 : memref<128x16xf32, #tpu.memory_space<vmem>>) target(%dma_start3A_169 : memref<128x16xf32, #tpu.memory_space<vmem_shared>>) target_semaphore(%arg16 : memref<!tpu.dma_semaphore, #tpu.memory_space<semaphore_mem>>)
    %add3A_170 = arith.constant 3456 : i32
    %add3A_171 = arith.addi %mul3A_8, %add3A_170 : i32
    %dma_start3A_172 = arith.constant 0 : i32
    %dma_start3A_173 = tpu.memref_slice %arg14[%add3A_171, %dma_start3A_172] : memref<100352x16xf32, #tpu.memory_space<vmem_shared>> -> memref<128x16xf32, #tpu.memory_space<vmem_shared>>
    %dma_start3A_174 = arith.constant 0 : i32
    %dma_start3A_175 = tpu.memref_slice %arg14[%add3A_171, %dma_start3A_174] : memref<100352x16xf32, #tpu.memory_space<vmem_shared>> -> memref<128x16xf32, #tpu.memory_space<vmem_shared>>
    tpu.enqueue_dma source(%arg13 : memref<128x16xf32, #tpu.memory_space<vmem>>) target(%dma_start3A_175 : memref<128x16xf32, #tpu.memory_space<vmem_shared>>) target_semaphore(%arg16 : memref<!tpu.dma_semaphore, #tpu.memory_space<semaphore_mem>>)
    %add3A_176 = arith.constant 3584 : i32
    %add3A_177 = arith.addi %mul3A_8, %add3A_176 : i32
    %dma_start3A_178 = arith.constant 0 : i32
    %dma_start3A_179 = tpu.memref_slice %arg14[%add3A_177, %dma_start3A_178] : memref<100352x16xf32, #tpu.memory_space<vmem_shared>> -> memref<128x16xf32, #tpu.memory_space<vmem_shared>>
    %dma_start3A_180 = arith.constant 0 : i32
    %dma_start3A_181 = tpu.memref_slice %arg14[%add3A_177, %dma_start3A_180] : memref<100352x16xf32, #tpu.memory_space<vmem_shared>> -> memref<128x16xf32, #tpu.memory_space<vmem_shared>>
    tpu.enqueue_dma source(%arg13 : memref<128x16xf32, #tpu.memory_space<vmem>>) target(%dma_start3A_181 : memref<128x16xf32, #tpu.memory_space<vmem_shared>>) target_semaphore(%arg16 : memref<!tpu.dma_semaphore, #tpu.memory_space<semaphore_mem>>)
    %add3A_182 = arith.constant 3712 : i32
    %add3A_183 = arith.addi %mul3A_8, %add3A_182 : i32
    %dma_start3A_184 = arith.constant 0 : i32
    %dma_start3A_185 = tpu.memref_slice %arg14[%add3A_183, %dma_start3A_184] : memref<100352x16xf32, #tpu.memory_space<vmem_shared>> -> memref<128x16xf32, #tpu.memory_space<vmem_shared>>
    %dma_start3A_186 = arith.constant 0 : i32
    %dma_start3A_187 = tpu.memref_slice %arg14[%add3A_183, %dma_start3A_186] : memref<100352x16xf32, #tpu.memory_space<vmem_shared>> -> memref<128x16xf32, #tpu.memory_space<vmem_shared>>
    tpu.enqueue_dma source(%arg13 : memref<128x16xf32, #tpu.memory_space<vmem>>) target(%dma_start3A_187 : memref<128x16xf32, #tpu.memory_space<vmem_shared>>) target_semaphore(%arg16 : memref<!tpu.dma_semaphore, #tpu.memory_space<semaphore_mem>>)
    %add3A_188 = arith.constant 3840 : i32
    %add3A_189 = arith.addi %mul3A_8, %add3A_188 : i32
    %dma_start3A_190 = arith.constant 0 : i32
    %dma_start3A_191 = tpu.memref_slice %arg14[%add3A_189, %dma_start3A_190] : memref<100352x16xf32, #tpu.memory_space<vmem_shared>> -> memref<128x16xf32, #tpu.memory_space<vmem_shared>>
    %dma_start3A_192 = arith.constant 0 : i32
    %dma_start3A_193 = tpu.memref_slice %arg14[%add3A_189, %dma_start3A_192] : memref<100352x16xf32, #tpu.memory_space<vmem_shared>> -> memref<128x16xf32, #tpu.memory_space<vmem_shared>>
    tpu.enqueue_dma source(%arg13 : memref<128x16xf32, #tpu.memory_space<vmem>>) target(%dma_start3A_193 : memref<128x16xf32, #tpu.memory_space<vmem_shared>>) target_semaphore(%arg16 : memref<!tpu.dma_semaphore, #tpu.memory_space<semaphore_mem>>)
    %add3A_194 = arith.constant 3968 : i32
    %add3A_195 = arith.addi %mul3A_8, %add3A_194 : i32
    %dma_start3A_196 = arith.constant 0 : i32
    %dma_start3A_197 = tpu.memref_slice %arg14[%add3A_195, %dma_start3A_196] : memref<100352x16xf32, #tpu.memory_space<vmem_shared>> -> memref<128x16xf32, #tpu.memory_space<vmem_shared>>
    %dma_start3A_198 = arith.constant 0 : i32
    %dma_start3A_199 = tpu.memref_slice %arg14[%add3A_195, %dma_start3A_198] : memref<100352x16xf32, #tpu.memory_space<vmem_shared>> -> memref<128x16xf32, #tpu.memory_space<vmem_shared>>
    tpu.enqueue_dma source(%arg13 : memref<128x16xf32, #tpu.memory_space<vmem>>) target(%dma_start3A_199 : memref<128x16xf32, #tpu.memory_space<vmem_shared>>) target_semaphore(%arg16 : memref<!tpu.dma_semaphore, #tpu.memory_space<semaphore_mem>>)
    %add3A_200 = arith.constant 4096 : i32
    %add3A_201 = arith.addi %mul3A_8, %add3A_200 : i32
    %dma_start3A_202 = arith.constant 0 : i32
    %dma_start3A_203 = tpu.memref_slice %arg14[%add3A_201, %dma_start3A_202] : memref<100352x16xf32, #tpu.memory_space<vmem_shared>> -> memref<128x16xf32, #tpu.memory_space<vmem_shared>>
    %dma_start3A_204 = arith.constant 0 : i32
    %dma_start3A_205 = tpu.memref_slice %arg14[%add3A_201, %dma_start3A_204] : memref<100352x16xf32, #tpu.memory_space<vmem_shared>> -> memref<128x16xf32, #tpu.memory_space<vmem_shared>>
    tpu.enqueue_dma source(%arg13 : memref<128x16xf32, #tpu.memory_space<vmem>>) target(%dma_start3A_205 : memref<128x16xf32, #tpu.memory_space<vmem_shared>>) target_semaphore(%arg16 : memref<!tpu.dma_semaphore, #tpu.memory_space<semaphore_mem>>)
    %add3A_206 = arith.constant 4224 : i32
    %add3A_207 = arith.addi %mul3A_8, %add3A_206 : i32
    %dma_start3A_208 = arith.constant 0 : i32
    %dma_start3A_209 = tpu.memref_slice %arg14[%add3A_207, %dma_start3A_208] : memref<100352x16xf32, #tpu.memory_space<vmem_shared>> -> memref<128x16xf32, #tpu.memory_space<vmem_shared>>
    %dma_start3A_210 = arith.constant 0 : i32
    %dma_start3A_211 = tpu.memref_slice %arg14[%add3A_207, %dma_start3A_210] : memref<100352x16xf32, #tpu.memory_space<vmem_shared>> -> memref<128x16xf32, #tpu.memory_space<vmem_shared>>
    tpu.enqueue_dma source(%arg13 : memref<128x16xf32, #tpu.memory_space<vmem>>) target(%dma_start3A_211 : memref<128x16xf32, #tpu.memory_space<vmem_shared>>) target_semaphore(%arg16 : memref<!tpu.dma_semaphore, #tpu.memory_space<semaphore_mem>>)
    %add3A_212 = arith.constant 4352 : i32
    %add3A_213 = arith.addi %mul3A_8, %add3A_212 : i32
    %dma_start3A_214 = arith.constant 0 : i32
    %dma_start3A_215 = tpu.memref_slice %arg14[%add3A_213, %dma_start3A_214] : memref<100352x16xf32, #tpu.memory_space<vmem_shared>> -> memref<128x16xf32, #tpu.memory_space<vmem_shared>>
    %dma_start3A_216 = arith.constant 0 : i32
    %dma_start3A_217 = tpu.memref_slice %arg14[%add3A_213, %dma_start3A_216] : memref<100352x16xf32, #tpu.memory_space<vmem_shared>> -> memref<128x16xf32, #tpu.memory_space<vmem_shared>>
    tpu.enqueue_dma source(%arg13 : memref<128x16xf32, #tpu.memory_space<vmem>>) target(%dma_start3A_217 : memref<128x16xf32, #tpu.memory_space<vmem_shared>>) target_semaphore(%arg16 : memref<!tpu.dma_semaphore, #tpu.memory_space<semaphore_mem>>)
    %add3A_218 = arith.constant 4480 : i32
    %add3A_219 = arith.addi %mul3A_8, %add3A_218 : i32
    %dma_start3A_220 = arith.constant 0 : i32
    %dma_start3A_221 = tpu.memref_slice %arg14[%add3A_219, %dma_start3A_220] : memref<100352x16xf32, #tpu.memory_space<vmem_shared>> -> memref<128x16xf32, #tpu.memory_space<vmem_shared>>
    %dma_start3A_222 = arith.constant 0 : i32
    %dma_start3A_223 = tpu.memref_slice %arg14[%add3A_219, %dma_start3A_222] : memref<100352x16xf32, #tpu.memory_space<vmem_shared>> -> memref<128x16xf32, #tpu.memory_space<vmem_shared>>
    tpu.enqueue_dma source(%arg13 : memref<128x16xf32, #tpu.memory_space<vmem>>) target(%dma_start3A_223 : memref<128x16xf32, #tpu.memory_space<vmem_shared>>) target_semaphore(%arg16 : memref<!tpu.dma_semaphore, #tpu.memory_space<semaphore_mem>>)
    %add3A_224 = arith.constant 4608 : i32
    %add3A_225 = arith.addi %mul3A_8, %add3A_224 : i32
    %dma_start3A_226 = arith.constant 0 : i32
    %dma_start3A_227 = tpu.memref_slice %arg14[%add3A_225, %dma_start3A_226] : memref<100352x16xf32, #tpu.memory_space<vmem_shared>> -> memref<128x16xf32, #tpu.memory_space<vmem_shared>>
    %dma_start3A_228 = arith.constant 0 : i32
    %dma_start3A_229 = tpu.memref_slice %arg14[%add3A_225, %dma_start3A_228] : memref<100352x16xf32, #tpu.memory_space<vmem_shared>> -> memref<128x16xf32, #tpu.memory_space<vmem_shared>>
    tpu.enqueue_dma source(%arg13 : memref<128x16xf32, #tpu.memory_space<vmem>>) target(%dma_start3A_229 : memref<128x16xf32, #tpu.memory_space<vmem_shared>>) target_semaphore(%arg16 : memref<!tpu.dma_semaphore, #tpu.memory_space<semaphore_mem>>)
    %add3A_230 = arith.constant 4736 : i32
    %add3A_231 = arith.addi %mul3A_8, %add3A_230 : i32
    %dma_start3A_232 = arith.constant 0 : i32
    %dma_start3A_233 = tpu.memref_slice %arg14[%add3A_231, %dma_start3A_232] : memref<100352x16xf32, #tpu.memory_space<vmem_shared>> -> memref<128x16xf32, #tpu.memory_space<vmem_shared>>
    %dma_start3A_234 = arith.constant 0 : i32
    %dma_start3A_235 = tpu.memref_slice %arg14[%add3A_231, %dma_start3A_234] : memref<100352x16xf32, #tpu.memory_space<vmem_shared>> -> memref<128x16xf32, #tpu.memory_space<vmem_shared>>
    tpu.enqueue_dma source(%arg13 : memref<128x16xf32, #tpu.memory_space<vmem>>) target(%dma_start3A_235 : memref<128x16xf32, #tpu.memory_space<vmem_shared>>) target_semaphore(%arg16 : memref<!tpu.dma_semaphore, #tpu.memory_space<semaphore_mem>>)
    %add3A_236 = arith.constant 4864 : i32
    %add3A_237 = arith.addi %mul3A_8, %add3A_236 : i32
    %dma_start3A_238 = arith.constant 0 : i32
    %dma_start3A_239 = tpu.memref_slice %arg14[%add3A_237, %dma_start3A_238] : memref<100352x16xf32, #tpu.memory_space<vmem_shared>> -> memref<128x16xf32, #tpu.memory_space<vmem_shared>>
    %dma_start3A_240 = arith.constant 0 : i32
    %dma_start3A_241 = tpu.memref_slice %arg14[%add3A_237, %dma_start3A_240] : memref<100352x16xf32, #tpu.memory_space<vmem_shared>> -> memref<128x16xf32, #tpu.memory_space<vmem_shared>>
    tpu.enqueue_dma source(%arg13 : memref<128x16xf32, #tpu.memory_space<vmem>>) target(%dma_start3A_241 : memref<128x16xf32, #tpu.memory_space<vmem_shared>>) target_semaphore(%arg16 : memref<!tpu.dma_semaphore, #tpu.memory_space<semaphore_mem>>)
    %add3A_242 = arith.constant 4992 : i32
    %add3A_243 = arith.addi %mul3A_8, %add3A_242 : i32
    %dma_start3A_244 = arith.constant 0 : i32
    %dma_start3A_245 = tpu.memref_slice %arg14[%add3A_243, %dma_start3A_244] : memref<100352x16xf32, #tpu.memory_space<vmem_shared>> -> memref<128x16xf32, #tpu.memory_space<vmem_shared>>
    %dma_start3A_246 = arith.constant 0 : i32
    %dma_start3A_247 = tpu.memref_slice %arg14[%add3A_243, %dma_start3A_246] : memref<100352x16xf32, #tpu.memory_space<vmem_shared>> -> memref<128x16xf32, #tpu.memory_space<vmem_shared>>
    tpu.enqueue_dma source(%arg13 : memref<128x16xf32, #tpu.memory_space<vmem>>) target(%dma_start3A_247 : memref<128x16xf32, #tpu.memory_space<vmem_shared>>) target_semaphore(%arg16 : memref<!tpu.dma_semaphore, #tpu.memory_space<semaphore_mem>>)
    %add3A_248 = arith.constant 5120 : i32
    %add3A_249 = arith.addi %mul3A_8, %add3A_248 : i32
    %dma_start3A_250 = arith.constant 0 : i32
    %dma_start3A_251 = tpu.memref_slice %arg14[%add3A_249, %dma_start3A_250] : memref<100352x16xf32, #tpu.memory_space<vmem_shared>> -> memref<128x16xf32, #tpu.memory_space<vmem_shared>>
    %dma_start3A_252 = arith.constant 0 : i32
    %dma_start3A_253 = tpu.memref_slice %arg14[%add3A_249, %dma_start3A_252] : memref<100352x16xf32, #tpu.memory_space<vmem_shared>> -> memref<128x16xf32, #tpu.memory_space<vmem_shared>>
    tpu.enqueue_dma source(%arg13 : memref<128x16xf32, #tpu.memory_space<vmem>>) target(%dma_start3A_253 : memref<128x16xf32, #tpu.memory_space<vmem_shared>>) target_semaphore(%arg16 : memref<!tpu.dma_semaphore, #tpu.memory_space<semaphore_mem>>)
    %add3A_254 = arith.constant 5248 : i32
    %add3A_255 = arith.addi %mul3A_8, %add3A_254 : i32
    %dma_start3A_256 = arith.constant 0 : i32
    %dma_start3A_257 = tpu.memref_slice %arg14[%add3A_255, %dma_start3A_256] : memref<100352x16xf32, #tpu.memory_space<vmem_shared>> -> memref<128x16xf32, #tpu.memory_space<vmem_shared>>
    %dma_start3A_258 = arith.constant 0 : i32
    %dma_start3A_259 = tpu.memref_slice %arg14[%add3A_255, %dma_start3A_258] : memref<100352x16xf32, #tpu.memory_space<vmem_shared>> -> memref<128x16xf32, #tpu.memory_space<vmem_shared>>
    tpu.enqueue_dma source(%arg13 : memref<128x16xf32, #tpu.memory_space<vmem>>) target(%dma_start3A_259 : memref<128x16xf32, #tpu.memory_space<vmem_shared>>) target_semaphore(%arg16 : memref<!tpu.dma_semaphore, #tpu.memory_space<semaphore_mem>>)
    %add3A_260 = arith.constant 5376 : i32
    %add3A_261 = arith.addi %mul3A_8, %add3A_260 : i32
    %dma_start3A_262 = arith.constant 0 : i32
    %dma_start3A_263 = tpu.memref_slice %arg14[%add3A_261, %dma_start3A_262] : memref<100352x16xf32, #tpu.memory_space<vmem_shared>> -> memref<128x16xf32, #tpu.memory_space<vmem_shared>>
    %dma_start3A_264 = arith.constant 0 : i32
    %dma_start3A_265 = tpu.memref_slice %arg14[%add3A_261, %dma_start3A_264] : memref<100352x16xf32, #tpu.memory_space<vmem_shared>> -> memref<128x16xf32, #tpu.memory_space<vmem_shared>>
    tpu.enqueue_dma source(%arg13 : memref<128x16xf32, #tpu.memory_space<vmem>>) target(%dma_start3A_265 : memref<128x16xf32, #tpu.memory_space<vmem_shared>>) target_semaphore(%arg16 : memref<!tpu.dma_semaphore, #tpu.memory_space<semaphore_mem>>)
    %add3A_266 = arith.constant 5504 : i32
    %add3A_267 = arith.addi %mul3A_8, %add3A_266 : i32
    %dma_start3A_268 = arith.constant 0 : i32
    %dma_start3A_269 = tpu.memref_slice %arg14[%add3A_267, %dma_start3A_268] : memref<100352x16xf32, #tpu.memory_space<vmem_shared>> -> memref<128x16xf32, #tpu.memory_space<vmem_shared>>
    %dma_start3A_270 = arith.constant 0 : i32
    %dma_start3A_271 = tpu.memref_slice %arg14[%add3A_267, %dma_start3A_270] : memref<100352x16xf32, #tpu.memory_space<vmem_shared>> -> memref<128x16xf32, #tpu.memory_space<vmem_shared>>
    tpu.enqueue_dma source(%arg13 : memref<128x16xf32, #tpu.memory_space<vmem>>) target(%dma_start3A_271 : memref<128x16xf32, #tpu.memory_space<vmem_shared>>) target_semaphore(%arg16 : memref<!tpu.dma_semaphore, #tpu.memory_space<semaphore_mem>>)
    %add3A_272 = arith.constant 5632 : i32
    %add3A_273 = arith.addi %mul3A_8, %add3A_272 : i32
    %dma_start3A_274 = arith.constant 0 : i32
    %dma_start3A_275 = tpu.memref_slice %arg14[%add3A_273, %dma_start3A_274] : memref<100352x16xf32, #tpu.memory_space<vmem_shared>> -> memref<128x16xf32, #tpu.memory_space<vmem_shared>>
    %dma_start3A_276 = arith.constant 0 : i32
    %dma_start3A_277 = tpu.memref_slice %arg14[%add3A_273, %dma_start3A_276] : memref<100352x16xf32, #tpu.memory_space<vmem_shared>> -> memref<128x16xf32, #tpu.memory_space<vmem_shared>>
    tpu.enqueue_dma source(%arg13 : memref<128x16xf32, #tpu.memory_space<vmem>>) target(%dma_start3A_277 : memref<128x16xf32, #tpu.memory_space<vmem_shared>>) target_semaphore(%arg16 : memref<!tpu.dma_semaphore, #tpu.memory_space<semaphore_mem>>)
    %add3A_278 = arith.constant 5760 : i32
    %add3A_279 = arith.addi %mul3A_8, %add3A_278 : i32
    %dma_start3A_280 = arith.constant 0 : i32
    %dma_start3A_281 = tpu.memref_slice %arg14[%add3A_279, %dma_start3A_280] : memref<100352x16xf32, #tpu.memory_space<vmem_shared>> -> memref<128x16xf32, #tpu.memory_space<vmem_shared>>
    %dma_start3A_282 = arith.constant 0 : i32
    %dma_start3A_283 = tpu.memref_slice %arg14[%add3A_279, %dma_start3A_282] : memref<100352x16xf32, #tpu.memory_space<vmem_shared>> -> memref<128x16xf32, #tpu.memory_space<vmem_shared>>
    tpu.enqueue_dma source(%arg13 : memref<128x16xf32, #tpu.memory_space<vmem>>) target(%dma_start3A_283 : memref<128x16xf32, #tpu.memory_space<vmem_shared>>) target_semaphore(%arg16 : memref<!tpu.dma_semaphore, #tpu.memory_space<semaphore_mem>>)
    %add3A_284 = arith.constant 5888 : i32
    %add3A_285 = arith.addi %mul3A_8, %add3A_284 : i32
    %dma_start3A_286 = arith.constant 0 : i32
    %dma_start3A_287 = tpu.memref_slice %arg14[%add3A_285, %dma_start3A_286] : memref<100352x16xf32, #tpu.memory_space<vmem_shared>> -> memref<128x16xf32, #tpu.memory_space<vmem_shared>>
    %dma_start3A_288 = arith.constant 0 : i32
    %dma_start3A_289 = tpu.memref_slice %arg14[%add3A_285, %dma_start3A_288] : memref<100352x16xf32, #tpu.memory_space<vmem_shared>> -> memref<128x16xf32, #tpu.memory_space<vmem_shared>>
    tpu.enqueue_dma source(%arg13 : memref<128x16xf32, #tpu.memory_space<vmem>>) target(%dma_start3A_289 : memref<128x16xf32, #tpu.memory_space<vmem_shared>>) target_semaphore(%arg16 : memref<!tpu.dma_semaphore, #tpu.memory_space<semaphore_mem>>)
    %add3A_290 = arith.constant 6016 : i32
    %add3A_291 = arith.addi %mul3A_8, %add3A_290 : i32
    %dma_start3A_292 = arith.constant 0 : i32
    %dma_start3A_293 = tpu.memref_slice %arg14[%add3A_291, %dma_start3A_292] : memref<100352x16xf32, #tpu.memory_space<vmem_shared>> -> memref<128x16xf32, #tpu.memory_space<vmem_shared>>
    %dma_start3A_294 = arith.constant 0 : i32
    %dma_start3A_295 = tpu.memref_slice %arg14[%add3A_291, %dma_start3A_294] : memref<100352x16xf32, #tpu.memory_space<vmem_shared>> -> memref<128x16xf32, #tpu.memory_space<vmem_shared>>
    tpu.enqueue_dma source(%arg13 : memref<128x16xf32, #tpu.memory_space<vmem>>) target(%dma_start3A_295 : memref<128x16xf32, #tpu.memory_space<vmem_shared>>) target_semaphore(%arg16 : memref<!tpu.dma_semaphore, #tpu.memory_space<semaphore_mem>>)
    %add3A_296 = arith.constant 6144 : i32
    %add3A_297 = arith.addi %mul3A_8, %add3A_296 : i32
    %dma_start3A_298 = arith.constant 0 : i32
    %dma_start3A_299 = tpu.memref_slice %arg14[%add3A_297, %dma_start3A_298] : memref<100352x16xf32, #tpu.memory_space<vmem_shared>> -> memref<128x16xf32, #tpu.memory_space<vmem_shared>>
    %dma_start3A_300 = arith.constant 0 : i32
    %dma_start3A_301 = tpu.memref_slice %arg14[%add3A_297, %dma_start3A_300] : memref<100352x16xf32, #tpu.memory_space<vmem_shared>> -> memref<128x16xf32, #tpu.memory_space<vmem_shared>>
    tpu.enqueue_dma source(%arg13 : memref<128x16xf32, #tpu.memory_space<vmem>>) target(%dma_start3A_301 : memref<128x16xf32, #tpu.memory_space<vmem_shared>>) target_semaphore(%arg16 : memref<!tpu.dma_semaphore, #tpu.memory_space<semaphore_mem>>)
    %dma_wait3A = arith.constant 0 : i32
    %dma_wait3A_302 = tpu.memref_slice %arg14[%add3A_10, %dma_wait3A] : memref<100352x16xf32, #tpu.memory_space<vmem_shared>> -> memref<128x16xf32, #tpu.memory_space<vmem_shared>>
    %dma_wait3A_303 = arith.constant 0 : i32
    %dma_wait3A_304 = tpu.memref_slice %arg14[%add3A_10, %dma_wait3A_303] : memref<100352x16xf32, #tpu.memory_space<vmem_shared>> -> memref<128x16xf32, #tpu.memory_space<vmem_shared>>
    tpu.wait_dma2 semaphore(%arg16 : memref<!tpu.dma_semaphore, #tpu.memory_space<semaphore_mem>>) src(%arg13 : memref<128x16xf32, #tpu.memory_space<vmem>>) dst(%dma_wait3A_304 : memref<128x16xf32, #tpu.memory_space<vmem_shared>>)
    %dma_wait3A_305 = arith.constant 0 : i32
    %dma_wait3A_306 = tpu.memref_slice %arg14[%add3A_15, %dma_wait3A_305] : memref<100352x16xf32, #tpu.memory_space<vmem_shared>> -> memref<128x16xf32, #tpu.memory_space<vmem_shared>>
    %dma_wait3A_307 = arith.constant 0 : i32
    %dma_wait3A_308 = tpu.memref_slice %arg14[%add3A_15, %dma_wait3A_307] : memref<100352x16xf32, #tpu.memory_space<vmem_shared>> -> memref<128x16xf32, #tpu.memory_space<vmem_shared>>
    tpu.wait_dma2 semaphore(%arg16 : memref<!tpu.dma_semaphore, #tpu.memory_space<semaphore_mem>>) src(%arg13 : memref<128x16xf32, #tpu.memory_space<vmem>>) dst(%dma_wait3A_308 : memref<128x16xf32, #tpu.memory_space<vmem_shared>>)
    %dma_wait3A_309 = arith.constant 0 : i32
    %dma_wait3A_310 = tpu.memref_slice %arg14[%add3A_21, %dma_wait3A_309] : memref<100352x16xf32, #tpu.memory_space<vmem_shared>> -> memref<128x16xf32, #tpu.memory_space<vmem_shared>>
    %dma_wait3A_311 = arith.constant 0 : i32
    %dma_wait3A_312 = tpu.memref_slice %arg14[%add3A_21, %dma_wait3A_311] : memref<100352x16xf32, #tpu.memory_space<vmem_shared>> -> memref<128x16xf32, #tpu.memory_space<vmem_shared>>
    tpu.wait_dma2 semaphore(%arg16 : memref<!tpu.dma_semaphore, #tpu.memory_space<semaphore_mem>>) src(%arg13 : memref<128x16xf32, #tpu.memory_space<vmem>>) dst(%dma_wait3A_312 : memref<128x16xf32, #tpu.memory_space<vmem_shared>>)
    %dma_wait3A_313 = arith.constant 0 : i32
    %dma_wait3A_314 = tpu.memref_slice %arg14[%add3A_27, %dma_wait3A_313] : memref<100352x16xf32, #tpu.memory_space<vmem_shared>> -> memref<128x16xf32, #tpu.memory_space<vmem_shared>>
    %dma_wait3A_315 = arith.constant 0 : i32
    %dma_wait3A_316 = tpu.memref_slice %arg14[%add3A_27, %dma_wait3A_315] : memref<100352x16xf32, #tpu.memory_space<vmem_shared>> -> memref<128x16xf32, #tpu.memory_space<vmem_shared>>
    tpu.wait_dma2 semaphore(%arg16 : memref<!tpu.dma_semaphore, #tpu.memory_space<semaphore_mem>>) src(%arg13 : memref<128x16xf32, #tpu.memory_space<vmem>>) dst(%dma_wait3A_316 : memref<128x16xf32, #tpu.memory_space<vmem_shared>>)
    %dma_wait3A_317 = arith.constant 0 : i32
    %dma_wait3A_318 = tpu.memref_slice %arg14[%add3A_33, %dma_wait3A_317] : memref<100352x16xf32, #tpu.memory_space<vmem_shared>> -> memref<128x16xf32, #tpu.memory_space<vmem_shared>>
    %dma_wait3A_319 = arith.constant 0 : i32
    %dma_wait3A_320 = tpu.memref_slice %arg14[%add3A_33, %dma_wait3A_319] : memref<100352x16xf32, #tpu.memory_space<vmem_shared>> -> memref<128x16xf32, #tpu.memory_space<vmem_shared>>
    tpu.wait_dma2 semaphore(%arg16 : memref<!tpu.dma_semaphore, #tpu.memory_space<semaphore_mem>>) src(%arg13 : memref<128x16xf32, #tpu.memory_space<vmem>>) dst(%dma_wait3A_320 : memref<128x16xf32, #tpu.memory_space<vmem_shared>>)
    %dma_wait3A_321 = arith.constant 0 : i32
    %dma_wait3A_322 = tpu.memref_slice %arg14[%add3A_39, %dma_wait3A_321] : memref<100352x16xf32, #tpu.memory_space<vmem_shared>> -> memref<128x16xf32, #tpu.memory_space<vmem_shared>>
    %dma_wait3A_323 = arith.constant 0 : i32
    %dma_wait3A_324 = tpu.memref_slice %arg14[%add3A_39, %dma_wait3A_323] : memref<100352x16xf32, #tpu.memory_space<vmem_shared>> -> memref<128x16xf32, #tpu.memory_space<vmem_shared>>
    tpu.wait_dma2 semaphore(%arg16 : memref<!tpu.dma_semaphore, #tpu.memory_space<semaphore_mem>>) src(%arg13 : memref<128x16xf32, #tpu.memory_space<vmem>>) dst(%dma_wait3A_324 : memref<128x16xf32, #tpu.memory_space<vmem_shared>>)
    %dma_wait3A_325 = arith.constant 0 : i32
    %dma_wait3A_326 = tpu.memref_slice %arg14[%add3A_45, %dma_wait3A_325] : memref<100352x16xf32, #tpu.memory_space<vmem_shared>> -> memref<128x16xf32, #tpu.memory_space<vmem_shared>>
    %dma_wait3A_327 = arith.constant 0 : i32
    %dma_wait3A_328 = tpu.memref_slice %arg14[%add3A_45, %dma_wait3A_327] : memref<100352x16xf32, #tpu.memory_space<vmem_shared>> -> memref<128x16xf32, #tpu.memory_space<vmem_shared>>
    tpu.wait_dma2 semaphore(%arg16 : memref<!tpu.dma_semaphore, #tpu.memory_space<semaphore_mem>>) src(%arg13 : memref<128x16xf32, #tpu.memory_space<vmem>>) dst(%dma_wait3A_328 : memref<128x16xf32, #tpu.memory_space<vmem_shared>>)
    %dma_wait3A_329 = arith.constant 0 : i32
    %dma_wait3A_330 = tpu.memref_slice %arg14[%add3A_51, %dma_wait3A_329] : memref<100352x16xf32, #tpu.memory_space<vmem_shared>> -> memref<128x16xf32, #tpu.memory_space<vmem_shared>>
    %dma_wait3A_331 = arith.constant 0 : i32
    %dma_wait3A_332 = tpu.memref_slice %arg14[%add3A_51, %dma_wait3A_331] : memref<100352x16xf32, #tpu.memory_space<vmem_shared>> -> memref<128x16xf32, #tpu.memory_space<vmem_shared>>
    tpu.wait_dma2 semaphore(%arg16 : memref<!tpu.dma_semaphore, #tpu.memory_space<semaphore_mem>>) src(%arg13 : memref<128x16xf32, #tpu.memory_space<vmem>>) dst(%dma_wait3A_332 : memref<128x16xf32, #tpu.memory_space<vmem_shared>>)
    %dma_wait3A_333 = arith.constant 0 : i32
    %dma_wait3A_334 = tpu.memref_slice %arg14[%add3A_57, %dma_wait3A_333] : memref<100352x16xf32, #tpu.memory_space<vmem_shared>> -> memref<128x16xf32, #tpu.memory_space<vmem_shared>>
    %dma_wait3A_335 = arith.constant 0 : i32
    %dma_wait3A_336 = tpu.memref_slice %arg14[%add3A_57, %dma_wait3A_335] : memref<100352x16xf32, #tpu.memory_space<vmem_shared>> -> memref<128x16xf32, #tpu.memory_space<vmem_shared>>
    tpu.wait_dma2 semaphore(%arg16 : memref<!tpu.dma_semaphore, #tpu.memory_space<semaphore_mem>>) src(%arg13 : memref<128x16xf32, #tpu.memory_space<vmem>>) dst(%dma_wait3A_336 : memref<128x16xf32, #tpu.memory_space<vmem_shared>>)
    %dma_wait3A_337 = arith.constant 0 : i32
    %dma_wait3A_338 = tpu.memref_slice %arg14[%add3A_63, %dma_wait3A_337] : memref<100352x16xf32, #tpu.memory_space<vmem_shared>> -> memref<128x16xf32, #tpu.memory_space<vmem_shared>>
    %dma_wait3A_339 = arith.constant 0 : i32
    %dma_wait3A_340 = tpu.memref_slice %arg14[%add3A_63, %dma_wait3A_339] : memref<100352x16xf32, #tpu.memory_space<vmem_shared>> -> memref<128x16xf32, #tpu.memory_space<vmem_shared>>
    tpu.wait_dma2 semaphore(%arg16 : memref<!tpu.dma_semaphore, #tpu.memory_space<semaphore_mem>>) src(%arg13 : memref<128x16xf32, #tpu.memory_space<vmem>>) dst(%dma_wait3A_340 : memref<128x16xf32, #tpu.memory_space<vmem_shared>>)
    %dma_wait3A_341 = arith.constant 0 : i32
    %dma_wait3A_342 = tpu.memref_slice %arg14[%add3A_69, %dma_wait3A_341] : memref<100352x16xf32, #tpu.memory_space<vmem_shared>> -> memref<128x16xf32, #tpu.memory_space<vmem_shared>>
    %dma_wait3A_343 = arith.constant 0 : i32
    %dma_wait3A_344 = tpu.memref_slice %arg14[%add3A_69, %dma_wait3A_343] : memref<100352x16xf32, #tpu.memory_space<vmem_shared>> -> memref<128x16xf32, #tpu.memory_space<vmem_shared>>
    tpu.wait_dma2 semaphore(%arg16 : memref<!tpu.dma_semaphore, #tpu.memory_space<semaphore_mem>>) src(%arg13 : memref<128x16xf32, #tpu.memory_space<vmem>>) dst(%dma_wait3A_344 : memref<128x16xf32, #tpu.memory_space<vmem_shared>>)
    %dma_wait3A_345 = arith.constant 0 : i32
    %dma_wait3A_346 = tpu.memref_slice %arg14[%add3A_75, %dma_wait3A_345] : memref<100352x16xf32, #tpu.memory_space<vmem_shared>> -> memref<128x16xf32, #tpu.memory_space<vmem_shared>>
    %dma_wait3A_347 = arith.constant 0 : i32
    %dma_wait3A_348 = tpu.memref_slice %arg14[%add3A_75, %dma_wait3A_347] : memref<100352x16xf32, #tpu.memory_space<vmem_shared>> -> memref<128x16xf32, #tpu.memory_space<vmem_shared>>
    tpu.wait_dma2 semaphore(%arg16 : memref<!tpu.dma_semaphore, #tpu.memory_space<semaphore_mem>>) src(%arg13 : memref<128x16xf32, #tpu.memory_space<vmem>>) dst(%dma_wait3A_348 : memref<128x16xf32, #tpu.memory_space<vmem_shared>>)
    %dma_wait3A_349 = arith.constant 0 : i32
    %dma_wait3A_350 = tpu.memref_slice %arg14[%add3A_81, %dma_wait3A_349] : memref<100352x16xf32, #tpu.memory_space<vmem_shared>> -> memref<128x16xf32, #tpu.memory_space<vmem_shared>>
    %dma_wait3A_351 = arith.constant 0 : i32
    %dma_wait3A_352 = tpu.memref_slice %arg14[%add3A_81, %dma_wait3A_351] : memref<100352x16xf32, #tpu.memory_space<vmem_shared>> -> memref<128x16xf32, #tpu.memory_space<vmem_shared>>
    tpu.wait_dma2 semaphore(%arg16 : memref<!tpu.dma_semaphore, #tpu.memory_space<semaphore_mem>>) src(%arg13 : memref<128x16xf32, #tpu.memory_space<vmem>>) dst(%dma_wait3A_352 : memref<128x16xf32, #tpu.memory_space<vmem_shared>>)
    %dma_wait3A_353 = arith.constant 0 : i32
    %dma_wait3A_354 = tpu.memref_slice %arg14[%add3A_87, %dma_wait3A_353] : memref<100352x16xf32, #tpu.memory_space<vmem_shared>> -> memref<128x16xf32, #tpu.memory_space<vmem_shared>>
    %dma_wait3A_355 = arith.constant 0 : i32
    %dma_wait3A_356 = tpu.memref_slice %arg14[%add3A_87, %dma_wait3A_355] : memref<100352x16xf32, #tpu.memory_space<vmem_shared>> -> memref<128x16xf32, #tpu.memory_space<vmem_shared>>
    tpu.wait_dma2 semaphore(%arg16 : memref<!tpu.dma_semaphore, #tpu.memory_space<semaphore_mem>>) src(%arg13 : memref<128x16xf32, #tpu.memory_space<vmem>>) dst(%dma_wait3A_356 : memref<128x16xf32, #tpu.memory_space<vmem_shared>>)
    %dma_wait3A_357 = arith.constant 0 : i32
    %dma_wait3A_358 = tpu.memref_slice %arg14[%add3A_93, %dma_wait3A_357] : memref<100352x16xf32, #tpu.memory_space<vmem_shared>> -> memref<128x16xf32, #tpu.memory_space<vmem_shared>>
    %dma_wait3A_359 = arith.constant 0 : i32
    %dma_wait3A_360 = tpu.memref_slice %arg14[%add3A_93, %dma_wait3A_359] : memref<100352x16xf32, #tpu.memory_space<vmem_shared>> -> memref<128x16xf32, #tpu.memory_space<vmem_shared>>
    tpu.wait_dma2 semaphore(%arg16 : memref<!tpu.dma_semaphore, #tpu.memory_space<semaphore_mem>>) src(%arg13 : memref<128x16xf32, #tpu.memory_space<vmem>>) dst(%dma_wait3A_360 : memref<128x16xf32, #tpu.memory_space<vmem_shared>>)
    %dma_wait3A_361 = arith.constant 0 : i32
    %dma_wait3A_362 = tpu.memref_slice %arg14[%add3A_99, %dma_wait3A_361] : memref<100352x16xf32, #tpu.memory_space<vmem_shared>> -> memref<128x16xf32, #tpu.memory_space<vmem_shared>>
    %dma_wait3A_363 = arith.constant 0 : i32
    %dma_wait3A_364 = tpu.memref_slice %arg14[%add3A_99, %dma_wait3A_363] : memref<100352x16xf32, #tpu.memory_space<vmem_shared>> -> memref<128x16xf32, #tpu.memory_space<vmem_shared>>
    tpu.wait_dma2 semaphore(%arg16 : memref<!tpu.dma_semaphore, #tpu.memory_space<semaphore_mem>>) src(%arg13 : memref<128x16xf32, #tpu.memory_space<vmem>>) dst(%dma_wait3A_364 : memref<128x16xf32, #tpu.memory_space<vmem_shared>>)
    %dma_wait3A_365 = arith.constant 0 : i32
    %dma_wait3A_366 = tpu.memref_slice %arg14[%add3A_105, %dma_wait3A_365] : memref<100352x16xf32, #tpu.memory_space<vmem_shared>> -> memref<128x16xf32, #tpu.memory_space<vmem_shared>>
    %dma_wait3A_367 = arith.constant 0 : i32
    %dma_wait3A_368 = tpu.memref_slice %arg14[%add3A_105, %dma_wait3A_367] : memref<100352x16xf32, #tpu.memory_space<vmem_shared>> -> memref<128x16xf32, #tpu.memory_space<vmem_shared>>
    tpu.wait_dma2 semaphore(%arg16 : memref<!tpu.dma_semaphore, #tpu.memory_space<semaphore_mem>>) src(%arg13 : memref<128x16xf32, #tpu.memory_space<vmem>>) dst(%dma_wait3A_368 : memref<128x16xf32, #tpu.memory_space<vmem_shared>>)
    %dma_wait3A_369 = arith.constant 0 : i32
    %dma_wait3A_370 = tpu.memref_slice %arg14[%add3A_111, %dma_wait3A_369] : memref<100352x16xf32, #tpu.memory_space<vmem_shared>> -> memref<128x16xf32, #tpu.memory_space<vmem_shared>>
    %dma_wait3A_371 = arith.constant 0 : i32
    %dma_wait3A_372 = tpu.memref_slice %arg14[%add3A_111, %dma_wait3A_371] : memref<100352x16xf32, #tpu.memory_space<vmem_shared>> -> memref<128x16xf32, #tpu.memory_space<vmem_shared>>
    tpu.wait_dma2 semaphore(%arg16 : memref<!tpu.dma_semaphore, #tpu.memory_space<semaphore_mem>>) src(%arg13 : memref<128x16xf32, #tpu.memory_space<vmem>>) dst(%dma_wait3A_372 : memref<128x16xf32, #tpu.memory_space<vmem_shared>>)
    %dma_wait3A_373 = arith.constant 0 : i32
    %dma_wait3A_374 = tpu.memref_slice %arg14[%add3A_117, %dma_wait3A_373] : memref<100352x16xf32, #tpu.memory_space<vmem_shared>> -> memref<128x16xf32, #tpu.memory_space<vmem_shared>>
    %dma_wait3A_375 = arith.constant 0 : i32
    %dma_wait3A_376 = tpu.memref_slice %arg14[%add3A_117, %dma_wait3A_375] : memref<100352x16xf32, #tpu.memory_space<vmem_shared>> -> memref<128x16xf32, #tpu.memory_space<vmem_shared>>
    tpu.wait_dma2 semaphore(%arg16 : memref<!tpu.dma_semaphore, #tpu.memory_space<semaphore_mem>>) src(%arg13 : memref<128x16xf32, #tpu.memory_space<vmem>>) dst(%dma_wait3A_376 : memref<128x16xf32, #tpu.memory_space<vmem_shared>>)
    %dma_wait3A_377 = arith.constant 0 : i32
    %dma_wait3A_378 = tpu.memref_slice %arg14[%add3A_123, %dma_wait3A_377] : memref<100352x16xf32, #tpu.memory_space<vmem_shared>> -> memref<128x16xf32, #tpu.memory_space<vmem_shared>>
    %dma_wait3A_379 = arith.constant 0 : i32
    %dma_wait3A_380 = tpu.memref_slice %arg14[%add3A_123, %dma_wait3A_379] : memref<100352x16xf32, #tpu.memory_space<vmem_shared>> -> memref<128x16xf32, #tpu.memory_space<vmem_shared>>
    tpu.wait_dma2 semaphore(%arg16 : memref<!tpu.dma_semaphore, #tpu.memory_space<semaphore_mem>>) src(%arg13 : memref<128x16xf32, #tpu.memory_space<vmem>>) dst(%dma_wait3A_380 : memref<128x16xf32, #tpu.memory_space<vmem_shared>>)
    %dma_wait3A_381 = arith.constant 0 : i32
    %dma_wait3A_382 = tpu.memref_slice %arg14[%add3A_129, %dma_wait3A_381] : memref<100352x16xf32, #tpu.memory_space<vmem_shared>> -> memref<128x16xf32, #tpu.memory_space<vmem_shared>>
    %dma_wait3A_383 = arith.constant 0 : i32
    %dma_wait3A_384 = tpu.memref_slice %arg14[%add3A_129, %dma_wait3A_383] : memref<100352x16xf32, #tpu.memory_space<vmem_shared>> -> memref<128x16xf32, #tpu.memory_space<vmem_shared>>
    tpu.wait_dma2 semaphore(%arg16 : memref<!tpu.dma_semaphore, #tpu.memory_space<semaphore_mem>>) src(%arg13 : memref<128x16xf32, #tpu.memory_space<vmem>>) dst(%dma_wait3A_384 : memref<128x16xf32, #tpu.memory_space<vmem_shared>>)
    %dma_wait3A_385 = arith.constant 0 : i32
    %dma_wait3A_386 = tpu.memref_slice %arg14[%add3A_135, %dma_wait3A_385] : memref<100352x16xf32, #tpu.memory_space<vmem_shared>> -> memref<128x16xf32, #tpu.memory_space<vmem_shared>>
    %dma_wait3A_387 = arith.constant 0 : i32
    %dma_wait3A_388 = tpu.memref_slice %arg14[%add3A_135, %dma_wait3A_387] : memref<100352x16xf32, #tpu.memory_space<vmem_shared>> -> memref<128x16xf32, #tpu.memory_space<vmem_shared>>
    tpu.wait_dma2 semaphore(%arg16 : memref<!tpu.dma_semaphore, #tpu.memory_space<semaphore_mem>>) src(%arg13 : memref<128x16xf32, #tpu.memory_space<vmem>>) dst(%dma_wait3A_388 : memref<128x16xf32, #tpu.memory_space<vmem_shared>>)
    %dma_wait3A_389 = arith.constant 0 : i32
    %dma_wait3A_390 = tpu.memref_slice %arg14[%add3A_141, %dma_wait3A_389] : memref<100352x16xf32, #tpu.memory_space<vmem_shared>> -> memref<128x16xf32, #tpu.memory_space<vmem_shared>>
    %dma_wait3A_391 = arith.constant 0 : i32
    %dma_wait3A_392 = tpu.memref_slice %arg14[%add3A_141, %dma_wait3A_391] : memref<100352x16xf32, #tpu.memory_space<vmem_shared>> -> memref<128x16xf32, #tpu.memory_space<vmem_shared>>
    tpu.wait_dma2 semaphore(%arg16 : memref<!tpu.dma_semaphore, #tpu.memory_space<semaphore_mem>>) src(%arg13 : memref<128x16xf32, #tpu.memory_space<vmem>>) dst(%dma_wait3A_392 : memref<128x16xf32, #tpu.memory_space<vmem_shared>>)
    %dma_wait3A_393 = arith.constant 0 : i32
    %dma_wait3A_394 = tpu.memref_slice %arg14[%add3A_147, %dma_wait3A_393] : memref<100352x16xf32, #tpu.memory_space<vmem_shared>> -> memref<128x16xf32, #tpu.memory_space<vmem_shared>>
    %dma_wait3A_395 = arith.constant 0 : i32
    %dma_wait3A_396 = tpu.memref_slice %arg14[%add3A_147, %dma_wait3A_395] : memref<100352x16xf32, #tpu.memory_space<vmem_shared>> -> memref<128x16xf32, #tpu.memory_space<vmem_shared>>
    tpu.wait_dma2 semaphore(%arg16 : memref<!tpu.dma_semaphore, #tpu.memory_space<semaphore_mem>>) src(%arg13 : memref<128x16xf32, #tpu.memory_space<vmem>>) dst(%dma_wait3A_396 : memref<128x16xf32, #tpu.memory_space<vmem_shared>>)
    %dma_wait3A_397 = arith.constant 0 : i32
    %dma_wait3A_398 = tpu.memref_slice %arg14[%add3A_153, %dma_wait3A_397] : memref<100352x16xf32, #tpu.memory_space<vmem_shared>> -> memref<128x16xf32, #tpu.memory_space<vmem_shared>>
    %dma_wait3A_399 = arith.constant 0 : i32
    %dma_wait3A_400 = tpu.memref_slice %arg14[%add3A_153, %dma_wait3A_399] : memref<100352x16xf32, #tpu.memory_space<vmem_shared>> -> memref<128x16xf32, #tpu.memory_space<vmem_shared>>
    tpu.wait_dma2 semaphore(%arg16 : memref<!tpu.dma_semaphore, #tpu.memory_space<semaphore_mem>>) src(%arg13 : memref<128x16xf32, #tpu.memory_space<vmem>>) dst(%dma_wait3A_400 : memref<128x16xf32, #tpu.memory_space<vmem_shared>>)
    %dma_wait3A_401 = arith.constant 0 : i32
    %dma_wait3A_402 = tpu.memref_slice %arg14[%add3A_159, %dma_wait3A_401] : memref<100352x16xf32, #tpu.memory_space<vmem_shared>> -> memref<128x16xf32, #tpu.memory_space<vmem_shared>>
    %dma_wait3A_403 = arith.constant 0 : i32
    %dma_wait3A_404 = tpu.memref_slice %arg14[%add3A_159, %dma_wait3A_403] : memref<100352x16xf32, #tpu.memory_space<vmem_shared>> -> memref<128x16xf32, #tpu.memory_space<vmem_shared>>
    tpu.wait_dma2 semaphore(%arg16 : memref<!tpu.dma_semaphore, #tpu.memory_space<semaphore_mem>>) src(%arg13 : memref<128x16xf32, #tpu.memory_space<vmem>>) dst(%dma_wait3A_404 : memref<128x16xf32, #tpu.memory_space<vmem_shared>>)
    %dma_wait3A_405 = arith.constant 0 : i32
    %dma_wait3A_406 = tpu.memref_slice %arg14[%add3A_165, %dma_wait3A_405] : memref<100352x16xf32, #tpu.memory_space<vmem_shared>> -> memref<128x16xf32, #tpu.memory_space<vmem_shared>>
    %dma_wait3A_407 = arith.constant 0 : i32
    %dma_wait3A_408 = tpu.memref_slice %arg14[%add3A_165, %dma_wait3A_407] : memref<100352x16xf32, #tpu.memory_space<vmem_shared>> -> memref<128x16xf32, #tpu.memory_space<vmem_shared>>
    tpu.wait_dma2 semaphore(%arg16 : memref<!tpu.dma_semaphore, #tpu.memory_space<semaphore_mem>>) src(%arg13 : memref<128x16xf32, #tpu.memory_space<vmem>>) dst(%dma_wait3A_408 : memref<128x16xf32, #tpu.memory_space<vmem_shared>>)
    %dma_wait3A_409 = arith.constant 0 : i32
    %dma_wait3A_410 = tpu.memref_slice %arg14[%add3A_171, %dma_wait3A_409] : memref<100352x16xf32, #tpu.memory_space<vmem_shared>> -> memref<128x16xf32, #tpu.memory_space<vmem_shared>>
    %dma_wait3A_411 = arith.constant 0 : i32
    %dma_wait3A_412 = tpu.memref_slice %arg14[%add3A_171, %dma_wait3A_411] : memref<100352x16xf32, #tpu.memory_space<vmem_shared>> -> memref<128x16xf32, #tpu.memory_space<vmem_shared>>
    tpu.wait_dma2 semaphore(%arg16 : memref<!tpu.dma_semaphore, #tpu.memory_space<semaphore_mem>>) src(%arg13 : memref<128x16xf32, #tpu.memory_space<vmem>>) dst(%dma_wait3A_412 : memref<128x16xf32, #tpu.memory_space<vmem_shared>>)
    %dma_wait3A_413 = arith.constant 0 : i32
    %dma_wait3A_414 = tpu.memref_slice %arg14[%add3A_177, %dma_wait3A_413] : memref<100352x16xf32, #tpu.memory_space<vmem_shared>> -> memref<128x16xf32, #tpu.memory_space<vmem_shared>>
    %dma_wait3A_415 = arith.constant 0 : i32
    %dma_wait3A_416 = tpu.memref_slice %arg14[%add3A_177, %dma_wait3A_415] : memref<100352x16xf32, #tpu.memory_space<vmem_shared>> -> memref<128x16xf32, #tpu.memory_space<vmem_shared>>
    tpu.wait_dma2 semaphore(%arg16 : memref<!tpu.dma_semaphore, #tpu.memory_space<semaphore_mem>>) src(%arg13 : memref<128x16xf32, #tpu.memory_space<vmem>>) dst(%dma_wait3A_416 : memref<128x16xf32, #tpu.memory_space<vmem_shared>>)
    %dma_wait3A_417 = arith.constant 0 : i32
    %dma_wait3A_418 = tpu.memref_slice %arg14[%add3A_183, %dma_wait3A_417] : memref<100352x16xf32, #tpu.memory_space<vmem_shared>> -> memref<128x16xf32, #tpu.memory_space<vmem_shared>>
    %dma_wait3A_419 = arith.constant 0 : i32
    %dma_wait3A_420 = tpu.memref_slice %arg14[%add3A_183, %dma_wait3A_419] : memref<100352x16xf32, #tpu.memory_space<vmem_shared>> -> memref<128x16xf32, #tpu.memory_space<vmem_shared>>
    tpu.wait_dma2 semaphore(%arg16 : memref<!tpu.dma_semaphore, #tpu.memory_space<semaphore_mem>>) src(%arg13 : memref<128x16xf32, #tpu.memory_space<vmem>>) dst(%dma_wait3A_420 : memref<128x16xf32, #tpu.memory_space<vmem_shared>>)
    %dma_wait3A_421 = arith.constant 0 : i32
    %dma_wait3A_422 = tpu.memref_slice %arg14[%add3A_189, %dma_wait3A_421] : memref<100352x16xf32, #tpu.memory_space<vmem_shared>> -> memref<128x16xf32, #tpu.memory_space<vmem_shared>>
    %dma_wait3A_423 = arith.constant 0 : i32
    %dma_wait3A_424 = tpu.memref_slice %arg14[%add3A_189, %dma_wait3A_423] : memref<100352x16xf32, #tpu.memory_space<vmem_shared>> -> memref<128x16xf32, #tpu.memory_space<vmem_shared>>
    tpu.wait_dma2 semaphore(%arg16 : memref<!tpu.dma_semaphore, #tpu.memory_space<semaphore_mem>>) src(%arg13 : memref<128x16xf32, #tpu.memory_space<vmem>>) dst(%dma_wait3A_424 : memref<128x16xf32, #tpu.memory_space<vmem_shared>>)
    %dma_wait3A_425 = arith.constant 0 : i32
    %dma_wait3A_426 = tpu.memref_slice %arg14[%add3A_195, %dma_wait3A_425] : memref<100352x16xf32, #tpu.memory_space<vmem_shared>> -> memref<128x16xf32, #tpu.memory_space<vmem_shared>>
    %dma_wait3A_427 = arith.constant 0 : i32
    %dma_wait3A_428 = tpu.memref_slice %arg14[%add3A_195, %dma_wait3A_427] : memref<100352x16xf32, #tpu.memory_space<vmem_shared>> -> memref<128x16xf32, #tpu.memory_space<vmem_shared>>
    tpu.wait_dma2 semaphore(%arg16 : memref<!tpu.dma_semaphore, #tpu.memory_space<semaphore_mem>>) src(%arg13 : memref<128x16xf32, #tpu.memory_space<vmem>>) dst(%dma_wait3A_428 : memref<128x16xf32, #tpu.memory_space<vmem_shared>>)
    %dma_wait3A_429 = arith.constant 0 : i32
    %dma_wait3A_430 = tpu.memref_slice %arg14[%add3A_201, %dma_wait3A_429] : memref<100352x16xf32, #tpu.memory_space<vmem_shared>> -> memref<128x16xf32, #tpu.memory_space<vmem_shared>>
    %dma_wait3A_431 = arith.constant 0 : i32
    %dma_wait3A_432 = tpu.memref_slice %arg14[%add3A_201, %dma_wait3A_431] : memref<100352x16xf32, #tpu.memory_space<vmem_shared>> -> memref<128x16xf32, #tpu.memory_space<vmem_shared>>
    tpu.wait_dma2 semaphore(%arg16 : memref<!tpu.dma_semaphore, #tpu.memory_space<semaphore_mem>>) src(%arg13 : memref<128x16xf32, #tpu.memory_space<vmem>>) dst(%dma_wait3A_432 : memref<128x16xf32, #tpu.memory_space<vmem_shared>>)
    %dma_wait3A_433 = arith.constant 0 : i32
    %dma_wait3A_434 = tpu.memref_slice %arg14[%add3A_207, %dma_wait3A_433] : memref<100352x16xf32, #tpu.memory_space<vmem_shared>> -> memref<128x16xf32, #tpu.memory_space<vmem_shared>>
    %dma_wait3A_435 = arith.constant 0 : i32
    %dma_wait3A_436 = tpu.memref_slice %arg14[%add3A_207, %dma_wait3A_435] : memref<100352x16xf32, #tpu.memory_space<vmem_shared>> -> memref<128x16xf32, #tpu.memory_space<vmem_shared>>
    tpu.wait_dma2 semaphore(%arg16 : memref<!tpu.dma_semaphore, #tpu.memory_space<semaphore_mem>>) src(%arg13 : memref<128x16xf32, #tpu.memory_space<vmem>>) dst(%dma_wait3A_436 : memref<128x16xf32, #tpu.memory_space<vmem_shared>>)
    %dma_wait3A_437 = arith.constant 0 : i32
    %dma_wait3A_438 = tpu.memref_slice %arg14[%add3A_213, %dma_wait3A_437] : memref<100352x16xf32, #tpu.memory_space<vmem_shared>> -> memref<128x16xf32, #tpu.memory_space<vmem_shared>>
    %dma_wait3A_439 = arith.constant 0 : i32
    %dma_wait3A_440 = tpu.memref_slice %arg14[%add3A_213, %dma_wait3A_439] : memref<100352x16xf32, #tpu.memory_space<vmem_shared>> -> memref<128x16xf32, #tpu.memory_space<vmem_shared>>
    tpu.wait_dma2 semaphore(%arg16 : memref<!tpu.dma_semaphore, #tpu.memory_space<semaphore_mem>>) src(%arg13 : memref<128x16xf32, #tpu.memory_space<vmem>>) dst(%dma_wait3A_440 : memref<128x16xf32, #tpu.memory_space<vmem_shared>>)
    %dma_wait3A_441 = arith.constant 0 : i32
    %dma_wait3A_442 = tpu.memref_slice %arg14[%add3A_219, %dma_wait3A_441] : memref<100352x16xf32, #tpu.memory_space<vmem_shared>> -> memref<128x16xf32, #tpu.memory_space<vmem_shared>>
    %dma_wait3A_443 = arith.constant 0 : i32
    %dma_wait3A_444 = tpu.memref_slice %arg14[%add3A_219, %dma_wait3A_443] : memref<100352x16xf32, #tpu.memory_space<vmem_shared>> -> memref<128x16xf32, #tpu.memory_space<vmem_shared>>
    tpu.wait_dma2 semaphore(%arg16 : memref<!tpu.dma_semaphore, #tpu.memory_space<semaphore_mem>>) src(%arg13 : memref<128x16xf32, #tpu.memory_space<vmem>>) dst(%dma_wait3A_444 : memref<128x16xf32, #tpu.memory_space<vmem_shared>>)
    %dma_wait3A_445 = arith.constant 0 : i32
    %dma_wait3A_446 = tpu.memref_slice %arg14[%add3A_225, %dma_wait3A_445] : memref<100352x16xf32, #tpu.memory_space<vmem_shared>> -> memref<128x16xf32, #tpu.memory_space<vmem_shared>>
    %dma_wait3A_447 = arith.constant 0 : i32
    %dma_wait3A_448 = tpu.memref_slice %arg14[%add3A_225, %dma_wait3A_447] : memref<100352x16xf32, #tpu.memory_space<vmem_shared>> -> memref<128x16xf32, #tpu.memory_space<vmem_shared>>
    tpu.wait_dma2 semaphore(%arg16 : memref<!tpu.dma_semaphore, #tpu.memory_space<semaphore_mem>>) src(%arg13 : memref<128x16xf32, #tpu.memory_space<vmem>>) dst(%dma_wait3A_448 : memref<128x16xf32, #tpu.memory_space<vmem_shared>>)
    %dma_wait3A_449 = arith.constant 0 : i32
    %dma_wait3A_450 = tpu.memref_slice %arg14[%add3A_231, %dma_wait3A_449] : memref<100352x16xf32, #tpu.memory_space<vmem_shared>> -> memref<128x16xf32, #tpu.memory_space<vmem_shared>>
    %dma_wait3A_451 = arith.constant 0 : i32
    %dma_wait3A_452 = tpu.memref_slice %arg14[%add3A_231, %dma_wait3A_451] : memref<100352x16xf32, #tpu.memory_space<vmem_shared>> -> memref<128x16xf32, #tpu.memory_space<vmem_shared>>
    tpu.wait_dma2 semaphore(%arg16 : memref<!tpu.dma_semaphore, #tpu.memory_space<semaphore_mem>>) src(%arg13 : memref<128x16xf32, #tpu.memory_space<vmem>>) dst(%dma_wait3A_452 : memref<128x16xf32, #tpu.memory_space<vmem_shared>>)
    %dma_wait3A_453 = arith.constant 0 : i32
    %dma_wait3A_454 = tpu.memref_slice %arg14[%add3A_237, %dma_wait3A_453] : memref<100352x16xf32, #tpu.memory_space<vmem_shared>> -> memref<128x16xf32, #tpu.memory_space<vmem_shared>>
    %dma_wait3A_455 = arith.constant 0 : i32
    %dma_wait3A_456 = tpu.memref_slice %arg14[%add3A_237, %dma_wait3A_455] : memref<100352x16xf32, #tpu.memory_space<vmem_shared>> -> memref<128x16xf32, #tpu.memory_space<vmem_shared>>
    tpu.wait_dma2 semaphore(%arg16 : memref<!tpu.dma_semaphore, #tpu.memory_space<semaphore_mem>>) src(%arg13 : memref<128x16xf32, #tpu.memory_space<vmem>>) dst(%dma_wait3A_456 : memref<128x16xf32, #tpu.memory_space<vmem_shared>>)
    %dma_wait3A_457 = arith.constant 0 : i32
    %dma_wait3A_458 = tpu.memref_slice %arg14[%add3A_243, %dma_wait3A_457] : memref<100352x16xf32, #tpu.memory_space<vmem_shared>> -> memref<128x16xf32, #tpu.memory_space<vmem_shared>>
    %dma_wait3A_459 = arith.constant 0 : i32
    %dma_wait3A_460 = tpu.memref_slice %arg14[%add3A_243, %dma_wait3A_459] : memref<100352x16xf32, #tpu.memory_space<vmem_shared>> -> memref<128x16xf32, #tpu.memory_space<vmem_shared>>
    tpu.wait_dma2 semaphore(%arg16 : memref<!tpu.dma_semaphore, #tpu.memory_space<semaphore_mem>>) src(%arg13 : memref<128x16xf32, #tpu.memory_space<vmem>>) dst(%dma_wait3A_460 : memref<128x16xf32, #tpu.memory_space<vmem_shared>>)
    %dma_wait3A_461 = arith.constant 0 : i32
    %dma_wait3A_462 = tpu.memref_slice %arg14[%add3A_249, %dma_wait3A_461] : memref<100352x16xf32, #tpu.memory_space<vmem_shared>> -> memref<128x16xf32, #tpu.memory_space<vmem_shared>>
    %dma_wait3A_463 = arith.constant 0 : i32
    %dma_wait3A_464 = tpu.memref_slice %arg14[%add3A_249, %dma_wait3A_463] : memref<100352x16xf32, #tpu.memory_space<vmem_shared>> -> memref<128x16xf32, #tpu.memory_space<vmem_shared>>
    tpu.wait_dma2 semaphore(%arg16 : memref<!tpu.dma_semaphore, #tpu.memory_space<semaphore_mem>>) src(%arg13 : memref<128x16xf32, #tpu.memory_space<vmem>>) dst(%dma_wait3A_464 : memref<128x16xf32, #tpu.memory_space<vmem_shared>>)
    %dma_wait3A_465 = arith.constant 0 : i32
    %dma_wait3A_466 = tpu.memref_slice %arg14[%add3A_255, %dma_wait3A_465] : memref<100352x16xf32, #tpu.memory_space<vmem_shared>> -> memref<128x16xf32, #tpu.memory_space<vmem_shared>>
    %dma_wait3A_467 = arith.constant 0 : i32
    %dma_wait3A_468 = tpu.memref_slice %arg14[%add3A_255, %dma_wait3A_467] : memref<100352x16xf32, #tpu.memory_space<vmem_shared>> -> memref<128x16xf32, #tpu.memory_space<vmem_shared>>
    tpu.wait_dma2 semaphore(%arg16 : memref<!tpu.dma_semaphore, #tpu.memory_space<semaphore_mem>>) src(%arg13 : memref<128x16xf32, #tpu.memory_space<vmem>>) dst(%dma_wait3A_468 : memref<128x16xf32, #tpu.memory_space<vmem_shared>>)
    %dma_wait3A_469 = arith.constant 0 : i32
    %dma_wait3A_470 = tpu.memref_slice %arg14[%add3A_261, %dma_wait3A_469] : memref<100352x16xf32, #tpu.memory_space<vmem_shared>> -> memref<128x16xf32, #tpu.memory_space<vmem_shared>>
    %dma_wait3A_471 = arith.constant 0 : i32
    %dma_wait3A_472 = tpu.memref_slice %arg14[%add3A_261, %dma_wait3A_471] : memref<100352x16xf32, #tpu.memory_space<vmem_shared>> -> memref<128x16xf32, #tpu.memory_space<vmem_shared>>
    tpu.wait_dma2 semaphore(%arg16 : memref<!tpu.dma_semaphore, #tpu.memory_space<semaphore_mem>>) src(%arg13 : memref<128x16xf32, #tpu.memory_space<vmem>>) dst(%dma_wait3A_472 : memref<128x16xf32, #tpu.memory_space<vmem_shared>>)
    %dma_wait3A_473 = arith.constant 0 : i32
    %dma_wait3A_474 = tpu.memref_slice %arg14[%add3A_267, %dma_wait3A_473] : memref<100352x16xf32, #tpu.memory_space<vmem_shared>> -> memref<128x16xf32, #tpu.memory_space<vmem_shared>>
    %dma_wait3A_475 = arith.constant 0 : i32
    %dma_wait3A_476 = tpu.memref_slice %arg14[%add3A_267, %dma_wait3A_475] : memref<100352x16xf32, #tpu.memory_space<vmem_shared>> -> memref<128x16xf32, #tpu.memory_space<vmem_shared>>
    tpu.wait_dma2 semaphore(%arg16 : memref<!tpu.dma_semaphore, #tpu.memory_space<semaphore_mem>>) src(%arg13 : memref<128x16xf32, #tpu.memory_space<vmem>>) dst(%dma_wait3A_476 : memref<128x16xf32, #tpu.memory_space<vmem_shared>>)
    %dma_wait3A_477 = arith.constant 0 : i32
    %dma_wait3A_478 = tpu.memref_slice %arg14[%add3A_273, %dma_wait3A_477] : memref<100352x16xf32, #tpu.memory_space<vmem_shared>> -> memref<128x16xf32, #tpu.memory_space<vmem_shared>>
    %dma_wait3A_479 = arith.constant 0 : i32
    %dma_wait3A_480 = tpu.memref_slice %arg14[%add3A_273, %dma_wait3A_479] : memref<100352x16xf32, #tpu.memory_space<vmem_shared>> -> memref<128x16xf32, #tpu.memory_space<vmem_shared>>
    tpu.wait_dma2 semaphore(%arg16 : memref<!tpu.dma_semaphore, #tpu.memory_space<semaphore_mem>>) src(%arg13 : memref<128x16xf32, #tpu.memory_space<vmem>>) dst(%dma_wait3A_480 : memref<128x16xf32, #tpu.memory_space<vmem_shared>>)
    %dma_wait3A_481 = arith.constant 0 : i32
    %dma_wait3A_482 = tpu.memref_slice %arg14[%add3A_279, %dma_wait3A_481] : memref<100352x16xf32, #tpu.memory_space<vmem_shared>> -> memref<128x16xf32, #tpu.memory_space<vmem_shared>>
    %dma_wait3A_483 = arith.constant 0 : i32
    %dma_wait3A_484 = tpu.memref_slice %arg14[%add3A_279, %dma_wait3A_483] : memref<100352x16xf32, #tpu.memory_space<vmem_shared>> -> memref<128x16xf32, #tpu.memory_space<vmem_shared>>
    tpu.wait_dma2 semaphore(%arg16 : memref<!tpu.dma_semaphore, #tpu.memory_space<semaphore_mem>>) src(%arg13 : memref<128x16xf32, #tpu.memory_space<vmem>>) dst(%dma_wait3A_484 : memref<128x16xf32, #tpu.memory_space<vmem_shared>>)
    %dma_wait3A_485 = arith.constant 0 : i32
    %dma_wait3A_486 = tpu.memref_slice %arg14[%add3A_285, %dma_wait3A_485] : memref<100352x16xf32, #tpu.memory_space<vmem_shared>> -> memref<128x16xf32, #tpu.memory_space<vmem_shared>>
    %dma_wait3A_487 = arith.constant 0 : i32
    %dma_wait3A_488 = tpu.memref_slice %arg14[%add3A_285, %dma_wait3A_487] : memref<100352x16xf32, #tpu.memory_space<vmem_shared>> -> memref<128x16xf32, #tpu.memory_space<vmem_shared>>
    tpu.wait_dma2 semaphore(%arg16 : memref<!tpu.dma_semaphore, #tpu.memory_space<semaphore_mem>>) src(%arg13 : memref<128x16xf32, #tpu.memory_space<vmem>>) dst(%dma_wait3A_488 : memref<128x16xf32, #tpu.memory_space<vmem_shared>>)
    %dma_wait3A_489 = arith.constant 0 : i32
    %dma_wait3A_490 = tpu.memref_slice %arg14[%add3A_291, %dma_wait3A_489] : memref<100352x16xf32, #tpu.memory_space<vmem_shared>> -> memref<128x16xf32, #tpu.memory_space<vmem_shared>>
    %dma_wait3A_491 = arith.constant 0 : i32
    %dma_wait3A_492 = tpu.memref_slice %arg14[%add3A_291, %dma_wait3A_491] : memref<100352x16xf32, #tpu.memory_space<vmem_shared>> -> memref<128x16xf32, #tpu.memory_space<vmem_shared>>
    tpu.wait_dma2 semaphore(%arg16 : memref<!tpu.dma_semaphore, #tpu.memory_space<semaphore_mem>>) src(%arg13 : memref<128x16xf32, #tpu.memory_space<vmem>>) dst(%dma_wait3A_492 : memref<128x16xf32, #tpu.memory_space<vmem_shared>>)
    %dma_wait3A_493 = arith.constant 0 : i32
    %dma_wait3A_494 = tpu.memref_slice %arg14[%add3A_297, %dma_wait3A_493] : memref<100352x16xf32, #tpu.memory_space<vmem_shared>> -> memref<128x16xf32, #tpu.memory_space<vmem_shared>>
    %dma_wait3A_495 = arith.constant 0 : i32
    %dma_wait3A_496 = tpu.memref_slice %arg14[%add3A_297, %dma_wait3A_495] : memref<100352x16xf32, #tpu.memory_space<vmem_shared>> -> memref<128x16xf32, #tpu.memory_space<vmem_shared>>
    tpu.wait_dma2 semaphore(%arg16 : memref<!tpu.dma_semaphore, #tpu.memory_space<semaphore_mem>>) src(%arg13 : memref<128x16xf32, #tpu.memory_space<vmem>>) dst(%dma_wait3A_496 : memref<128x16xf32, #tpu.memory_space<vmem_shared>>)
    %barrier3A = arith.constant 0 : index
    tpu.barrier barrier_id(%barrier3A)
    %mul3A_497 = arith.constant 100000 : i32
    %mul3A_498 = arith.muli %add3A, %mul3A_497 : i32
    %add3A_499 = arith.constant 0 : i32
    %add3A_500 = arith.addi %mul3A_498, %add3A_499 : i32
    "tpu.region"() ({
      %run_scoped3A = tpu.sem_alloc : memref<!tpu.dma_semaphore, #tpu.memory_space<semaphore_mem>>
      %dma_start3A_546 = tpu.memref_slice %arg3[%add3A_500] : memref<3200000xi32, #tpu.memory_space<hbm>> -> memref<1024xi32, #tpu.memory_space<hbm>>
      %dma_start3A_547 = tpu.memref_slice %arg3[%add3A_500] : memref<3200000xi32, #tpu.memory_space<hbm>> -> memref<1024xi32, #tpu.memory_space<hbm>>
      tpu.enqueue_dma source(%dma_start3A_547 : memref<1024xi32, #tpu.memory_space<hbm>>) target(%arg6 : memref<1024xi32, #tpu.memory_space<vmem>>) target_semaphore(%run_scoped3A : memref<!tpu.dma_semaphore, #tpu.memory_space<semaphore_mem>>)
      %dma_wait3A_548 = tpu.memref_slice %arg3[%add3A_500] : memref<3200000xi32, #tpu.memory_space<hbm>> -> memref<1024xi32, #tpu.memory_space<hbm>>
      %dma_wait3A_549 = tpu.memref_slice %arg3[%add3A_500] : memref<3200000xi32, #tpu.memory_space<hbm>> -> memref<1024xi32, #tpu.memory_space<hbm>>
      tpu.wait_dma2 semaphore(%run_scoped3A : memref<!tpu.dma_semaphore, #tpu.memory_space<semaphore_mem>>) src(%dma_wait3A_549 : memref<1024xi32, #tpu.memory_space<hbm>>) dst(%arg6 : memref<1024xi32, #tpu.memory_space<vmem>>)
      tpu.yield
    }) : () -> ()
    "tpu.region"() ({
      %run_scoped3A = tpu.sem_alloc : memref<!tpu.dma_semaphore, #tpu.memory_space<semaphore_mem>>
      %dma_start3A_546 = tpu.memref_slice %arg4[%add3A_500] : memref<3200000xi32, #tpu.memory_space<hbm>> -> memref<1024xi32, #tpu.memory_space<hbm>>
      %dma_start3A_547 = tpu.memref_slice %arg4[%add3A_500] : memref<3200000xi32, #tpu.memory_space<hbm>> -> memref<1024xi32, #tpu.memory_space<hbm>>
      tpu.enqueue_dma source(%dma_start3A_547 : memref<1024xi32, #tpu.memory_space<hbm>>) target(%arg7 : memref<1024xi32, #tpu.memory_space<vmem>>) target_semaphore(%run_scoped3A : memref<!tpu.dma_semaphore, #tpu.memory_space<semaphore_mem>>)
      %dma_wait3A_548 = tpu.memref_slice %arg4[%add3A_500] : memref<3200000xi32, #tpu.memory_space<hbm>> -> memref<1024xi32, #tpu.memory_space<hbm>>
      %dma_wait3A_549 = tpu.memref_slice %arg4[%add3A_500] : memref<3200000xi32, #tpu.memory_space<hbm>> -> memref<1024xi32, #tpu.memory_space<hbm>>
      tpu.wait_dma2 semaphore(%run_scoped3A : memref<!tpu.dma_semaphore, #tpu.memory_space<semaphore_mem>>) src(%dma_wait3A_549 : memref<1024xi32, #tpu.memory_space<hbm>>) dst(%arg7 : memref<1024xi32, #tpu.memory_space<vmem>>)
      tpu.yield
    }) : () -> ()
    %scan3A_501 = arith.constant 0 : i32
    %scan3A_502 = arith.constant 0 : i32
    %scan3A_503 = arith.constant 48 : i32
    %scan3A_504 = arith.addi %scan3A_502, %scan3A_503 : i32
    %scan3A_505 = arith.constant 1 : i32
    scf.for %scan3A_546 = %scan3A_502 to %scan3A_504 step %scan3A_505  : i32 {
      %mul3A_547 = arith.constant 2 : i32
      %mul3A_548 = arith.muli %scan3A_546, %mul3A_547 : i32
      %add3A_549 = arith.constant 0 : i32
      %add3A_550 = arith.addi %mul3A_548, %add3A_549 : i32
      %dma_start3A_551 = arith.constant 0 : i32
      %dma_start3A_552 = arith.constant 0 : i32
      %dma_start3A_553 = tpu.memref_slice %arg2[%dma_start3A_551, %dma_start3A_552] : memref<100352x16xf32, #tpu.memory_space<hbm>> -> memref<100352x16xf32, #tpu.memory_space<hbm>>
      tpu.enqueue_indirect_dma source(%dma_start3A_553 : memref<100352x16xf32, #tpu.memory_space<hbm>>) target(%arg8 : memref<1024x16xf32, #tpu.memory_space<vmem>>) offsets(%arg6 : memref<1024xi32, #tpu.memory_space<vmem>>) semaphore(%arg15 : memref<!tpu.dma_semaphore, #tpu.memory_space<semaphore_mem>>)
      %dma_wait3A_554 = arith.constant 0 : i32
      %dma_wait3A_555 = arith.constant 0 : i32
      %dma_wait3A_556 = tpu.memref_slice %arg2[%dma_wait3A_554, %dma_wait3A_555] : memref<100352x16xf32, #tpu.memory_space<hbm>> -> memref<100352x16xf32, #tpu.memory_space<hbm>>
      tpu.wait_indirect_dma semaphore(%arg15 : memref<!tpu.dma_semaphore, #tpu.memory_space<semaphore_mem>>) src(%dma_wait3A_556 : memref<100352x16xf32, #tpu.memory_space<hbm>>) dst(%arg8 : memref<1024x16xf32, #tpu.memory_space<vmem>>)
      %dma_start3A_557 = arith.constant 0 : i32
      %dma_start3A_558 = arith.constant 0 : i32
      %dma_start3A_559 = tpu.memref_slice %arg14[%dma_start3A_557, %dma_start3A_558] : memref<100352x16xf32, #tpu.memory_space<vmem_shared>> -> memref<100352x16xf32, #tpu.memory_space<vmem_shared>>
      tpu.enqueue_indirect_dma source(%arg8 : memref<1024x16xf32, #tpu.memory_space<vmem>>) target(%dma_start3A_559 : memref<100352x16xf32, #tpu.memory_space<vmem_shared>>) offsets(%arg7 : memref<1024xi32, #tpu.memory_space<vmem>>) semaphore(%arg17 : memref<!tpu.dma_semaphore, #tpu.memory_space<semaphore_mem>>) {add = true}
      %add3A_560 = arith.constant 1 : i32
      %add3A_561 = arith.addi %add3A_550, %add3A_560 : i32
      %mul3A_562 = arith.constant 1024 : i32
      %mul3A_563 = arith.muli %add3A_561, %mul3A_562 : i32
      %add3A_564 = arith.addi %mul3A_498, %mul3A_563 : i32
      "tpu.region"() ({
        %run_scoped3A = tpu.sem_alloc : memref<!tpu.dma_semaphore, #tpu.memory_space<semaphore_mem>>
        %dma_start3A_589 = tpu.memref_slice %arg3[%add3A_564] : memref<3200000xi32, #tpu.memory_space<hbm>> -> memref<1024xi32, #tpu.memory_space<hbm>>
        %dma_start3A_590 = tpu.memref_slice %arg3[%add3A_564] : memref<3200000xi32, #tpu.memory_space<hbm>> -> memref<1024xi32, #tpu.memory_space<hbm>>
        tpu.enqueue_dma source(%dma_start3A_590 : memref<1024xi32, #tpu.memory_space<hbm>>) target(%arg9 : memref<1024xi32, #tpu.memory_space<vmem>>) target_semaphore(%run_scoped3A : memref<!tpu.dma_semaphore, #tpu.memory_space<semaphore_mem>>)
        %dma_wait3A_591 = tpu.memref_slice %arg3[%add3A_564] : memref<3200000xi32, #tpu.memory_space<hbm>> -> memref<1024xi32, #tpu.memory_space<hbm>>
        %dma_wait3A_592 = tpu.memref_slice %arg3[%add3A_564] : memref<3200000xi32, #tpu.memory_space<hbm>> -> memref<1024xi32, #tpu.memory_space<hbm>>
        tpu.wait_dma2 semaphore(%run_scoped3A : memref<!tpu.dma_semaphore, #tpu.memory_space<semaphore_mem>>) src(%dma_wait3A_592 : memref<1024xi32, #tpu.memory_space<hbm>>) dst(%arg9 : memref<1024xi32, #tpu.memory_space<vmem>>)
        tpu.yield
      }) : () -> ()
      "tpu.region"() ({
        %run_scoped3A = tpu.sem_alloc : memref<!tpu.dma_semaphore, #tpu.memory_space<semaphore_mem>>
        %dma_start3A_589 = tpu.memref_slice %arg4[%add3A_564] : memref<3200000xi32, #tpu.memory_space<hbm>> -> memref<1024xi32, #tpu.memory_space<hbm>>
        %dma_start3A_590 = tpu.memref_slice %arg4[%add3A_564] : memref<3200000xi32, #tpu.memory_space<hbm>> -> memref<1024xi32, #tpu.memory_space<hbm>>
        tpu.enqueue_dma source(%dma_start3A_590 : memref<1024xi32, #tpu.memory_space<hbm>>) target(%arg10 : memref<1024xi32, #tpu.memory_space<vmem>>) target_semaphore(%run_scoped3A : memref<!tpu.dma_semaphore, #tpu.memory_space<semaphore_mem>>)
        %dma_wait3A_591 = tpu.memref_slice %arg4[%add3A_564] : memref<3200000xi32, #tpu.memory_space<hbm>> -> memref<1024xi32, #tpu.memory_space<hbm>>
        %dma_wait3A_592 = tpu.memref_slice %arg4[%add3A_564] : memref<3200000xi32, #tpu.memory_space<hbm>> -> memref<1024xi32, #tpu.memory_space<hbm>>
        tpu.wait_dma2 semaphore(%run_scoped3A : memref<!tpu.dma_semaphore, #tpu.memory_space<semaphore_mem>>) src(%dma_wait3A_592 : memref<1024xi32, #tpu.memory_space<hbm>>) dst(%arg10 : memref<1024xi32, #tpu.memory_space<vmem>>)
        tpu.yield
      }) : () -> ()
      %dma_wait3A_565 = arith.constant 0 : i32
      %dma_wait3A_566 = arith.constant 0 : i32
      %dma_wait3A_567 = tpu.memref_slice %arg14[%dma_wait3A_565, %dma_wait3A_566] : memref<100352x16xf32, #tpu.memory_space<vmem_shared>> -> memref<100352x16xf32, #tpu.memory_space<vmem_shared>>
      tpu.wait_indirect_dma semaphore(%arg17 : memref<!tpu.dma_semaphore, #tpu.memory_space<semaphore_mem>>) src(%arg8 : memref<1024x16xf32, #tpu.memory_space<vmem>>) dst(%dma_wait3A_567 : memref<100352x16xf32, #tpu.memory_space<vmem_shared>>)
      %mul3A_568 = arith.constant 2 : i32
      %mul3A_569 = arith.muli %scan3A_546, %mul3A_568 : i32
      %add3A_570 = arith.constant 1 : i32
      %add3A_571 = arith.addi %mul3A_569, %add3A_570 : i32
      %dma_start3A_572 = arith.constant 0 : i32
      %dma_start3A_573 = arith.constant 0 : i32
      %dma_start3A_574 = tpu.memref_slice %arg2[%dma_start3A_572, %dma_start3A_573] : memref<100352x16xf32, #tpu.memory_space<hbm>> -> memref<100352x16xf32, #tpu.memory_space<hbm>>
      tpu.enqueue_indirect_dma source(%dma_start3A_574 : memref<100352x16xf32, #tpu.memory_space<hbm>>) target(%arg8 : memref<1024x16xf32, #tpu.memory_space<vmem>>) offsets(%arg9 : memref<1024xi32, #tpu.memory_space<vmem>>) semaphore(%arg15 : memref<!tpu.dma_semaphore, #tpu.memory_space<semaphore_mem>>)
      %dma_wait3A_575 = arith.constant 0 : i32
      %dma_wait3A_576 = arith.constant 0 : i32
      %dma_wait3A_577 = tpu.memref_slice %arg2[%dma_wait3A_575, %dma_wait3A_576] : memref<100352x16xf32, #tpu.memory_space<hbm>> -> memref<100352x16xf32, #tpu.memory_space<hbm>>
      tpu.wait_indirect_dma semaphore(%arg15 : memref<!tpu.dma_semaphore, #tpu.memory_space<semaphore_mem>>) src(%dma_wait3A_577 : memref<100352x16xf32, #tpu.memory_space<hbm>>) dst(%arg8 : memref<1024x16xf32, #tpu.memory_space<vmem>>)
      %dma_start3A_578 = arith.constant 0 : i32
      %dma_start3A_579 = arith.constant 0 : i32
      %dma_start3A_580 = tpu.memref_slice %arg14[%dma_start3A_578, %dma_start3A_579] : memref<100352x16xf32, #tpu.memory_space<vmem_shared>> -> memref<100352x16xf32, #tpu.memory_space<vmem_shared>>
      tpu.enqueue_indirect_dma source(%arg8 : memref<1024x16xf32, #tpu.memory_space<vmem>>) target(%dma_start3A_580 : memref<100352x16xf32, #tpu.memory_space<vmem_shared>>) offsets(%arg10 : memref<1024xi32, #tpu.memory_space<vmem>>) semaphore(%arg17 : memref<!tpu.dma_semaphore, #tpu.memory_space<semaphore_mem>>) {add = true}
      %add3A_581 = arith.constant 1 : i32
      %add3A_582 = arith.addi %add3A_571, %add3A_581 : i32
      %mul3A_583 = arith.constant 1024 : i32
      %mul3A_584 = arith.muli %add3A_582, %mul3A_583 : i32
      %add3A_585 = arith.addi %mul3A_498, %mul3A_584 : i32
      "tpu.region"() ({
        %run_scoped3A = tpu.sem_alloc : memref<!tpu.dma_semaphore, #tpu.memory_space<semaphore_mem>>
        %dma_start3A_589 = tpu.memref_slice %arg3[%add3A_585] : memref<3200000xi32, #tpu.memory_space<hbm>> -> memref<1024xi32, #tpu.memory_space<hbm>>
        %dma_start3A_590 = tpu.memref_slice %arg3[%add3A_585] : memref<3200000xi32, #tpu.memory_space<hbm>> -> memref<1024xi32, #tpu.memory_space<hbm>>
        tpu.enqueue_dma source(%dma_start3A_590 : memref<1024xi32, #tpu.memory_space<hbm>>) target(%arg6 : memref<1024xi32, #tpu.memory_space<vmem>>) target_semaphore(%run_scoped3A : memref<!tpu.dma_semaphore, #tpu.memory_space<semaphore_mem>>)
        %dma_wait3A_591 = tpu.memref_slice %arg3[%add3A_585] : memref<3200000xi32, #tpu.memory_space<hbm>> -> memref<1024xi32, #tpu.memory_space<hbm>>
        %dma_wait3A_592 = tpu.memref_slice %arg3[%add3A_585] : memref<3200000xi32, #tpu.memory_space<hbm>> -> memref<1024xi32, #tpu.memory_space<hbm>>
        tpu.wait_dma2 semaphore(%run_scoped3A : memref<!tpu.dma_semaphore, #tpu.memory_space<semaphore_mem>>) src(%dma_wait3A_592 : memref<1024xi32, #tpu.memory_space<hbm>>) dst(%arg6 : memref<1024xi32, #tpu.memory_space<vmem>>)
        tpu.yield
      }) : () -> ()
      "tpu.region"() ({
        %run_scoped3A = tpu.sem_alloc : memref<!tpu.dma_semaphore, #tpu.memory_space<semaphore_mem>>
        %dma_start3A_589 = tpu.memref_slice %arg4[%add3A_585] : memref<3200000xi32, #tpu.memory_space<hbm>> -> memref<1024xi32, #tpu.memory_space<hbm>>
        %dma_start3A_590 = tpu.memref_slice %arg4[%add3A_585] : memref<3200000xi32, #tpu.memory_space<hbm>> -> memref<1024xi32, #tpu.memory_space<hbm>>
        tpu.enqueue_dma source(%dma_start3A_590 : memref<1024xi32, #tpu.memory_space<hbm>>) target(%arg7 : memref<1024xi32, #tpu.memory_space<vmem>>) target_semaphore(%run_scoped3A : memref<!tpu.dma_semaphore, #tpu.memory_space<semaphore_mem>>)
        %dma_wait3A_591 = tpu.memref_slice %arg4[%add3A_585] : memref<3200000xi32, #tpu.memory_space<hbm>> -> memref<1024xi32, #tpu.memory_space<hbm>>
        %dma_wait3A_592 = tpu.memref_slice %arg4[%add3A_585] : memref<3200000xi32, #tpu.memory_space<hbm>> -> memref<1024xi32, #tpu.memory_space<hbm>>
        tpu.wait_dma2 semaphore(%run_scoped3A : memref<!tpu.dma_semaphore, #tpu.memory_space<semaphore_mem>>) src(%dma_wait3A_592 : memref<1024xi32, #tpu.memory_space<hbm>>) dst(%arg7 : memref<1024xi32, #tpu.memory_space<vmem>>)
        tpu.yield
      }) : () -> ()
      %dma_wait3A_586 = arith.constant 0 : i32
      %dma_wait3A_587 = arith.constant 0 : i32
      %dma_wait3A_588 = tpu.memref_slice %arg14[%dma_wait3A_586, %dma_wait3A_587] : memref<100352x16xf32, #tpu.memory_space<vmem_shared>> -> memref<100352x16xf32, #tpu.memory_space<vmem_shared>>
      tpu.wait_indirect_dma semaphore(%arg17 : memref<!tpu.dma_semaphore, #tpu.memory_space<semaphore_mem>>) src(%arg8 : memref<1024x16xf32, #tpu.memory_space<vmem>>) dst(%dma_wait3A_588 : memref<100352x16xf32, #tpu.memory_space<vmem_shared>>)
    }
    %scan3A_506 = arith.constant 48 : i32
    %dma_start3A_507 = arith.constant 0 : i32
    %dma_start3A_508 = arith.constant 0 : i32
    %dma_start3A_509 = tpu.memref_slice %arg2[%dma_start3A_507, %dma_start3A_508] : memref<100352x16xf32, #tpu.memory_space<hbm>> -> memref<100352x16xf32, #tpu.memory_space<hbm>>
    tpu.enqueue_indirect_dma source(%dma_start3A_509 : memref<100352x16xf32, #tpu.memory_space<hbm>>) target(%arg8 : memref<1024x16xf32, #tpu.memory_space<vmem>>) offsets(%arg6 : memref<1024xi32, #tpu.memory_space<vmem>>) semaphore(%arg15 : memref<!tpu.dma_semaphore, #tpu.memory_space<semaphore_mem>>)
    %dma_wait3A_510 = arith.constant 0 : i32
    %dma_wait3A_511 = arith.constant 0 : i32
    %dma_wait3A_512 = tpu.memref_slice %arg2[%dma_wait3A_510, %dma_wait3A_511] : memref<100352x16xf32, #tpu.memory_space<hbm>> -> memref<100352x16xf32, #tpu.memory_space<hbm>>
    tpu.wait_indirect_dma semaphore(%arg15 : memref<!tpu.dma_semaphore, #tpu.memory_space<semaphore_mem>>) src(%dma_wait3A_512 : memref<100352x16xf32, #tpu.memory_space<hbm>>) dst(%arg8 : memref<1024x16xf32, #tpu.memory_space<vmem>>)
    %dma_start3A_513 = arith.constant 0 : i32
    %dma_start3A_514 = arith.constant 0 : i32
    %dma_start3A_515 = tpu.memref_slice %arg14[%dma_start3A_513, %dma_start3A_514] : memref<100352x16xf32, #tpu.memory_space<vmem_shared>> -> memref<100352x16xf32, #tpu.memory_space<vmem_shared>>
    tpu.enqueue_indirect_dma source(%arg8 : memref<1024x16xf32, #tpu.memory_space<vmem>>) target(%dma_start3A_515 : memref<100352x16xf32, #tpu.memory_space<vmem_shared>>) offsets(%arg7 : memref<1024xi32, #tpu.memory_space<vmem>>) semaphore(%arg17 : memref<!tpu.dma_semaphore, #tpu.memory_space<semaphore_mem>>) {add = true}
    %add3A_516 = arith.constant 99328 : i32
    %add3A_517 = arith.addi %mul3A_498, %add3A_516 : i32
    "tpu.region"() ({
      %run_scoped3A = tpu.sem_alloc : memref<!tpu.dma_semaphore, #tpu.memory_space<semaphore_mem>>
      %dma_start3A_546 = tpu.memref_slice %arg3[%add3A_517] : memref<3200000xi32, #tpu.memory_space<hbm>> -> memref<672xi32, #tpu.memory_space<hbm>>
      %dma_start3A_547 = tpu.memref_slice %arg3[%add3A_517] : memref<3200000xi32, #tpu.memory_space<hbm>> -> memref<672xi32, #tpu.memory_space<hbm>>
      tpu.enqueue_dma source(%dma_start3A_547 : memref<672xi32, #tpu.memory_space<hbm>>) target(%arg11 : memref<672xi32, #tpu.memory_space<vmem>>) target_semaphore(%run_scoped3A : memref<!tpu.dma_semaphore, #tpu.memory_space<semaphore_mem>>)
      %dma_wait3A_548 = tpu.memref_slice %arg3[%add3A_517] : memref<3200000xi32, #tpu.memory_space<hbm>> -> memref<672xi32, #tpu.memory_space<hbm>>
      %dma_wait3A_549 = tpu.memref_slice %arg3[%add3A_517] : memref<3200000xi32, #tpu.memory_space<hbm>> -> memref<672xi32, #tpu.memory_space<hbm>>
      tpu.wait_dma2 semaphore(%run_scoped3A : memref<!tpu.dma_semaphore, #tpu.memory_space<semaphore_mem>>) src(%dma_wait3A_549 : memref<672xi32, #tpu.memory_space<hbm>>) dst(%arg11 : memref<672xi32, #tpu.memory_space<vmem>>)
      tpu.yield
    }) : () -> ()
    "tpu.region"() ({
      %run_scoped3A = tpu.sem_alloc : memref<!tpu.dma_semaphore, #tpu.memory_space<semaphore_mem>>
      %dma_start3A_546 = tpu.memref_slice %arg4[%add3A_517] : memref<3200000xi32, #tpu.memory_space<hbm>> -> memref<672xi32, #tpu.memory_space<hbm>>
      %dma_start3A_547 = tpu.memref_slice %arg4[%add3A_517] : memref<3200000xi32, #tpu.memory_space<hbm>> -> memref<672xi32, #tpu.memory_space<hbm>>
      tpu.enqueue_dma source(%dma_start3A_547 : memref<672xi32, #tpu.memory_space<hbm>>) target(%arg12 : memref<672xi32, #tpu.memory_space<vmem>>) target_semaphore(%run_scoped3A : memref<!tpu.dma_semaphore, #tpu.memory_space<semaphore_mem>>)
      %dma_wait3A_548 = tpu.memref_slice %arg4[%add3A_517] : memref<3200000xi32, #tpu.memory_space<hbm>> -> memref<672xi32, #tpu.memory_space<hbm>>
      %dma_wait3A_549 = tpu.memref_slice %arg4[%add3A_517] : memref<3200000xi32, #tpu.memory_space<hbm>> -> memref<672xi32, #tpu.memory_space<hbm>>
      tpu.wait_dma2 semaphore(%run_scoped3A : memref<!tpu.dma_semaphore, #tpu.memory_space<semaphore_mem>>) src(%dma_wait3A_549 : memref<672xi32, #tpu.memory_space<hbm>>) dst(%arg12 : memref<672xi32, #tpu.memory_space<vmem>>)
      tpu.yield
    }) : () -> ()
    %dma_wait3A_518 = arith.constant 0 : i32
    %dma_wait3A_519 = arith.constant 0 : i32
    %dma_wait3A_520 = tpu.memref_slice %arg14[%dma_wait3A_518, %dma_wait3A_519] : memref<100352x16xf32, #tpu.memory_space<vmem_shared>> -> memref<100352x16xf32, #tpu.memory_space<vmem_shared>>
    tpu.wait_indirect_dma semaphore(%arg17 : memref<!tpu.dma_semaphore, #tpu.memory_space<semaphore_mem>>) src(%arg8 : memref<1024x16xf32, #tpu.memory_space<vmem>>) dst(%dma_wait3A_520 : memref<100352x16xf32, #tpu.memory_space<vmem_shared>>)
    %dma_start3A_521 = arith.constant 0 : i32
    %dma_start3A_522 = arith.constant 0 : i32
    %dma_start3A_523 = tpu.memref_slice %arg8[%dma_start3A_521, %dma_start3A_522] : memref<1024x16xf32, #tpu.memory_space<vmem>> -> memref<672x16xf32, #tpu.memory_space<vmem>>
    %dma_start3A_524 = arith.constant 0 : i32
    %dma_start3A_525 = arith.constant 0 : i32
    %dma_start3A_526 = tpu.memref_slice %arg2[%dma_start3A_524, %dma_start3A_525] : memref<100352x16xf32, #tpu.memory_space<hbm>> -> memref<100352x16xf32, #tpu.memory_space<hbm>>
    tpu.enqueue_indirect_dma source(%dma_start3A_526 : memref<100352x16xf32, #tpu.memory_space<hbm>>) target(%dma_start3A_523 : memref<672x16xf32, #tpu.memory_space<vmem>>) offsets(%arg11 : memref<672xi32, #tpu.memory_space<vmem>>) semaphore(%arg15 : memref<!tpu.dma_semaphore, #tpu.memory_space<semaphore_mem>>)
    %dma_wait3A_527 = arith.constant 0 : i32
    %dma_wait3A_528 = arith.constant 0 : i32
    %dma_wait3A_529 = tpu.memref_slice %arg8[%dma_wait3A_527, %dma_wait3A_528] : memref<1024x16xf32, #tpu.memory_space<vmem>> -> memref<672x16xf32, #tpu.memory_space<vmem>>
    %dma_wait3A_530 = arith.constant 0 : i32
    %dma_wait3A_531 = arith.constant 0 : i32
    %dma_wait3A_532 = tpu.memref_slice %arg2[%dma_wait3A_530, %dma_wait3A_531] : memref<100352x16xf32, #tpu.memory_space<hbm>> -> memref<100352x16xf32, #tpu.memory_space<hbm>>
    tpu.wait_indirect_dma semaphore(%arg15 : memref<!tpu.dma_semaphore, #tpu.memory_space<semaphore_mem>>) src(%dma_wait3A_532 : memref<100352x16xf32, #tpu.memory_space<hbm>>) dst(%dma_wait3A_529 : memref<672x16xf32, #tpu.memory_space<vmem>>)
    %dma_start3A_533 = arith.constant 0 : i32
    %dma_start3A_534 = arith.constant 0 : i32
    %dma_start3A_535 = tpu.memref_slice %arg8[%dma_start3A_533, %dma_start3A_534] : memref<1024x16xf32, #tpu.memory_space<vmem>> -> memref<672x16xf32, #tpu.memory_space<vmem>>
    %dma_start3A_536 = arith.constant 0 : i32
    %dma_start3A_537 = arith.constant 0 : i32
    %dma_start3A_538 = tpu.memref_slice %arg14[%dma_start3A_536, %dma_start3A_537] : memref<100352x16xf32, #tpu.memory_space<vmem_shared>> -> memref<100352x16xf32, #tpu.memory_space<vmem_shared>>
    tpu.enqueue_indirect_dma source(%dma_start3A_535 : memref<672x16xf32, #tpu.memory_space<vmem>>) target(%dma_start3A_538 : memref<100352x16xf32, #tpu.memory_space<vmem_shared>>) offsets(%arg12 : memref<672xi32, #tpu.memory_space<vmem>>) semaphore(%arg17 : memref<!tpu.dma_semaphore, #tpu.memory_space<semaphore_mem>>) {add = true}
    %dma_wait3A_539 = arith.constant 0 : i32
    %dma_wait3A_540 = arith.constant 0 : i32
    %dma_wait3A_541 = tpu.memref_slice %arg8[%dma_wait3A_539, %dma_wait3A_540] : memref<1024x16xf32, #tpu.memory_space<vmem>> -> memref<672x16xf32, #tpu.memory_space<vmem>>
    %dma_wait3A_542 = arith.constant 0 : i32
    %dma_wait3A_543 = arith.constant 0 : i32
    %dma_wait3A_544 = tpu.memref_slice %arg14[%dma_wait3A_542, %dma_wait3A_543] : memref<100352x16xf32, #tpu.memory_space<vmem_shared>> -> memref<100352x16xf32, #tpu.memory_space<vmem_shared>>
    tpu.wait_indirect_dma semaphore(%arg17 : memref<!tpu.dma_semaphore, #tpu.memory_space<semaphore_mem>>) src(%dma_wait3A_541 : memref<672x16xf32, #tpu.memory_space<vmem>>) dst(%dma_wait3A_544 : memref<100352x16xf32, #tpu.memory_space<vmem_shared>>)
    %barrier3A_545 = arith.constant 0 : index
    tpu.barrier barrier_id(%barrier3A_545)
    "tpu.region"() ({
      %run_scoped3A = tpu.sem_alloc : memref<!tpu.dma_semaphore, #tpu.memory_space<semaphore_mem>>
      %dma_start3A_546 = arith.constant 0 : i32
      %dma_start3A_547 = tpu.memref_slice %arg5[%arg0, %mul3A_8, %dma_start3A_546] : memref<2x100352x16xf32, #tpu.memory_space<hbm>> -> memref<1x6272x16xf32, #tpu.memory_space<hbm>>
      %dma_start3A_548 = tpu.memref_squeeze %dma_start3A_547 : memref<1x6272x16xf32, #tpu.memory_space<hbm>> -> memref<6272x16xf32, #tpu.memory_space<hbm>>
      %dma_start3A_549 = arith.constant 0 : i32
      %dma_start3A_550 = tpu.memref_slice %arg14[%mul3A_8, %dma_start3A_549] : memref<100352x16xf32, #tpu.memory_space<vmem_shared>> -> memref<6272x16xf32, #tpu.memory_space<vmem_shared>>
      tpu.enqueue_dma source(%dma_start3A_550 : memref<6272x16xf32, #tpu.memory_space<vmem_shared>>) target(%dma_start3A_548 : memref<6272x16xf32, #tpu.memory_space<hbm>>) target_semaphore(%run_scoped3A : memref<!tpu.dma_semaphore, #tpu.memory_space<semaphore_mem>>)
      %dma_wait3A_551 = arith.constant 0 : i32
      %dma_wait3A_552 = tpu.memref_slice %arg5[%arg0, %mul3A_8, %dma_wait3A_551] : memref<2x100352x16xf32, #tpu.memory_space<hbm>> -> memref<1x6272x16xf32, #tpu.memory_space<hbm>>
      %dma_wait3A_553 = tpu.memref_squeeze %dma_wait3A_552 : memref<1x6272x16xf32, #tpu.memory_space<hbm>> -> memref<6272x16xf32, #tpu.memory_space<hbm>>
      %dma_wait3A_554 = arith.constant 0 : i32
      %dma_wait3A_555 = tpu.memref_slice %arg14[%mul3A_8, %dma_wait3A_554] : memref<100352x16xf32, #tpu.memory_space<vmem_shared>> -> memref<6272x16xf32, #tpu.memory_space<vmem_shared>>
      tpu.wait_dma2 semaphore(%run_scoped3A : memref<!tpu.dma_semaphore, #tpu.memory_space<semaphore_mem>>) src(%dma_wait3A_555 : memref<6272x16xf32, #tpu.memory_space<vmem_shared>>) dst(%dma_wait3A_553 : memref<6272x16xf32, #tpu.memory_space<hbm>>)
      tpu.yield
    }) : () -> ()
    return
  }
}

#map = affine_map<(d0, d1) -> (0)>
#map1 = affine_map<(d0, d1) -> (0, 0)>
module attributes {stable_mosaic.version = 14 : i64} {
  func.func @_deg_body(%arg0: i32, %arg1: i32, %arg2: memref<3200000xi32, #tpu.memory_space<hbm>>, %arg3: memref<2x100352xf32, #tpu.memory_space<hbm>>, %arg4: memref<1024xi32, #tpu.memory_space<vmem>>, %arg5: memref<1024xi32, #tpu.memory_space<vmem>>, %arg6: memref<672xi32, #tpu.memory_space<vmem>>, %arg7: memref<1024xf32, #tpu.memory_space<vmem>>, %arg8: memref<6272xf32, #tpu.memory_space<vmem>>, %arg9: memref<100352xf32, #tpu.memory_space<vmem_shared>>, %arg10: memref<!tpu.dma_semaphore, #tpu.memory_space<semaphore_mem>>, %arg11: memref<!tpu.dma_semaphore, #tpu.memory_space<semaphore_mem>>) attributes {dimension_semantics = [#tpu.dimension_semantics<core_parallel>, #tpu.dimension_semantics<subcore_parallel>], iteration_bounds = array<i64: 2, 16>, scalar_prefetch = 0 : i64, scratch_operands = 8 : i64, tpu.core_type = #tpu.core_type<sc_vector_subcore>, window_params = [{transform_indices = #map}, {transform_indices = #map1}]} {
    %mul3A = arith.constant 2 : i32
    %mul3A_0 = arith.muli %arg1, %mul3A : i32
    %add3A = arith.addi %mul3A_0, %arg0 : i32
    %broadcast_in_dim3A = arith.constant 0.000000e+00 : f32
    %broadcast_in_dim3A_1 = vector.broadcast %broadcast_in_dim3A : f32 to vector<16xf32>
    %broadcast_in_dim3A_2 = arith.constant 1.000000e+00 : f32
    %broadcast_in_dim3A_3 = vector.broadcast %broadcast_in_dim3A_2 : f32 to vector<16xf32>
    %scan3A = arith.constant 0 : i32
    %scan3A_4 = arith.constant 0 : i32
    %scan3A_5 = arith.constant 392 : i32
    %scan3A_6 = arith.addi %scan3A_4, %scan3A_5 : i32
    %scan3A_7 = arith.constant 1 : i32
    scf.for %scan3A_38 = %scan3A_4 to %scan3A_6 step %scan3A_7  : i32 {
      %mul3A_39 = arith.constant 16 : i32
      %mul3A_40 = arith.muli %scan3A_38, %mul3A_39 : i32
      %swap3A = arith.index_cast %mul3A_40 : i32 to index
      %swap3A_41 = tpu.vector_load %arg8[%swap3A] {strides = array<i32>} : memref<6272xf32, #tpu.memory_space<vmem>>, vector<16xf32>,
      %swap3A_42 = vector.shape_cast %swap3A_41 : vector<16xf32> to vector<16xf32>
      %swap3A_43 = vector.shape_cast %broadcast_in_dim3A_1 : vector<16xf32> to vector<16xf32>
      tpu.vector_store %arg8[%swap3A], %swap3A_43 {strides = array<i32>} : memref<6272xf32, #tpu.memory_space<vmem>>, vector<16xf32>,
    }
    %scan3A_8 = arith.constant 392 : i32
    %scan3A_9 = arith.constant 0 : i32
    %scan3A_10 = arith.constant 0 : i32
    %scan3A_11 = arith.constant 64 : i32
    %scan3A_12 = arith.addi %scan3A_10, %scan3A_11 : i32
    %scan3A_13 = arith.constant 1 : i32
    scf.for %scan3A_38 = %scan3A_10 to %scan3A_12 step %scan3A_13  : i32 {
      %mul3A_39 = arith.constant 16 : i32
      %mul3A_40 = arith.muli %scan3A_38, %mul3A_39 : i32
      %swap3A = arith.index_cast %mul3A_40 : i32 to index
      %swap3A_41 = tpu.vector_load %arg7[%swap3A] {strides = array<i32>} : memref<1024xf32, #tpu.memory_space<vmem>>, vector<16xf32>,
      %swap3A_42 = vector.shape_cast %swap3A_41 : vector<16xf32> to vector<16xf32>
      %swap3A_43 = vector.shape_cast %broadcast_in_dim3A_3 : vector<16xf32> to vector<16xf32>
      tpu.vector_store %arg7[%swap3A], %swap3A_43 {strides = array<i32>} : memref<1024xf32, #tpu.memory_space<vmem>>, vector<16xf32>,
    }
    %scan3A_14 = arith.constant 64 : i32
    %mul3A_15 = arith.constant 6272 : i32
    %mul3A_16 = arith.muli %arg1, %mul3A_15 : i32
    "tpu.region"() ({
      %run_scoped3A = tpu.sem_alloc : memref<!tpu.dma_semaphore, #tpu.memory_space<semaphore_mem>>
      %dma_start3A_38 = tpu.memref_slice %arg9[%mul3A_16] : memref<100352xf32, #tpu.memory_space<vmem_shared>> -> memref<6272xf32, #tpu.memory_space<vmem_shared>>
      %dma_start3A_39 = tpu.memref_slice %arg9[%mul3A_16] : memref<100352xf32, #tpu.memory_space<vmem_shared>> -> memref<6272xf32, #tpu.memory_space<vmem_shared>>
      tpu.enqueue_dma source(%arg8 : memref<6272xf32, #tpu.memory_space<vmem>>) target(%dma_start3A_39 : memref<6272xf32, #tpu.memory_space<vmem_shared>>) target_semaphore(%run_scoped3A : memref<!tpu.dma_semaphore, #tpu.memory_space<semaphore_mem>>)
      %dma_wait3A_40 = tpu.memref_slice %arg9[%mul3A_16] : memref<100352xf32, #tpu.memory_space<vmem_shared>> -> memref<6272xf32, #tpu.memory_space<vmem_shared>>
      %dma_wait3A_41 = tpu.memref_slice %arg9[%mul3A_16] : memref<100352xf32, #tpu.memory_space<vmem_shared>> -> memref<6272xf32, #tpu.memory_space<vmem_shared>>
      tpu.wait_dma2 semaphore(%run_scoped3A : memref<!tpu.dma_semaphore, #tpu.memory_space<semaphore_mem>>) src(%arg8 : memref<6272xf32, #tpu.memory_space<vmem>>) dst(%dma_wait3A_41 : memref<6272xf32, #tpu.memory_space<vmem_shared>>)
      tpu.yield
    }) : () -> ()
    %barrier3A = arith.constant 0 : index
    tpu.barrier barrier_id(%barrier3A)
    %mul3A_17 = arith.constant 100000 : i32
    %mul3A_18 = arith.muli %add3A, %mul3A_17 : i32
    "tpu.region"() ({
      %run_scoped3A = tpu.sem_alloc : memref<!tpu.dma_semaphore, #tpu.memory_space<semaphore_mem>>
      %dma_start3A_38 = tpu.memref_slice %arg2[%mul3A_18] : memref<3200000xi32, #tpu.memory_space<hbm>> -> memref<1024xi32, #tpu.memory_space<hbm>>
      %dma_start3A_39 = tpu.memref_slice %arg2[%mul3A_18] : memref<3200000xi32, #tpu.memory_space<hbm>> -> memref<1024xi32, #tpu.memory_space<hbm>>
      tpu.enqueue_dma source(%dma_start3A_39 : memref<1024xi32, #tpu.memory_space<hbm>>) target(%arg4 : memref<1024xi32, #tpu.memory_space<vmem>>) target_semaphore(%run_scoped3A : memref<!tpu.dma_semaphore, #tpu.memory_space<semaphore_mem>>)
      %dma_wait3A_40 = tpu.memref_slice %arg2[%mul3A_18] : memref<3200000xi32, #tpu.memory_space<hbm>> -> memref<1024xi32, #tpu.memory_space<hbm>>
      %dma_wait3A_41 = tpu.memref_slice %arg2[%mul3A_18] : memref<3200000xi32, #tpu.memory_space<hbm>> -> memref<1024xi32, #tpu.memory_space<hbm>>
      tpu.wait_dma2 semaphore(%run_scoped3A : memref<!tpu.dma_semaphore, #tpu.memory_space<semaphore_mem>>) src(%dma_wait3A_41 : memref<1024xi32, #tpu.memory_space<hbm>>) dst(%arg4 : memref<1024xi32, #tpu.memory_space<vmem>>)
      tpu.yield
    }) : () -> ()
    %scan3A_19 = arith.constant 0 : i32
    %scan3A_20 = arith.constant 0 : i32
    %scan3A_21 = arith.constant 48 : i32
    %scan3A_22 = arith.addi %scan3A_20, %scan3A_21 : i32
    %scan3A_23 = arith.constant 1 : i32
    scf.for %scan3A_38 = %scan3A_20 to %scan3A_22 step %scan3A_23  : i32 {
      %mul3A_39 = arith.constant 2 : i32
      %mul3A_40 = arith.muli %scan3A_38, %mul3A_39 : i32
      %add3A_41 = arith.constant 0 : i32
      %add3A_42 = arith.addi %mul3A_40, %add3A_41 : i32
      %dma_start3A_43 = arith.constant 0 : i32
      %dma_start3A_44 = tpu.memref_slice %arg9[%dma_start3A_43] : memref<100352xf32, #tpu.memory_space<vmem_shared>> -> memref<100352xf32, #tpu.memory_space<vmem_shared>>
      tpu.enqueue_indirect_dma source(%arg7 : memref<1024xf32, #tpu.memory_space<vmem>>) target(%dma_start3A_44 : memref<100352xf32, #tpu.memory_space<vmem_shared>>) offsets(%arg4 : memref<1024xi32, #tpu.memory_space<vmem>>) semaphore(%arg10 : memref<!tpu.dma_semaphore, #tpu.memory_space<semaphore_mem>>) {add = true}
      %add3A_45 = arith.constant 1 : i32
      %add3A_46 = arith.addi %add3A_42, %add3A_45 : i32
      %mul3A_47 = arith.constant 1024 : i32
      %mul3A_48 = arith.muli %add3A_46, %mul3A_47 : i32
      %add3A_49 = arith.addi %mul3A_18, %mul3A_48 : i32
      "tpu.region"() ({
        %run_scoped3A = tpu.sem_alloc : memref<!tpu.dma_semaphore, #tpu.memory_space<semaphore_mem>>
        %dma_start3A_65 = tpu.memref_slice %arg2[%add3A_49] : memref<3200000xi32, #tpu.memory_space<hbm>> -> memref<1024xi32, #tpu.memory_space<hbm>>
        %dma_start3A_66 = tpu.memref_slice %arg2[%add3A_49] : memref<3200000xi32, #tpu.memory_space<hbm>> -> memref<1024xi32, #tpu.memory_space<hbm>>
        tpu.enqueue_dma source(%dma_start3A_66 : memref<1024xi32, #tpu.memory_space<hbm>>) target(%arg5 : memref<1024xi32, #tpu.memory_space<vmem>>) target_semaphore(%run_scoped3A : memref<!tpu.dma_semaphore, #tpu.memory_space<semaphore_mem>>)
        %dma_wait3A_67 = tpu.memref_slice %arg2[%add3A_49] : memref<3200000xi32, #tpu.memory_space<hbm>> -> memref<1024xi32, #tpu.memory_space<hbm>>
        %dma_wait3A_68 = tpu.memref_slice %arg2[%add3A_49] : memref<3200000xi32, #tpu.memory_space<hbm>> -> memref<1024xi32, #tpu.memory_space<hbm>>
        tpu.wait_dma2 semaphore(%run_scoped3A : memref<!tpu.dma_semaphore, #tpu.memory_space<semaphore_mem>>) src(%dma_wait3A_68 : memref<1024xi32, #tpu.memory_space<hbm>>) dst(%arg5 : memref<1024xi32, #tpu.memory_space<vmem>>)
        tpu.yield
      }) : () -> ()
      %dma_wait3A_50 = arith.constant 0 : i32
      %dma_wait3A_51 = tpu.memref_slice %arg9[%dma_wait3A_50] : memref<100352xf32, #tpu.memory_space<vmem_shared>> -> memref<100352xf32, #tpu.memory_space<vmem_shared>>
      tpu.wait_indirect_dma semaphore(%arg10 : memref<!tpu.dma_semaphore, #tpu.memory_space<semaphore_mem>>) src(%arg7 : memref<1024xf32, #tpu.memory_space<vmem>>) dst(%dma_wait3A_51 : memref<100352xf32, #tpu.memory_space<vmem_shared>>)
      %mul3A_52 = arith.constant 2 : i32
      %mul3A_53 = arith.muli %scan3A_38, %mul3A_52 : i32
      %add3A_54 = arith.constant 1 : i32
      %add3A_55 = arith.addi %mul3A_53, %add3A_54 : i32
      %dma_start3A_56 = arith.constant 0 : i32
      %dma_start3A_57 = tpu.memref_slice %arg9[%dma_start3A_56] : memref<100352xf32, #tpu.memory_space<vmem_shared>> -> memref<100352xf32, #tpu.memory_space<vmem_shared>>
      tpu.enqueue_indirect_dma source(%arg7 : memref<1024xf32, #tpu.memory_space<vmem>>) target(%dma_start3A_57 : memref<100352xf32, #tpu.memory_space<vmem_shared>>) offsets(%arg5 : memref<1024xi32, #tpu.memory_space<vmem>>) semaphore(%arg11 : memref<!tpu.dma_semaphore, #tpu.memory_space<semaphore_mem>>) {add = true}
      %add3A_58 = arith.constant 1 : i32
      %add3A_59 = arith.addi %add3A_55, %add3A_58 : i32
      %mul3A_60 = arith.constant 1024 : i32
      %mul3A_61 = arith.muli %add3A_59, %mul3A_60 : i32
      %add3A_62 = arith.addi %mul3A_18, %mul3A_61 : i32
      "tpu.region"() ({
        %run_scoped3A = tpu.sem_alloc : memref<!tpu.dma_semaphore, #tpu.memory_space<semaphore_mem>>
        %dma_start3A_65 = tpu.memref_slice %arg2[%add3A_62] : memref<3200000xi32, #tpu.memory_space<hbm>> -> memref<1024xi32, #tpu.memory_space<hbm>>
        %dma_start3A_66 = tpu.memref_slice %arg2[%add3A_62] : memref<3200000xi32, #tpu.memory_space<hbm>> -> memref<1024xi32, #tpu.memory_space<hbm>>
        tpu.enqueue_dma source(%dma_start3A_66 : memref<1024xi32, #tpu.memory_space<hbm>>) target(%arg4 : memref<1024xi32, #tpu.memory_space<vmem>>) target_semaphore(%run_scoped3A : memref<!tpu.dma_semaphore, #tpu.memory_space<semaphore_mem>>)
        %dma_wait3A_67 = tpu.memref_slice %arg2[%add3A_62] : memref<3200000xi32, #tpu.memory_space<hbm>> -> memref<1024xi32, #tpu.memory_space<hbm>>
        %dma_wait3A_68 = tpu.memref_slice %arg2[%add3A_62] : memref<3200000xi32, #tpu.memory_space<hbm>> -> memref<1024xi32, #tpu.memory_space<hbm>>
        tpu.wait_dma2 semaphore(%run_scoped3A : memref<!tpu.dma_semaphore, #tpu.memory_space<semaphore_mem>>) src(%dma_wait3A_68 : memref<1024xi32, #tpu.memory_space<hbm>>) dst(%arg4 : memref<1024xi32, #tpu.memory_space<vmem>>)
        tpu.yield
      }) : () -> ()
      %dma_wait3A_63 = arith.constant 0 : i32
      %dma_wait3A_64 = tpu.memref_slice %arg9[%dma_wait3A_63] : memref<100352xf32, #tpu.memory_space<vmem_shared>> -> memref<100352xf32, #tpu.memory_space<vmem_shared>>
      tpu.wait_indirect_dma semaphore(%arg11 : memref<!tpu.dma_semaphore, #tpu.memory_space<semaphore_mem>>) src(%arg7 : memref<1024xf32, #tpu.memory_space<vmem>>) dst(%dma_wait3A_64 : memref<100352xf32, #tpu.memory_space<vmem_shared>>)
    }
    %scan3A_24 = arith.constant 48 : i32
    %dma_start3A = arith.constant 0 : i32
    %dma_start3A_25 = tpu.memref_slice %arg9[%dma_start3A] : memref<100352xf32, #tpu.memory_space<vmem_shared>> -> memref<100352xf32, #tpu.memory_space<vmem_shared>>
    tpu.enqueue_indirect_dma source(%arg7 : memref<1024xf32, #tpu.memory_space<vmem>>) target(%dma_start3A_25 : memref<100352xf32, #tpu.memory_space<vmem_shared>>) offsets(%arg4 : memref<1024xi32, #tpu.memory_space<vmem>>) semaphore(%arg10 : memref<!tpu.dma_semaphore, #tpu.memory_space<semaphore_mem>>) {add = true}
    %add3A_26 = arith.constant 99328 : i32
    %add3A_27 = arith.addi %mul3A_18, %add3A_26 : i32
    "tpu.region"() ({
      %run_scoped3A = tpu.sem_alloc : memref<!tpu.dma_semaphore, #tpu.memory_space<semaphore_mem>>
      %dma_start3A_38 = tpu.memref_slice %arg2[%add3A_27] : memref<3200000xi32, #tpu.memory_space<hbm>> -> memref<672xi32, #tpu.memory_space<hbm>>
      %dma_start3A_39 = tpu.memref_slice %arg2[%add3A_27] : memref<3200000xi32, #tpu.memory_space<hbm>> -> memref<672xi32, #tpu.memory_space<hbm>>
      tpu.enqueue_dma source(%dma_start3A_39 : memref<672xi32, #tpu.memory_space<hbm>>) target(%arg6 : memref<672xi32, #tpu.memory_space<vmem>>) target_semaphore(%run_scoped3A : memref<!tpu.dma_semaphore, #tpu.memory_space<semaphore_mem>>)
      %dma_wait3A_40 = tpu.memref_slice %arg2[%add3A_27] : memref<3200000xi32, #tpu.memory_space<hbm>> -> memref<672xi32, #tpu.memory_space<hbm>>
      %dma_wait3A_41 = tpu.memref_slice %arg2[%add3A_27] : memref<3200000xi32, #tpu.memory_space<hbm>> -> memref<672xi32, #tpu.memory_space<hbm>>
      tpu.wait_dma2 semaphore(%run_scoped3A : memref<!tpu.dma_semaphore, #tpu.memory_space<semaphore_mem>>) src(%dma_wait3A_41 : memref<672xi32, #tpu.memory_space<hbm>>) dst(%arg6 : memref<672xi32, #tpu.memory_space<vmem>>)
      tpu.yield
    }) : () -> ()
    %dma_wait3A = arith.constant 0 : i32
    %dma_wait3A_28 = tpu.memref_slice %arg9[%dma_wait3A] : memref<100352xf32, #tpu.memory_space<vmem_shared>> -> memref<100352xf32, #tpu.memory_space<vmem_shared>>
    tpu.wait_indirect_dma semaphore(%arg10 : memref<!tpu.dma_semaphore, #tpu.memory_space<semaphore_mem>>) src(%arg7 : memref<1024xf32, #tpu.memory_space<vmem>>) dst(%dma_wait3A_28 : memref<100352xf32, #tpu.memory_space<vmem_shared>>)
    %dma_start3A_29 = arith.constant 0 : i32
    %dma_start3A_30 = tpu.memref_slice %arg7[%dma_start3A_29] : memref<1024xf32, #tpu.memory_space<vmem>> -> memref<672xf32, #tpu.memory_space<vmem>>
    %dma_start3A_31 = arith.constant 0 : i32
    %dma_start3A_32 = tpu.memref_slice %arg9[%dma_start3A_31] : memref<100352xf32, #tpu.memory_space<vmem_shared>> -> memref<100352xf32, #tpu.memory_space<vmem_shared>>
    tpu.enqueue_indirect_dma source(%dma_start3A_30 : memref<672xf32, #tpu.memory_space<vmem>>) target(%dma_start3A_32 : memref<100352xf32, #tpu.memory_space<vmem_shared>>) offsets(%arg6 : memref<672xi32, #tpu.memory_space<vmem>>) semaphore(%arg11 : memref<!tpu.dma_semaphore, #tpu.memory_space<semaphore_mem>>) {add = true}
    %dma_wait3A_33 = arith.constant 0 : i32
    %dma_wait3A_34 = tpu.memref_slice %arg7[%dma_wait3A_33] : memref<1024xf32, #tpu.memory_space<vmem>> -> memref<672xf32, #tpu.memory_space<vmem>>
    %dma_wait3A_35 = arith.constant 0 : i32
    %dma_wait3A_36 = tpu.memref_slice %arg9[%dma_wait3A_35] : memref<100352xf32, #tpu.memory_space<vmem_shared>> -> memref<100352xf32, #tpu.memory_space<vmem_shared>>
    tpu.wait_indirect_dma semaphore(%arg11 : memref<!tpu.dma_semaphore, #tpu.memory_space<semaphore_mem>>) src(%dma_wait3A_34 : memref<672xf32, #tpu.memory_space<vmem>>) dst(%dma_wait3A_36 : memref<100352xf32, #tpu.memory_space<vmem_shared>>)
    %barrier3A_37 = arith.constant 0 : index
    tpu.barrier barrier_id(%barrier3A_37)
    "tpu.region"() ({
      %run_scoped3A = tpu.sem_alloc : memref<!tpu.dma_semaphore, #tpu.memory_space<semaphore_mem>>
      %dma_start3A_38 = tpu.memref_slice %arg3[%arg0, %mul3A_16] : memref<2x100352xf32, #tpu.memory_space<hbm>> -> memref<1x6272xf32, #tpu.memory_space<hbm>>
      %dma_start3A_39 = tpu.memref_squeeze %dma_start3A_38 : memref<1x6272xf32, #tpu.memory_space<hbm>> -> memref<6272xf32, #tpu.memory_space<hbm>>
      %dma_start3A_40 = tpu.memref_slice %arg9[%mul3A_16] : memref<100352xf32, #tpu.memory_space<vmem_shared>> -> memref<6272xf32, #tpu.memory_space<vmem_shared>>
      tpu.enqueue_dma source(%dma_start3A_40 : memref<6272xf32, #tpu.memory_space<vmem_shared>>) target(%dma_start3A_39 : memref<6272xf32, #tpu.memory_space<hbm>>) target_semaphore(%run_scoped3A : memref<!tpu.dma_semaphore, #tpu.memory_space<semaphore_mem>>)
      %dma_wait3A_41 = tpu.memref_slice %arg3[%arg0, %mul3A_16] : memref<2x100352xf32, #tpu.memory_space<hbm>> -> memref<1x6272xf32, #tpu.memory_space<hbm>>
      %dma_wait3A_42 = tpu.memref_squeeze %dma_wait3A_41 : memref<1x6272xf32, #tpu.memory_space<hbm>> -> memref<6272xf32, #tpu.memory_space<hbm>>
      %dma_wait3A_43 = tpu.memref_slice %arg9[%mul3A_16] : memref<100352xf32, #tpu.memory_space<vmem_shared>> -> memref<6272xf32, #tpu.memory_space<vmem_shared>>
      tpu.wait_dma2 semaphore(%run_scoped3A : memref<!tpu.dma_semaphore, #tpu.memory_space<semaphore_mem>>) src(%dma_wait3A_43 : memref<6272xf32, #tpu.memory_space<vmem_shared>>) dst(%dma_wait3A_42 : memref<6272xf32, #tpu.memory_space<hbm>>)
      tpu.yield
    }) : () -> ()
    return
  }
}

#map = affine_map<(d0, d1) -> (0, 0)>
#map1 = affine_map<(d0, d1) -> (0)>
#map2 = affine_map<(d0, d1) -> (0, 0, 0)>
module attributes {stable_mosaic.version = 14 : i64} {
  func.func @_agg_body(%arg0: i32, %arg1: i32, %arg2: memref<100352x16xf32, #tpu.memory_space<hbm>>, %arg3: memref<3200000xi32, #tpu.memory_space<hbm>>, %arg4: memref<3200000xi32, #tpu.memory_space<hbm>>, %arg5: memref<2x100352x16xf32, #tpu.memory_space<hbm>>, %arg6: memref<1024xi32, #tpu.memory_space<vmem>>, %arg7: memref<1024xi32, #tpu.memory_space<vmem>>, %arg8: memref<1024x16xf32, #tpu.memory_space<vmem>>, %arg9: memref<1024xi32, #tpu.memory_space<vmem>>, %arg10: memref<1024xi32, #tpu.memory_space<vmem>>, %arg11: memref<672xi32, #tpu.memory_space<vmem>>, %arg12: memref<672xi32, #tpu.memory_space<vmem>>, %arg13: memref<128x16xf32, #tpu.memory_space<vmem>>, %arg14: memref<100352x16xf32, #tpu.memory_space<vmem_shared>>, %arg15: memref<!tpu.dma_semaphore, #tpu.memory_space<semaphore_mem>>, %arg16: memref<!tpu.dma_semaphore, #tpu.memory_space<semaphore_mem>>, %arg17: memref<!tpu.dma_semaphore, #tpu.memory_space<semaphore_mem>>) attributes {dimension_semantics = [#tpu.dimension_semantics<core_parallel>, #tpu.dimension_semantics<subcore_parallel>], iteration_bounds = array<i64: 2, 16>, scalar_prefetch = 0 : i64, scratch_operands = 12 : i64, tpu.core_type = #tpu.core_type<sc_vector_subcore>, window_params = [{transform_indices = #map}, {transform_indices = #map1}, {transform_indices = #map1}, {transform_indices = #map2}]} {
    %mul3A = arith.constant 2 : i32
    %mul3A_0 = arith.muli %arg1, %mul3A : i32
    %add3A = arith.addi %mul3A_0, %arg0 : i32
    %broadcast_in_dim3A = arith.constant 0.000000e+00 : f32
    %broadcast_in_dim3A_1 = vector.broadcast %broadcast_in_dim3A : f32 to vector<16xf32>
    %scan3A = arith.constant 0 : i32
    %scan3A_2 = arith.constant 0 : i32
    %scan3A_3 = arith.constant 128 : i32
    %scan3A_4 = arith.addi %scan3A_2, %scan3A_3 : i32
    %scan3A_5 = arith.constant 1 : i32
    scf.for %scan3A_546 = %scan3A_2 to %scan3A_4 step %scan3A_5  : i32 {
      %swap3A = arith.index_cast %scan3A_546 : i32 to index
      %swap3A_547 = arith.constant 0 : index
      %swap3A_548 = tpu.vector_load %arg13[%swap3A, %swap3A_547] {strides = array<i32>} : memref<128x16xf32, #tpu.memory_space<vmem>>, vector<1x16xf32>,
      %swap3A_549 = vector.shape_cast %swap3A_548 : vector<1x16xf32> to vector<16xf32>
      %swap3A_550 = vector.shape_cast %broadcast_in_dim3A_1 : vector<16xf32> to vector<1x16xf32>
      tpu.vector_store %arg13[%swap3A, %swap3A_547], %swap3A_550 {strides = array<i32>} : memref<128x16xf32, #tpu.memory_space<vmem>>, vector<1x16xf32>,
    }
    %scan3A_6 = arith.constant 128 : i32
    %mul3A_7 = arith.constant 6272 : i32
    %mul3A_8 = arith.muli %arg1, %mul3A_7 : i32
    %add3A_9 = arith.constant 0 : i32
    %add3A_10 = arith.addi %mul3A_8, %add3A_9 : i32
    %dma_start3A = arith.constant 0 : i32
    %dma_start3A_11 = tpu.memref_slice %arg14[%add3A_10, %dma_start3A] : memref<100352x16xf32, #tpu.memory_space<vmem_shared>> -> memref<128x16xf32, #tpu.memory_space<vmem_shared>>
    %dma_start3A_12 = arith.constant 0 : i32
    %dma_start3A_13 = tpu.memref_slice %arg14[%add3A_10, %dma_start3A_12] : memref<100352x16xf32, #tpu.memory_space<vmem_shared>> -> memref<128x16xf32, #tpu.memory_space<vmem_shared>>
    tpu.enqueue_dma source(%arg13 : memref<128x16xf32, #tpu.memory_space<vmem>>) target(%dma_start3A_13 : memref<128x16xf32, #tpu.memory_space<vmem_shared>>) target_semaphore(%arg16 : memref<!tpu.dma_semaphore, #tpu.memory_space<semaphore_mem>>)
    %add3A_14 = arith.constant 128 : i32
    %add3A_15 = arith.addi %mul3A_8, %add3A_14 : i32
    %dma_start3A_16 = arith.constant 0 : i32
    %dma_start3A_17 = tpu.memref_slice %arg14[%add3A_15, %dma_start3A_16] : memref<100352x16xf32, #tpu.memory_space<vmem_shared>> -> memref<128x16xf32, #tpu.memory_space<vmem_shared>>
    %dma_start3A_18 = arith.constant 0 : i32
    %dma_start3A_19 = tpu.memref_slice %arg14[%add3A_15, %dma_start3A_18] : memref<100352x16xf32, #tpu.memory_space<vmem_shared>> -> memref<128x16xf32, #tpu.memory_space<vmem_shared>>
    tpu.enqueue_dma source(%arg13 : memref<128x16xf32, #tpu.memory_space<vmem>>) target(%dma_start3A_19 : memref<128x16xf32, #tpu.memory_space<vmem_shared>>) target_semaphore(%arg16 : memref<!tpu.dma_semaphore, #tpu.memory_space<semaphore_mem>>)
    %add3A_20 = arith.constant 256 : i32
    %add3A_21 = arith.addi %mul3A_8, %add3A_20 : i32
    %dma_start3A_22 = arith.constant 0 : i32
    %dma_start3A_23 = tpu.memref_slice %arg14[%add3A_21, %dma_start3A_22] : memref<100352x16xf32, #tpu.memory_space<vmem_shared>> -> memref<128x16xf32, #tpu.memory_space<vmem_shared>>
    %dma_start3A_24 = arith.constant 0 : i32
    %dma_start3A_25 = tpu.memref_slice %arg14[%add3A_21, %dma_start3A_24] : memref<100352x16xf32, #tpu.memory_space<vmem_shared>> -> memref<128x16xf32, #tpu.memory_space<vmem_shared>>
    tpu.enqueue_dma source(%arg13 : memref<128x16xf32, #tpu.memory_space<vmem>>) target(%dma_start3A_25 : memref<128x16xf32, #tpu.memory_space<vmem_shared>>) target_semaphore(%arg16 : memref<!tpu.dma_semaphore, #tpu.memory_space<semaphore_mem>>)
    %add3A_26 = arith.constant 384 : i32
    %add3A_27 = arith.addi %mul3A_8, %add3A_26 : i32
    %dma_start3A_28 = arith.constant 0 : i32
    %dma_start3A_29 = tpu.memref_slice %arg14[%add3A_27, %dma_start3A_28] : memref<100352x16xf32, #tpu.memory_space<vmem_shared>> -> memref<128x16xf32, #tpu.memory_space<vmem_shared>>
    %dma_start3A_30 = arith.constant 0 : i32
    %dma_start3A_31 = tpu.memref_slice %arg14[%add3A_27, %dma_start3A_30] : memref<100352x16xf32, #tpu.memory_space<vmem_shared>> -> memref<128x16xf32, #tpu.memory_space<vmem_shared>>
    tpu.enqueue_dma source(%arg13 : memref<128x16xf32, #tpu.memory_space<vmem>>) target(%dma_start3A_31 : memref<128x16xf32, #tpu.memory_space<vmem_shared>>) target_semaphore(%arg16 : memref<!tpu.dma_semaphore, #tpu.memory_space<semaphore_mem>>)
    %add3A_32 = arith.constant 512 : i32
    %add3A_33 = arith.addi %mul3A_8, %add3A_32 : i32
    %dma_start3A_34 = arith.constant 0 : i32
    %dma_start3A_35 = tpu.memref_slice %arg14[%add3A_33, %dma_start3A_34] : memref<100352x16xf32, #tpu.memory_space<vmem_shared>> -> memref<128x16xf32, #tpu.memory_space<vmem_shared>>
    %dma_start3A_36 = arith.constant 0 : i32
    %dma_start3A_37 = tpu.memref_slice %arg14[%add3A_33, %dma_start3A_36] : memref<100352x16xf32, #tpu.memory_space<vmem_shared>> -> memref<128x16xf32, #tpu.memory_space<vmem_shared>>
    tpu.enqueue_dma source(%arg13 : memref<128x16xf32, #tpu.memory_space<vmem>>) target(%dma_start3A_37 : memref<128x16xf32, #tpu.memory_space<vmem_shared>>) target_semaphore(%arg16 : memref<!tpu.dma_semaphore, #tpu.memory_space<semaphore_mem>>)
    %add3A_38 = arith.constant 640 : i32
    %add3A_39 = arith.addi %mul3A_8, %add3A_38 : i32
    %dma_start3A_40 = arith.constant 0 : i32
    %dma_start3A_41 = tpu.memref_slice %arg14[%add3A_39, %dma_start3A_40] : memref<100352x16xf32, #tpu.memory_space<vmem_shared>> -> memref<128x16xf32, #tpu.memory_space<vmem_shared>>
    %dma_start3A_42 = arith.constant 0 : i32
    %dma_start3A_43 = tpu.memref_slice %arg14[%add3A_39, %dma_start3A_42] : memref<100352x16xf32, #tpu.memory_space<vmem_shared>> -> memref<128x16xf32, #tpu.memory_space<vmem_shared>>
    tpu.enqueue_dma source(%arg13 : memref<128x16xf32, #tpu.memory_space<vmem>>) target(%dma_start3A_43 : memref<128x16xf32, #tpu.memory_space<vmem_shared>>) target_semaphore(%arg16 : memref<!tpu.dma_semaphore, #tpu.memory_space<semaphore_mem>>)
    %add3A_44 = arith.constant 768 : i32
    %add3A_45 = arith.addi %mul3A_8, %add3A_44 : i32
    %dma_start3A_46 = arith.constant 0 : i32
    %dma_start3A_47 = tpu.memref_slice %arg14[%add3A_45, %dma_start3A_46] : memref<100352x16xf32, #tpu.memory_space<vmem_shared>> -> memref<128x16xf32, #tpu.memory_space<vmem_shared>>
    %dma_start3A_48 = arith.constant 0 : i32
    %dma_start3A_49 = tpu.memref_slice %arg14[%add3A_45, %dma_start3A_48] : memref<100352x16xf32, #tpu.memory_space<vmem_shared>> -> memref<128x16xf32, #tpu.memory_space<vmem_shared>>
    tpu.enqueue_dma source(%arg13 : memref<128x16xf32, #tpu.memory_space<vmem>>) target(%dma_start3A_49 : memref<128x16xf32, #tpu.memory_space<vmem_shared>>) target_semaphore(%arg16 : memref<!tpu.dma_semaphore, #tpu.memory_space<semaphore_mem>>)
    %add3A_50 = arith.constant 896 : i32
    %add3A_51 = arith.addi %mul3A_8, %add3A_50 : i32
    %dma_start3A_52 = arith.constant 0 : i32
    %dma_start3A_53 = tpu.memref_slice %arg14[%add3A_51, %dma_start3A_52] : memref<100352x16xf32, #tpu.memory_space<vmem_shared>> -> memref<128x16xf32, #tpu.memory_space<vmem_shared>>
    %dma_start3A_54 = arith.constant 0 : i32
    %dma_start3A_55 = tpu.memref_slice %arg14[%add3A_51, %dma_start3A_54] : memref<100352x16xf32, #tpu.memory_space<vmem_shared>> -> memref<128x16xf32, #tpu.memory_space<vmem_shared>>
    tpu.enqueue_dma source(%arg13 : memref<128x16xf32, #tpu.memory_space<vmem>>) target(%dma_start3A_55 : memref<128x16xf32, #tpu.memory_space<vmem_shared>>) target_semaphore(%arg16 : memref<!tpu.dma_semaphore, #tpu.memory_space<semaphore_mem>>)
    %add3A_56 = arith.constant 1024 : i32
    %add3A_57 = arith.addi %mul3A_8, %add3A_56 : i32
    %dma_start3A_58 = arith.constant 0 : i32
    %dma_start3A_59 = tpu.memref_slice %arg14[%add3A_57, %dma_start3A_58] : memref<100352x16xf32, #tpu.memory_space<vmem_shared>> -> memref<128x16xf32, #tpu.memory_space<vmem_shared>>
    %dma_start3A_60 = arith.constant 0 : i32
    %dma_start3A_61 = tpu.memref_slice %arg14[%add3A_57, %dma_start3A_60] : memref<100352x16xf32, #tpu.memory_space<vmem_shared>> -> memref<128x16xf32, #tpu.memory_space<vmem_shared>>
    tpu.enqueue_dma source(%arg13 : memref<128x16xf32, #tpu.memory_space<vmem>>) target(%dma_start3A_61 : memref<128x16xf32, #tpu.memory_space<vmem_shared>>) target_semaphore(%arg16 : memref<!tpu.dma_semaphore, #tpu.memory_space<semaphore_mem>>)
    %add3A_62 = arith.constant 1152 : i32
    %add3A_63 = arith.addi %mul3A_8, %add3A_62 : i32
    %dma_start3A_64 = arith.constant 0 : i32
    %dma_start3A_65 = tpu.memref_slice %arg14[%add3A_63, %dma_start3A_64] : memref<100352x16xf32, #tpu.memory_space<vmem_shared>> -> memref<128x16xf32, #tpu.memory_space<vmem_shared>>
    %dma_start3A_66 = arith.constant 0 : i32
    %dma_start3A_67 = tpu.memref_slice %arg14[%add3A_63, %dma_start3A_66] : memref<100352x16xf32, #tpu.memory_space<vmem_shared>> -> memref<128x16xf32, #tpu.memory_space<vmem_shared>>
    tpu.enqueue_dma source(%arg13 : memref<128x16xf32, #tpu.memory_space<vmem>>) target(%dma_start3A_67 : memref<128x16xf32, #tpu.memory_space<vmem_shared>>) target_semaphore(%arg16 : memref<!tpu.dma_semaphore, #tpu.memory_space<semaphore_mem>>)
    %add3A_68 = arith.constant 1280 : i32
    %add3A_69 = arith.addi %mul3A_8, %add3A_68 : i32
    %dma_start3A_70 = arith.constant 0 : i32
    %dma_start3A_71 = tpu.memref_slice %arg14[%add3A_69, %dma_start3A_70] : memref<100352x16xf32, #tpu.memory_space<vmem_shared>> -> memref<128x16xf32, #tpu.memory_space<vmem_shared>>
    %dma_start3A_72 = arith.constant 0 : i32
    %dma_start3A_73 = tpu.memref_slice %arg14[%add3A_69, %dma_start3A_72] : memref<100352x16xf32, #tpu.memory_space<vmem_shared>> -> memref<128x16xf32, #tpu.memory_space<vmem_shared>>
    tpu.enqueue_dma source(%arg13 : memref<128x16xf32, #tpu.memory_space<vmem>>) target(%dma_start3A_73 : memref<128x16xf32, #tpu.memory_space<vmem_shared>>) target_semaphore(%arg16 : memref<!tpu.dma_semaphore, #tpu.memory_space<semaphore_mem>>)
    %add3A_74 = arith.constant 1408 : i32
    %add3A_75 = arith.addi %mul3A_8, %add3A_74 : i32
    %dma_start3A_76 = arith.constant 0 : i32
    %dma_start3A_77 = tpu.memref_slice %arg14[%add3A_75, %dma_start3A_76] : memref<100352x16xf32, #tpu.memory_space<vmem_shared>> -> memref<128x16xf32, #tpu.memory_space<vmem_shared>>
    %dma_start3A_78 = arith.constant 0 : i32
    %dma_start3A_79 = tpu.memref_slice %arg14[%add3A_75, %dma_start3A_78] : memref<100352x16xf32, #tpu.memory_space<vmem_shared>> -> memref<128x16xf32, #tpu.memory_space<vmem_shared>>
    tpu.enqueue_dma source(%arg13 : memref<128x16xf32, #tpu.memory_space<vmem>>) target(%dma_start3A_79 : memref<128x16xf32, #tpu.memory_space<vmem_shared>>) target_semaphore(%arg16 : memref<!tpu.dma_semaphore, #tpu.memory_space<semaphore_mem>>)
    %add3A_80 = arith.constant 1536 : i32
    %add3A_81 = arith.addi %mul3A_8, %add3A_80 : i32
    %dma_start3A_82 = arith.constant 0 : i32
    %dma_start3A_83 = tpu.memref_slice %arg14[%add3A_81, %dma_start3A_82] : memref<100352x16xf32, #tpu.memory_space<vmem_shared>> -> memref<128x16xf32, #tpu.memory_space<vmem_shared>>
    %dma_start3A_84 = arith.constant 0 : i32
    %dma_start3A_85 = tpu.memref_slice %arg14[%add3A_81, %dma_start3A_84] : memref<100352x16xf32, #tpu.memory_space<vmem_shared>> -> memref<128x16xf32, #tpu.memory_space<vmem_shared>>
    tpu.enqueue_dma source(%arg13 : memref<128x16xf32, #tpu.memory_space<vmem>>) target(%dma_start3A_85 : memref<128x16xf32, #tpu.memory_space<vmem_shared>>) target_semaphore(%arg16 : memref<!tpu.dma_semaphore, #tpu.memory_space<semaphore_mem>>)
    %add3A_86 = arith.constant 1664 : i32
    %add3A_87 = arith.addi %mul3A_8, %add3A_86 : i32
    %dma_start3A_88 = arith.constant 0 : i32
    %dma_start3A_89 = tpu.memref_slice %arg14[%add3A_87, %dma_start3A_88] : memref<100352x16xf32, #tpu.memory_space<vmem_shared>> -> memref<128x16xf32, #tpu.memory_space<vmem_shared>>
    %dma_start3A_90 = arith.constant 0 : i32
    %dma_start3A_91 = tpu.memref_slice %arg14[%add3A_87, %dma_start3A_90] : memref<100352x16xf32, #tpu.memory_space<vmem_shared>> -> memref<128x16xf32, #tpu.memory_space<vmem_shared>>
    tpu.enqueue_dma source(%arg13 : memref<128x16xf32, #tpu.memory_space<vmem>>) target(%dma_start3A_91 : memref<128x16xf32, #tpu.memory_space<vmem_shared>>) target_semaphore(%arg16 : memref<!tpu.dma_semaphore, #tpu.memory_space<semaphore_mem>>)
    %add3A_92 = arith.constant 1792 : i32
    %add3A_93 = arith.addi %mul3A_8, %add3A_92 : i32
    %dma_start3A_94 = arith.constant 0 : i32
    %dma_start3A_95 = tpu.memref_slice %arg14[%add3A_93, %dma_start3A_94] : memref<100352x16xf32, #tpu.memory_space<vmem_shared>> -> memref<128x16xf32, #tpu.memory_space<vmem_shared>>
    %dma_start3A_96 = arith.constant 0 : i32
    %dma_start3A_97 = tpu.memref_slice %arg14[%add3A_93, %dma_start3A_96] : memref<100352x16xf32, #tpu.memory_space<vmem_shared>> -> memref<128x16xf32, #tpu.memory_space<vmem_shared>>
    tpu.enqueue_dma source(%arg13 : memref<128x16xf32, #tpu.memory_space<vmem>>) target(%dma_start3A_97 : memref<128x16xf32, #tpu.memory_space<vmem_shared>>) target_semaphore(%arg16 : memref<!tpu.dma_semaphore, #tpu.memory_space<semaphore_mem>>)
    %add3A_98 = arith.constant 1920 : i32
    %add3A_99 = arith.addi %mul3A_8, %add3A_98 : i32
    %dma_start3A_100 = arith.constant 0 : i32
    %dma_start3A_101 = tpu.memref_slice %arg14[%add3A_99, %dma_start3A_100] : memref<100352x16xf32, #tpu.memory_space<vmem_shared>> -> memref<128x16xf32, #tpu.memory_space<vmem_shared>>
    %dma_start3A_102 = arith.constant 0 : i32
    %dma_start3A_103 = tpu.memref_slice %arg14[%add3A_99, %dma_start3A_102] : memref<100352x16xf32, #tpu.memory_space<vmem_shared>> -> memref<128x16xf32, #tpu.memory_space<vmem_shared>>
    tpu.enqueue_dma source(%arg13 : memref<128x16xf32, #tpu.memory_space<vmem>>) target(%dma_start3A_103 : memref<128x16xf32, #tpu.memory_space<vmem_shared>>) target_semaphore(%arg16 : memref<!tpu.dma_semaphore, #tpu.memory_space<semaphore_mem>>)
    %add3A_104 = arith.constant 2048 : i32
    %add3A_105 = arith.addi %mul3A_8, %add3A_104 : i32
    %dma_start3A_106 = arith.constant 0 : i32
    %dma_start3A_107 = tpu.memref_slice %arg14[%add3A_105, %dma_start3A_106] : memref<100352x16xf32, #tpu.memory_space<vmem_shared>> -> memref<128x16xf32, #tpu.memory_space<vmem_shared>>
    %dma_start3A_108 = arith.constant 0 : i32
    %dma_start3A_109 = tpu.memref_slice %arg14[%add3A_105, %dma_start3A_108] : memref<100352x16xf32, #tpu.memory_space<vmem_shared>> -> memref<128x16xf32, #tpu.memory_space<vmem_shared>>
    tpu.enqueue_dma source(%arg13 : memref<128x16xf32, #tpu.memory_space<vmem>>) target(%dma_start3A_109 : memref<128x16xf32, #tpu.memory_space<vmem_shared>>) target_semaphore(%arg16 : memref<!tpu.dma_semaphore, #tpu.memory_space<semaphore_mem>>)
    %add3A_110 = arith.constant 2176 : i32
    %add3A_111 = arith.addi %mul3A_8, %add3A_110 : i32
    %dma_start3A_112 = arith.constant 0 : i32
    %dma_start3A_113 = tpu.memref_slice %arg14[%add3A_111, %dma_start3A_112] : memref<100352x16xf32, #tpu.memory_space<vmem_shared>> -> memref<128x16xf32, #tpu.memory_space<vmem_shared>>
    %dma_start3A_114 = arith.constant 0 : i32
    %dma_start3A_115 = tpu.memref_slice %arg14[%add3A_111, %dma_start3A_114] : memref<100352x16xf32, #tpu.memory_space<vmem_shared>> -> memref<128x16xf32, #tpu.memory_space<vmem_shared>>
    tpu.enqueue_dma source(%arg13 : memref<128x16xf32, #tpu.memory_space<vmem>>) target(%dma_start3A_115 : memref<128x16xf32, #tpu.memory_space<vmem_shared>>) target_semaphore(%arg16 : memref<!tpu.dma_semaphore, #tpu.memory_space<semaphore_mem>>)
    %add3A_116 = arith.constant 2304 : i32
    %add3A_117 = arith.addi %mul3A_8, %add3A_116 : i32
    %dma_start3A_118 = arith.constant 0 : i32
    %dma_start3A_119 = tpu.memref_slice %arg14[%add3A_117, %dma_start3A_118] : memref<100352x16xf32, #tpu.memory_space<vmem_shared>> -> memref<128x16xf32, #tpu.memory_space<vmem_shared>>
    %dma_start3A_120 = arith.constant 0 : i32
    %dma_start3A_121 = tpu.memref_slice %arg14[%add3A_117, %dma_start3A_120] : memref<100352x16xf32, #tpu.memory_space<vmem_shared>> -> memref<128x16xf32, #tpu.memory_space<vmem_shared>>
    tpu.enqueue_dma source(%arg13 : memref<128x16xf32, #tpu.memory_space<vmem>>) target(%dma_start3A_121 : memref<128x16xf32, #tpu.memory_space<vmem_shared>>) target_semaphore(%arg16 : memref<!tpu.dma_semaphore, #tpu.memory_space<semaphore_mem>>)
    %add3A_122 = arith.constant 2432 : i32
    %add3A_123 = arith.addi %mul3A_8, %add3A_122 : i32
    %dma_start3A_124 = arith.constant 0 : i32
    %dma_start3A_125 = tpu.memref_slice %arg14[%add3A_123, %dma_start3A_124] : memref<100352x16xf32, #tpu.memory_space<vmem_shared>> -> memref<128x16xf32, #tpu.memory_space<vmem_shared>>
    %dma_start3A_126 = arith.constant 0 : i32
    %dma_start3A_127 = tpu.memref_slice %arg14[%add3A_123, %dma_start3A_126] : memref<100352x16xf32, #tpu.memory_space<vmem_shared>> -> memref<128x16xf32, #tpu.memory_space<vmem_shared>>
    tpu.enqueue_dma source(%arg13 : memref<128x16xf32, #tpu.memory_space<vmem>>) target(%dma_start3A_127 : memref<128x16xf32, #tpu.memory_space<vmem_shared>>) target_semaphore(%arg16 : memref<!tpu.dma_semaphore, #tpu.memory_space<semaphore_mem>>)
    %add3A_128 = arith.constant 2560 : i32
    %add3A_129 = arith.addi %mul3A_8, %add3A_128 : i32
    %dma_start3A_130 = arith.constant 0 : i32
    %dma_start3A_131 = tpu.memref_slice %arg14[%add3A_129, %dma_start3A_130] : memref<100352x16xf32, #tpu.memory_space<vmem_shared>> -> memref<128x16xf32, #tpu.memory_space<vmem_shared>>
    %dma_start3A_132 = arith.constant 0 : i32
    %dma_start3A_133 = tpu.memref_slice %arg14[%add3A_129, %dma_start3A_132] : memref<100352x16xf32, #tpu.memory_space<vmem_shared>> -> memref<128x16xf32, #tpu.memory_space<vmem_shared>>
    tpu.enqueue_dma source(%arg13 : memref<128x16xf32, #tpu.memory_space<vmem>>) target(%dma_start3A_133 : memref<128x16xf32, #tpu.memory_space<vmem_shared>>) target_semaphore(%arg16 : memref<!tpu.dma_semaphore, #tpu.memory_space<semaphore_mem>>)
    %add3A_134 = arith.constant 2688 : i32
    %add3A_135 = arith.addi %mul3A_8, %add3A_134 : i32
    %dma_start3A_136 = arith.constant 0 : i32
    %dma_start3A_137 = tpu.memref_slice %arg14[%add3A_135, %dma_start3A_136] : memref<100352x16xf32, #tpu.memory_space<vmem_shared>> -> memref<128x16xf32, #tpu.memory_space<vmem_shared>>
    %dma_start3A_138 = arith.constant 0 : i32
    %dma_start3A_139 = tpu.memref_slice %arg14[%add3A_135, %dma_start3A_138] : memref<100352x16xf32, #tpu.memory_space<vmem_shared>> -> memref<128x16xf32, #tpu.memory_space<vmem_shared>>
    tpu.enqueue_dma source(%arg13 : memref<128x16xf32, #tpu.memory_space<vmem>>) target(%dma_start3A_139 : memref<128x16xf32, #tpu.memory_space<vmem_shared>>) target_semaphore(%arg16 : memref<!tpu.dma_semaphore, #tpu.memory_space<semaphore_mem>>)
    %add3A_140 = arith.constant 2816 : i32
    %add3A_141 = arith.addi %mul3A_8, %add3A_140 : i32
    %dma_start3A_142 = arith.constant 0 : i32
    %dma_start3A_143 = tpu.memref_slice %arg14[%add3A_141, %dma_start3A_142] : memref<100352x16xf32, #tpu.memory_space<vmem_shared>> -> memref<128x16xf32, #tpu.memory_space<vmem_shared>>
    %dma_start3A_144 = arith.constant 0 : i32
    %dma_start3A_145 = tpu.memref_slice %arg14[%add3A_141, %dma_start3A_144] : memref<100352x16xf32, #tpu.memory_space<vmem_shared>> -> memref<128x16xf32, #tpu.memory_space<vmem_shared>>
    tpu.enqueue_dma source(%arg13 : memref<128x16xf32, #tpu.memory_space<vmem>>) target(%dma_start3A_145 : memref<128x16xf32, #tpu.memory_space<vmem_shared>>) target_semaphore(%arg16 : memref<!tpu.dma_semaphore, #tpu.memory_space<semaphore_mem>>)
    %add3A_146 = arith.constant 2944 : i32
    %add3A_147 = arith.addi %mul3A_8, %add3A_146 : i32
    %dma_start3A_148 = arith.constant 0 : i32
    %dma_start3A_149 = tpu.memref_slice %arg14[%add3A_147, %dma_start3A_148] : memref<100352x16xf32, #tpu.memory_space<vmem_shared>> -> memref<128x16xf32, #tpu.memory_space<vmem_shared>>
    %dma_start3A_150 = arith.constant 0 : i32
    %dma_start3A_151 = tpu.memref_slice %arg14[%add3A_147, %dma_start3A_150] : memref<100352x16xf32, #tpu.memory_space<vmem_shared>> -> memref<128x16xf32, #tpu.memory_space<vmem_shared>>
    tpu.enqueue_dma source(%arg13 : memref<128x16xf32, #tpu.memory_space<vmem>>) target(%dma_start3A_151 : memref<128x16xf32, #tpu.memory_space<vmem_shared>>) target_semaphore(%arg16 : memref<!tpu.dma_semaphore, #tpu.memory_space<semaphore_mem>>)
    %add3A_152 = arith.constant 3072 : i32
    %add3A_153 = arith.addi %mul3A_8, %add3A_152 : i32
    %dma_start3A_154 = arith.constant 0 : i32
    %dma_start3A_155 = tpu.memref_slice %arg14[%add3A_153, %dma_start3A_154] : memref<100352x16xf32, #tpu.memory_space<vmem_shared>> -> memref<128x16xf32, #tpu.memory_space<vmem_shared>>
    %dma_start3A_156 = arith.constant 0 : i32
    %dma_start3A_157 = tpu.memref_slice %arg14[%add3A_153, %dma_start3A_156] : memref<100352x16xf32, #tpu.memory_space<vmem_shared>> -> memref<128x16xf32, #tpu.memory_space<vmem_shared>>
    tpu.enqueue_dma source(%arg13 : memref<128x16xf32, #tpu.memory_space<vmem>>) target(%dma_start3A_157 : memref<128x16xf32, #tpu.memory_space<vmem_shared>>) target_semaphore(%arg16 : memref<!tpu.dma_semaphore, #tpu.memory_space<semaphore_mem>>)
    %add3A_158 = arith.constant 3200 : i32
    %add3A_159 = arith.addi %mul3A_8, %add3A_158 : i32
    %dma_start3A_160 = arith.constant 0 : i32
    %dma_start3A_161 = tpu.memref_slice %arg14[%add3A_159, %dma_start3A_160] : memref<100352x16xf32, #tpu.memory_space<vmem_shared>> -> memref<128x16xf32, #tpu.memory_space<vmem_shared>>
    %dma_start3A_162 = arith.constant 0 : i32
    %dma_start3A_163 = tpu.memref_slice %arg14[%add3A_159, %dma_start3A_162] : memref<100352x16xf32, #tpu.memory_space<vmem_shared>> -> memref<128x16xf32, #tpu.memory_space<vmem_shared>>
    tpu.enqueue_dma source(%arg13 : memref<128x16xf32, #tpu.memory_space<vmem>>) target(%dma_start3A_163 : memref<128x16xf32, #tpu.memory_space<vmem_shared>>) target_semaphore(%arg16 : memref<!tpu.dma_semaphore, #tpu.memory_space<semaphore_mem>>)
    %add3A_164 = arith.constant 3328 : i32
    %add3A_165 = arith.addi %mul3A_8, %add3A_164 : i32
    %dma_start3A_166 = arith.constant 0 : i32
    %dma_start3A_167 = tpu.memref_slice %arg14[%add3A_165, %dma_start3A_166] : memref<100352x16xf32, #tpu.memory_space<vmem_shared>> -> memref<128x16xf32, #tpu.memory_space<vmem_shared>>
    %dma_start3A_168 = arith.constant 0 : i32
    %dma_start3A_169 = tpu.memref_slice %arg14[%add3A_165, %dma_start3A_168] : memref<100352x16xf32, #tpu.memory_space<vmem_shared>> -> memref<128x16xf32, #tpu.memory_space<vmem_shared>>
    tpu.enqueue_dma source(%arg13 : memref<128x16xf32, #tpu.memory_space<vmem>>) target(%dma_start3A_169 : memref<128x16xf32, #tpu.memory_space<vmem_shared>>) target_semaphore(%arg16 : memref<!tpu.dma_semaphore, #tpu.memory_space<semaphore_mem>>)
    %add3A_170 = arith.constant 3456 : i32
    %add3A_171 = arith.addi %mul3A_8, %add3A_170 : i32
    %dma_start3A_172 = arith.constant 0 : i32
    %dma_start3A_173 = tpu.memref_slice %arg14[%add3A_171, %dma_start3A_172] : memref<100352x16xf32, #tpu.memory_space<vmem_shared>> -> memref<128x16xf32, #tpu.memory_space<vmem_shared>>
    %dma_start3A_174 = arith.constant 0 : i32
    %dma_start3A_175 = tpu.memref_slice %arg14[%add3A_171, %dma_start3A_174] : memref<100352x16xf32, #tpu.memory_space<vmem_shared>> -> memref<128x16xf32, #tpu.memory_space<vmem_shared>>
    tpu.enqueue_dma source(%arg13 : memref<128x16xf32, #tpu.memory_space<vmem>>) target(%dma_start3A_175 : memref<128x16xf32, #tpu.memory_space<vmem_shared>>) target_semaphore(%arg16 : memref<!tpu.dma_semaphore, #tpu.memory_space<semaphore_mem>>)
    %add3A_176 = arith.constant 3584 : i32
    %add3A_177 = arith.addi %mul3A_8, %add3A_176 : i32
    %dma_start3A_178 = arith.constant 0 : i32
    %dma_start3A_179 = tpu.memref_slice %arg14[%add3A_177, %dma_start3A_178] : memref<100352x16xf32, #tpu.memory_space<vmem_shared>> -> memref<128x16xf32, #tpu.memory_space<vmem_shared>>
    %dma_start3A_180 = arith.constant 0 : i32
    %dma_start3A_181 = tpu.memref_slice %arg14[%add3A_177, %dma_start3A_180] : memref<100352x16xf32, #tpu.memory_space<vmem_shared>> -> memref<128x16xf32, #tpu.memory_space<vmem_shared>>
    tpu.enqueue_dma source(%arg13 : memref<128x16xf32, #tpu.memory_space<vmem>>) target(%dma_start3A_181 : memref<128x16xf32, #tpu.memory_space<vmem_shared>>) target_semaphore(%arg16 : memref<!tpu.dma_semaphore, #tpu.memory_space<semaphore_mem>>)
    %add3A_182 = arith.constant 3712 : i32
    %add3A_183 = arith.addi %mul3A_8, %add3A_182 : i32
    %dma_start3A_184 = arith.constant 0 : i32
    %dma_start3A_185 = tpu.memref_slice %arg14[%add3A_183, %dma_start3A_184] : memref<100352x16xf32, #tpu.memory_space<vmem_shared>> -> memref<128x16xf32, #tpu.memory_space<vmem_shared>>
    %dma_start3A_186 = arith.constant 0 : i32
    %dma_start3A_187 = tpu.memref_slice %arg14[%add3A_183, %dma_start3A_186] : memref<100352x16xf32, #tpu.memory_space<vmem_shared>> -> memref<128x16xf32, #tpu.memory_space<vmem_shared>>
    tpu.enqueue_dma source(%arg13 : memref<128x16xf32, #tpu.memory_space<vmem>>) target(%dma_start3A_187 : memref<128x16xf32, #tpu.memory_space<vmem_shared>>) target_semaphore(%arg16 : memref<!tpu.dma_semaphore, #tpu.memory_space<semaphore_mem>>)
    %add3A_188 = arith.constant 3840 : i32
    %add3A_189 = arith.addi %mul3A_8, %add3A_188 : i32
    %dma_start3A_190 = arith.constant 0 : i32
    %dma_start3A_191 = tpu.memref_slice %arg14[%add3A_189, %dma_start3A_190] : memref<100352x16xf32, #tpu.memory_space<vmem_shared>> -> memref<128x16xf32, #tpu.memory_space<vmem_shared>>
    %dma_start3A_192 = arith.constant 0 : i32
    %dma_start3A_193 = tpu.memref_slice %arg14[%add3A_189, %dma_start3A_192] : memref<100352x16xf32, #tpu.memory_space<vmem_shared>> -> memref<128x16xf32, #tpu.memory_space<vmem_shared>>
    tpu.enqueue_dma source(%arg13 : memref<128x16xf32, #tpu.memory_space<vmem>>) target(%dma_start3A_193 : memref<128x16xf32, #tpu.memory_space<vmem_shared>>) target_semaphore(%arg16 : memref<!tpu.dma_semaphore, #tpu.memory_space<semaphore_mem>>)
    %add3A_194 = arith.constant 3968 : i32
    %add3A_195 = arith.addi %mul3A_8, %add3A_194 : i32
    %dma_start3A_196 = arith.constant 0 : i32
    %dma_start3A_197 = tpu.memref_slice %arg14[%add3A_195, %dma_start3A_196] : memref<100352x16xf32, #tpu.memory_space<vmem_shared>> -> memref<128x16xf32, #tpu.memory_space<vmem_shared>>
    %dma_start3A_198 = arith.constant 0 : i32
    %dma_start3A_199 = tpu.memref_slice %arg14[%add3A_195, %dma_start3A_198] : memref<100352x16xf32, #tpu.memory_space<vmem_shared>> -> memref<128x16xf32, #tpu.memory_space<vmem_shared>>
    tpu.enqueue_dma source(%arg13 : memref<128x16xf32, #tpu.memory_space<vmem>>) target(%dma_start3A_199 : memref<128x16xf32, #tpu.memory_space<vmem_shared>>) target_semaphore(%arg16 : memref<!tpu.dma_semaphore, #tpu.memory_space<semaphore_mem>>)
    %add3A_200 = arith.constant 4096 : i32
    %add3A_201 = arith.addi %mul3A_8, %add3A_200 : i32
    %dma_start3A_202 = arith.constant 0 : i32
    %dma_start3A_203 = tpu.memref_slice %arg14[%add3A_201, %dma_start3A_202] : memref<100352x16xf32, #tpu.memory_space<vmem_shared>> -> memref<128x16xf32, #tpu.memory_space<vmem_shared>>
    %dma_start3A_204 = arith.constant 0 : i32
    %dma_start3A_205 = tpu.memref_slice %arg14[%add3A_201, %dma_start3A_204] : memref<100352x16xf32, #tpu.memory_space<vmem_shared>> -> memref<128x16xf32, #tpu.memory_space<vmem_shared>>
    tpu.enqueue_dma source(%arg13 : memref<128x16xf32, #tpu.memory_space<vmem>>) target(%dma_start3A_205 : memref<128x16xf32, #tpu.memory_space<vmem_shared>>) target_semaphore(%arg16 : memref<!tpu.dma_semaphore, #tpu.memory_space<semaphore_mem>>)
    %add3A_206 = arith.constant 4224 : i32
    %add3A_207 = arith.addi %mul3A_8, %add3A_206 : i32
    %dma_start3A_208 = arith.constant 0 : i32
    %dma_start3A_209 = tpu.memref_slice %arg14[%add3A_207, %dma_start3A_208] : memref<100352x16xf32, #tpu.memory_space<vmem_shared>> -> memref<128x16xf32, #tpu.memory_space<vmem_shared>>
    %dma_start3A_210 = arith.constant 0 : i32
    %dma_start3A_211 = tpu.memref_slice %arg14[%add3A_207, %dma_start3A_210] : memref<100352x16xf32, #tpu.memory_space<vmem_shared>> -> memref<128x16xf32, #tpu.memory_space<vmem_shared>>
    tpu.enqueue_dma source(%arg13 : memref<128x16xf32, #tpu.memory_space<vmem>>) target(%dma_start3A_211 : memref<128x16xf32, #tpu.memory_space<vmem_shared>>) target_semaphore(%arg16 : memref<!tpu.dma_semaphore, #tpu.memory_space<semaphore_mem>>)
    %add3A_212 = arith.constant 4352 : i32
    %add3A_213 = arith.addi %mul3A_8, %add3A_212 : i32
    %dma_start3A_214 = arith.constant 0 : i32
    %dma_start3A_215 = tpu.memref_slice %arg14[%add3A_213, %dma_start3A_214] : memref<100352x16xf32, #tpu.memory_space<vmem_shared>> -> memref<128x16xf32, #tpu.memory_space<vmem_shared>>
    %dma_start3A_216 = arith.constant 0 : i32
    %dma_start3A_217 = tpu.memref_slice %arg14[%add3A_213, %dma_start3A_216] : memref<100352x16xf32, #tpu.memory_space<vmem_shared>> -> memref<128x16xf32, #tpu.memory_space<vmem_shared>>
    tpu.enqueue_dma source(%arg13 : memref<128x16xf32, #tpu.memory_space<vmem>>) target(%dma_start3A_217 : memref<128x16xf32, #tpu.memory_space<vmem_shared>>) target_semaphore(%arg16 : memref<!tpu.dma_semaphore, #tpu.memory_space<semaphore_mem>>)
    %add3A_218 = arith.constant 4480 : i32
    %add3A_219 = arith.addi %mul3A_8, %add3A_218 : i32
    %dma_start3A_220 = arith.constant 0 : i32
    %dma_start3A_221 = tpu.memref_slice %arg14[%add3A_219, %dma_start3A_220] : memref<100352x16xf32, #tpu.memory_space<vmem_shared>> -> memref<128x16xf32, #tpu.memory_space<vmem_shared>>
    %dma_start3A_222 = arith.constant 0 : i32
    %dma_start3A_223 = tpu.memref_slice %arg14[%add3A_219, %dma_start3A_222] : memref<100352x16xf32, #tpu.memory_space<vmem_shared>> -> memref<128x16xf32, #tpu.memory_space<vmem_shared>>
    tpu.enqueue_dma source(%arg13 : memref<128x16xf32, #tpu.memory_space<vmem>>) target(%dma_start3A_223 : memref<128x16xf32, #tpu.memory_space<vmem_shared>>) target_semaphore(%arg16 : memref<!tpu.dma_semaphore, #tpu.memory_space<semaphore_mem>>)
    %add3A_224 = arith.constant 4608 : i32
    %add3A_225 = arith.addi %mul3A_8, %add3A_224 : i32
    %dma_start3A_226 = arith.constant 0 : i32
    %dma_start3A_227 = tpu.memref_slice %arg14[%add3A_225, %dma_start3A_226] : memref<100352x16xf32, #tpu.memory_space<vmem_shared>> -> memref<128x16xf32, #tpu.memory_space<vmem_shared>>
    %dma_start3A_228 = arith.constant 0 : i32
    %dma_start3A_229 = tpu.memref_slice %arg14[%add3A_225, %dma_start3A_228] : memref<100352x16xf32, #tpu.memory_space<vmem_shared>> -> memref<128x16xf32, #tpu.memory_space<vmem_shared>>
    tpu.enqueue_dma source(%arg13 : memref<128x16xf32, #tpu.memory_space<vmem>>) target(%dma_start3A_229 : memref<128x16xf32, #tpu.memory_space<vmem_shared>>) target_semaphore(%arg16 : memref<!tpu.dma_semaphore, #tpu.memory_space<semaphore_mem>>)
    %add3A_230 = arith.constant 4736 : i32
    %add3A_231 = arith.addi %mul3A_8, %add3A_230 : i32
    %dma_start3A_232 = arith.constant 0 : i32
    %dma_start3A_233 = tpu.memref_slice %arg14[%add3A_231, %dma_start3A_232] : memref<100352x16xf32, #tpu.memory_space<vmem_shared>> -> memref<128x16xf32, #tpu.memory_space<vmem_shared>>
    %dma_start3A_234 = arith.constant 0 : i32
    %dma_start3A_235 = tpu.memref_slice %arg14[%add3A_231, %dma_start3A_234] : memref<100352x16xf32, #tpu.memory_space<vmem_shared>> -> memref<128x16xf32, #tpu.memory_space<vmem_shared>>
    tpu.enqueue_dma source(%arg13 : memref<128x16xf32, #tpu.memory_space<vmem>>) target(%dma_start3A_235 : memref<128x16xf32, #tpu.memory_space<vmem_shared>>) target_semaphore(%arg16 : memref<!tpu.dma_semaphore, #tpu.memory_space<semaphore_mem>>)
    %add3A_236 = arith.constant 4864 : i32
    %add3A_237 = arith.addi %mul3A_8, %add3A_236 : i32
    %dma_start3A_238 = arith.constant 0 : i32
    %dma_start3A_239 = tpu.memref_slice %arg14[%add3A_237, %dma_start3A_238] : memref<100352x16xf32, #tpu.memory_space<vmem_shared>> -> memref<128x16xf32, #tpu.memory_space<vmem_shared>>
    %dma_start3A_240 = arith.constant 0 : i32
    %dma_start3A_241 = tpu.memref_slice %arg14[%add3A_237, %dma_start3A_240] : memref<100352x16xf32, #tpu.memory_space<vmem_shared>> -> memref<128x16xf32, #tpu.memory_space<vmem_shared>>
    tpu.enqueue_dma source(%arg13 : memref<128x16xf32, #tpu.memory_space<vmem>>) target(%dma_start3A_241 : memref<128x16xf32, #tpu.memory_space<vmem_shared>>) target_semaphore(%arg16 : memref<!tpu.dma_semaphore, #tpu.memory_space<semaphore_mem>>)
    %add3A_242 = arith.constant 4992 : i32
    %add3A_243 = arith.addi %mul3A_8, %add3A_242 : i32
    %dma_start3A_244 = arith.constant 0 : i32
    %dma_start3A_245 = tpu.memref_slice %arg14[%add3A_243, %dma_start3A_244] : memref<100352x16xf32, #tpu.memory_space<vmem_shared>> -> memref<128x16xf32, #tpu.memory_space<vmem_shared>>
    %dma_start3A_246 = arith.constant 0 : i32
    %dma_start3A_247 = tpu.memref_slice %arg14[%add3A_243, %dma_start3A_246] : memref<100352x16xf32, #tpu.memory_space<vmem_shared>> -> memref<128x16xf32, #tpu.memory_space<vmem_shared>>
    tpu.enqueue_dma source(%arg13 : memref<128x16xf32, #tpu.memory_space<vmem>>) target(%dma_start3A_247 : memref<128x16xf32, #tpu.memory_space<vmem_shared>>) target_semaphore(%arg16 : memref<!tpu.dma_semaphore, #tpu.memory_space<semaphore_mem>>)
    %add3A_248 = arith.constant 5120 : i32
    %add3A_249 = arith.addi %mul3A_8, %add3A_248 : i32
    %dma_start3A_250 = arith.constant 0 : i32
    %dma_start3A_251 = tpu.memref_slice %arg14[%add3A_249, %dma_start3A_250] : memref<100352x16xf32, #tpu.memory_space<vmem_shared>> -> memref<128x16xf32, #tpu.memory_space<vmem_shared>>
    %dma_start3A_252 = arith.constant 0 : i32
    %dma_start3A_253 = tpu.memref_slice %arg14[%add3A_249, %dma_start3A_252] : memref<100352x16xf32, #tpu.memory_space<vmem_shared>> -> memref<128x16xf32, #tpu.memory_space<vmem_shared>>
    tpu.enqueue_dma source(%arg13 : memref<128x16xf32, #tpu.memory_space<vmem>>) target(%dma_start3A_253 : memref<128x16xf32, #tpu.memory_space<vmem_shared>>) target_semaphore(%arg16 : memref<!tpu.dma_semaphore, #tpu.memory_space<semaphore_mem>>)
    %add3A_254 = arith.constant 5248 : i32
    %add3A_255 = arith.addi %mul3A_8, %add3A_254 : i32
    %dma_start3A_256 = arith.constant 0 : i32
    %dma_start3A_257 = tpu.memref_slice %arg14[%add3A_255, %dma_start3A_256] : memref<100352x16xf32, #tpu.memory_space<vmem_shared>> -> memref<128x16xf32, #tpu.memory_space<vmem_shared>>
    %dma_start3A_258 = arith.constant 0 : i32
    %dma_start3A_259 = tpu.memref_slice %arg14[%add3A_255, %dma_start3A_258] : memref<100352x16xf32, #tpu.memory_space<vmem_shared>> -> memref<128x16xf32, #tpu.memory_space<vmem_shared>>
    tpu.enqueue_dma source(%arg13 : memref<128x16xf32, #tpu.memory_space<vmem>>) target(%dma_start3A_259 : memref<128x16xf32, #tpu.memory_space<vmem_shared>>) target_semaphore(%arg16 : memref<!tpu.dma_semaphore, #tpu.memory_space<semaphore_mem>>)
    %add3A_260 = arith.constant 5376 : i32
    %add3A_261 = arith.addi %mul3A_8, %add3A_260 : i32
    %dma_start3A_262 = arith.constant 0 : i32
    %dma_start3A_263 = tpu.memref_slice %arg14[%add3A_261, %dma_start3A_262] : memref<100352x16xf32, #tpu.memory_space<vmem_shared>> -> memref<128x16xf32, #tpu.memory_space<vmem_shared>>
    %dma_start3A_264 = arith.constant 0 : i32
    %dma_start3A_265 = tpu.memref_slice %arg14[%add3A_261, %dma_start3A_264] : memref<100352x16xf32, #tpu.memory_space<vmem_shared>> -> memref<128x16xf32, #tpu.memory_space<vmem_shared>>
    tpu.enqueue_dma source(%arg13 : memref<128x16xf32, #tpu.memory_space<vmem>>) target(%dma_start3A_265 : memref<128x16xf32, #tpu.memory_space<vmem_shared>>) target_semaphore(%arg16 : memref<!tpu.dma_semaphore, #tpu.memory_space<semaphore_mem>>)
    %add3A_266 = arith.constant 5504 : i32
    %add3A_267 = arith.addi %mul3A_8, %add3A_266 : i32
    %dma_start3A_268 = arith.constant 0 : i32
    %dma_start3A_269 = tpu.memref_slice %arg14[%add3A_267, %dma_start3A_268] : memref<100352x16xf32, #tpu.memory_space<vmem_shared>> -> memref<128x16xf32, #tpu.memory_space<vmem_shared>>
    %dma_start3A_270 = arith.constant 0 : i32
    %dma_start3A_271 = tpu.memref_slice %arg14[%add3A_267, %dma_start3A_270] : memref<100352x16xf32, #tpu.memory_space<vmem_shared>> -> memref<128x16xf32, #tpu.memory_space<vmem_shared>>
    tpu.enqueue_dma source(%arg13 : memref<128x16xf32, #tpu.memory_space<vmem>>) target(%dma_start3A_271 : memref<128x16xf32, #tpu.memory_space<vmem_shared>>) target_semaphore(%arg16 : memref<!tpu.dma_semaphore, #tpu.memory_space<semaphore_mem>>)
    %add3A_272 = arith.constant 5632 : i32
    %add3A_273 = arith.addi %mul3A_8, %add3A_272 : i32
    %dma_start3A_274 = arith.constant 0 : i32
    %dma_start3A_275 = tpu.memref_slice %arg14[%add3A_273, %dma_start3A_274] : memref<100352x16xf32, #tpu.memory_space<vmem_shared>> -> memref<128x16xf32, #tpu.memory_space<vmem_shared>>
    %dma_start3A_276 = arith.constant 0 : i32
    %dma_start3A_277 = tpu.memref_slice %arg14[%add3A_273, %dma_start3A_276] : memref<100352x16xf32, #tpu.memory_space<vmem_shared>> -> memref<128x16xf32, #tpu.memory_space<vmem_shared>>
    tpu.enqueue_dma source(%arg13 : memref<128x16xf32, #tpu.memory_space<vmem>>) target(%dma_start3A_277 : memref<128x16xf32, #tpu.memory_space<vmem_shared>>) target_semaphore(%arg16 : memref<!tpu.dma_semaphore, #tpu.memory_space<semaphore_mem>>)
    %add3A_278 = arith.constant 5760 : i32
    %add3A_279 = arith.addi %mul3A_8, %add3A_278 : i32
    %dma_start3A_280 = arith.constant 0 : i32
    %dma_start3A_281 = tpu.memref_slice %arg14[%add3A_279, %dma_start3A_280] : memref<100352x16xf32, #tpu.memory_space<vmem_shared>> -> memref<128x16xf32, #tpu.memory_space<vmem_shared>>
    %dma_start3A_282 = arith.constant 0 : i32
    %dma_start3A_283 = tpu.memref_slice %arg14[%add3A_279, %dma_start3A_282] : memref<100352x16xf32, #tpu.memory_space<vmem_shared>> -> memref<128x16xf32, #tpu.memory_space<vmem_shared>>
    tpu.enqueue_dma source(%arg13 : memref<128x16xf32, #tpu.memory_space<vmem>>) target(%dma_start3A_283 : memref<128x16xf32, #tpu.memory_space<vmem_shared>>) target_semaphore(%arg16 : memref<!tpu.dma_semaphore, #tpu.memory_space<semaphore_mem>>)
    %add3A_284 = arith.constant 5888 : i32
    %add3A_285 = arith.addi %mul3A_8, %add3A_284 : i32
    %dma_start3A_286 = arith.constant 0 : i32
    %dma_start3A_287 = tpu.memref_slice %arg14[%add3A_285, %dma_start3A_286] : memref<100352x16xf32, #tpu.memory_space<vmem_shared>> -> memref<128x16xf32, #tpu.memory_space<vmem_shared>>
    %dma_start3A_288 = arith.constant 0 : i32
    %dma_start3A_289 = tpu.memref_slice %arg14[%add3A_285, %dma_start3A_288] : memref<100352x16xf32, #tpu.memory_space<vmem_shared>> -> memref<128x16xf32, #tpu.memory_space<vmem_shared>>
    tpu.enqueue_dma source(%arg13 : memref<128x16xf32, #tpu.memory_space<vmem>>) target(%dma_start3A_289 : memref<128x16xf32, #tpu.memory_space<vmem_shared>>) target_semaphore(%arg16 : memref<!tpu.dma_semaphore, #tpu.memory_space<semaphore_mem>>)
    %add3A_290 = arith.constant 6016 : i32
    %add3A_291 = arith.addi %mul3A_8, %add3A_290 : i32
    %dma_start3A_292 = arith.constant 0 : i32
    %dma_start3A_293 = tpu.memref_slice %arg14[%add3A_291, %dma_start3A_292] : memref<100352x16xf32, #tpu.memory_space<vmem_shared>> -> memref<128x16xf32, #tpu.memory_space<vmem_shared>>
    %dma_start3A_294 = arith.constant 0 : i32
    %dma_start3A_295 = tpu.memref_slice %arg14[%add3A_291, %dma_start3A_294] : memref<100352x16xf32, #tpu.memory_space<vmem_shared>> -> memref<128x16xf32, #tpu.memory_space<vmem_shared>>
    tpu.enqueue_dma source(%arg13 : memref<128x16xf32, #tpu.memory_space<vmem>>) target(%dma_start3A_295 : memref<128x16xf32, #tpu.memory_space<vmem_shared>>) target_semaphore(%arg16 : memref<!tpu.dma_semaphore, #tpu.memory_space<semaphore_mem>>)
    %add3A_296 = arith.constant 6144 : i32
    %add3A_297 = arith.addi %mul3A_8, %add3A_296 : i32
    %dma_start3A_298 = arith.constant 0 : i32
    %dma_start3A_299 = tpu.memref_slice %arg14[%add3A_297, %dma_start3A_298] : memref<100352x16xf32, #tpu.memory_space<vmem_shared>> -> memref<128x16xf32, #tpu.memory_space<vmem_shared>>
    %dma_start3A_300 = arith.constant 0 : i32
    %dma_start3A_301 = tpu.memref_slice %arg14[%add3A_297, %dma_start3A_300] : memref<100352x16xf32, #tpu.memory_space<vmem_shared>> -> memref<128x16xf32, #tpu.memory_space<vmem_shared>>
    tpu.enqueue_dma source(%arg13 : memref<128x16xf32, #tpu.memory_space<vmem>>) target(%dma_start3A_301 : memref<128x16xf32, #tpu.memory_space<vmem_shared>>) target_semaphore(%arg16 : memref<!tpu.dma_semaphore, #tpu.memory_space<semaphore_mem>>)
    %dma_wait3A = arith.constant 0 : i32
    %dma_wait3A_302 = tpu.memref_slice %arg14[%add3A_10, %dma_wait3A] : memref<100352x16xf32, #tpu.memory_space<vmem_shared>> -> memref<128x16xf32, #tpu.memory_space<vmem_shared>>
    %dma_wait3A_303 = arith.constant 0 : i32
    %dma_wait3A_304 = tpu.memref_slice %arg14[%add3A_10, %dma_wait3A_303] : memref<100352x16xf32, #tpu.memory_space<vmem_shared>> -> memref<128x16xf32, #tpu.memory_space<vmem_shared>>
    tpu.wait_dma2 semaphore(%arg16 : memref<!tpu.dma_semaphore, #tpu.memory_space<semaphore_mem>>) src(%arg13 : memref<128x16xf32, #tpu.memory_space<vmem>>) dst(%dma_wait3A_304 : memref<128x16xf32, #tpu.memory_space<vmem_shared>>)
    %dma_wait3A_305 = arith.constant 0 : i32
    %dma_wait3A_306 = tpu.memref_slice %arg14[%add3A_15, %dma_wait3A_305] : memref<100352x16xf32, #tpu.memory_space<vmem_shared>> -> memref<128x16xf32, #tpu.memory_space<vmem_shared>>
    %dma_wait3A_307 = arith.constant 0 : i32
    %dma_wait3A_308 = tpu.memref_slice %arg14[%add3A_15, %dma_wait3A_307] : memref<100352x16xf32, #tpu.memory_space<vmem_shared>> -> memref<128x16xf32, #tpu.memory_space<vmem_shared>>
    tpu.wait_dma2 semaphore(%arg16 : memref<!tpu.dma_semaphore, #tpu.memory_space<semaphore_mem>>) src(%arg13 : memref<128x16xf32, #tpu.memory_space<vmem>>) dst(%dma_wait3A_308 : memref<128x16xf32, #tpu.memory_space<vmem_shared>>)
    %dma_wait3A_309 = arith.constant 0 : i32
    %dma_wait3A_310 = tpu.memref_slice %arg14[%add3A_21, %dma_wait3A_309] : memref<100352x16xf32, #tpu.memory_space<vmem_shared>> -> memref<128x16xf32, #tpu.memory_space<vmem_shared>>
    %dma_wait3A_311 = arith.constant 0 : i32
    %dma_wait3A_312 = tpu.memref_slice %arg14[%add3A_21, %dma_wait3A_311] : memref<100352x16xf32, #tpu.memory_space<vmem_shared>> -> memref<128x16xf32, #tpu.memory_space<vmem_shared>>
    tpu.wait_dma2 semaphore(%arg16 : memref<!tpu.dma_semaphore, #tpu.memory_space<semaphore_mem>>) src(%arg13 : memref<128x16xf32, #tpu.memory_space<vmem>>) dst(%dma_wait3A_312 : memref<128x16xf32, #tpu.memory_space<vmem_shared>>)
    %dma_wait3A_313 = arith.constant 0 : i32
    %dma_wait3A_314 = tpu.memref_slice %arg14[%add3A_27, %dma_wait3A_313] : memref<100352x16xf32, #tpu.memory_space<vmem_shared>> -> memref<128x16xf32, #tpu.memory_space<vmem_shared>>
    %dma_wait3A_315 = arith.constant 0 : i32
    %dma_wait3A_316 = tpu.memref_slice %arg14[%add3A_27, %dma_wait3A_315] : memref<100352x16xf32, #tpu.memory_space<vmem_shared>> -> memref<128x16xf32, #tpu.memory_space<vmem_shared>>
    tpu.wait_dma2 semaphore(%arg16 : memref<!tpu.dma_semaphore, #tpu.memory_space<semaphore_mem>>) src(%arg13 : memref<128x16xf32, #tpu.memory_space<vmem>>) dst(%dma_wait3A_316 : memref<128x16xf32, #tpu.memory_space<vmem_shared>>)
    %dma_wait3A_317 = arith.constant 0 : i32
    %dma_wait3A_318 = tpu.memref_slice %arg14[%add3A_33, %dma_wait3A_317] : memref<100352x16xf32, #tpu.memory_space<vmem_shared>> -> memref<128x16xf32, #tpu.memory_space<vmem_shared>>
    %dma_wait3A_319 = arith.constant 0 : i32
    %dma_wait3A_320 = tpu.memref_slice %arg14[%add3A_33, %dma_wait3A_319] : memref<100352x16xf32, #tpu.memory_space<vmem_shared>> -> memref<128x16xf32, #tpu.memory_space<vmem_shared>>
    tpu.wait_dma2 semaphore(%arg16 : memref<!tpu.dma_semaphore, #tpu.memory_space<semaphore_mem>>) src(%arg13 : memref<128x16xf32, #tpu.memory_space<vmem>>) dst(%dma_wait3A_320 : memref<128x16xf32, #tpu.memory_space<vmem_shared>>)
    %dma_wait3A_321 = arith.constant 0 : i32
    %dma_wait3A_322 = tpu.memref_slice %arg14[%add3A_39, %dma_wait3A_321] : memref<100352x16xf32, #tpu.memory_space<vmem_shared>> -> memref<128x16xf32, #tpu.memory_space<vmem_shared>>
    %dma_wait3A_323 = arith.constant 0 : i32
    %dma_wait3A_324 = tpu.memref_slice %arg14[%add3A_39, %dma_wait3A_323] : memref<100352x16xf32, #tpu.memory_space<vmem_shared>> -> memref<128x16xf32, #tpu.memory_space<vmem_shared>>
    tpu.wait_dma2 semaphore(%arg16 : memref<!tpu.dma_semaphore, #tpu.memory_space<semaphore_mem>>) src(%arg13 : memref<128x16xf32, #tpu.memory_space<vmem>>) dst(%dma_wait3A_324 : memref<128x16xf32, #tpu.memory_space<vmem_shared>>)
    %dma_wait3A_325 = arith.constant 0 : i32
    %dma_wait3A_326 = tpu.memref_slice %arg14[%add3A_45, %dma_wait3A_325] : memref<100352x16xf32, #tpu.memory_space<vmem_shared>> -> memref<128x16xf32, #tpu.memory_space<vmem_shared>>
    %dma_wait3A_327 = arith.constant 0 : i32
    %dma_wait3A_328 = tpu.memref_slice %arg14[%add3A_45, %dma_wait3A_327] : memref<100352x16xf32, #tpu.memory_space<vmem_shared>> -> memref<128x16xf32, #tpu.memory_space<vmem_shared>>
    tpu.wait_dma2 semaphore(%arg16 : memref<!tpu.dma_semaphore, #tpu.memory_space<semaphore_mem>>) src(%arg13 : memref<128x16xf32, #tpu.memory_space<vmem>>) dst(%dma_wait3A_328 : memref<128x16xf32, #tpu.memory_space<vmem_shared>>)
    %dma_wait3A_329 = arith.constant 0 : i32
    %dma_wait3A_330 = tpu.memref_slice %arg14[%add3A_51, %dma_wait3A_329] : memref<100352x16xf32, #tpu.memory_space<vmem_shared>> -> memref<128x16xf32, #tpu.memory_space<vmem_shared>>
    %dma_wait3A_331 = arith.constant 0 : i32
    %dma_wait3A_332 = tpu.memref_slice %arg14[%add3A_51, %dma_wait3A_331] : memref<100352x16xf32, #tpu.memory_space<vmem_shared>> -> memref<128x16xf32, #tpu.memory_space<vmem_shared>>
    tpu.wait_dma2 semaphore(%arg16 : memref<!tpu.dma_semaphore, #tpu.memory_space<semaphore_mem>>) src(%arg13 : memref<128x16xf32, #tpu.memory_space<vmem>>) dst(%dma_wait3A_332 : memref<128x16xf32, #tpu.memory_space<vmem_shared>>)
    %dma_wait3A_333 = arith.constant 0 : i32
    %dma_wait3A_334 = tpu.memref_slice %arg14[%add3A_57, %dma_wait3A_333] : memref<100352x16xf32, #tpu.memory_space<vmem_shared>> -> memref<128x16xf32, #tpu.memory_space<vmem_shared>>
    %dma_wait3A_335 = arith.constant 0 : i32
    %dma_wait3A_336 = tpu.memref_slice %arg14[%add3A_57, %dma_wait3A_335] : memref<100352x16xf32, #tpu.memory_space<vmem_shared>> -> memref<128x16xf32, #tpu.memory_space<vmem_shared>>
    tpu.wait_dma2 semaphore(%arg16 : memref<!tpu.dma_semaphore, #tpu.memory_space<semaphore_mem>>) src(%arg13 : memref<128x16xf32, #tpu.memory_space<vmem>>) dst(%dma_wait3A_336 : memref<128x16xf32, #tpu.memory_space<vmem_shared>>)
    %dma_wait3A_337 = arith.constant 0 : i32
    %dma_wait3A_338 = tpu.memref_slice %arg14[%add3A_63, %dma_wait3A_337] : memref<100352x16xf32, #tpu.memory_space<vmem_shared>> -> memref<128x16xf32, #tpu.memory_space<vmem_shared>>
    %dma_wait3A_339 = arith.constant 0 : i32
    %dma_wait3A_340 = tpu.memref_slice %arg14[%add3A_63, %dma_wait3A_339] : memref<100352x16xf32, #tpu.memory_space<vmem_shared>> -> memref<128x16xf32, #tpu.memory_space<vmem_shared>>
    tpu.wait_dma2 semaphore(%arg16 : memref<!tpu.dma_semaphore, #tpu.memory_space<semaphore_mem>>) src(%arg13 : memref<128x16xf32, #tpu.memory_space<vmem>>) dst(%dma_wait3A_340 : memref<128x16xf32, #tpu.memory_space<vmem_shared>>)
    %dma_wait3A_341 = arith.constant 0 : i32
    %dma_wait3A_342 = tpu.memref_slice %arg14[%add3A_69, %dma_wait3A_341] : memref<100352x16xf32, #tpu.memory_space<vmem_shared>> -> memref<128x16xf32, #tpu.memory_space<vmem_shared>>
    %dma_wait3A_343 = arith.constant 0 : i32
    %dma_wait3A_344 = tpu.memref_slice %arg14[%add3A_69, %dma_wait3A_343] : memref<100352x16xf32, #tpu.memory_space<vmem_shared>> -> memref<128x16xf32, #tpu.memory_space<vmem_shared>>
    tpu.wait_dma2 semaphore(%arg16 : memref<!tpu.dma_semaphore, #tpu.memory_space<semaphore_mem>>) src(%arg13 : memref<128x16xf32, #tpu.memory_space<vmem>>) dst(%dma_wait3A_344 : memref<128x16xf32, #tpu.memory_space<vmem_shared>>)
    %dma_wait3A_345 = arith.constant 0 : i32
    %dma_wait3A_346 = tpu.memref_slice %arg14[%add3A_75, %dma_wait3A_345] : memref<100352x16xf32, #tpu.memory_space<vmem_shared>> -> memref<128x16xf32, #tpu.memory_space<vmem_shared>>
    %dma_wait3A_347 = arith.constant 0 : i32
    %dma_wait3A_348 = tpu.memref_slice %arg14[%add3A_75, %dma_wait3A_347] : memref<100352x16xf32, #tpu.memory_space<vmem_shared>> -> memref<128x16xf32, #tpu.memory_space<vmem_shared>>
    tpu.wait_dma2 semaphore(%arg16 : memref<!tpu.dma_semaphore, #tpu.memory_space<semaphore_mem>>) src(%arg13 : memref<128x16xf32, #tpu.memory_space<vmem>>) dst(%dma_wait3A_348 : memref<128x16xf32, #tpu.memory_space<vmem_shared>>)
    %dma_wait3A_349 = arith.constant 0 : i32
    %dma_wait3A_350 = tpu.memref_slice %arg14[%add3A_81, %dma_wait3A_349] : memref<100352x16xf32, #tpu.memory_space<vmem_shared>> -> memref<128x16xf32, #tpu.memory_space<vmem_shared>>
    %dma_wait3A_351 = arith.constant 0 : i32
    %dma_wait3A_352 = tpu.memref_slice %arg14[%add3A_81, %dma_wait3A_351] : memref<100352x16xf32, #tpu.memory_space<vmem_shared>> -> memref<128x16xf32, #tpu.memory_space<vmem_shared>>
    tpu.wait_dma2 semaphore(%arg16 : memref<!tpu.dma_semaphore, #tpu.memory_space<semaphore_mem>>) src(%arg13 : memref<128x16xf32, #tpu.memory_space<vmem>>) dst(%dma_wait3A_352 : memref<128x16xf32, #tpu.memory_space<vmem_shared>>)
    %dma_wait3A_353 = arith.constant 0 : i32
    %dma_wait3A_354 = tpu.memref_slice %arg14[%add3A_87, %dma_wait3A_353] : memref<100352x16xf32, #tpu.memory_space<vmem_shared>> -> memref<128x16xf32, #tpu.memory_space<vmem_shared>>
    %dma_wait3A_355 = arith.constant 0 : i32
    %dma_wait3A_356 = tpu.memref_slice %arg14[%add3A_87, %dma_wait3A_355] : memref<100352x16xf32, #tpu.memory_space<vmem_shared>> -> memref<128x16xf32, #tpu.memory_space<vmem_shared>>
    tpu.wait_dma2 semaphore(%arg16 : memref<!tpu.dma_semaphore, #tpu.memory_space<semaphore_mem>>) src(%arg13 : memref<128x16xf32, #tpu.memory_space<vmem>>) dst(%dma_wait3A_356 : memref<128x16xf32, #tpu.memory_space<vmem_shared>>)
    %dma_wait3A_357 = arith.constant 0 : i32
    %dma_wait3A_358 = tpu.memref_slice %arg14[%add3A_93, %dma_wait3A_357] : memref<100352x16xf32, #tpu.memory_space<vmem_shared>> -> memref<128x16xf32, #tpu.memory_space<vmem_shared>>
    %dma_wait3A_359 = arith.constant 0 : i32
    %dma_wait3A_360 = tpu.memref_slice %arg14[%add3A_93, %dma_wait3A_359] : memref<100352x16xf32, #tpu.memory_space<vmem_shared>> -> memref<128x16xf32, #tpu.memory_space<vmem_shared>>
    tpu.wait_dma2 semaphore(%arg16 : memref<!tpu.dma_semaphore, #tpu.memory_space<semaphore_mem>>) src(%arg13 : memref<128x16xf32, #tpu.memory_space<vmem>>) dst(%dma_wait3A_360 : memref<128x16xf32, #tpu.memory_space<vmem_shared>>)
    %dma_wait3A_361 = arith.constant 0 : i32
    %dma_wait3A_362 = tpu.memref_slice %arg14[%add3A_99, %dma_wait3A_361] : memref<100352x16xf32, #tpu.memory_space<vmem_shared>> -> memref<128x16xf32, #tpu.memory_space<vmem_shared>>
    %dma_wait3A_363 = arith.constant 0 : i32
    %dma_wait3A_364 = tpu.memref_slice %arg14[%add3A_99, %dma_wait3A_363] : memref<100352x16xf32, #tpu.memory_space<vmem_shared>> -> memref<128x16xf32, #tpu.memory_space<vmem_shared>>
    tpu.wait_dma2 semaphore(%arg16 : memref<!tpu.dma_semaphore, #tpu.memory_space<semaphore_mem>>) src(%arg13 : memref<128x16xf32, #tpu.memory_space<vmem>>) dst(%dma_wait3A_364 : memref<128x16xf32, #tpu.memory_space<vmem_shared>>)
    %dma_wait3A_365 = arith.constant 0 : i32
    %dma_wait3A_366 = tpu.memref_slice %arg14[%add3A_105, %dma_wait3A_365] : memref<100352x16xf32, #tpu.memory_space<vmem_shared>> -> memref<128x16xf32, #tpu.memory_space<vmem_shared>>
    %dma_wait3A_367 = arith.constant 0 : i32
    %dma_wait3A_368 = tpu.memref_slice %arg14[%add3A_105, %dma_wait3A_367] : memref<100352x16xf32, #tpu.memory_space<vmem_shared>> -> memref<128x16xf32, #tpu.memory_space<vmem_shared>>
    tpu.wait_dma2 semaphore(%arg16 : memref<!tpu.dma_semaphore, #tpu.memory_space<semaphore_mem>>) src(%arg13 : memref<128x16xf32, #tpu.memory_space<vmem>>) dst(%dma_wait3A_368 : memref<128x16xf32, #tpu.memory_space<vmem_shared>>)
    %dma_wait3A_369 = arith.constant 0 : i32
    %dma_wait3A_370 = tpu.memref_slice %arg14[%add3A_111, %dma_wait3A_369] : memref<100352x16xf32, #tpu.memory_space<vmem_shared>> -> memref<128x16xf32, #tpu.memory_space<vmem_shared>>
    %dma_wait3A_371 = arith.constant 0 : i32
    %dma_wait3A_372 = tpu.memref_slice %arg14[%add3A_111, %dma_wait3A_371] : memref<100352x16xf32, #tpu.memory_space<vmem_shared>> -> memref<128x16xf32, #tpu.memory_space<vmem_shared>>
    tpu.wait_dma2 semaphore(%arg16 : memref<!tpu.dma_semaphore, #tpu.memory_space<semaphore_mem>>) src(%arg13 : memref<128x16xf32, #tpu.memory_space<vmem>>) dst(%dma_wait3A_372 : memref<128x16xf32, #tpu.memory_space<vmem_shared>>)
    %dma_wait3A_373 = arith.constant 0 : i32
    %dma_wait3A_374 = tpu.memref_slice %arg14[%add3A_117, %dma_wait3A_373] : memref<100352x16xf32, #tpu.memory_space<vmem_shared>> -> memref<128x16xf32, #tpu.memory_space<vmem_shared>>
    %dma_wait3A_375 = arith.constant 0 : i32
    %dma_wait3A_376 = tpu.memref_slice %arg14[%add3A_117, %dma_wait3A_375] : memref<100352x16xf32, #tpu.memory_space<vmem_shared>> -> memref<128x16xf32, #tpu.memory_space<vmem_shared>>
    tpu.wait_dma2 semaphore(%arg16 : memref<!tpu.dma_semaphore, #tpu.memory_space<semaphore_mem>>) src(%arg13 : memref<128x16xf32, #tpu.memory_space<vmem>>) dst(%dma_wait3A_376 : memref<128x16xf32, #tpu.memory_space<vmem_shared>>)
    %dma_wait3A_377 = arith.constant 0 : i32
    %dma_wait3A_378 = tpu.memref_slice %arg14[%add3A_123, %dma_wait3A_377] : memref<100352x16xf32, #tpu.memory_space<vmem_shared>> -> memref<128x16xf32, #tpu.memory_space<vmem_shared>>
    %dma_wait3A_379 = arith.constant 0 : i32
    %dma_wait3A_380 = tpu.memref_slice %arg14[%add3A_123, %dma_wait3A_379] : memref<100352x16xf32, #tpu.memory_space<vmem_shared>> -> memref<128x16xf32, #tpu.memory_space<vmem_shared>>
    tpu.wait_dma2 semaphore(%arg16 : memref<!tpu.dma_semaphore, #tpu.memory_space<semaphore_mem>>) src(%arg13 : memref<128x16xf32, #tpu.memory_space<vmem>>) dst(%dma_wait3A_380 : memref<128x16xf32, #tpu.memory_space<vmem_shared>>)
    %dma_wait3A_381 = arith.constant 0 : i32
    %dma_wait3A_382 = tpu.memref_slice %arg14[%add3A_129, %dma_wait3A_381] : memref<100352x16xf32, #tpu.memory_space<vmem_shared>> -> memref<128x16xf32, #tpu.memory_space<vmem_shared>>
    %dma_wait3A_383 = arith.constant 0 : i32
    %dma_wait3A_384 = tpu.memref_slice %arg14[%add3A_129, %dma_wait3A_383] : memref<100352x16xf32, #tpu.memory_space<vmem_shared>> -> memref<128x16xf32, #tpu.memory_space<vmem_shared>>
    tpu.wait_dma2 semaphore(%arg16 : memref<!tpu.dma_semaphore, #tpu.memory_space<semaphore_mem>>) src(%arg13 : memref<128x16xf32, #tpu.memory_space<vmem>>) dst(%dma_wait3A_384 : memref<128x16xf32, #tpu.memory_space<vmem_shared>>)
    %dma_wait3A_385 = arith.constant 0 : i32
    %dma_wait3A_386 = tpu.memref_slice %arg14[%add3A_135, %dma_wait3A_385] : memref<100352x16xf32, #tpu.memory_space<vmem_shared>> -> memref<128x16xf32, #tpu.memory_space<vmem_shared>>
    %dma_wait3A_387 = arith.constant 0 : i32
    %dma_wait3A_388 = tpu.memref_slice %arg14[%add3A_135, %dma_wait3A_387] : memref<100352x16xf32, #tpu.memory_space<vmem_shared>> -> memref<128x16xf32, #tpu.memory_space<vmem_shared>>
    tpu.wait_dma2 semaphore(%arg16 : memref<!tpu.dma_semaphore, #tpu.memory_space<semaphore_mem>>) src(%arg13 : memref<128x16xf32, #tpu.memory_space<vmem>>) dst(%dma_wait3A_388 : memref<128x16xf32, #tpu.memory_space<vmem_shared>>)
    %dma_wait3A_389 = arith.constant 0 : i32
    %dma_wait3A_390 = tpu.memref_slice %arg14[%add3A_141, %dma_wait3A_389] : memref<100352x16xf32, #tpu.memory_space<vmem_shared>> -> memref<128x16xf32, #tpu.memory_space<vmem_shared>>
    %dma_wait3A_391 = arith.constant 0 : i32
    %dma_wait3A_392 = tpu.memref_slice %arg14[%add3A_141, %dma_wait3A_391] : memref<100352x16xf32, #tpu.memory_space<vmem_shared>> -> memref<128x16xf32, #tpu.memory_space<vmem_shared>>
    tpu.wait_dma2 semaphore(%arg16 : memref<!tpu.dma_semaphore, #tpu.memory_space<semaphore_mem>>) src(%arg13 : memref<128x16xf32, #tpu.memory_space<vmem>>) dst(%dma_wait3A_392 : memref<128x16xf32, #tpu.memory_space<vmem_shared>>)
    %dma_wait3A_393 = arith.constant 0 : i32
    %dma_wait3A_394 = tpu.memref_slice %arg14[%add3A_147, %dma_wait3A_393] : memref<100352x16xf32, #tpu.memory_space<vmem_shared>> -> memref<128x16xf32, #tpu.memory_space<vmem_shared>>
    %dma_wait3A_395 = arith.constant 0 : i32
    %dma_wait3A_396 = tpu.memref_slice %arg14[%add3A_147, %dma_wait3A_395] : memref<100352x16xf32, #tpu.memory_space<vmem_shared>> -> memref<128x16xf32, #tpu.memory_space<vmem_shared>>
    tpu.wait_dma2 semaphore(%arg16 : memref<!tpu.dma_semaphore, #tpu.memory_space<semaphore_mem>>) src(%arg13 : memref<128x16xf32, #tpu.memory_space<vmem>>) dst(%dma_wait3A_396 : memref<128x16xf32, #tpu.memory_space<vmem_shared>>)
    %dma_wait3A_397 = arith.constant 0 : i32
    %dma_wait3A_398 = tpu.memref_slice %arg14[%add3A_153, %dma_wait3A_397] : memref<100352x16xf32, #tpu.memory_space<vmem_shared>> -> memref<128x16xf32, #tpu.memory_space<vmem_shared>>
    %dma_wait3A_399 = arith.constant 0 : i32
    %dma_wait3A_400 = tpu.memref_slice %arg14[%add3A_153, %dma_wait3A_399] : memref<100352x16xf32, #tpu.memory_space<vmem_shared>> -> memref<128x16xf32, #tpu.memory_space<vmem_shared>>
    tpu.wait_dma2 semaphore(%arg16 : memref<!tpu.dma_semaphore, #tpu.memory_space<semaphore_mem>>) src(%arg13 : memref<128x16xf32, #tpu.memory_space<vmem>>) dst(%dma_wait3A_400 : memref<128x16xf32, #tpu.memory_space<vmem_shared>>)
    %dma_wait3A_401 = arith.constant 0 : i32
    %dma_wait3A_402 = tpu.memref_slice %arg14[%add3A_159, %dma_wait3A_401] : memref<100352x16xf32, #tpu.memory_space<vmem_shared>> -> memref<128x16xf32, #tpu.memory_space<vmem_shared>>
    %dma_wait3A_403 = arith.constant 0 : i32
    %dma_wait3A_404 = tpu.memref_slice %arg14[%add3A_159, %dma_wait3A_403] : memref<100352x16xf32, #tpu.memory_space<vmem_shared>> -> memref<128x16xf32, #tpu.memory_space<vmem_shared>>
    tpu.wait_dma2 semaphore(%arg16 : memref<!tpu.dma_semaphore, #tpu.memory_space<semaphore_mem>>) src(%arg13 : memref<128x16xf32, #tpu.memory_space<vmem>>) dst(%dma_wait3A_404 : memref<128x16xf32, #tpu.memory_space<vmem_shared>>)
    %dma_wait3A_405 = arith.constant 0 : i32
    %dma_wait3A_406 = tpu.memref_slice %arg14[%add3A_165, %dma_wait3A_405] : memref<100352x16xf32, #tpu.memory_space<vmem_shared>> -> memref<128x16xf32, #tpu.memory_space<vmem_shared>>
    %dma_wait3A_407 = arith.constant 0 : i32
    %dma_wait3A_408 = tpu.memref_slice %arg14[%add3A_165, %dma_wait3A_407] : memref<100352x16xf32, #tpu.memory_space<vmem_shared>> -> memref<128x16xf32, #tpu.memory_space<vmem_shared>>
    tpu.wait_dma2 semaphore(%arg16 : memref<!tpu.dma_semaphore, #tpu.memory_space<semaphore_mem>>) src(%arg13 : memref<128x16xf32, #tpu.memory_space<vmem>>) dst(%dma_wait3A_408 : memref<128x16xf32, #tpu.memory_space<vmem_shared>>)
    %dma_wait3A_409 = arith.constant 0 : i32
    %dma_wait3A_410 = tpu.memref_slice %arg14[%add3A_171, %dma_wait3A_409] : memref<100352x16xf32, #tpu.memory_space<vmem_shared>> -> memref<128x16xf32, #tpu.memory_space<vmem_shared>>
    %dma_wait3A_411 = arith.constant 0 : i32
    %dma_wait3A_412 = tpu.memref_slice %arg14[%add3A_171, %dma_wait3A_411] : memref<100352x16xf32, #tpu.memory_space<vmem_shared>> -> memref<128x16xf32, #tpu.memory_space<vmem_shared>>
    tpu.wait_dma2 semaphore(%arg16 : memref<!tpu.dma_semaphore, #tpu.memory_space<semaphore_mem>>) src(%arg13 : memref<128x16xf32, #tpu.memory_space<vmem>>) dst(%dma_wait3A_412 : memref<128x16xf32, #tpu.memory_space<vmem_shared>>)
    %dma_wait3A_413 = arith.constant 0 : i32
    %dma_wait3A_414 = tpu.memref_slice %arg14[%add3A_177, %dma_wait3A_413] : memref<100352x16xf32, #tpu.memory_space<vmem_shared>> -> memref<128x16xf32, #tpu.memory_space<vmem_shared>>
    %dma_wait3A_415 = arith.constant 0 : i32
    %dma_wait3A_416 = tpu.memref_slice %arg14[%add3A_177, %dma_wait3A_415] : memref<100352x16xf32, #tpu.memory_space<vmem_shared>> -> memref<128x16xf32, #tpu.memory_space<vmem_shared>>
    tpu.wait_dma2 semaphore(%arg16 : memref<!tpu.dma_semaphore, #tpu.memory_space<semaphore_mem>>) src(%arg13 : memref<128x16xf32, #tpu.memory_space<vmem>>) dst(%dma_wait3A_416 : memref<128x16xf32, #tpu.memory_space<vmem_shared>>)
    %dma_wait3A_417 = arith.constant 0 : i32
    %dma_wait3A_418 = tpu.memref_slice %arg14[%add3A_183, %dma_wait3A_417] : memref<100352x16xf32, #tpu.memory_space<vmem_shared>> -> memref<128x16xf32, #tpu.memory_space<vmem_shared>>
    %dma_wait3A_419 = arith.constant 0 : i32
    %dma_wait3A_420 = tpu.memref_slice %arg14[%add3A_183, %dma_wait3A_419] : memref<100352x16xf32, #tpu.memory_space<vmem_shared>> -> memref<128x16xf32, #tpu.memory_space<vmem_shared>>
    tpu.wait_dma2 semaphore(%arg16 : memref<!tpu.dma_semaphore, #tpu.memory_space<semaphore_mem>>) src(%arg13 : memref<128x16xf32, #tpu.memory_space<vmem>>) dst(%dma_wait3A_420 : memref<128x16xf32, #tpu.memory_space<vmem_shared>>)
    %dma_wait3A_421 = arith.constant 0 : i32
    %dma_wait3A_422 = tpu.memref_slice %arg14[%add3A_189, %dma_wait3A_421] : memref<100352x16xf32, #tpu.memory_space<vmem_shared>> -> memref<128x16xf32, #tpu.memory_space<vmem_shared>>
    %dma_wait3A_423 = arith.constant 0 : i32
    %dma_wait3A_424 = tpu.memref_slice %arg14[%add3A_189, %dma_wait3A_423] : memref<100352x16xf32, #tpu.memory_space<vmem_shared>> -> memref<128x16xf32, #tpu.memory_space<vmem_shared>>
    tpu.wait_dma2 semaphore(%arg16 : memref<!tpu.dma_semaphore, #tpu.memory_space<semaphore_mem>>) src(%arg13 : memref<128x16xf32, #tpu.memory_space<vmem>>) dst(%dma_wait3A_424 : memref<128x16xf32, #tpu.memory_space<vmem_shared>>)
    %dma_wait3A_425 = arith.constant 0 : i32
    %dma_wait3A_426 = tpu.memref_slice %arg14[%add3A_195, %dma_wait3A_425] : memref<100352x16xf32, #tpu.memory_space<vmem_shared>> -> memref<128x16xf32, #tpu.memory_space<vmem_shared>>
    %dma_wait3A_427 = arith.constant 0 : i32
    %dma_wait3A_428 = tpu.memref_slice %arg14[%add3A_195, %dma_wait3A_427] : memref<100352x16xf32, #tpu.memory_space<vmem_shared>> -> memref<128x16xf32, #tpu.memory_space<vmem_shared>>
    tpu.wait_dma2 semaphore(%arg16 : memref<!tpu.dma_semaphore, #tpu.memory_space<semaphore_mem>>) src(%arg13 : memref<128x16xf32, #tpu.memory_space<vmem>>) dst(%dma_wait3A_428 : memref<128x16xf32, #tpu.memory_space<vmem_shared>>)
    %dma_wait3A_429 = arith.constant 0 : i32
    %dma_wait3A_430 = tpu.memref_slice %arg14[%add3A_201, %dma_wait3A_429] : memref<100352x16xf32, #tpu.memory_space<vmem_shared>> -> memref<128x16xf32, #tpu.memory_space<vmem_shared>>
    %dma_wait3A_431 = arith.constant 0 : i32
    %dma_wait3A_432 = tpu.memref_slice %arg14[%add3A_201, %dma_wait3A_431] : memref<100352x16xf32, #tpu.memory_space<vmem_shared>> -> memref<128x16xf32, #tpu.memory_space<vmem_shared>>
    tpu.wait_dma2 semaphore(%arg16 : memref<!tpu.dma_semaphore, #tpu.memory_space<semaphore_mem>>) src(%arg13 : memref<128x16xf32, #tpu.memory_space<vmem>>) dst(%dma_wait3A_432 : memref<128x16xf32, #tpu.memory_space<vmem_shared>>)
    %dma_wait3A_433 = arith.constant 0 : i32
    %dma_wait3A_434 = tpu.memref_slice %arg14[%add3A_207, %dma_wait3A_433] : memref<100352x16xf32, #tpu.memory_space<vmem_shared>> -> memref<128x16xf32, #tpu.memory_space<vmem_shared>>
    %dma_wait3A_435 = arith.constant 0 : i32
    %dma_wait3A_436 = tpu.memref_slice %arg14[%add3A_207, %dma_wait3A_435] : memref<100352x16xf32, #tpu.memory_space<vmem_shared>> -> memref<128x16xf32, #tpu.memory_space<vmem_shared>>
    tpu.wait_dma2 semaphore(%arg16 : memref<!tpu.dma_semaphore, #tpu.memory_space<semaphore_mem>>) src(%arg13 : memref<128x16xf32, #tpu.memory_space<vmem>>) dst(%dma_wait3A_436 : memref<128x16xf32, #tpu.memory_space<vmem_shared>>)
    %dma_wait3A_437 = arith.constant 0 : i32
    %dma_wait3A_438 = tpu.memref_slice %arg14[%add3A_213, %dma_wait3A_437] : memref<100352x16xf32, #tpu.memory_space<vmem_shared>> -> memref<128x16xf32, #tpu.memory_space<vmem_shared>>
    %dma_wait3A_439 = arith.constant 0 : i32
    %dma_wait3A_440 = tpu.memref_slice %arg14[%add3A_213, %dma_wait3A_439] : memref<100352x16xf32, #tpu.memory_space<vmem_shared>> -> memref<128x16xf32, #tpu.memory_space<vmem_shared>>
    tpu.wait_dma2 semaphore(%arg16 : memref<!tpu.dma_semaphore, #tpu.memory_space<semaphore_mem>>) src(%arg13 : memref<128x16xf32, #tpu.memory_space<vmem>>) dst(%dma_wait3A_440 : memref<128x16xf32, #tpu.memory_space<vmem_shared>>)
    %dma_wait3A_441 = arith.constant 0 : i32
    %dma_wait3A_442 = tpu.memref_slice %arg14[%add3A_219, %dma_wait3A_441] : memref<100352x16xf32, #tpu.memory_space<vmem_shared>> -> memref<128x16xf32, #tpu.memory_space<vmem_shared>>
    %dma_wait3A_443 = arith.constant 0 : i32
    %dma_wait3A_444 = tpu.memref_slice %arg14[%add3A_219, %dma_wait3A_443] : memref<100352x16xf32, #tpu.memory_space<vmem_shared>> -> memref<128x16xf32, #tpu.memory_space<vmem_shared>>
    tpu.wait_dma2 semaphore(%arg16 : memref<!tpu.dma_semaphore, #tpu.memory_space<semaphore_mem>>) src(%arg13 : memref<128x16xf32, #tpu.memory_space<vmem>>) dst(%dma_wait3A_444 : memref<128x16xf32, #tpu.memory_space<vmem_shared>>)
    %dma_wait3A_445 = arith.constant 0 : i32
    %dma_wait3A_446 = tpu.memref_slice %arg14[%add3A_225, %dma_wait3A_445] : memref<100352x16xf32, #tpu.memory_space<vmem_shared>> -> memref<128x16xf32, #tpu.memory_space<vmem_shared>>
    %dma_wait3A_447 = arith.constant 0 : i32
    %dma_wait3A_448 = tpu.memref_slice %arg14[%add3A_225, %dma_wait3A_447] : memref<100352x16xf32, #tpu.memory_space<vmem_shared>> -> memref<128x16xf32, #tpu.memory_space<vmem_shared>>
    tpu.wait_dma2 semaphore(%arg16 : memref<!tpu.dma_semaphore, #tpu.memory_space<semaphore_mem>>) src(%arg13 : memref<128x16xf32, #tpu.memory_space<vmem>>) dst(%dma_wait3A_448 : memref<128x16xf32, #tpu.memory_space<vmem_shared>>)
    %dma_wait3A_449 = arith.constant 0 : i32
    %dma_wait3A_450 = tpu.memref_slice %arg14[%add3A_231, %dma_wait3A_449] : memref<100352x16xf32, #tpu.memory_space<vmem_shared>> -> memref<128x16xf32, #tpu.memory_space<vmem_shared>>
    %dma_wait3A_451 = arith.constant 0 : i32
    %dma_wait3A_452 = tpu.memref_slice %arg14[%add3A_231, %dma_wait3A_451] : memref<100352x16xf32, #tpu.memory_space<vmem_shared>> -> memref<128x16xf32, #tpu.memory_space<vmem_shared>>
    tpu.wait_dma2 semaphore(%arg16 : memref<!tpu.dma_semaphore, #tpu.memory_space<semaphore_mem>>) src(%arg13 : memref<128x16xf32, #tpu.memory_space<vmem>>) dst(%dma_wait3A_452 : memref<128x16xf32, #tpu.memory_space<vmem_shared>>)
    %dma_wait3A_453 = arith.constant 0 : i32
    %dma_wait3A_454 = tpu.memref_slice %arg14[%add3A_237, %dma_wait3A_453] : memref<100352x16xf32, #tpu.memory_space<vmem_shared>> -> memref<128x16xf32, #tpu.memory_space<vmem_shared>>
    %dma_wait3A_455 = arith.constant 0 : i32
    %dma_wait3A_456 = tpu.memref_slice %arg14[%add3A_237, %dma_wait3A_455] : memref<100352x16xf32, #tpu.memory_space<vmem_shared>> -> memref<128x16xf32, #tpu.memory_space<vmem_shared>>
    tpu.wait_dma2 semaphore(%arg16 : memref<!tpu.dma_semaphore, #tpu.memory_space<semaphore_mem>>) src(%arg13 : memref<128x16xf32, #tpu.memory_space<vmem>>) dst(%dma_wait3A_456 : memref<128x16xf32, #tpu.memory_space<vmem_shared>>)
    %dma_wait3A_457 = arith.constant 0 : i32
    %dma_wait3A_458 = tpu.memref_slice %arg14[%add3A_243, %dma_wait3A_457] : memref<100352x16xf32, #tpu.memory_space<vmem_shared>> -> memref<128x16xf32, #tpu.memory_space<vmem_shared>>
    %dma_wait3A_459 = arith.constant 0 : i32
    %dma_wait3A_460 = tpu.memref_slice %arg14[%add3A_243, %dma_wait3A_459] : memref<100352x16xf32, #tpu.memory_space<vmem_shared>> -> memref<128x16xf32, #tpu.memory_space<vmem_shared>>
    tpu.wait_dma2 semaphore(%arg16 : memref<!tpu.dma_semaphore, #tpu.memory_space<semaphore_mem>>) src(%arg13 : memref<128x16xf32, #tpu.memory_space<vmem>>) dst(%dma_wait3A_460 : memref<128x16xf32, #tpu.memory_space<vmem_shared>>)
    %dma_wait3A_461 = arith.constant 0 : i32
    %dma_wait3A_462 = tpu.memref_slice %arg14[%add3A_249, %dma_wait3A_461] : memref<100352x16xf32, #tpu.memory_space<vmem_shared>> -> memref<128x16xf32, #tpu.memory_space<vmem_shared>>
    %dma_wait3A_463 = arith.constant 0 : i32
    %dma_wait3A_464 = tpu.memref_slice %arg14[%add3A_249, %dma_wait3A_463] : memref<100352x16xf32, #tpu.memory_space<vmem_shared>> -> memref<128x16xf32, #tpu.memory_space<vmem_shared>>
    tpu.wait_dma2 semaphore(%arg16 : memref<!tpu.dma_semaphore, #tpu.memory_space<semaphore_mem>>) src(%arg13 : memref<128x16xf32, #tpu.memory_space<vmem>>) dst(%dma_wait3A_464 : memref<128x16xf32, #tpu.memory_space<vmem_shared>>)
    %dma_wait3A_465 = arith.constant 0 : i32
    %dma_wait3A_466 = tpu.memref_slice %arg14[%add3A_255, %dma_wait3A_465] : memref<100352x16xf32, #tpu.memory_space<vmem_shared>> -> memref<128x16xf32, #tpu.memory_space<vmem_shared>>
    %dma_wait3A_467 = arith.constant 0 : i32
    %dma_wait3A_468 = tpu.memref_slice %arg14[%add3A_255, %dma_wait3A_467] : memref<100352x16xf32, #tpu.memory_space<vmem_shared>> -> memref<128x16xf32, #tpu.memory_space<vmem_shared>>
    tpu.wait_dma2 semaphore(%arg16 : memref<!tpu.dma_semaphore, #tpu.memory_space<semaphore_mem>>) src(%arg13 : memref<128x16xf32, #tpu.memory_space<vmem>>) dst(%dma_wait3A_468 : memref<128x16xf32, #tpu.memory_space<vmem_shared>>)
    %dma_wait3A_469 = arith.constant 0 : i32
    %dma_wait3A_470 = tpu.memref_slice %arg14[%add3A_261, %dma_wait3A_469] : memref<100352x16xf32, #tpu.memory_space<vmem_shared>> -> memref<128x16xf32, #tpu.memory_space<vmem_shared>>
    %dma_wait3A_471 = arith.constant 0 : i32
    %dma_wait3A_472 = tpu.memref_slice %arg14[%add3A_261, %dma_wait3A_471] : memref<100352x16xf32, #tpu.memory_space<vmem_shared>> -> memref<128x16xf32, #tpu.memory_space<vmem_shared>>
    tpu.wait_dma2 semaphore(%arg16 : memref<!tpu.dma_semaphore, #tpu.memory_space<semaphore_mem>>) src(%arg13 : memref<128x16xf32, #tpu.memory_space<vmem>>) dst(%dma_wait3A_472 : memref<128x16xf32, #tpu.memory_space<vmem_shared>>)
    %dma_wait3A_473 = arith.constant 0 : i32
    %dma_wait3A_474 = tpu.memref_slice %arg14[%add3A_267, %dma_wait3A_473] : memref<100352x16xf32, #tpu.memory_space<vmem_shared>> -> memref<128x16xf32, #tpu.memory_space<vmem_shared>>
    %dma_wait3A_475 = arith.constant 0 : i32
    %dma_wait3A_476 = tpu.memref_slice %arg14[%add3A_267, %dma_wait3A_475] : memref<100352x16xf32, #tpu.memory_space<vmem_shared>> -> memref<128x16xf32, #tpu.memory_space<vmem_shared>>
    tpu.wait_dma2 semaphore(%arg16 : memref<!tpu.dma_semaphore, #tpu.memory_space<semaphore_mem>>) src(%arg13 : memref<128x16xf32, #tpu.memory_space<vmem>>) dst(%dma_wait3A_476 : memref<128x16xf32, #tpu.memory_space<vmem_shared>>)
    %dma_wait3A_477 = arith.constant 0 : i32
    %dma_wait3A_478 = tpu.memref_slice %arg14[%add3A_273, %dma_wait3A_477] : memref<100352x16xf32, #tpu.memory_space<vmem_shared>> -> memref<128x16xf32, #tpu.memory_space<vmem_shared>>
    %dma_wait3A_479 = arith.constant 0 : i32
    %dma_wait3A_480 = tpu.memref_slice %arg14[%add3A_273, %dma_wait3A_479] : memref<100352x16xf32, #tpu.memory_space<vmem_shared>> -> memref<128x16xf32, #tpu.memory_space<vmem_shared>>
    tpu.wait_dma2 semaphore(%arg16 : memref<!tpu.dma_semaphore, #tpu.memory_space<semaphore_mem>>) src(%arg13 : memref<128x16xf32, #tpu.memory_space<vmem>>) dst(%dma_wait3A_480 : memref<128x16xf32, #tpu.memory_space<vmem_shared>>)
    %dma_wait3A_481 = arith.constant 0 : i32
    %dma_wait3A_482 = tpu.memref_slice %arg14[%add3A_279, %dma_wait3A_481] : memref<100352x16xf32, #tpu.memory_space<vmem_shared>> -> memref<128x16xf32, #tpu.memory_space<vmem_shared>>
    %dma_wait3A_483 = arith.constant 0 : i32
    %dma_wait3A_484 = tpu.memref_slice %arg14[%add3A_279, %dma_wait3A_483] : memref<100352x16xf32, #tpu.memory_space<vmem_shared>> -> memref<128x16xf32, #tpu.memory_space<vmem_shared>>
    tpu.wait_dma2 semaphore(%arg16 : memref<!tpu.dma_semaphore, #tpu.memory_space<semaphore_mem>>) src(%arg13 : memref<128x16xf32, #tpu.memory_space<vmem>>) dst(%dma_wait3A_484 : memref<128x16xf32, #tpu.memory_space<vmem_shared>>)
    %dma_wait3A_485 = arith.constant 0 : i32
    %dma_wait3A_486 = tpu.memref_slice %arg14[%add3A_285, %dma_wait3A_485] : memref<100352x16xf32, #tpu.memory_space<vmem_shared>> -> memref<128x16xf32, #tpu.memory_space<vmem_shared>>
    %dma_wait3A_487 = arith.constant 0 : i32
    %dma_wait3A_488 = tpu.memref_slice %arg14[%add3A_285, %dma_wait3A_487] : memref<100352x16xf32, #tpu.memory_space<vmem_shared>> -> memref<128x16xf32, #tpu.memory_space<vmem_shared>>
    tpu.wait_dma2 semaphore(%arg16 : memref<!tpu.dma_semaphore, #tpu.memory_space<semaphore_mem>>) src(%arg13 : memref<128x16xf32, #tpu.memory_space<vmem>>) dst(%dma_wait3A_488 : memref<128x16xf32, #tpu.memory_space<vmem_shared>>)
    %dma_wait3A_489 = arith.constant 0 : i32
    %dma_wait3A_490 = tpu.memref_slice %arg14[%add3A_291, %dma_wait3A_489] : memref<100352x16xf32, #tpu.memory_space<vmem_shared>> -> memref<128x16xf32, #tpu.memory_space<vmem_shared>>
    %dma_wait3A_491 = arith.constant 0 : i32
    %dma_wait3A_492 = tpu.memref_slice %arg14[%add3A_291, %dma_wait3A_491] : memref<100352x16xf32, #tpu.memory_space<vmem_shared>> -> memref<128x16xf32, #tpu.memory_space<vmem_shared>>
    tpu.wait_dma2 semaphore(%arg16 : memref<!tpu.dma_semaphore, #tpu.memory_space<semaphore_mem>>) src(%arg13 : memref<128x16xf32, #tpu.memory_space<vmem>>) dst(%dma_wait3A_492 : memref<128x16xf32, #tpu.memory_space<vmem_shared>>)
    %dma_wait3A_493 = arith.constant 0 : i32
    %dma_wait3A_494 = tpu.memref_slice %arg14[%add3A_297, %dma_wait3A_493] : memref<100352x16xf32, #tpu.memory_space<vmem_shared>> -> memref<128x16xf32, #tpu.memory_space<vmem_shared>>
    %dma_wait3A_495 = arith.constant 0 : i32
    %dma_wait3A_496 = tpu.memref_slice %arg14[%add3A_297, %dma_wait3A_495] : memref<100352x16xf32, #tpu.memory_space<vmem_shared>> -> memref<128x16xf32, #tpu.memory_space<vmem_shared>>
    tpu.wait_dma2 semaphore(%arg16 : memref<!tpu.dma_semaphore, #tpu.memory_space<semaphore_mem>>) src(%arg13 : memref<128x16xf32, #tpu.memory_space<vmem>>) dst(%dma_wait3A_496 : memref<128x16xf32, #tpu.memory_space<vmem_shared>>)
    %barrier3A = arith.constant 0 : index
    tpu.barrier barrier_id(%barrier3A)
    %mul3A_497 = arith.constant 100000 : i32
    %mul3A_498 = arith.muli %add3A, %mul3A_497 : i32
    %add3A_499 = arith.constant 0 : i32
    %add3A_500 = arith.addi %mul3A_498, %add3A_499 : i32
    "tpu.region"() ({
      %run_scoped3A = tpu.sem_alloc : memref<!tpu.dma_semaphore, #tpu.memory_space<semaphore_mem>>
      %dma_start3A_546 = tpu.memref_slice %arg3[%add3A_500] : memref<3200000xi32, #tpu.memory_space<hbm>> -> memref<1024xi32, #tpu.memory_space<hbm>>
      %dma_start3A_547 = tpu.memref_slice %arg3[%add3A_500] : memref<3200000xi32, #tpu.memory_space<hbm>> -> memref<1024xi32, #tpu.memory_space<hbm>>
      tpu.enqueue_dma source(%dma_start3A_547 : memref<1024xi32, #tpu.memory_space<hbm>>) target(%arg6 : memref<1024xi32, #tpu.memory_space<vmem>>) target_semaphore(%run_scoped3A : memref<!tpu.dma_semaphore, #tpu.memory_space<semaphore_mem>>)
      %dma_wait3A_548 = tpu.memref_slice %arg3[%add3A_500] : memref<3200000xi32, #tpu.memory_space<hbm>> -> memref<1024xi32, #tpu.memory_space<hbm>>
      %dma_wait3A_549 = tpu.memref_slice %arg3[%add3A_500] : memref<3200000xi32, #tpu.memory_space<hbm>> -> memref<1024xi32, #tpu.memory_space<hbm>>
      tpu.wait_dma2 semaphore(%run_scoped3A : memref<!tpu.dma_semaphore, #tpu.memory_space<semaphore_mem>>) src(%dma_wait3A_549 : memref<1024xi32, #tpu.memory_space<hbm>>) dst(%arg6 : memref<1024xi32, #tpu.memory_space<vmem>>)
      tpu.yield
    }) : () -> ()
    "tpu.region"() ({
      %run_scoped3A = tpu.sem_alloc : memref<!tpu.dma_semaphore, #tpu.memory_space<semaphore_mem>>
      %dma_start3A_546 = tpu.memref_slice %arg4[%add3A_500] : memref<3200000xi32, #tpu.memory_space<hbm>> -> memref<1024xi32, #tpu.memory_space<hbm>>
      %dma_start3A_547 = tpu.memref_slice %arg4[%add3A_500] : memref<3200000xi32, #tpu.memory_space<hbm>> -> memref<1024xi32, #tpu.memory_space<hbm>>
      tpu.enqueue_dma source(%dma_start3A_547 : memref<1024xi32, #tpu.memory_space<hbm>>) target(%arg7 : memref<1024xi32, #tpu.memory_space<vmem>>) target_semaphore(%run_scoped3A : memref<!tpu.dma_semaphore, #tpu.memory_space<semaphore_mem>>)
      %dma_wait3A_548 = tpu.memref_slice %arg4[%add3A_500] : memref<3200000xi32, #tpu.memory_space<hbm>> -> memref<1024xi32, #tpu.memory_space<hbm>>
      %dma_wait3A_549 = tpu.memref_slice %arg4[%add3A_500] : memref<3200000xi32, #tpu.memory_space<hbm>> -> memref<1024xi32, #tpu.memory_space<hbm>>
      tpu.wait_dma2 semaphore(%run_scoped3A : memref<!tpu.dma_semaphore, #tpu.memory_space<semaphore_mem>>) src(%dma_wait3A_549 : memref<1024xi32, #tpu.memory_space<hbm>>) dst(%arg7 : memref<1024xi32, #tpu.memory_space<vmem>>)
      tpu.yield
    }) : () -> ()
    %scan3A_501 = arith.constant 0 : i32
    %scan3A_502 = arith.constant 0 : i32
    %scan3A_503 = arith.constant 48 : i32
    %scan3A_504 = arith.addi %scan3A_502, %scan3A_503 : i32
    %scan3A_505 = arith.constant 1 : i32
    scf.for %scan3A_546 = %scan3A_502 to %scan3A_504 step %scan3A_505  : i32 {
      %mul3A_547 = arith.constant 2 : i32
      %mul3A_548 = arith.muli %scan3A_546, %mul3A_547 : i32
      %add3A_549 = arith.constant 0 : i32
      %add3A_550 = arith.addi %mul3A_548, %add3A_549 : i32
      %dma_start3A_551 = arith.constant 0 : i32
      %dma_start3A_552 = arith.constant 0 : i32
      %dma_start3A_553 = tpu.memref_slice %arg2[%dma_start3A_551, %dma_start3A_552] : memref<100352x16xf32, #tpu.memory_space<hbm>> -> memref<100352x16xf32, #tpu.memory_space<hbm>>
      tpu.enqueue_indirect_dma source(%dma_start3A_553 : memref<100352x16xf32, #tpu.memory_space<hbm>>) target(%arg8 : memref<1024x16xf32, #tpu.memory_space<vmem>>) offsets(%arg6 : memref<1024xi32, #tpu.memory_space<vmem>>) semaphore(%arg15 : memref<!tpu.dma_semaphore, #tpu.memory_space<semaphore_mem>>)
      %dma_wait3A_554 = arith.constant 0 : i32
      %dma_wait3A_555 = arith.constant 0 : i32
      %dma_wait3A_556 = tpu.memref_slice %arg2[%dma_wait3A_554, %dma_wait3A_555] : memref<100352x16xf32, #tpu.memory_space<hbm>> -> memref<100352x16xf32, #tpu.memory_space<hbm>>
      tpu.wait_indirect_dma semaphore(%arg15 : memref<!tpu.dma_semaphore, #tpu.memory_space<semaphore_mem>>) src(%dma_wait3A_556 : memref<100352x16xf32, #tpu.memory_space<hbm>>) dst(%arg8 : memref<1024x16xf32, #tpu.memory_space<vmem>>)
      %dma_start3A_557 = arith.constant 0 : i32
      %dma_start3A_558 = arith.constant 0 : i32
      %dma_start3A_559 = tpu.memref_slice %arg14[%dma_start3A_557, %dma_start3A_558] : memref<100352x16xf32, #tpu.memory_space<vmem_shared>> -> memref<100352x16xf32, #tpu.memory_space<vmem_shared>>
      tpu.enqueue_indirect_dma source(%arg8 : memref<1024x16xf32, #tpu.memory_space<vmem>>) target(%dma_start3A_559 : memref<100352x16xf32, #tpu.memory_space<vmem_shared>>) offsets(%arg7 : memref<1024xi32, #tpu.memory_space<vmem>>) semaphore(%arg17 : memref<!tpu.dma_semaphore, #tpu.memory_space<semaphore_mem>>) {add = true}
      %add3A_560 = arith.constant 1 : i32
      %add3A_561 = arith.addi %add3A_550, %add3A_560 : i32
      %mul3A_562 = arith.constant 1024 : i32
      %mul3A_563 = arith.muli %add3A_561, %mul3A_562 : i32
      %add3A_564 = arith.addi %mul3A_498, %mul3A_563 : i32
      "tpu.region"() ({
        %run_scoped3A = tpu.sem_alloc : memref<!tpu.dma_semaphore, #tpu.memory_space<semaphore_mem>>
        %dma_start3A_589 = tpu.memref_slice %arg3[%add3A_564] : memref<3200000xi32, #tpu.memory_space<hbm>> -> memref<1024xi32, #tpu.memory_space<hbm>>
        %dma_start3A_590 = tpu.memref_slice %arg3[%add3A_564] : memref<3200000xi32, #tpu.memory_space<hbm>> -> memref<1024xi32, #tpu.memory_space<hbm>>
        tpu.enqueue_dma source(%dma_start3A_590 : memref<1024xi32, #tpu.memory_space<hbm>>) target(%arg9 : memref<1024xi32, #tpu.memory_space<vmem>>) target_semaphore(%run_scoped3A : memref<!tpu.dma_semaphore, #tpu.memory_space<semaphore_mem>>)
        %dma_wait3A_591 = tpu.memref_slice %arg3[%add3A_564] : memref<3200000xi32, #tpu.memory_space<hbm>> -> memref<1024xi32, #tpu.memory_space<hbm>>
        %dma_wait3A_592 = tpu.memref_slice %arg3[%add3A_564] : memref<3200000xi32, #tpu.memory_space<hbm>> -> memref<1024xi32, #tpu.memory_space<hbm>>
        tpu.wait_dma2 semaphore(%run_scoped3A : memref<!tpu.dma_semaphore, #tpu.memory_space<semaphore_mem>>) src(%dma_wait3A_592 : memref<1024xi32, #tpu.memory_space<hbm>>) dst(%arg9 : memref<1024xi32, #tpu.memory_space<vmem>>)
        tpu.yield
      }) : () -> ()
      "tpu.region"() ({
        %run_scoped3A = tpu.sem_alloc : memref<!tpu.dma_semaphore, #tpu.memory_space<semaphore_mem>>
        %dma_start3A_589 = tpu.memref_slice %arg4[%add3A_564] : memref<3200000xi32, #tpu.memory_space<hbm>> -> memref<1024xi32, #tpu.memory_space<hbm>>
        %dma_start3A_590 = tpu.memref_slice %arg4[%add3A_564] : memref<3200000xi32, #tpu.memory_space<hbm>> -> memref<1024xi32, #tpu.memory_space<hbm>>
        tpu.enqueue_dma source(%dma_start3A_590 : memref<1024xi32, #tpu.memory_space<hbm>>) target(%arg10 : memref<1024xi32, #tpu.memory_space<vmem>>) target_semaphore(%run_scoped3A : memref<!tpu.dma_semaphore, #tpu.memory_space<semaphore_mem>>)
        %dma_wait3A_591 = tpu.memref_slice %arg4[%add3A_564] : memref<3200000xi32, #tpu.memory_space<hbm>> -> memref<1024xi32, #tpu.memory_space<hbm>>
        %dma_wait3A_592 = tpu.memref_slice %arg4[%add3A_564] : memref<3200000xi32, #tpu.memory_space<hbm>> -> memref<1024xi32, #tpu.memory_space<hbm>>
        tpu.wait_dma2 semaphore(%run_scoped3A : memref<!tpu.dma_semaphore, #tpu.memory_space<semaphore_mem>>) src(%dma_wait3A_592 : memref<1024xi32, #tpu.memory_space<hbm>>) dst(%arg10 : memref<1024xi32, #tpu.memory_space<vmem>>)
        tpu.yield
      }) : () -> ()
      %dma_wait3A_565 = arith.constant 0 : i32
      %dma_wait3A_566 = arith.constant 0 : i32
      %dma_wait3A_567 = tpu.memref_slice %arg14[%dma_wait3A_565, %dma_wait3A_566] : memref<100352x16xf32, #tpu.memory_space<vmem_shared>> -> memref<100352x16xf32, #tpu.memory_space<vmem_shared>>
      tpu.wait_indirect_dma semaphore(%arg17 : memref<!tpu.dma_semaphore, #tpu.memory_space<semaphore_mem>>) src(%arg8 : memref<1024x16xf32, #tpu.memory_space<vmem>>) dst(%dma_wait3A_567 : memref<100352x16xf32, #tpu.memory_space<vmem_shared>>)
      %mul3A_568 = arith.constant 2 : i32
      %mul3A_569 = arith.muli %scan3A_546, %mul3A_568 : i32
      %add3A_570 = arith.constant 1 : i32
      %add3A_571 = arith.addi %mul3A_569, %add3A_570 : i32
      %dma_start3A_572 = arith.constant 0 : i32
      %dma_start3A_573 = arith.constant 0 : i32
      %dma_start3A_574 = tpu.memref_slice %arg2[%dma_start3A_572, %dma_start3A_573] : memref<100352x16xf32, #tpu.memory_space<hbm>> -> memref<100352x16xf32, #tpu.memory_space<hbm>>
      tpu.enqueue_indirect_dma source(%dma_start3A_574 : memref<100352x16xf32, #tpu.memory_space<hbm>>) target(%arg8 : memref<1024x16xf32, #tpu.memory_space<vmem>>) offsets(%arg9 : memref<1024xi32, #tpu.memory_space<vmem>>) semaphore(%arg15 : memref<!tpu.dma_semaphore, #tpu.memory_space<semaphore_mem>>)
      %dma_wait3A_575 = arith.constant 0 : i32
      %dma_wait3A_576 = arith.constant 0 : i32
      %dma_wait3A_577 = tpu.memref_slice %arg2[%dma_wait3A_575, %dma_wait3A_576] : memref<100352x16xf32, #tpu.memory_space<hbm>> -> memref<100352x16xf32, #tpu.memory_space<hbm>>
      tpu.wait_indirect_dma semaphore(%arg15 : memref<!tpu.dma_semaphore, #tpu.memory_space<semaphore_mem>>) src(%dma_wait3A_577 : memref<100352x16xf32, #tpu.memory_space<hbm>>) dst(%arg8 : memref<1024x16xf32, #tpu.memory_space<vmem>>)
      %dma_start3A_578 = arith.constant 0 : i32
      %dma_start3A_579 = arith.constant 0 : i32
      %dma_start3A_580 = tpu.memref_slice %arg14[%dma_start3A_578, %dma_start3A_579] : memref<100352x16xf32, #tpu.memory_space<vmem_shared>> -> memref<100352x16xf32, #tpu.memory_space<vmem_shared>>
      tpu.enqueue_indirect_dma source(%arg8 : memref<1024x16xf32, #tpu.memory_space<vmem>>) target(%dma_start3A_580 : memref<100352x16xf32, #tpu.memory_space<vmem_shared>>) offsets(%arg10 : memref<1024xi32, #tpu.memory_space<vmem>>) semaphore(%arg17 : memref<!tpu.dma_semaphore, #tpu.memory_space<semaphore_mem>>) {add = true}
      %add3A_581 = arith.constant 1 : i32
      %add3A_582 = arith.addi %add3A_571, %add3A_581 : i32
      %mul3A_583 = arith.constant 1024 : i32
      %mul3A_584 = arith.muli %add3A_582, %mul3A_583 : i32
      %add3A_585 = arith.addi %mul3A_498, %mul3A_584 : i32
      "tpu.region"() ({
        %run_scoped3A = tpu.sem_alloc : memref<!tpu.dma_semaphore, #tpu.memory_space<semaphore_mem>>
        %dma_start3A_589 = tpu.memref_slice %arg3[%add3A_585] : memref<3200000xi32, #tpu.memory_space<hbm>> -> memref<1024xi32, #tpu.memory_space<hbm>>
        %dma_start3A_590 = tpu.memref_slice %arg3[%add3A_585] : memref<3200000xi32, #tpu.memory_space<hbm>> -> memref<1024xi32, #tpu.memory_space<hbm>>
        tpu.enqueue_dma source(%dma_start3A_590 : memref<1024xi32, #tpu.memory_space<hbm>>) target(%arg6 : memref<1024xi32, #tpu.memory_space<vmem>>) target_semaphore(%run_scoped3A : memref<!tpu.dma_semaphore, #tpu.memory_space<semaphore_mem>>)
        %dma_wait3A_591 = tpu.memref_slice %arg3[%add3A_585] : memref<3200000xi32, #tpu.memory_space<hbm>> -> memref<1024xi32, #tpu.memory_space<hbm>>
        %dma_wait3A_592 = tpu.memref_slice %arg3[%add3A_585] : memref<3200000xi32, #tpu.memory_space<hbm>> -> memref<1024xi32, #tpu.memory_space<hbm>>
        tpu.wait_dma2 semaphore(%run_scoped3A : memref<!tpu.dma_semaphore, #tpu.memory_space<semaphore_mem>>) src(%dma_wait3A_592 : memref<1024xi32, #tpu.memory_space<hbm>>) dst(%arg6 : memref<1024xi32, #tpu.memory_space<vmem>>)
        tpu.yield
      }) : () -> ()
      "tpu.region"() ({
        %run_scoped3A = tpu.sem_alloc : memref<!tpu.dma_semaphore, #tpu.memory_space<semaphore_mem>>
        %dma_start3A_589 = tpu.memref_slice %arg4[%add3A_585] : memref<3200000xi32, #tpu.memory_space<hbm>> -> memref<1024xi32, #tpu.memory_space<hbm>>
        %dma_start3A_590 = tpu.memref_slice %arg4[%add3A_585] : memref<3200000xi32, #tpu.memory_space<hbm>> -> memref<1024xi32, #tpu.memory_space<hbm>>
        tpu.enqueue_dma source(%dma_start3A_590 : memref<1024xi32, #tpu.memory_space<hbm>>) target(%arg7 : memref<1024xi32, #tpu.memory_space<vmem>>) target_semaphore(%run_scoped3A : memref<!tpu.dma_semaphore, #tpu.memory_space<semaphore_mem>>)
        %dma_wait3A_591 = tpu.memref_slice %arg4[%add3A_585] : memref<3200000xi32, #tpu.memory_space<hbm>> -> memref<1024xi32, #tpu.memory_space<hbm>>
        %dma_wait3A_592 = tpu.memref_slice %arg4[%add3A_585] : memref<3200000xi32, #tpu.memory_space<hbm>> -> memref<1024xi32, #tpu.memory_space<hbm>>
        tpu.wait_dma2 semaphore(%run_scoped3A : memref<!tpu.dma_semaphore, #tpu.memory_space<semaphore_mem>>) src(%dma_wait3A_592 : memref<1024xi32, #tpu.memory_space<hbm>>) dst(%arg7 : memref<1024xi32, #tpu.memory_space<vmem>>)
        tpu.yield
      }) : () -> ()
      %dma_wait3A_586 = arith.constant 0 : i32
      %dma_wait3A_587 = arith.constant 0 : i32
      %dma_wait3A_588 = tpu.memref_slice %arg14[%dma_wait3A_586, %dma_wait3A_587] : memref<100352x16xf32, #tpu.memory_space<vmem_shared>> -> memref<100352x16xf32, #tpu.memory_space<vmem_shared>>
      tpu.wait_indirect_dma semaphore(%arg17 : memref<!tpu.dma_semaphore, #tpu.memory_space<semaphore_mem>>) src(%arg8 : memref<1024x16xf32, #tpu.memory_space<vmem>>) dst(%dma_wait3A_588 : memref<100352x16xf32, #tpu.memory_space<vmem_shared>>)
    }
    %scan3A_506 = arith.constant 48 : i32
    %dma_start3A_507 = arith.constant 0 : i32
    %dma_start3A_508 = arith.constant 0 : i32
    %dma_start3A_509 = tpu.memref_slice %arg2[%dma_start3A_507, %dma_start3A_508] : memref<100352x16xf32, #tpu.memory_space<hbm>> -> memref<100352x16xf32, #tpu.memory_space<hbm>>
    tpu.enqueue_indirect_dma source(%dma_start3A_509 : memref<100352x16xf32, #tpu.memory_space<hbm>>) target(%arg8 : memref<1024x16xf32, #tpu.memory_space<vmem>>) offsets(%arg6 : memref<1024xi32, #tpu.memory_space<vmem>>) semaphore(%arg15 : memref<!tpu.dma_semaphore, #tpu.memory_space<semaphore_mem>>)
    %dma_wait3A_510 = arith.constant 0 : i32
    %dma_wait3A_511 = arith.constant 0 : i32
    %dma_wait3A_512 = tpu.memref_slice %arg2[%dma_wait3A_510, %dma_wait3A_511] : memref<100352x16xf32, #tpu.memory_space<hbm>> -> memref<100352x16xf32, #tpu.memory_space<hbm>>
    tpu.wait_indirect_dma semaphore(%arg15 : memref<!tpu.dma_semaphore, #tpu.memory_space<semaphore_mem>>) src(%dma_wait3A_512 : memref<100352x16xf32, #tpu.memory_space<hbm>>) dst(%arg8 : memref<1024x16xf32, #tpu.memory_space<vmem>>)
    %dma_start3A_513 = arith.constant 0 : i32
    %dma_start3A_514 = arith.constant 0 : i32
    %dma_start3A_515 = tpu.memref_slice %arg14[%dma_start3A_513, %dma_start3A_514] : memref<100352x16xf32, #tpu.memory_space<vmem_shared>> -> memref<100352x16xf32, #tpu.memory_space<vmem_shared>>
    tpu.enqueue_indirect_dma source(%arg8 : memref<1024x16xf32, #tpu.memory_space<vmem>>) target(%dma_start3A_515 : memref<100352x16xf32, #tpu.memory_space<vmem_shared>>) offsets(%arg7 : memref<1024xi32, #tpu.memory_space<vmem>>) semaphore(%arg17 : memref<!tpu.dma_semaphore, #tpu.memory_space<semaphore_mem>>) {add = true}
    %add3A_516 = arith.constant 99328 : i32
    %add3A_517 = arith.addi %mul3A_498, %add3A_516 : i32
    "tpu.region"() ({
      %run_scoped3A = tpu.sem_alloc : memref<!tpu.dma_semaphore, #tpu.memory_space<semaphore_mem>>
      %dma_start3A_546 = tpu.memref_slice %arg3[%add3A_517] : memref<3200000xi32, #tpu.memory_space<hbm>> -> memref<672xi32, #tpu.memory_space<hbm>>
      %dma_start3A_547 = tpu.memref_slice %arg3[%add3A_517] : memref<3200000xi32, #tpu.memory_space<hbm>> -> memref<672xi32, #tpu.memory_space<hbm>>
      tpu.enqueue_dma source(%dma_start3A_547 : memref<672xi32, #tpu.memory_space<hbm>>) target(%arg11 : memref<672xi32, #tpu.memory_space<vmem>>) target_semaphore(%run_scoped3A : memref<!tpu.dma_semaphore, #tpu.memory_space<semaphore_mem>>)
      %dma_wait3A_548 = tpu.memref_slice %arg3[%add3A_517] : memref<3200000xi32, #tpu.memory_space<hbm>> -> memref<672xi32, #tpu.memory_space<hbm>>
      %dma_wait3A_549 = tpu.memref_slice %arg3[%add3A_517] : memref<3200000xi32, #tpu.memory_space<hbm>> -> memref<672xi32, #tpu.memory_space<hbm>>
      tpu.wait_dma2 semaphore(%run_scoped3A : memref<!tpu.dma_semaphore, #tpu.memory_space<semaphore_mem>>) src(%dma_wait3A_549 : memref<672xi32, #tpu.memory_space<hbm>>) dst(%arg11 : memref<672xi32, #tpu.memory_space<vmem>>)
      tpu.yield
    }) : () -> ()
    "tpu.region"() ({
      %run_scoped3A = tpu.sem_alloc : memref<!tpu.dma_semaphore, #tpu.memory_space<semaphore_mem>>
      %dma_start3A_546 = tpu.memref_slice %arg4[%add3A_517] : memref<3200000xi32, #tpu.memory_space<hbm>> -> memref<672xi32, #tpu.memory_space<hbm>>
      %dma_start3A_547 = tpu.memref_slice %arg4[%add3A_517] : memref<3200000xi32, #tpu.memory_space<hbm>> -> memref<672xi32, #tpu.memory_space<hbm>>
      tpu.enqueue_dma source(%dma_start3A_547 : memref<672xi32, #tpu.memory_space<hbm>>) target(%arg12 : memref<672xi32, #tpu.memory_space<vmem>>) target_semaphore(%run_scoped3A : memref<!tpu.dma_semaphore, #tpu.memory_space<semaphore_mem>>)
      %dma_wait3A_548 = tpu.memref_slice %arg4[%add3A_517] : memref<3200000xi32, #tpu.memory_space<hbm>> -> memref<672xi32, #tpu.memory_space<hbm>>
      %dma_wait3A_549 = tpu.memref_slice %arg4[%add3A_517] : memref<3200000xi32, #tpu.memory_space<hbm>> -> memref<672xi32, #tpu.memory_space<hbm>>
      tpu.wait_dma2 semaphore(%run_scoped3A : memref<!tpu.dma_semaphore, #tpu.memory_space<semaphore_mem>>) src(%dma_wait3A_549 : memref<672xi32, #tpu.memory_space<hbm>>) dst(%arg12 : memref<672xi32, #tpu.memory_space<vmem>>)
      tpu.yield
    }) : () -> ()
    %dma_wait3A_518 = arith.constant 0 : i32
    %dma_wait3A_519 = arith.constant 0 : i32
    %dma_wait3A_520 = tpu.memref_slice %arg14[%dma_wait3A_518, %dma_wait3A_519] : memref<100352x16xf32, #tpu.memory_space<vmem_shared>> -> memref<100352x16xf32, #tpu.memory_space<vmem_shared>>
    tpu.wait_indirect_dma semaphore(%arg17 : memref<!tpu.dma_semaphore, #tpu.memory_space<semaphore_mem>>) src(%arg8 : memref<1024x16xf32, #tpu.memory_space<vmem>>) dst(%dma_wait3A_520 : memref<100352x16xf32, #tpu.memory_space<vmem_shared>>)
    %dma_start3A_521 = arith.constant 0 : i32
    %dma_start3A_522 = arith.constant 0 : i32
    %dma_start3A_523 = tpu.memref_slice %arg8[%dma_start3A_521, %dma_start3A_522] : memref<1024x16xf32, #tpu.memory_space<vmem>> -> memref<672x16xf32, #tpu.memory_space<vmem>>
    %dma_start3A_524 = arith.constant 0 : i32
    %dma_start3A_525 = arith.constant 0 : i32
    %dma_start3A_526 = tpu.memref_slice %arg2[%dma_start3A_524, %dma_start3A_525] : memref<100352x16xf32, #tpu.memory_space<hbm>> -> memref<100352x16xf32, #tpu.memory_space<hbm>>
    tpu.enqueue_indirect_dma source(%dma_start3A_526 : memref<100352x16xf32, #tpu.memory_space<hbm>>) target(%dma_start3A_523 : memref<672x16xf32, #tpu.memory_space<vmem>>) offsets(%arg11 : memref<672xi32, #tpu.memory_space<vmem>>) semaphore(%arg15 : memref<!tpu.dma_semaphore, #tpu.memory_space<semaphore_mem>>)
    %dma_wait3A_527 = arith.constant 0 : i32
    %dma_wait3A_528 = arith.constant 0 : i32
    %dma_wait3A_529 = tpu.memref_slice %arg8[%dma_wait3A_527, %dma_wait3A_528] : memref<1024x16xf32, #tpu.memory_space<vmem>> -> memref<672x16xf32, #tpu.memory_space<vmem>>
    %dma_wait3A_530 = arith.constant 0 : i32
    %dma_wait3A_531 = arith.constant 0 : i32
    %dma_wait3A_532 = tpu.memref_slice %arg2[%dma_wait3A_530, %dma_wait3A_531] : memref<100352x16xf32, #tpu.memory_space<hbm>> -> memref<100352x16xf32, #tpu.memory_space<hbm>>
    tpu.wait_indirect_dma semaphore(%arg15 : memref<!tpu.dma_semaphore, #tpu.memory_space<semaphore_mem>>) src(%dma_wait3A_532 : memref<100352x16xf32, #tpu.memory_space<hbm>>) dst(%dma_wait3A_529 : memref<672x16xf32, #tpu.memory_space<vmem>>)
    %dma_start3A_533 = arith.constant 0 : i32
    %dma_start3A_534 = arith.constant 0 : i32
    %dma_start3A_535 = tpu.memref_slice %arg8[%dma_start3A_533, %dma_start3A_534] : memref<1024x16xf32, #tpu.memory_space<vmem>> -> memref<672x16xf32, #tpu.memory_space<vmem>>
    %dma_start3A_536 = arith.constant 0 : i32
    %dma_start3A_537 = arith.constant 0 : i32
    %dma_start3A_538 = tpu.memref_slice %arg14[%dma_start3A_536, %dma_start3A_537] : memref<100352x16xf32, #tpu.memory_space<vmem_shared>> -> memref<100352x16xf32, #tpu.memory_space<vmem_shared>>
    tpu.enqueue_indirect_dma source(%dma_start3A_535 : memref<672x16xf32, #tpu.memory_space<vmem>>) target(%dma_start3A_538 : memref<100352x16xf32, #tpu.memory_space<vmem_shared>>) offsets(%arg12 : memref<672xi32, #tpu.memory_space<vmem>>) semaphore(%arg17 : memref<!tpu.dma_semaphore, #tpu.memory_space<semaphore_mem>>) {add = true}
    %dma_wait3A_539 = arith.constant 0 : i32
    %dma_wait3A_540 = arith.constant 0 : i32
    %dma_wait3A_541 = tpu.memref_slice %arg8[%dma_wait3A_539, %dma_wait3A_540] : memref<1024x16xf32, #tpu.memory_space<vmem>> -> memref<672x16xf32, #tpu.memory_space<vmem>>
    %dma_wait3A_542 = arith.constant 0 : i32
    %dma_wait3A_543 = arith.constant 0 : i32
    %dma_wait3A_544 = tpu.memref_slice %arg14[%dma_wait3A_542, %dma_wait3A_543] : memref<100352x16xf32, #tpu.memory_space<vmem_shared>> -> memref<100352x16xf32, #tpu.memory_space<vmem_shared>>
    tpu.wait_indirect_dma semaphore(%arg17 : memref<!tpu.dma_semaphore, #tpu.memory_space<semaphore_mem>>) src(%dma_wait3A_541 : memref<672x16xf32, #tpu.memory_space<vmem>>) dst(%dma_wait3A_544 : memref<100352x16xf32, #tpu.memory_space<vmem_shared>>)
    %barrier3A_545 = arith.constant 0 : index
    tpu.barrier barrier_id(%barrier3A_545)
    "tpu.region"() ({
      %run_scoped3A = tpu.sem_alloc : memref<!tpu.dma_semaphore, #tpu.memory_space<semaphore_mem>>
      %dma_start3A_546 = arith.constant 0 : i32
      %dma_start3A_547 = tpu.memref_slice %arg5[%arg0, %mul3A_8, %dma_start3A_546] : memref<2x100352x16xf32, #tpu.memory_space<hbm>> -> memref<1x6272x16xf32, #tpu.memory_space<hbm>>
      %dma_start3A_548 = tpu.memref_squeeze %dma_start3A_547 : memref<1x6272x16xf32, #tpu.memory_space<hbm>> -> memref<6272x16xf32, #tpu.memory_space<hbm>>
      %dma_start3A_549 = arith.constant 0 : i32
      %dma_start3A_550 = tpu.memref_slice %arg14[%mul3A_8, %dma_start3A_549] : memref<100352x16xf32, #tpu.memory_space<vmem_shared>> -> memref<6272x16xf32, #tpu.memory_space<vmem_shared>>
      tpu.enqueue_dma source(%dma_start3A_550 : memref<6272x16xf32, #tpu.memory_space<vmem_shared>>) target(%dma_start3A_548 : memref<6272x16xf32, #tpu.memory_space<hbm>>) target_semaphore(%run_scoped3A : memref<!tpu.dma_semaphore, #tpu.memory_space<semaphore_mem>>)
      %dma_wait3A_551 = arith.constant 0 : i32
      %dma_wait3A_552 = tpu.memref_slice %arg5[%arg0, %mul3A_8, %dma_wait3A_551] : memref<2x100352x16xf32, #tpu.memory_space<hbm>> -> memref<1x6272x16xf32, #tpu.memory_space<hbm>>
      %dma_wait3A_553 = tpu.memref_squeeze %dma_wait3A_552 : memref<1x6272x16xf32, #tpu.memory_space<hbm>> -> memref<6272x16xf32, #tpu.memory_space<hbm>>
      %dma_wait3A_554 = arith.constant 0 : i32
      %dma_wait3A_555 = tpu.memref_slice %arg14[%mul3A_8, %dma_wait3A_554] : memref<100352x16xf32, #tpu.memory_space<vmem_shared>> -> memref<6272x16xf32, #tpu.memory_space<vmem_shared>>
      tpu.wait_dma2 semaphore(%run_scoped3A : memref<!tpu.dma_semaphore, #tpu.memory_space<semaphore_mem>>) src(%dma_wait3A_555 : memref<6272x16xf32, #tpu.memory_space<vmem_shared>>) dst(%dma_wait3A_553 : memref<6272x16xf32, #tpu.memory_space<hbm>>)
      tpu.yield
    }) : () -> ()
    return
  }
}

module attributes {stable_mosaic.version = 14 : i64} {
  func.func @_lin_body(%arg0: i32, %arg1: memref<1792x40xf32, #tpu.memory_space<vmem>>, %arg2: memref<40x128xf32, #tpu.memory_space<vmem>>, %arg3: memref<1792x128xf32, #tpu.memory_space<vmem>>) attributes {dimension_semantics = [#tpu.dimension_semantics<arbitrary>], iteration_bounds = array<i64: 7>, scalar_prefetch = 0 : i64, scratch_operands = 0 : i64, tpu.core_type = #tpu.core_type<tc>, window_params = [{transform_indices = @transform_0, window_bounds = array<i64: 1792, 40>}, {pipeline_mode = #tpu.pipeline_mode<synchronous>, transform_indices = @transform_1, window_bounds = array<i64: 40, 128>}, {transform_indices = @transform_2, window_bounds = array<i64: 1792, 128>}]} {
    %get3A = arith.constant 0 : index
    %get3A_0 = arith.constant 0 : index
    %get3A_1 = vector.load %arg1[%get3A, %get3A_0] : memref<1792x40xf32, #tpu.memory_space<vmem>>, vector<1792x40xf32>
    %get3A_2 = arith.constant 0 : index
    %get3A_3 = arith.constant 0 : index
    %get3A_4 = vector.load %arg2[%get3A_2, %get3A_3] : memref<40x128xf32, #tpu.memory_space<vmem>>, vector<40x128xf32>
    %dot_general3A = arith.constant dense<0.000000e+00> : vector<1792x128xf32>
    %dot_general3A_5 = tpu.matmul %get3A_1, %get3A_4, %dot_general3A {dimension_numbers = #tpu.dot_dimension_numbers<[1], [0], [0], [1], [0, 0, 1, 1], [], []>, transpose_lhs_hint = false} : vector<1792x40xf32>, vector<40x128xf32>, vector<1792x128xf32> -> vector<1792x128xf32>
    %swap3A = arith.constant 0 : index
    %swap3A_6 = arith.constant 0 : index
    %swap3A_7 = vector.load %arg3[%swap3A, %swap3A_6] : memref<1792x128xf32, #tpu.memory_space<vmem>>, vector<1792x128xf32>
    tpu.vector_store %arg3[%swap3A, %swap3A_6], %dot_general3A_5 {strides = array<i32>} : memref<1792x128xf32, #tpu.memory_space<vmem>>, vector<1792x128xf32>,
    return
  }
  func.func @transform_0(%arg0: i32) -> (i32, i32) {
    %c0_i32 = arith.constant 0 : i32
    %c0_i32_0 = arith.constant 0 : i32
    return %arg0, %c0_i32 : i32, i32
  }
  func.func @transform_1(%arg0: i32) -> (i32, i32) {
    %c0_i32 = arith.constant 0 : i32
    %c0_i32_0 = arith.constant 0 : i32
    %c0_i32_1 = arith.constant 0 : i32
    return %c0_i32, %c0_i32_0 : i32, i32
  }
  func.func @transform_2(%arg0: i32) -> (i32, i32) {
    %c0_i32 = arith.constant 0 : i32
    %c0_i32_0 = arith.constant 0 : i32
    return %arg0, %c0_i32 : i32, i32
  }
}

module attributes {stable_mosaic.version = 14 : i64} {
  func.func @_scale_body(%arg0: i32, %arg1: memref<1792x8xf32, #tpu.memory_space<vmem>>, %arg2: memref<1792x8xf32, #tpu.memory_space<vmem>>, %arg3: memref<1792x128xf32, #tpu.memory_space<vmem>>, %arg4: memref<8x128xf32, #tpu.memory_space<vmem>>, %arg5: memref<1792x128xf32, #tpu.memory_space<vmem>>, %arg6: memref<1792x128xf32, #tpu.memory_space<vmem>>) attributes {dimension_semantics = [#tpu.dimension_semantics<arbitrary>], iteration_bounds = array<i64: 7>, scalar_prefetch = 0 : i64, scratch_operands = 0 : i64, tpu.core_type = #tpu.core_type<tc>, window_params = [{transform_indices = @transform_0, window_bounds = array<i64: 1792, 8>}, {transform_indices = @transform_1, window_bounds = array<i64: 1792, 8>}, {transform_indices = @transform_2, window_bounds = array<i64: 1792, 128>}, {pipeline_mode = #tpu.pipeline_mode<synchronous>, transform_indices = @transform_3, window_bounds = array<i64: 8, 128>}, {transform_indices = @transform_4, window_bounds = array<i64: 1792, 128>}, {transform_indices = @transform_5, window_bounds = array<i64: 1792, 128>}]} {
    %get3A = arith.constant 0 : index
    %get3A_0 = arith.constant 0 : index
    %get3A_1 = vector.load %arg1[%get3A, %get3A_0] : memref<1792x8xf32, #tpu.memory_space<vmem>>, vector<1792x8xf32>
    %add3A = arith.constant 1.000000e+00 : f32
    %add3A_2 = vector.broadcast %add3A : f32 to vector<1792x8xf32>
    %add3A_3 = arith.addf %add3A_2, %get3A_1 : vector<1792x8xf32>
    %get3A_4 = arith.constant 0 : index
    %get3A_5 = arith.constant 0 : index
    %get3A_6 = vector.load %arg2[%get3A_4, %get3A_5] : memref<1792x8xf32, #tpu.memory_space<vmem>>, vector<1792x8xf32>
    %add3A_7 = arith.addf %add3A_3, %get3A_6 : vector<1792x8xf32>
    %rsqrt3A = math.rsqrt %add3A_7 : vector<1792x8xf32>
    %get3A_8 = arith.constant 0 : index
    %get3A_9 = arith.constant 0 : index
    %get3A_10 = vector.load %arg4[%get3A_8, %get3A_9] : memref<8x128xf32, #tpu.memory_space<vmem>>, vector<8x128xf32>
    %dot_general3A = arith.constant dense<0.000000e+00> : vector<1792x128xf32>
    %dot_general3A_11 = tpu.matmul %rsqrt3A, %get3A_10, %dot_general3A {dimension_numbers = #tpu.dot_dimension_numbers<[1], [0], [0], [1], [0, 0, 1, 1], [], []>, transpose_lhs_hint = false} : vector<1792x8xf32>, vector<8x128xf32>, vector<1792x128xf32> -> vector<1792x128xf32>
    %swap3A = arith.constant 0 : index
    %swap3A_12 = arith.constant 0 : index
    %swap3A_13 = vector.load %arg6[%swap3A, %swap3A_12] : memref<1792x128xf32, #tpu.memory_space<vmem>>, vector<1792x128xf32>
    tpu.vector_store %arg6[%swap3A, %swap3A_12], %dot_general3A_11 {strides = array<i32>} : memref<1792x128xf32, #tpu.memory_space<vmem>>, vector<1792x128xf32>,
    %get3A_14 = arith.constant 0 : index
    %get3A_15 = arith.constant 0 : index
    %get3A_16 = vector.load %arg3[%get3A_14, %get3A_15] : memref<1792x128xf32, #tpu.memory_space<vmem>>, vector<1792x128xf32>
    %mul3A = arith.mulf %get3A_16, %dot_general3A_11 : vector<1792x128xf32>
    %swap3A_17 = arith.constant 0 : index
    %swap3A_18 = arith.constant 0 : index
    %swap3A_19 = vector.load %arg5[%swap3A_17, %swap3A_18] : memref<1792x128xf32, #tpu.memory_space<vmem>>, vector<1792x128xf32>
    tpu.vector_store %arg5[%swap3A_17, %swap3A_18], %mul3A {strides = array<i32>} : memref<1792x128xf32, #tpu.memory_space<vmem>>, vector<1792x128xf32>,
    return
  }
  func.func @transform_0(%arg0: i32) -> (i32, i32) {
    %c0_i32 = arith.constant 0 : i32
    %c0_i32_0 = arith.constant 0 : i32
    return %arg0, %c0_i32 : i32, i32
  }
  func.func @transform_1(%arg0: i32) -> (i32, i32) {
    %add3A = arith.constant 7 : i32
    %add3A_0 = arith.addi %arg0, %add3A : i32
    %c0_i32 = arith.constant 0 : i32
    %c0_i32_1 = arith.constant 0 : i32
    return %add3A_0, %c0_i32 : i32, i32
  }
  func.func @transform_2(%arg0: i32) -> (i32, i32) {
    %c0_i32 = arith.constant 0 : i32
    %c0_i32_0 = arith.constant 0 : i32
    return %arg0, %c0_i32 : i32, i32
  }
  func.func @transform_3(%arg0: i32) -> (i32, i32) {
    %c0_i32 = arith.constant 0 : i32
    %c0_i32_0 = arith.constant 0 : i32
    %c0_i32_1 = arith.constant 0 : i32
    return %c0_i32, %c0_i32_0 : i32, i32
  }
  func.func @transform_4(%arg0: i32) -> (i32, i32) {
    %c0_i32 = arith.constant 0 : i32
    %c0_i32_0 = arith.constant 0 : i32
    return %arg0, %c0_i32 : i32, i32
  }
  func.func @transform_5(%arg0: i32) -> (i32, i32) {
    %c0_i32 = arith.constant 0 : i32
    %c0_i32_0 = arith.constant 0 : i32
    return %arg0, %c0_i32 : i32, i32
  }
}

module attributes {stable_mosaic.version = 14 : i64} {
  func.func @_mid_body(%arg0: i32, %arg1: memref<1792x128xf32, #tpu.memory_space<vmem>>, %arg2: memref<1792x128xf32, #tpu.memory_space<vmem>>, %arg3: memref<1792x128xf32, #tpu.memory_space<vmem>>, %arg4: memref<1792x128xf32, #tpu.memory_space<vmem>>, %arg5: memref<128xf32, #tpu.memory_space<vmem>>, %arg6: memref<1792x128xf32, #tpu.memory_space<vmem>>) attributes {dimension_semantics = [#tpu.dimension_semantics<arbitrary>], iteration_bounds = array<i64: 7>, scalar_prefetch = 0 : i64, scratch_operands = 0 : i64, tpu.core_type = #tpu.core_type<tc>, window_params = [{transform_indices = @transform_0, window_bounds = array<i64: 1792, 128>}, {transform_indices = @transform_1, window_bounds = array<i64: 1792, 128>}, {transform_indices = @transform_2, window_bounds = array<i64: 1792, 128>}, {transform_indices = @transform_3, window_bounds = array<i64: 1792, 128>}, {pipeline_mode = #tpu.pipeline_mode<synchronous>, transform_indices = @transform_4, window_bounds = array<i64: 128>}, {transform_indices = @transform_5, window_bounds = array<i64: 1792, 128>}]} {
    %get3A = arith.constant 0 : index
    %get3A_0 = arith.constant 0 : index
    %get3A_1 = vector.load %arg4[%get3A, %get3A_0] : memref<1792x128xf32, #tpu.memory_space<vmem>>, vector<1792x128xf32>
    %get3A_2 = arith.constant 0 : index
    %get3A_3 = arith.constant 0 : index
    %get3A_4 = vector.load %arg1[%get3A_2, %get3A_3] : memref<1792x128xf32, #tpu.memory_space<vmem>>, vector<1792x128xf32>
    %get3A_5 = arith.constant 0 : index
    %get3A_6 = arith.constant 0 : index
    %get3A_7 = vector.load %arg2[%get3A_5, %get3A_6] : memref<1792x128xf32, #tpu.memory_space<vmem>>, vector<1792x128xf32>
    %add3A = arith.addf %get3A_4, %get3A_7 : vector<1792x128xf32>
    %get3A_8 = arith.constant 0 : index
    %get3A_9 = arith.constant 0 : index
    %get3A_10 = vector.load %arg3[%get3A_8, %get3A_9] : memref<1792x128xf32, #tpu.memory_space<vmem>>, vector<1792x128xf32>
    %add3A_11 = arith.addf %add3A, %get3A_10 : vector<1792x128xf32>
    %mul3A = arith.mulf %get3A_1, %add3A_11 : vector<1792x128xf32>
    %get3A_12 = arith.constant 0 : index
    %get3A_13 = vector.load %arg5[%get3A_12] : memref<128xf32, #tpu.memory_space<vmem>>, vector<128xf32>
    %broadcast_in_dim3A = vector.shape_cast %get3A_13 : vector<128xf32> to vector<1x128xf32>
    %add3A_14 = vector.broadcast %broadcast_in_dim3A : vector<1x128xf32> to vector<1792x128xf32>
    %add3A_15 = arith.addf %mul3A, %add3A_14 : vector<1792x128xf32>
    %max3A = arith.constant 0.000000e+00 : f32
    %max3A_16 = vector.broadcast %max3A : f32 to vector<1792x128xf32>
    %max3A_17 = arith.maximumf %add3A_15, %max3A_16 : vector<1792x128xf32>
    %mul3A_18 = arith.constant 1792 : i32
    %mul3A_19 = arith.muli %arg0, %mul3A_18 : i32
    %iota3A = tpu.iota {dimensions = array<i32: 0>} : vector<1792x1xi32>
    %add3A_20 = vector.broadcast %mul3A_19 : i32 to vector<1792x1xi32>
    %add3A_21 = arith.addi %add3A_20, %iota3A : vector<1792x1xi32>
    %lt3A = arith.constant 12500 : i32
    %lt3A_22 = vector.broadcast %lt3A : i32 to vector<1792x1xi32>
    %lt3A_23 = arith.cmpi slt, %add3A_21, %lt3A_22 : vector<1792x1xi32>
    %get3A_24 = arith.constant 0 : index
    %get3A_25 = arith.constant 0 : index
    %get3A_26 = vector.load %arg4[%get3A_24, %get3A_25] : memref<1792x128xf32, #tpu.memory_space<vmem>>, vector<1792x128xf32>
    %mul3A_27 = arith.mulf %get3A_26, %max3A_17 : vector<1792x128xf32>
    %jit3A = arith.constant 0.000000e+00 : f32
    %broadcast_in_dim3A_28 = vector.shape_cast %lt3A_23 : vector<1792x1xi1> to vector<1792x1xi1>
    %broadcast_in_dim3A_29 = vector.broadcast %broadcast_in_dim3A_28 : vector<1792x1xi1> to vector<1792x128xi1>
    %broadcast_in_dim3A_30 = vector.broadcast %jit3A : f32 to vector<1792x128xf32>
    %select_n3A = arith.select %broadcast_in_dim3A_29, %mul3A_27, %broadcast_in_dim3A_30 : vector<1792x128xi1>, vector<1792x128xf32>
    %swap3A = arith.constant 0 : index
    %swap3A_31 = arith.constant 0 : index
    %swap3A_32 = vector.load %arg6[%swap3A, %swap3A_31] : memref<1792x128xf32, #tpu.memory_space<vmem>>, vector<1792x128xf32>
    tpu.vector_store %arg6[%swap3A, %swap3A_31], %select_n3A {strides = array<i32>} : memref<1792x128xf32, #tpu.memory_space<vmem>>, vector<1792x128xf32>,
    return
  }
  func.func @transform_0(%arg0: i32) -> (i32, i32) {
    %c0_i32 = arith.constant 0 : i32
    %c0_i32_0 = arith.constant 0 : i32
    return %arg0, %c0_i32 : i32, i32
  }
  func.func @transform_1(%arg0: i32) -> (i32, i32) {
    %add3A = arith.constant 7 : i32
    %add3A_0 = arith.addi %arg0, %add3A : i32
    %c0_i32 = arith.constant 0 : i32
    %c0_i32_1 = arith.constant 0 : i32
    return %add3A_0, %c0_i32 : i32, i32
  }
  func.func @transform_2(%arg0: i32) -> (i32, i32) {
    %c0_i32 = arith.constant 0 : i32
    %c0_i32_0 = arith.constant 0 : i32
    return %arg0, %c0_i32 : i32, i32
  }
  func.func @transform_3(%arg0: i32) -> (i32, i32) {
    %c0_i32 = arith.constant 0 : i32
    %c0_i32_0 = arith.constant 0 : i32
    return %arg0, %c0_i32 : i32, i32
  }
  func.func @transform_4(%arg0: i32) -> i32 {
    %c0_i32 = arith.constant 0 : i32
    %c0_i32_0 = arith.constant 0 : i32
    return %c0_i32 : i32
  }
  func.func @transform_5(%arg0: i32) -> (i32, i32) {
    %c0_i32 = arith.constant 0 : i32
    %c0_i32_0 = arith.constant 0 : i32
    return %arg0, %c0_i32 : i32, i32
  }
}

module attributes {stable_mosaic.version = 14 : i64} {
  func.func @_fin_body(%arg0: i32, %arg1: memref<1792x128xf32, #tpu.memory_space<vmem>>, %arg2: memref<1792x128xf32, #tpu.memory_space<vmem>>, %arg3: memref<1792x128xf32, #tpu.memory_space<vmem>>, %arg4: memref<1792x128xf32, #tpu.memory_space<vmem>>, %arg5: memref<128x16xf32, #tpu.memory_space<vmem>>, %arg6: memref<16xf32, #tpu.memory_space<vmem>>, %arg7: memref<16x16xf32, #tpu.memory_space<vmem>>, %arg8: memref<1792x16xf32, #tpu.memory_space<vmem>>) attributes {dimension_semantics = [#tpu.dimension_semantics<arbitrary>], iteration_bounds = array<i64: 7>, scalar_prefetch = 0 : i64, scratch_operands = 0 : i64, tpu.core_type = #tpu.core_type<tc>, window_params = [{transform_indices = @transform_0, window_bounds = array<i64: 1792, 128>}, {transform_indices = @transform_1, window_bounds = array<i64: 1792, 128>}, {transform_indices = @transform_2, window_bounds = array<i64: 1792, 128>}, {transform_indices = @transform_3, window_bounds = array<i64: 1792, 128>}, {pipeline_mode = #tpu.pipeline_mode<synchronous>, transform_indices = @transform_4, window_bounds = array<i64: 128, 16>}, {pipeline_mode = #tpu.pipeline_mode<synchronous>, transform_indices = @transform_5, window_bounds = array<i64: 16>}, {pipeline_mode = #tpu.pipeline_mode<synchronous>, transform_indices = @transform_6, window_bounds = array<i64: 16, 16>}, {transform_indices = @transform_7, window_bounds = array<i64: 1792, 16>}]} {
    %get3A = arith.constant 0 : index
    %get3A_0 = arith.constant 0 : index
    %get3A_1 = vector.load %arg4[%get3A, %get3A_0] : memref<1792x128xf32, #tpu.memory_space<vmem>>, vector<1792x128xf32>
    %get3A_2 = arith.constant 0 : index
    %get3A_3 = arith.constant 0 : index
    %get3A_4 = vector.load %arg1[%get3A_2, %get3A_3] : memref<1792x128xf32, #tpu.memory_space<vmem>>, vector<1792x128xf32>
    %get3A_5 = arith.constant 0 : index
    %get3A_6 = arith.constant 0 : index
    %get3A_7 = vector.load %arg2[%get3A_5, %get3A_6] : memref<1792x128xf32, #tpu.memory_space<vmem>>, vector<1792x128xf32>
    %add3A = arith.addf %get3A_4, %get3A_7 : vector<1792x128xf32>
    %get3A_8 = arith.constant 0 : index
    %get3A_9 = arith.constant 0 : index
    %get3A_10 = vector.load %arg3[%get3A_8, %get3A_9] : memref<1792x128xf32, #tpu.memory_space<vmem>>, vector<1792x128xf32>
    %add3A_11 = arith.addf %add3A, %get3A_10 : vector<1792x128xf32>
    %mul3A = arith.mulf %get3A_1, %add3A_11 : vector<1792x128xf32>
    %get3A_12 = arith.constant 0 : index
    %get3A_13 = arith.constant 0 : index
    %get3A_14 = vector.load %arg5[%get3A_12, %get3A_13] : memref<128x16xf32, #tpu.memory_space<vmem>>, vector<128x16xf32>
    %dot_general3A = arith.constant dense<0.000000e+00> : vector<1792x16xf32>
    %dot_general3A_15 = tpu.matmul %mul3A, %get3A_14, %dot_general3A {dimension_numbers = #tpu.dot_dimension_numbers<[1], [0], [0], [1], [0, 0, 1, 1], [], []>, transpose_lhs_hint = false} : vector<1792x128xf32>, vector<128x16xf32>, vector<1792x16xf32> -> vector<1792x16xf32>
    %get3A_16 = arith.constant 0 : index
    %get3A_17 = vector.load %arg6[%get3A_16] : memref<16xf32, #tpu.memory_space<vmem>>, vector<16xf32>
    %broadcast_in_dim3A = vector.shape_cast %get3A_17 : vector<16xf32> to vector<1x16xf32>
    %add3A_18 = vector.broadcast %broadcast_in_dim3A : vector<1x16xf32> to vector<1792x16xf32>
    %add3A_19 = arith.addf %dot_general3A_15, %add3A_18 : vector<1792x16xf32>
    %get3A_20 = arith.constant 0 : index
    %get3A_21 = arith.constant 0 : index
    %get3A_22 = vector.load %arg7[%get3A_20, %get3A_21] : memref<16x16xf32, #tpu.memory_space<vmem>>, vector<16x16xf32>
    %dot_general3A_23 = arith.constant dense<0.000000e+00> : vector<1792x16xf32>
    %dot_general3A_24 = tpu.matmul %add3A_19, %get3A_22, %dot_general3A_23 {dimension_numbers = #tpu.dot_dimension_numbers<[1], [0], [0], [1], [0, 0, 1, 1], [], []>, transpose_lhs_hint = false} : vector<1792x16xf32>, vector<16x16xf32>, vector<1792x16xf32> -> vector<1792x16xf32>
    %max3A = arith.maximumf %add3A_19, %dot_general3A_24 : vector<1792x16xf32>
    %sub3A = arith.subf %add3A_19, %max3A : vector<1792x16xf32>
    %exp3A = math.exp %sub3A : vector<1792x16xf32>
    %get3A_25 = arith.constant 0 : index
    %get3A_26 = arith.constant 0 : index
    %get3A_27 = vector.load %arg7[%get3A_25, %get3A_26] : memref<16x16xf32, #tpu.memory_space<vmem>>, vector<16x16xf32>
    %dot_general3A_28 = arith.constant dense<0.000000e+00> : vector<1792x16xf32>
    %dot_general3A_29 = tpu.matmul %exp3A, %get3A_27, %dot_general3A_28 {dimension_numbers = #tpu.dot_dimension_numbers<[1], [0], [0], [1], [0, 0, 1, 1], [], []>, transpose_lhs_hint = false} : vector<1792x16xf32>, vector<16x16xf32>, vector<1792x16xf32> -> vector<1792x16xf32>
    %add3A_30 = arith.addf %exp3A, %dot_general3A_29 : vector<1792x16xf32>
    %log3A = math.log %add3A_30 : vector<1792x16xf32>
    %sub3A_31 = arith.subf %sub3A, %log3A : vector<1792x16xf32>
    %swap3A = arith.constant 0 : index
    %swap3A_32 = arith.constant 0 : index
    %swap3A_33 = vector.load %arg8[%swap3A, %swap3A_32] : memref<1792x16xf32, #tpu.memory_space<vmem>>, vector<1792x16xf32>
    tpu.vector_store %arg8[%swap3A, %swap3A_32], %sub3A_31 {strides = array<i32>} : memref<1792x16xf32, #tpu.memory_space<vmem>>, vector<1792x16xf32>,
    return
  }
  func.func @transform_0(%arg0: i32) -> (i32, i32) {
    %c0_i32 = arith.constant 0 : i32
    %c0_i32_0 = arith.constant 0 : i32
    return %arg0, %c0_i32 : i32, i32
  }
  func.func @transform_1(%arg0: i32) -> (i32, i32) {
    %add3A = arith.constant 7 : i32
    %add3A_0 = arith.addi %arg0, %add3A : i32
    %c0_i32 = arith.constant 0 : i32
    %c0_i32_1 = arith.constant 0 : i32
    return %add3A_0, %c0_i32 : i32, i32
  }
  func.func @transform_2(%arg0: i32) -> (i32, i32) {
    %c0_i32 = arith.constant 0 : i32
    %c0_i32_0 = arith.constant 0 : i32
    return %arg0, %c0_i32 : i32, i32
  }
  func.func @transform_3(%arg0: i32) -> (i32, i32) {
    %c0_i32 = arith.constant 0 : i32
    %c0_i32_0 = arith.constant 0 : i32
    return %arg0, %c0_i32 : i32, i32
  }
  func.func @transform_4(%arg0: i32) -> (i32, i32) {
    %c0_i32 = arith.constant 0 : i32
    %c0_i32_0 = arith.constant 0 : i32
    %c0_i32_1 = arith.constant 0 : i32
    return %c0_i32, %c0_i32_0 : i32, i32
  }
  func.func @transform_5(%arg0: i32) -> i32 {
    %c0_i32 = arith.constant 0 : i32
    %c0_i32_0 = arith.constant 0 : i32
    return %c0_i32 : i32
  }
  func.func @transform_6(%arg0: i32) -> (i32, i32) {
    %c0_i32 = arith.constant 0 : i32
    %c0_i32_0 = arith.constant 0 : i32
    %c0_i32_1 = arith.constant 0 : i32
    return %c0_i32, %c0_i32_0 : i32, i32
  }
  func.func @transform_7(%arg0: i32) -> (i32, i32) {
    %c0_i32 = arith.constant 0 : i32
    %c0_i32_0 = arith.constant 0 : i32
    return %arg0, %c0_i32 : i32, i32
  }
}

</mosaic_0001>

<sc_bundles>
// kernel: kernel.12.cloned.1.call-start
scs
__scs_entry_jumppad:
0x0: {  	(pc) =	sbr.rel $0x88, $3  }
0x1: {  	(tag) =	ssettag $0x0;
	lr =	simm.s32 $0x1  }
0x2: {  	[smem:$0x3F9B] =	sst lr;
	_ =	strace $0xD0000000  }
0x3: {  	_ = 	snop  }
0x4: {  	_ = 	snop  }
0x5: {  	_ = 	snop  }
0x6: {  	_ = 	snop  }
0x7: {  	_ = 	snop  }
__scs_overlays_trampoline_lowered:
0x8: {  	[smem:$0x3FAA] =	sst s0  }
0x9: {  	[smem:$0x3FAB] =	sst s1  }
0xa: {  	[smem:$0x3FAC] =	sst s2  }
0xb: {  	[smem:$0x3FAD] =	sst s3  }
0xc: {  	[smem:$0x3FAE] =	sst s4  }
0xd: {  	[smem:$0x3FAF] =	sst s5  }
0xe: {  	[smem:$0x3FB0] =	sst s6  }
0xf: {  	[smem:$0x3FB1] =	sst s7  }
0x10: {  	[smem:$0x3FB2] =	sst s8  }
0x11: {  	[smem:$0x3FB3] =	sst s9;
	s0 =	simm.s32 @!p0 $0x0  }
0x12: {  	s1 =	sld [smem:$0x3F99];
	s0 =	simm.s32 @p0 $0x1  }
0x13: {  	[smem:$0x3FB4] =	sst s0;
	s0 =	simm.s32 @!p1 $0x0  }
0x14: {  	s2 =	sld [smem:$0x3F98];
	s0 =	simm.s32 @p1 $0x1  }
0x15: {  	[smem:$0x3FB5] =	sst s0;
	s0 =	simm.s32 @!p2 $0x0  }
0x16: {  	s3 =	sld [smem:$0x3FDB];
	s0 =	simm.s32 @p2 $0x1  }
0x17: {  	s4 =	simm.s32 $0x1BF5;
	[smem:$0x3FB7] =	sst s0  }
0x18: {  	s0 =	sld [smem:$0x3F9A];
	_ =	swait.ge [sflag:s4], $0x0  }
0x19: {  	s7 =	sld [smem:$0x3F9B]  }
0x1a: {  	s8 =	sadd.s32 $0xFFFFE003, lr  }
0x1b: {  	s9 =	sadd.s32 $0xFFFFFEF7, lr;
	s5 =	simm.s32 $0xFFFFFFFF;
	p2 =	slt.u32 s8, $0xFFFFF086  }
0x1c: {  	p1 =	slt.u32 s9, $0xF7A;
	s5 =	simm.s32 @!p2 $0x0  }
0x1d: {  	s5 =	simm.s32 @p1 $0x1;
	p0 =	seq.s32 s7, s2  }
0x1e: {  	s7 =	smul.u32 @!p0 $0xF7A, s2;
	p2 =	seq.s32 @!p0 s5, $0x0  }
0x1f: {  	s9 =	smul.u32 $0xF7A, s1;
	s8 =	simm.s32 @!p0 $0x1BF5;
	p2 =	por !p2, p0  }
0x20: {  	[sflag:s8] =	ssyncset.s32 @!p0 $0xFFFFF086;
	s6 =	sadd.s32 @!p0 s3, s7;
	s7 =	simm.s32 @!p0 $0x108  }
0x21: {  	s3 =	sadd.s32 s3, s9;
	s6 =	sadd.s32 @!p0 $0x88, s6;
	s7 =	simm.s32 @p2 $0x1082  }
0x22: {  	[simem:s7], [sflag:s8] =	dma.local @!p0 [hbm:s6], $0xF7A  }
0x23: {  	s9 =	sor.u32 $0xD0000000, s2;
	s6 =	simm.s32 $0x108;
	_ =	swait.ge @!p0 [sflag:s8], $0x0  }
0x24: {  	s3 =	sadd.s32 $0x88, s3;
	s6 =	simm.s32 @!p1 $0x1082;
	[sflag:s4] =	ssyncset.s32 $0xFFFFF086  }
0x25: {  	[simem:s6], [sflag:s4] =	dma.local [hbm:s3], $0xF7A  }
0x26: {  	[smem:$0x3F9B] =	sst s1;
	(tag) =	ssettag s2;
	_ =	strace s9  }
0x27: {  	s1 =	sld [smem:$0x3FAB]  }
0x28: {  	s2 =	sld [smem:$0x3FAC]  }
0x29: {  	s4 =	sld [smem:$0x3FAE]  }
0x2a: {  	p0 =	seq.s32 s5, $0x0;
	s5 =	sld [smem:$0x3FAF]  }
0x2b: {  	s6 =	sld [smem:$0x3FB0]  }
0x2c: {  	s7 =	sld [smem:$0x3FB1]  }
0x2d: {  	s3 =	simm.s32 $0x108;
	s8 =	sld [smem:$0x3FB2]  }
0x2e: {  	s3 =	simm.s32 @!p0 $0x1082;
	s9 =	sld [smem:$0x3FB3]  }
0x2f: {  	lr =	sadd.s32 s0, s3;
	s0 =	sld [smem:$0x3FAA]  }
0x30: {  	s3 =	sld [smem:$0x3FAD]  }
0x31: {  	[smem:$0x3FB6] =	sst s10  }
0x32: {  	s10 =	sld [smem:$0x3FB4];
	_ =	sdelay $0x3  }
0x33: {  	p0 =	seq.s32 s10, $0x1;
	s10 =	sld [smem:$0x3FB6];
	_ =	sdelay $0x3  }
0x34: {  	[smem:$0x3FB6] =	sst s10  }
0x35: {  	s10 =	sld [smem:$0x3FB5];
	_ =	sdelay $0x3  }
0x36: {  	p1 =	seq.s32 s10, $0x1;
	s10 =	sld [smem:$0x3FB6];
	_ =	sdelay $0x3  }
0x37: {  	[smem:$0x3FB6] =	sst s10  }
0x38: {  	s10 =	sld [smem:$0x3FB7]  }
0x39: {  	_ = 	snop;
	(pc) =	sbr.ind lr, $3  }
0x3a: {  	_ = 	snop  }
0x3b: {  	_ = 	snop  }
0x3c: {  	p2 =	seq.s32 s10, $0x1;
	s10 =	sld [smem:$0x3FB6]  }
0x3d: {  	_ =	shalt  }
0x3e: {  	_ =	shalt  }
0x3f: {  	_ =	shalt  }
0x40: {  	_ =	shalt  }
0x41: {  	_ =	shalt  }
0x42: {  	_ =	shalt  }
0x43: {  	_ =	shalt  }
0x44: {  	_ =	shalt  }
0x45: {  	_ =	shalt  }
0x46: {  	_ =	shalt  }
0x47: {  	_ =	shalt  }
0x48: {  	_ =	shalt  }
0x49: {  	_ =	shalt  }
0x4a: {  	_ =	shalt  }
0x4b: {  	_ =	shalt  }
0x4c: {  	_ =	shalt  }
0x4d: {  	_ =	shalt  }
0x4e: {  	_ =	shalt  }
0x4f: {  	_ =	shalt  }
0x50: {  	_ =	shalt  }
0x51: {  	_ =	shalt  }
0x52: {  	_ =	shalt  }
0x53: {  	_ =	shalt  }
0x54: {  	_ =	shalt  }
0x55: {  	_ =	shalt  }
0x56: {  	_ =	shalt  }
0x57: {  	_ =	shalt  }
0x58: {  	_ =	shalt  }
0x59: {  	_ =	shalt  }
0x5a: {  	_ =	shalt  }
0x5b: {  	_ =	shalt  }
0x5c: {  	_ =	shalt  }
0x5d: {  	_ =	shalt  }
0x5e: {  	_ =	shalt  }
0x5f: {  	_ =	shalt  }
0x60: {  	_ =	shalt  }
0x61: {  	_ =	shalt  }
0x62: {  	_ =	shalt  }
0x63: {  	_ =	shalt  }
0x64: {  	_ =	shalt  }
0x65: {  	_ =	shalt  }
0x66: {  	_ =	shalt  }
0x67: {  	_ =	shalt  }
0x68: {  	_ =	shalt  }
0x69: {  	_ =	shalt  }
0x6a: {  	_ =	shalt  }
0x6b: {  	_ =	shalt  }
0x6c: {  	_ =	shalt  }
0x6d: {  	_ =	shalt  }
0x6e: {  	_ =	shalt  }
0x6f: {  	_ =	shalt  }
0x70: {  	_ =	shalt  }
0x71: {  	_ =	shalt  }
0x72: {  	_ =	shalt  }
0x73: {  	_ =	shalt  }
0x74: {  	_ =	shalt  }
0x75: {  	_ =	shalt  }
0x76: {  	_ =	shalt  }
0x77: {  	_ =	shalt  }
0x78: {  	_ =	shalt  }
0x79: {  	_ =	shalt  }
0x7a: {  	_ =	shalt  }
0x7b: {  	_ =	shalt  }
0x7c: {  	_ =	shalt  }
0x7d: {  	_ =	shalt  }
0x7e: {  	_ =	shalt  }
0x7f: {  	_ =	shalt  }
0x80: {  	_ =	shalt  }
0x81: {  	_ =	shalt  }
0x82: {  	_ =	shalt  }
0x83: {  	_ =	shalt  }
0x84: {  	_ =	shalt  }
0x85: {  	_ =	shalt  }
0x86: {  	_ =	shalt  }
0x87: {  	_ =	shalt  }
.Lfunc_end0:
.L_simem_size_0:
called_computation.1_lowered:
.L_overlay_start_0:
0x88: {  	s2 =	sld [smem:$0x3FD9]  }
0x89: {  	s3 =	sld [smem:$0x3FFE];
	_ =	sdelay $0x1  }
0x8a: {  	s1 =	srdreg.scid  }
0x8b: {  	s0 =	sand.u32 $0x1, s1  }
0x8c: {  	s16 =	sshll.u32 s0, $0xA;
	s2 =	sadd.s32 s3, s2  }
0x8d: {  	s2 =	sadd.s32 s2, s16  }
0x8e: {  	[smem:$0x3FC2] =	sst s2  }
0x8f: {  	_ = 	snop  }
0x90: {  	(tm) =	ssettm $0x1  }
0x91: {  	s17 =	sld [smem:$0x3FFB];
	_ =	sdelay $0x3  }
0x92: {  	_ =	strace s17  }
0x93: {  	s2 =	sld [smem:$0x3FFC];
	_ =	sdelay $0x3  }
0x94: {  	_ =	strace s2  }
0x95: {  	s2 =	sld [smem:$0x3FFD];
	_ =	sdelay $0x3  }
0x96: {  	_ =	strace s2  }
0x97: {  	_ =	strace $0x8FFFFFFF  }
0x98: {  	s18 =	sld [smem:$0x3FDB];
	_ =	sdelay $0x1  }
0x99: {  	s19 =	simm.s32 $_scs_section_size  }
0x9a: {  	s4 =	simm.s32 $_size__tile_overlayer_lowered;
	s5 =	simm.s32 $_tile_overlayer_lowered  }
0x9b: {  	s22 =	simm.s32 $0x1BFF;
	s21 =	sshll.u32 s5, $0x1;
	s2 =	sadd.s32 s19, s18  }
0x9c: {  	s6 =	simm.s32 $0x0;
	s20 =	sshll.u32 s4, $0x1;
	s4 =	sadd.s32 s21, s2  }
0x9d: {  	[timem:s6], [sflag:s22] =	dma.local [hbm:s4], s20  }
0x9e: {  	_ =	swait.ge [sflag:s22], s20  }
0x9f: {  	s3 =	ssub.s32 $0x0, s20;
	[sflag:s22] =	ssyncset.done $0x0  }
0xa0: {  	[sflag:s22] =	ssyncadd.s32 s3;
	_ =	sdelay $0x1  }
0xa1: {  	s23 =	simm.s32 $0x1B8B  }
0xa2: {  	_ =	swait.ge [sflag:s23], $0x1  }
0xa3: {  	[sflag:s23] =	ssyncset.done $0x0  }
0xa4: {  	s25 =	simm.s32 $0x1B8E;
	s24 =	sld [smem:$0x3FFE];
	[sflag:s23] =	ssyncadd.s32 $0xFFFFFFFF  }
0xa5: {  	s26 =	simm.s32 $execute0_lowered;
	[smem:$0x3FD2] =	sst s25  }
0xa6: {  	s4 =	sshll.u32 s26, $0x1;
	_ =	strace $0x80000049;
	[dreg:$0x1] =	wrdreg $0xFFFFFFFF  }
0xa7: {  	s28 =	simm.s32 $_size_execute0_lowered;
	s2 =	sadd.s32 s2, s4;
	[dreg:$0x0] =	wrdreg $0x0  }
0xa8: {  	s4 =	sshll.u32 s28, $0x1;
	[dreg:$0x2] =	wrdreg s2  }
0xa9: {  	[dreg:$0x3] =	wrdreg s4  }
0xaa: {  	[dreg:$0x4] =	wrdreg $0xC0  }
0xab: {  	_ =	task [dreg:s6], $0x5FFFF  }
0xac: {  	[dreg:$0x1] =	wrdreg $0xFFFFFFFF  }
0xad: {  	[dreg:$0x0] =	wrdreg $0x60  }
0xae: {  	[dreg:$0x2] =	wrdreg s24  }
0xaf: {  	[dreg:$0x3] =	wrdreg $0x5D400  }
0xb0: {  	[dreg:$0x4] =	wrdreg $0x9  }
0xb1: {  	_ =	task.clear_ibuf [dreg:s6], $0x5FFFF;
	_ =	strace $0x90000049  }
0xb2: {  	s29 =	simm.s32 $0x9;
	_ =	strace $0x8000004B  }
0xb3: {  	_ =	swait.ge [sflag:s29], $0x1  }
0xb4: {  	[sflag:s29] =	ssyncadd.s32 $0xFFFFFFFF  }
0xb5: {  	_ =	strace $0x9000004B  }
0xb6: {  	_ =	sfence  }
0xb7: {  	s30 =	sld [smem:$0x0];
	_ =	sdelay $0x2  }
0xb8: {  	s31 =	sshll.u32 s1, $0xD;
	s1 =	sshrl.u32 s1, $0x2  }
0xb9: {  	s3 =	sand.u32 $0x4000, s31;
	s1 =	sadd.s32 s1, s30  }
0xba: {  	s0 =	sor.u32 s3, s0;
	s1 =	sshll.u32 s1, $0x11  }
0xbb: {  	s0 =	sor.u32 s1, s0  }
0xbc: {  	s0 =	sadd.s32 $0x8F2B, s0  }
0xbd: {  	[sflag:s0] =	ssyncadd.remote.s32 $0x1  }
0xbe: {  	_ =	sfence.sel $0xFFFF  }
0xbf: {  	[dreg:$0x0] =	wrdreg $0xFFFFFFFF;
	(pc) =	sbr.abs _section_cstart, $3  }
0xc0: {  	[dreg:$0x1] =	wrdreg $0xFFFFFFFF  }
0xc1: {  	_ =	task.clear_ibuf [dreg:s6], $0x2FFFF;
	_ =	strace $0x9FFFFFFF  }
0xc2: {  	(tm) =	ssettm $0x7FFFFFFF  }
0xc3: {  	_ =	shalt  }
tec
execute0_lowered:
.L_overlay_start_1:
0x0: {  	(tag) =	ssettag $0x1  }
0x1: {  	s1 =	srdreg.scid;
	s13 =	stileid.u32  }
0x2: {  	s1 =	sand.u32 $0x1, s1;
	s7 =	smul.u32 $0x18800, s13  }
0x3: {  	s6 =	smul.u32 $0x188000, s1  }
0x4: {  	s12 =	smul.u32 $0x62000, s13  }
0x5: {  	s0 =	rddreg [dreg:$0x0];
	s6 =	sadd.s32 s7, s6  }
0x6: {  	s2 =	rddreg [dreg:$0x1];
	s25 =	sshrl.u32 s12, $0x2;
	s8 =	sshrl.u32 s6, $0x3  }
0x7: {  	s3 =	simm.s32 $0x0;
	s10 =	sadd.s32 s8, s0;
	s8 =	sadd.s32 s25, s2  }
0x8: {  	[smem:$0x7FF] =	sst s3;
	s26 =	sadd.s32 $0x800, s8  }
0x9: {  	_ =	strace $0x8000004A;
	s29 =	sadd.s32 $0x1000, s8;
	[dreg:$0x3] =	wrdreg s26  }
0xa: {  	s31 =	sadd.s32 $0x1800, s8;
	[dreg:$0x4] =	wrdreg s29  }
0xb: {  	s12 =	sadd.s32 $0x2000, s8;
	[dreg:$0x5] =	wrdreg s31  }
0xc: {  	s14 =	sadd.s32 $0x2800, s8;
	[dreg:$0x6] =	wrdreg s12  }
0xd: {  	s15 =	sadd.s32 $0x3000, s8;
	[dreg:$0x7] =	wrdreg s14  }
0xe: {  	s4 =	sadd.s32 $0xC5C00, s0;
	s16 =	sadd.s32 $0x3800, s8;
	[dreg:$0x8] =	wrdreg s15  }
0xf: {  	s5 =	sadd.s32 $0x2400, s0;
	s18 =	sadd.s32 $0x4000, s8;
	[dreg:$0x9] =	wrdreg s16  }
0x10: {  	s24 =	sshll.u32 s13, $0x1;
	s19 =	sadd.s32 $0x4800, s8;
	[dreg:$0xa] =	wrdreg s18  }
0x11: {  	s9 =	ssub.s32 $0x2, s1;
	s20 =	sadd.s32 $0x5000, s8;
	[dreg:$0xb] =	wrdreg s19  }
0x12: {  	s23 =	sshrl.u32 s9, $0x1;
	s21 =	sadd.s32 $0x5800, s8;
	[dreg:$0xc] =	wrdreg s20  }
0x13: {  	s11 =	ssub.s32 s9, s23;
	s22 =	sadd.s32 $0x6000, s8;
	[dreg:$0xd] =	wrdreg s21  }
0x14: {  	s6 =	sadd.s32 $0x64000, s0;
	s23 =	sadd.s32 $0x6800, s8;
	[dreg:$0xe] =	wrdreg s22  }
0x15: {  	s0 =	sor.u32 s1, s24;
	s24 =	sadd.s32 $0x7000, s8;
	[dreg:$0xf] =	wrdreg s23  }
0x16: {  	s25 =	sadd.s32 $0x7800, s8;
	[dreg:$0x10] =	wrdreg s24  }
0x17: {  	s9 =	sadd.s32 $0x9800, s8;
	[dreg:$0x11] =	wrdreg s25  }
0x18: {  	s17 =	smul.u32 $0x30D40, s13;
	s13 =	sadd.s32 $0xA000, s8;
	[dreg:$0x15] =	wrdreg s9  }
0x19: {  	s26 =	sadd.s32 $0x8000, s8;
	[dreg:$0x16] =	wrdreg s13  }
0x1a: {  	s29 =	sadd.s32 $0x8800, s8;
	[dreg:$0x12] =	wrdreg s26  }
0x1b: {  	s31 =	sadd.s32 $0x9000, s8;
	[dreg:$0x13] =	wrdreg s29  }
0x1c: {  	s14 =	sadd.s32 $0xA800, s8;
	[dreg:$0x14] =	wrdreg s31  }
0x1d: {  	s1 =	smul.u32 $0x186A0, s1;
	s15 =	sadd.s32 $0xB000, s8;
	[dreg:$0x17] =	wrdreg s14  }
0x1e: {  	s16 =	sadd.s32 $0xB800, s8;
	[dreg:$0x18] =	wrdreg s15  }
0x1f: {  	s12 =	sadd.s32 s1, s17;
	s17 =	sadd.s32 $0xC000, s8;
	[dreg:$0x19] =	wrdreg s16  }
0x20: {  	s18 =	sadd.s32 $0xC800, s8;
	[dreg:$0x1a] =	wrdreg s17  }
0x21: {  	s19 =	sadd.s32 $0xD000, s8;
	[dreg:$0x1b] =	wrdreg s18  }
0x22: {  	s20 =	sadd.s32 $0xD800, s8;
	[dreg:$0x1c] =	wrdreg s19  }
0x23: {  	s21 =	sadd.s32 $0xE000, s8;
	[dreg:$0x1d] =	wrdreg s20  }
0x24: {  	s22 =	sadd.s32 $0xE800, s8;
	[dreg:$0x1e] =	wrdreg s21  }
0x25: {  	s23 =	sadd.s32 $0xF000, s8;
	[dreg:$0x1f] =	wrdreg s22  }
0x26: {  	s24 =	sadd.s32 $0xF800, s8;
	[smem:$0x7EA] =	sst s23  }
0x27: {  	s25 =	sadd.s32 $0x10000, s8;
	[smem:$0x7EB] =	sst s24  }
0x28: {  	s9 =	sadd.s32 $0x12000, s8;
	[smem:$0x7EC] =	sst s25  }
0x29: {  	s13 =	sadd.s32 $0x12800, s8;
	[smem:$0x7F0] =	sst s9  }
0x2a: {  	s26 =	sadd.s32 $0x10800, s8;
	[smem:$0x7F1] =	sst s13  }
0x2b: {  	s29 =	sadd.s32 $0x11000, s8;
	[smem:$0x7ED] =	sst s26  }
0x2c: {  	s31 =	sadd.s32 $0x11800, s8;
	[smem:$0x7EE] =	sst s29  }
0x2d: {  	s14 =	sadd.s32 $0x13000, s8;
	[smem:$0x7EF] =	sst s31  }
0x2e: {  	s15 =	sadd.s32 $0x13800, s8;
	[smem:$0x7F2] =	sst s14  }
0x2f: {  	s16 =	sadd.s32 $0x14000, s8;
	[smem:$0x7F3] =	sst s15  }
0x30: {  	s17 =	sadd.s32 $0x14800, s8;
	[smem:$0x7F4] =	sst s16  }
0x31: {  	s18 =	sadd.s32 $0x15000, s8;
	[smem:$0x7F5] =	sst s17  }
0x32: {  	s28 =	simm.s32 $0x0;
	s19 =	sadd.s32 $0x15800, s8;
	[smem:$0x7F6] =	sst s18  }
0x33: {  	s7 =	sadd.s32 s7, s2;
	s20 =	sadd.s32 $0x16000, s8;
	[smem:$0x7F7] =	sst s19  }
0x34: {  	s11 =	smax.u32 s11, $0x1;
	s21 =	sadd.s32 $0x16800, s8;
	[smem:$0x7F8] =	sst s20  }
0x35: {  	s0 =	smul.u32 $0x186A0, s0;
	s22 =	sadd.s32 $0x17000, s8;
	[smem:$0x7F9] =	sst s21  }
0x36: {  	s10 =	sadd.s32 $0xF6C00, s10;
	s23 =	sadd.s32 $0x17800, s8;
	[smem:$0x7FA] =	sst s22  }
0x37: {  	s1 =	sshrl.u32 s0, $0x3;
	s24 =	sadd.s32 $0x18000, s8;
	[smem:$0x7FB] =	sst s23  }
0x38: {  	s30 =	sadd.s32 $0x800, s12;
	[smem:$0x7FC] =	sst s24;
	s25 =	sadd.s32 $0x3080, s1  }
0x39: {  	s26 =	sadd.s32 s5, s1;
	s1 =	sadd.s32 s6, s1;
	s29 =	sadd.s32 $0x400, s12  }
0x3a: {  	s15 =	simm.s32 $0x5540;
	s16 =	simm.s32 $0x2;
	s17 =	simm.s32 $0x4  }
0x3b: {  	s18 =	simm.s32 $0x400;
	s19 =	simm.s32 $0x800;
	s20 =	simm.s32 $0x1  }
0x3c: {  	s21 =	simm.s32 $0x4800;
	s22 =	simm.s32 $0x4C00;
	s23 =	simm.s32 $0x3  }
0x3d: {  	s24 =	simm.s32 $0x5000;
	[smem:$0x7FD] =	sst s26;
	s8 =	sadd.s32 s5, s25  }
0x3e: {  	s9 =	sadd.s32 s6, s25;
	s31 =	sshrl.u32 s29, $0x3;
	s25 =	simm.s32 $0x52A0  }
0x3f: {  	v0 =	vimm.f32 $0.0e+00;
	s26 =	simm.s32 $0x2A0;
	s13 =	sadd.s32 s31, s6;
	s14 =	sadd.s32 s31, s5  }
.LBB2_1:
0x40: {  	s12 =	simm.s32 $0x40;
	s29 =	simm.s32 $0x0  }
.LBB2_2:
0x41: {  	p0 =	sne.s32 s12, $0x1FC0;
	[tilespmem:s29+$0x5540] =	vst v0;
	s29 =	smov.u32 s12;
	s12 =	sadd.s32 $0x40, s12  }
.Ltmp0:
0x42: {  	(pc) =	sbr.rel @p0 .LBB2_2-.Ltmp0, $2  }
0x43: {  	_ =	sdelay $0x2  }
0x44: {  	s29 =	sshra.s32 s29, $0x2  }
0x45: {  	[tilespmem:s29+$0x5540] =	vst v0;
	s0 =	rddreg [dreg:$0x3]  }
0x46: {  	[spmem:s7] =	stream.linear.scatter [tilespmem:s15], [sflag:$0x2], $0x800, $0x38;
	[tilespmem:$0x1E540] =	vst v63  }
0x47: {  	s12 =	rddreg [dreg:$0x4]  }
0x48: {  	[spmem:s0] =	stream.linear.scatter [tilespmem:s15], [sflag:$0x2], $0x800, $0x38;
	[tilespmem:$0x1E540] =	vst v63  }
0x49: {  	s31 =	rddreg [dreg:$0x5]  }
0x4a: {  	[spmem:s12] =	stream.linear.scatter [tilespmem:s15], [sflag:$0x2], $0x800, $0x38;
	[tilespmem:$0x1E540] =	vst v63  }
0x4b: {  	s12 =	rddreg [dreg:$0x6]  }
0x4c: {  	[spmem:s31] =	stream.linear.scatter [tilespmem:s15], [sflag:$0x2], $0x800, $0x38;
	[tilespmem:$0x1E540] =	vst v63  }
0x4d: {  	s31 =	rddreg [dreg:$0x7]  }
0x4e: {  	[spmem:s12] =	stream.linear.scatter [tilespmem:s15], [sflag:$0x2], $0x800, $0x38;
	[tilespmem:$0x1E540] =	vst v63  }
0x4f: {  	s12 =	rddreg [dreg:$0x8]  }
0x50: {  	[spmem:s31] =	stream.linear.scatter [tilespmem:s15], [sflag:$0x2], $0x800, $0x38;
	[tilespmem:$0x1E540] =	vst v63  }
0x51: {  	s31 =	rddreg [dreg:$0x9]  }
0x52: {  	[spmem:s12] =	stream.linear.scatter [tilespmem:s15], [sflag:$0x2], $0x800, $0x38;
	[tilespmem:$0x1E540] =	vst v63  }
0x53: {  	s12 =	rddreg [dreg:$0xa]  }
0x54: {  	[spmem:s31] =	stream.linear.scatter [tilespmem:s15], [sflag:$0x2], $0x800, $0x38;
	[tilespmem:$0x1E540] =	vst v63  }
0x55: {  	s31 =	rddreg [dreg:$0xb]  }
0x56: {  	[spmem:s12] =	stream.linear.scatter [tilespmem:s15], [sflag:$0x2], $0x800, $0x38;
	[tilespmem:$0x1E540] =	vst v63  }
0x57: {  	s12 =	rddreg [dreg:$0xc]  }
0x58: {  	[spmem:s31] =	stream.linear.scatter [tilespmem:s15], [sflag:$0x2], $0x800, $0x38;
	[tilespmem:$0x1E540] =	vst v63  }
0x59: {  	s31 =	rddreg [dreg:$0xd]  }
0x5a: {  	[spmem:s12] =	stream.linear.scatter [tilespmem:s15], [sflag:$0x2], $0x800, $0x38;
	[tilespmem:$0x1E540] =	vst v63  }
0x5b: {  	s12 =	rddreg [dreg:$0xe]  }
0x5c: {  	[spmem:s31] =	stream.linear.scatter [tilespmem:s15], [sflag:$0x2], $0x800, $0x38;
	[tilespmem:$0x1E540] =	vst v63  }
0x5d: {  	s31 =	rddreg [dreg:$0xf]  }
0x5e: {  	[spmem:s12] =	stream.linear.scatter [tilespmem:s15], [sflag:$0x2], $0x800, $0x38;
	[tilespmem:$0x1E540] =	vst v63  }
0x5f: {  	s12 =	rddreg [dreg:$0x10]  }
0x60: {  	[spmem:s31] =	stream.linear.scatter [tilespmem:s15], [sflag:$0x2], $0x800, $0x38;
	[tilespmem:$0x1E540] =	vst v63  }
0x61: {  	s31 =	rddreg [dreg:$0x11]  }
0x62: {  	[spmem:s12] =	stream.linear.scatter [tilespmem:s15], [sflag:$0x2], $0x800, $0x38;
	[tilespmem:$0x1E540] =	vst v63  }
0x63: {  	s12 =	rddreg [dreg:$0x12]  }
0x64: {  	[spmem:s31] =	stream.linear.scatter [tilespmem:s15], [sflag:$0x2], $0x800, $0x38;
	[tilespmem:$0x1E540] =	vst v63  }
0x65: {  	s31 =	rddreg [dreg:$0x13]  }
0x66: {  	[spmem:s12] =	stream.linear.scatter [tilespmem:s15], [sflag:$0x2], $0x800, $0x38;
	[tilespmem:$0x1E540] =	vst v63  }
0x67: {  	s12 =	rddreg [dreg:$0x14]  }
0x68: {  	[spmem:s31] =	stream.linear.scatter [tilespmem:s15], [sflag:$0x2], $0x800, $0x38;
	[tilespmem:$0x1E540] =	vst v63  }
0x69: {  	s31 =	rddreg [dreg:$0x15]  }
0x6a: {  	[spmem:s12] =	stream.linear.scatter [tilespmem:s15], [sflag:$0x2], $0x800, $0x38;
	[tilespmem:$0x1E540] =	vst v63  }
0x6b: {  	s12 =	rddreg [dreg:$0x16]  }
0x6c: {  	[spmem:s31] =	stream.linear.scatter [tilespmem:s15], [sflag:$0x2], $0x800, $0x38;
	[tilespmem:$0x1E540] =	vst v63  }
0x6d: {  	s31 =	rddreg [dreg:$0x17]  }
0x6e: {  	[spmem:s12] =	stream.linear.scatter [tilespmem:s15], [sflag:$0x2], $0x800, $0x38;
	[tilespmem:$0x1E540] =	vst v63  }
0x6f: {  	s12 =	rddreg [dreg:$0x18]  }
0x70: {  	[spmem:s31] =	stream.linear.scatter [tilespmem:s15], [sflag:$0x2], $0x800, $0x38;
	[tilespmem:$0x1E540] =	vst v63  }
0x71: {  	s31 =	rddreg [dreg:$0x19]  }
0x72: {  	[spmem:s12] =	stream.linear.scatter [tilespmem:s15], [sflag:$0x2], $0x800, $0x38;
	[tilespmem:$0x1E540] =	vst v63  }
0x73: {  	s12 =	rddreg [dreg:$0x1a]  }
0x74: {  	[spmem:s31] =	stream.linear.scatter [tilespmem:s15], [sflag:$0x2], $0x800, $0x38;
	[tilespmem:$0x1E540] =	vst v63  }
0x75: {  	s31 =	rddreg [dreg:$0x1b]  }
0x76: {  	[spmem:s12] =	stream.linear.scatter [tilespmem:s15], [sflag:$0x2], $0x800, $0x38;
	[tilespmem:$0x1E540] =	vst v63  }
0x77: {  	s12 =	rddreg [dreg:$0x1c]  }
0x78: {  	[spmem:s31] =	stream.linear.scatter [tilespmem:s15], [sflag:$0x2], $0x800, $0x38;
	[tilespmem:$0x1E540] =	vst v63  }
0x79: {  	s31 =	rddreg [dreg:$0x1d]  }
0x7a: {  	[spmem:s12] =	stream.linear.scatter [tilespmem:s15], [sflag:$0x2], $0x800, $0x38;
	[tilespmem:$0x1E540] =	vst v63  }
0x7b: {  	s12 =	rddreg [dreg:$0x1e]  }
0x7c: {  	[spmem:s31] =	stream.linear.scatter [tilespmem:s15], [sflag:$0x2], $0x800, $0x38;
	[tilespmem:$0x1E540] =	vst v63  }
0x7d: {  	s31 =	rddreg [dreg:$0x1f]  }
0x7e: {  	[spmem:s12] =	stream.linear.scatter [tilespmem:s15], [sflag:$0x2], $0x800, $0x38;
	[tilespmem:$0x1E540] =	vst v63  }
0x7f: {  	s12 =	sld [smem:$0x7EA]  }
0x80: {  	[spmem:s31] =	stream.linear.scatter [tilespmem:s15], [sflag:$0x2], $0x800, $0x38;
	[tilespmem:$0x1E540] =	vst v63  }
0x81: {  	s31 =	sld [smem:$0x7EB]  }
0x82: {  	[spmem:s12] =	stream.linear.scatter [tilespmem:s15], [sflag:$0x2], $0x800, $0x38;
	[tilespmem:$0x1E540] =	vst v63  }
0x83: {  	s12 =	sld [smem:$0x7EC]  }
0x84: {  	[spmem:s31] =	stream.linear.scatter [tilespmem:s15], [sflag:$0x2], $0x800, $0x38;
	[tilespmem:$0x1E540] =	vst v63  }
0x85: {  	s31 =	sld [smem:$0x7ED]  }
0x86: {  	[spmem:s12] =	stream.linear.scatter [tilespmem:s15], [sflag:$0x2], $0x800, $0x38;
	[tilespmem:$0x1E540] =	vst v63  }
0x87: {  	s12 =	sld [smem:$0x7EE]  }
0x88: {  	[spmem:s31] =	stream.linear.scatter [tilespmem:s15], [sflag:$0x2], $0x800, $0x38;
	[tilespmem:$0x1E540] =	vst v63  }
0x89: {  	s31 =	sld [smem:$0x7EF]  }
0x8a: {  	[spmem:s12] =	stream.linear.scatter [tilespmem:s15], [sflag:$0x2], $0x800, $0x38;
	[tilespmem:$0x1E540] =	vst v63  }
0x8b: {  	s12 =	sld [smem:$0x7F0]  }
0x8c: {  	[spmem:s31] =	stream.linear.scatter [tilespmem:s15], [sflag:$0x2], $0x800, $0x38;
	[tilespmem:$0x1E540] =	vst v63  }
0x8d: {  	s31 =	sld [smem:$0x7F1]  }
0x8e: {  	[spmem:s12] =	stream.linear.scatter [tilespmem:s15], [sflag:$0x2], $0x800, $0x38;
	[tilespmem:$0x1E540] =	vst v63  }
0x8f: {  	s12 =	sld [smem:$0x7F2]  }
0x90: {  	[spmem:s31] =	stream.linear.scatter [tilespmem:s15], [sflag:$0x2], $0x800, $0x38;
	[tilespmem:$0x1E540] =	vst v63  }
0x91: {  	s31 =	sld [smem:$0x7F3]  }
0x92: {  	[spmem:s12] =	stream.linear.scatter [tilespmem:s15], [sflag:$0x2], $0x800, $0x38;
	[tilespmem:$0x1E540] =	vst v63  }
0x93: {  	s12 =	sld [smem:$0x7F4]  }
0x94: {  	[spmem:s31] =	stream.linear.scatter [tilespmem:s15], [sflag:$0x2], $0x800, $0x38;
	[tilespmem:$0x1E540] =	vst v63  }
0x95: {  	s31 =	sld [smem:$0x7F5]  }
0x96: {  	[spmem:s12] =	stream.linear.scatter [tilespmem:s15], [sflag:$0x2], $0x800, $0x38;
	[tilespmem:$0x1E540] =	vst v63  }
0x97: {  	s12 =	sld [smem:$0x7F6]  }
0x98: {  	[spmem:s31] =	stream.linear.scatter [tilespmem:s15], [sflag:$0x2], $0x800, $0x38;
	[tilespmem:$0x1E540] =	vst v63  }
0x99: {  	s31 =	sld [smem:$0x7F7]  }
0x9a: {  	[spmem:s12] =	stream.linear.scatter [tilespmem:s15], [sflag:$0x2], $0x800, $0x38;
	[tilespmem:$0x1E540] =	vst v63  }
0x9b: {  	s12 =	sld [smem:$0x7F8]  }
0x9c: {  	[spmem:s31] =	stream.linear.scatter [tilespmem:s15], [sflag:$0x2], $0x800, $0x38;
	[tilespmem:$0x1E540] =	vst v63  }
0x9d: {  	s31 =	sld [smem:$0x7F9]  }
0x9e: {  	[spmem:s12] =	stream.linear.scatter [tilespmem:s15], [sflag:$0x2], $0x800, $0x38;
	[tilespmem:$0x1E540] =	vst v63  }
0x9f: {  	s12 =	sld [smem:$0x7FA]  }
0xa0: {  	[spmem:s31] =	stream.linear.scatter [tilespmem:s15], [sflag:$0x2], $0x800, $0x38;
	[tilespmem:$0x1E540] =	vst v63  }
0xa1: {  	s31 =	sld [smem:$0x7FB]  }
0xa2: {  	[spmem:s12] =	stream.linear.scatter [tilespmem:s15], [sflag:$0x2], $0x800, $0x38;
	[tilespmem:$0x1E540] =	vst v63  }
0xa3: {  	s12 =	sld [smem:$0x7FC]  }
0xa4: {  	[spmem:s31] =	stream.linear.scatter [tilespmem:s15], [sflag:$0x2], $0x800, $0x38;
	[tilespmem:$0x1E540] =	vst v63  }
0xa5: {  	_ = 	snop  }
0xa6: {  	[spmem:s12] =	stream.linear.scatter [tilespmem:s15], [sflag:$0x2], $0x800, $0x38;
	[tilespmem:$0x1E540] =	vst v63  }
0xa7: {  	_ =	swait.ge [sflag:s16], $0x800  }
0xa8: {  	[sflag:s16] =	ssyncset.done $0x0  }
0xa9: {  	[sflag:s16] =	ssyncadd.s32 $0xFFFFF800  }
0xaa: {  	_ =	swait.ge [sflag:s16], $0x800  }
0xab: {  	[sflag:s16] =	ssyncset.done $0x0  }
0xac: {  	[sflag:s16] =	ssyncadd.s32 $0xFFFFF800  }
0xad: {  	_ =	swait.ge [sflag:s16], $0x800  }
0xae: {  	[sflag:s16] =	ssyncset.done $0x0  }
0xaf: {  	[sflag:s16] =	ssyncadd.s32 $0xFFFFF800  }
0xb0: {  	_ =	swait.ge [sflag:s16], $0x800  }
0xb1: {  	[sflag:s16] =	ssyncset.done $0x0  }
0xb2: {  	[sflag:s16] =	ssyncadd.s32 $0xFFFFF800  }
0xb3: {  	_ =	swait.ge [sflag:s16], $0x800  }
0xb4: {  	[sflag:s16] =	ssyncset.done $0x0  }
0xb5: {  	[sflag:s16] =	ssyncadd.s32 $0xFFFFF800  }
0xb6: {  	_ =	swait.ge [sflag:s16], $0x800  }
0xb7: {  	[sflag:s16] =	ssyncset.done $0x0  }
0xb8: {  	[sflag:s16] =	ssyncadd.s32 $0xFFFFF800  }
0xb9: {  	_ =	swait.ge [sflag:s16], $0x800  }
0xba: {  	[sflag:s16] =	ssyncset.done $0x0  }
0xbb: {  	[sflag:s16] =	ssyncadd.s32 $0xFFFFF800  }
0xbc: {  	_ =	swait.ge [sflag:s16], $0x800  }
0xbd: {  	[sflag:s16] =	ssyncset.done $0x0  }
0xbe: {  	[sflag:s16] =	ssyncadd.s32 $0xFFFFF800  }
0xbf: {  	_ =	swait.ge [sflag:s16], $0x800  }
0xc0: {  	[sflag:s16] =	ssyncset.done $0x0  }
0xc1: {  	[sflag:s16] =	ssyncadd.s32 $0xFFFFF800  }
0xc2: {  	_ =	swait.ge [sflag:s16], $0x800  }
0xc3: {  	[sflag:s16] =	ssyncset.done $0x0  }
0xc4: {  	[sflag:s16] =	ssyncadd.s32 $0xFFFFF800  }
0xc5: {  	_ =	swait.ge [sflag:s16], $0x800  }
0xc6: {  	[sflag:s16] =	ssyncset.done $0x0  }
0xc7: {  	[sflag:s16] =	ssyncadd.s32 $0xFFFFF800  }
0xc8: {  	_ =	swait.ge [sflag:s16], $0x800  }
0xc9: {  	[sflag:s16] =	ssyncset.done $0x0  }
0xca: {  	[sflag:s16] =	ssyncadd.s32 $0xFFFFF800  }
0xcb: {  	_ =	swait.ge [sflag:s16], $0x800  }
0xcc: {  	[sflag:s16] =	ssyncset.done $0x0  }
0xcd: {  	[sflag:s16] =	ssyncadd.s32 $0xFFFFF800  }
0xce: {  	_ =	swait.ge [sflag:s16], $0x800  }
0xcf: {  	[sflag:s16] =	ssyncset.done $0x0  }
0xd0: {  	[sflag:s16] =	ssyncadd.s32 $0xFFFFF800  }
0xd1: {  	_ =	swait.ge [sflag:s16], $0x800  }
0xd2: {  	[sflag:s16] =	ssyncset.done $0x0  }
0xd3: {  	[sflag:s16] =	ssyncadd.s32 $0xFFFFF800  }
0xd4: {  	_ =	swait.ge [sflag:s16], $0x800  }
0xd5: {  	[sflag:s16] =	ssyncset.done $0x0  }
0xd6: {  	[sflag:s16] =	ssyncadd.s32 $0xFFFFF800  }
0xd7: {  	_ =	swait.ge [sflag:s16], $0x800  }
0xd8: {  	[sflag:s16] =	ssyncset.done $0x0  }
0xd9: {  	[sflag:s16] =	ssyncadd.s32 $0xFFFFF800  }
0xda: {  	_ =	swait.ge [sflag:s16], $0x800  }
0xdb: {  	[sflag:s16] =	ssyncset.done $0x0  }
0xdc: {  	[sflag:s16] =	ssyncadd.s32 $0xFFFFF800  }
0xdd: {  	_ =	swait.ge [sflag:s16], $0x800  }
0xde: {  	[sflag:s16] =	ssyncset.done $0x0  }
0xdf: {  	[sflag:s16] =	ssyncadd.s32 $0xFFFFF800  }
0xe0: {  	_ =	swait.ge [sflag:s16], $0x800  }
0xe1: {  	[sflag:s16] =	ssyncset.done $0x0  }
0xe2: {  	[sflag:s16] =	ssyncadd.s32 $0xFFFFF800  }
0xe3: {  	_ =	swait.ge [sflag:s16], $0x800  }
0xe4: {  	[sflag:s16] =	ssyncset.done $0x0  }
0xe5: {  	[sflag:s16] =	ssyncadd.s32 $0xFFFFF800  }
0xe6: {  	_ =	swait.ge [sflag:s16], $0x800  }
0xe7: {  	[sflag:s16] =	ssyncset.done $0x0  }
0xe8: {  	[sflag:s16] =	ssyncadd.s32 $0xFFFFF800  }
0xe9: {  	_ =	swait.ge [sflag:s16], $0x800  }
0xea: {  	[sflag:s16] =	ssyncset.done $0x0  }
0xeb: {  	[sflag:s16] =	ssyncadd.s32 $0xFFFFF800  }
0xec: {  	_ =	swait.ge [sflag:s16], $0x800  }
0xed: {  	[sflag:s16] =	ssyncset.done $0x0  }
0xee: {  	[sflag:s16] =	ssyncadd.s32 $0xFFFFF800  }
0xef: {  	_ =	swait.ge [sflag:s16], $0x800  }
0xf0: {  	[sflag:s16] =	ssyncset.done $0x0  }
0xf1: {  	[sflag:s16] =	ssyncadd.s32 $0xFFFFF800  }
0xf2: {  	_ =	swait.ge [sflag:s16], $0x800  }
0xf3: {  	[sflag:s16] =	ssyncset.done $0x0  }
0xf4: {  	[sflag:s16] =	ssyncadd.s32 $0xFFFFF800  }
0xf5: {  	_ =	swait.ge [sflag:s16], $0x800  }
0xf6: {  	[sflag:s16] =	ssyncset.done $0x0  }
0xf7: {  	[sflag:s16] =	ssyncadd.s32 $0xFFFFF800  }
0xf8: {  	_ =	swait.ge [sflag:s16], $0x800  }
0xf9: {  	[sflag:s16] =	ssyncset.done $0x0  }
0xfa: {  	[sflag:s16] =	ssyncadd.s32 $0xFFFFF800  }
0xfb: {  	_ =	swait.ge [sflag:s16], $0x800  }
0xfc: {  	[sflag:s16] =	ssyncset.done $0x0  }
0xfd: {  	[sflag:s16] =	ssyncadd.s32 $0xFFFFF800  }
0xfe: {  	_ =	swait.ge [sflag:s16], $0x800  }
0xff: {  	[sflag:s16] =	ssyncset.done $0x0  }
0x100: {  	[sflag:s16] =	ssyncadd.s32 $0xFFFFF800  }
0x101: {  	_ =	swait.ge [sflag:s16], $0x800  }
0x102: {  	[sflag:s16] =	ssyncset.done $0x0  }
0x103: {  	[sflag:s16] =	ssyncadd.s32 $0xFFFFF800  }
0x104: {  	_ =	swait.ge [sflag:s16], $0x800  }
0x105: {  	[sflag:s16] =	ssyncset.done $0x0  }
0x106: {  	[sflag:s16] =	ssyncadd.s32 $0xFFFFF800  }
0x107: {  	_ =	swait.ge [sflag:s16], $0x800  }
0x108: {  	[sflag:s16] =	ssyncset.done $0x0  }
0x109: {  	[sflag:s16] =	ssyncadd.s32 $0xFFFFF800  }
0x10a: {  	_ =	swait.ge [sflag:s16], $0x800  }
0x10b: {  	[sflag:s16] =	ssyncset.done $0x0  }
0x10c: {  	[sflag:s16] =	ssyncadd.s32 $0xFFFFF800  }
0x10d: {  	_ =	swait.ge [sflag:s16], $0x800  }
0x10e: {  	[sflag:s16] =	ssyncset.done $0x0  }
0x10f: {  	[sflag:s16] =	ssyncadd.s32 $0xFFFFF800  }
0x110: {  	_ =	swait.ge [sflag:s16], $0x800  }
0x111: {  	[sflag:s16] =	ssyncset.done $0x0  }
0x112: {  	[sflag:s16] =	ssyncadd.s32 $0xFFFFF800  }
0x113: {  	_ =	swait.ge [sflag:s16], $0x800  }
0x114: {  	[sflag:s16] =	ssyncset.done $0x0  }
0x115: {  	[sflag:s16] =	ssyncadd.s32 $0xFFFFF800  }
0x116: {  	_ =	swait.ge [sflag:s16], $0x800  }
0x117: {  	[sflag:s16] =	ssyncset.done $0x0  }
0x118: {  	[sflag:s16] =	ssyncadd.s32 $0xFFFFF800  }
0x119: {  	_ =	swait.ge [sflag:s16], $0x800  }
0x11a: {  	[sflag:s16] =	ssyncset.done $0x0  }
0x11b: {  	[sflag:s16] =	ssyncadd.s32 $0xFFFFF800  }
0x11c: {  	_ =	swait.ge [sflag:s16], $0x800  }
0x11d: {  	[sflag:s16] =	ssyncset.done $0x0  }
0x11e: {  	[sflag:s16] =	ssyncadd.s32 $0xFFFFF800  }
0x11f: {  	_ =	swait.ge [sflag:s16], $0x800  }
0x120: {  	[sflag:s16] =	ssyncset.done $0x0  }
0x121: {  	[sflag:s16] =	ssyncadd.s32 $0xFFFFF800  }
0x122: {  	_ =	swait.ge [sflag:s16], $0x800  }
0x123: {  	[sflag:s16] =	ssyncset.done $0x0  }
0x124: {  	[sflag:s16] =	ssyncadd.s32 $0xFFFFF800  }
0x125: {  	_ =	swait.ge [sflag:s16], $0x800  }
0x126: {  	[sflag:s16] =	ssyncset.done $0x0  }
0x127: {  	[sflag:s16] =	ssyncadd.s32 $0xFFFFF800  }
0x128: {  	_ =	swait.ge [sflag:s16], $0x800  }
0x129: {  	[sflag:s16] =	ssyncset.done $0x0  }
0x12a: {  	[sflag:s16] =	ssyncadd.s32 $0xFFFFF800  }
0x12b: {  	_ =	swait.ge [sflag:s16], $0x800  }
0x12c: {  	[sflag:s16] =	ssyncset.done $0x0  }
0x12d: {  	[sflag:s16] =	ssyncadd.s32 $0xFFFFF800  }
0x12e: {  	_ =	swait.ge [sflag:s16], $0x800  }
0x12f: {  	[sflag:s16] =	ssyncset.done $0x0  }
0x130: {  	[sflag:s16] =	ssyncadd.s32 $0xFFFFF800  }
0x131: {  	_ =	swait.ge [sflag:s16], $0x800  }
0x132: {  	[sflag:s16] =	ssyncset.done $0x0  }
0x133: {  	[sflag:s16] =	ssyncadd.s32 $0xFFFFF800  }
0x134: {  	_ =	swait.ge [sflag:s16], $0x800  }
0x135: {  	[sflag:s16] =	ssyncset.done $0x0  }
0x136: {  	[sflag:s16] =	ssyncadd.s32 $0xFFFFF800  }
0x137: {  	_ =	swait.ge [sflag:s16], $0x800  }
0x138: {  	[sflag:s16] =	ssyncset.done $0x0  }
0x139: {  	[sflag:s16] =	ssyncadd.s32 $0xFFFFF800  }
0x13a: {  	[bflag:$0x0] =	sbarrier.arrive $0xFFFF  }
0x13b: {  	s31 =	sld [smem:$0x7FD];
	_ =	sdelay $0x1  }
0x13c: {  	s12 =	simm.s32 $0x0  }
0x13d: {  	[tilespmem:s12], [sflag:$0x4] =	stream.linear.gather [hbm4b:s31+s12], $0x400, $0x38;
	[tilespmem:$0x1E540] =	vst v63  }
0x13e: {  	_ =	swait.ge [sflag:s17], $0x400  }
0x13f: {  	[sflag:s17] =	ssyncset.done $0x0  }
0x140: {  	[sflag:s17] =	ssyncadd.s32 $0xFFFFFC00  }
0x141: {  	[tilespmem:s18], [sflag:$0x4] =	stream.linear.gather [hbm4b:s1+s12], $0x400, $0x38;
	[tilespmem:$0x1E540] =	vst v63  }
0x142: {  	_ =	swait.ge [sflag:s17], $0x400  }
0x143: {  	[sflag:s17] =	ssyncset.done $0x0  }
0x144: {  	[sflag:s17] =	ssyncadd.s32 $0xFFFFFC00  }
0x145: {  	[tilespmem:s19], [sflag:$0x1] =	stream.indirect.gather [hbm4b:s4+s18], $0x10, s3, s18, $0xb8;
	[tilespmem:$0x1E540] =	vst v63  }
0x146: {  	_ =	swait.ge [sflag:s20], $0x4000  }
0x147: {  	[sflag:s20] =	ssyncset.done $0x0  }
0x148: {  	[sflag:s20] =	ssyncadd.s32 $0xFFFFC000  }
0x149: {  	[spmem:s2] =	stream.indirect.scatter.add.f32 [tilespmem:s19], [sflag:$0x3], $0x10, s18, s18, $0xb8;
	[tilespmem:$0x1E540] =	vst v63  }
0x14a: {  	s31 =	sadd.s32 $0x0, s14  }
0x14b: {  	[tilespmem:s21], [sflag:$0x4] =	stream.linear.gather [hbm4b:s31+s3], $0x400, $0x38;
	[tilespmem:$0x1E540] =	vst v63  }
0x14c: {  	_ =	swait.ge [sflag:s17], $0x400  }
0x14d: {  	[sflag:s17] =	ssyncset.done $0x0  }
0x14e: {  	s0 =	sadd.s32 $0x0, s13;
	[sflag:s17] =	ssyncadd.s32 $0xFFFFFC00  }
0x14f: {  	[tilespmem:s22], [sflag:$0x4] =	stream.linear.gather [hbm4b:s0+s3], $0x400, $0x38;
	[tilespmem:$0x1E540] =	vst v63  }
0x150: {  	_ =	swait.ge [sflag:s17], $0x400  }
0x151: {  	[sflag:s17] =	ssyncset.done $0x0  }
0x152: {  	[sflag:s17] =	ssyncadd.s32 $0xFFFFFC00  }
0x153: {  	_ =	swait.ge [sflag:s23], $0x4000  }
0x154: {  	[sflag:s23] =	ssyncset.done $0x0  }
0x155: {  	[sflag:s23] =	ssyncadd.s32 $0xFFFFC000  }
0x156: {  	[tilespmem:s19], [sflag:$0x1] =	stream.indirect.gather [hbm4b:s4+s18], $0x10, s21, s18, $0xb8;
	[tilespmem:$0x1E540] =	vst v63  }
0x157: {  	_ =	swait.ge [sflag:s20], $0x4000  }
0x158: {  	[sflag:s20] =	ssyncset.done $0x0  }
0x159: {  	s31 =	sshrl.u32 s30, $0x3;
	[sflag:s20] =	ssyncadd.s32 $0xFFFFC000  }
0x15a: {  	[spmem:s2] =	stream.indirect.scatter.add.f32 [tilespmem:s19], [sflag:$0x3], $0x10, s22, s18, $0xb8;
	[tilespmem:$0x1E540] =	vst v63  }
0x15b: {  	s29 =	sadd.s32 s5, s31  }
0x15c: {  	[tilespmem:s3], [sflag:$0x4] =	stream.linear.gather [hbm4b:s29+s3], $0x400, $0x38;
	[tilespmem:$0x1E540] =	vst v63  }
0x15d: {  	_ =	swait.ge [sflag:s17], $0x400  }
0x15e: {  	[sflag:s17] =	ssyncset.done $0x0  }
0x15f: {  	s12 =	sadd.s32 s6, s31;
	[sflag:s17] =	ssyncadd.s32 $0xFFFFFC00  }
0x160: {  	[tilespmem:s18], [sflag:$0x4] =	stream.linear.gather [hbm4b:s12+s3], $0x400, $0x38;
	[tilespmem:$0x1E540] =	vst v63  }
0x161: {  	_ =	swait.ge [sflag:s17], $0x400  }
0x162: {  	[sflag:s17] =	ssyncset.done $0x0  }
0x163: {  	[sflag:s17] =	ssyncadd.s32 $0xFFFFFC00  }
0x164: {  	_ =	swait.ge [sflag:s23], $0x4000  }
0x165: {  	s29 =	simm.s32 $0x100;
	s12 =	smov.u32 s30;
	[sflag:s23] =	ssyncset.done $0x0  }
.LBB2_4:
0x166: {  	p0 =	sne.s32 s29, $0x2F00;
	[sflag:s23] =	ssyncadd.s32 $0xFFFFC000;
	s12 =	sadd.s32 $0x800, s12  }
0x167: {  	[tilespmem:s19], [sflag:$0x1] =	stream.indirect.gather [hbm4b:s4+s18], $0x10, s3, s18, $0xb8;
	[tilespmem:$0x1E540] =	vst v63  }
0x168: {  	s31 =	smov.u32 s29;
	s29 =	sadd.s32 $0x100, s29;
	_ =	swait.ge [sflag:s20], $0x4000  }
0x169: {  	[sflag:s20] =	ssyncset.done $0x0  }
0x16a: {  	[sflag:s20] =	ssyncadd.s32 $0xFFFFC000  }
0x16b: {  	[spmem:s2] =	stream.indirect.scatter.add.f32 [tilespmem:s19], [sflag:$0x3], $0x10, s18, s18, $0xb8;
	[tilespmem:$0x1E540] =	vst v63  }
0x16c: {  	s0 =	sadd.s32 s31, s14  }
0x16d: {  	[tilespmem:s21], [sflag:$0x4] =	stream.linear.gather [hbm4b:s0+s3], $0x400, $0x38;
	[tilespmem:$0x1E540] =	vst v63  }
0x16e: {  	_ =	swait.ge [sflag:s17], $0x400  }
0x16f: {  	[sflag:s17] =	ssyncset.done $0x0  }
0x170: {  	s0 =	sadd.s32 s31, s13;
	[sflag:s17] =	ssyncadd.s32 $0xFFFFFC00  }
0x171: {  	[tilespmem:s22], [sflag:$0x4] =	stream.linear.gather [hbm4b:s0+s3], $0x400, $0x38;
	[tilespmem:$0x1E540] =	vst v63  }
0x172: {  	_ =	swait.ge [sflag:s17], $0x400  }
0x173: {  	[sflag:s17] =	ssyncset.done $0x0  }
0x174: {  	[sflag:s17] =	ssyncadd.s32 $0xFFFFFC00  }
0x175: {  	_ =	swait.ge [sflag:s23], $0x4000  }
0x176: {  	[sflag:s23] =	ssyncset.done $0x0  }
0x177: {  	[sflag:s23] =	ssyncadd.s32 $0xFFFFC000  }
0x178: {  	[tilespmem:s19], [sflag:$0x1] =	stream.indirect.gather [hbm4b:s4+s18], $0x10, s21, s18, $0xb8;
	[tilespmem:$0x1E540] =	vst v63  }
0x179: {  	_ =	swait.ge [sflag:s20], $0x4000  }
0x17a: {  	[sflag:s20] =	ssyncset.done $0x0  }
0x17b: {  	s0 =	sshrl.u32 s12, $0x3;
	[sflag:s20] =	ssyncadd.s32 $0xFFFFC000  }
0x17c: {  	[spmem:s2] =	stream.indirect.scatter.add.f32 [tilespmem:s19], [sflag:$0x3], $0x10, s22, s18, $0xb8;
	[tilespmem:$0x1E540] =	vst v63  }
0x17d: {  	s31 =	sadd.s32 s5, s0  }
0x17e: {  	[tilespmem:s3], [sflag:$0x4] =	stream.linear.gather [hbm4b:s31+s3], $0x400, $0x38;
	[tilespmem:$0x1E540] =	vst v63  }
0x17f: {  	_ =	swait.ge [sflag:s17], $0x400  }
0x180: {  	[sflag:s17] =	ssyncset.done $0x0  }
0x181: {  	s0 =	sadd.s32 s6, s0;
	[sflag:s17] =	ssyncadd.s32 $0xFFFFFC00  }
0x182: {  	[tilespmem:s18], [sflag:$0x4] =	stream.linear.gather [hbm4b:s0+s3], $0x400, $0x38;
	[tilespmem:$0x1E540] =	vst v63  }
.Ltmp1:
0x183: {  	_ =	swait.ge [sflag:s17], $0x400;
	(pc) =	sbr.rel @p0 .LBB2_4-.Ltmp1, $4  }
0x184: {  	[sflag:s17] =	ssyncset.done $0x0  }
0x185: {  	[sflag:s17] =	ssyncadd.s32 $0xFFFFFC00  }
0x186: {  	_ =	swait.ge [sflag:s23], $0x4000  }
0x187: {  	[sflag:s23] =	ssyncset.done $0x0  }
0x188: {  	[sflag:s23] =	ssyncadd.s32 $0xFFFFC000  }
0x189: {  	[tilespmem:s19], [sflag:$0x1] =	stream.indirect.gather [hbm4b:s4+s18], $0x10, s3, s18, $0xb8;
	[tilespmem:$0x1E540] =	vst v63  }
0x18a: {  	_ =	swait.ge [sflag:s20], $0x4000  }
0x18b: {  	[sflag:s20] =	ssyncset.done $0x0  }
0x18c: {  	[sflag:s20] =	ssyncadd.s32 $0xFFFFC000  }
0x18d: {  	[spmem:s2] =	stream.indirect.scatter.add.f32 [tilespmem:s19], [sflag:$0x3], $0x10, s18, s18, $0xb8;
	[tilespmem:$0x1E540] =	vst v63  }
0x18e: {  	_ = 	snop  }
0x18f: {  	[tilespmem:s24], [sflag:$0x4] =	stream.linear.gather [hbm4b:s8+s3], $0x2A0, $0x38;
	[tilespmem:$0x1E540] =	vst v63  }
0x190: {  	_ =	swait.ge [sflag:s17], $0x2A0  }
0x191: {  	[sflag:s17] =	ssyncset.done $0x0  }
0x192: {  	[sflag:s17] =	ssyncadd.s32 $0xFFFFFD60  }
0x193: {  	[tilespmem:s25], [sflag:$0x4] =	stream.linear.gather [hbm4b:s9+s3], $0x2A0, $0x38;
	[tilespmem:$0x1E540] =	vst v63  }
0x194: {  	_ =	swait.ge [sflag:s17], $0x2A0  }
0x195: {  	[sflag:s17] =	ssyncset.done $0x0  }
0x196: {  	[sflag:s17] =	ssyncadd.s32 $0xFFFFFD60  }
0x197: {  	_ =	swait.ge [sflag:s23], $0x4000  }
0x198: {  	[sflag:s23] =	ssyncset.done $0x0  }
0x199: {  	[sflag:s23] =	ssyncadd.s32 $0xFFFFC000  }
0x19a: {  	[tilespmem:s19], [sflag:$0x1] =	stream.indirect.gather [hbm4b:s4+s26], $0x10, s24, s26, $0xb8;
	[tilespmem:$0x1E540] =	vst v63  }
0x19b: {  	_ =	swait.ge [sflag:s20], $0x2A00  }
0x19c: {  	[sflag:s20] =	ssyncset.done $0x0  }
0x19d: {  	[sflag:s20] =	ssyncadd.s32 $0xFFFFD600  }
0x19e: {  	[spmem:s2] =	stream.indirect.scatter.add.f32 [tilespmem:s19], [sflag:$0x3], $0x10, s25, s26, $0xb8;
	[tilespmem:$0x1E540] =	vst v63  }
0x19f: {  	s0 =	stileid.u32;
	_ =	swait.ge [sflag:s23], $0x2A00  }
0x1a0: {  	s12 =	sshrl.u32 s7, $0x3;
	s28 =	sadd.s32 $0x1, s28;
	[sflag:s23] =	ssyncset.done $0x0  }
0x1a1: {  	s0 =	sshll.u32 s0, $0x6;
	p0 =	sne.s32 s28, s11;
	[sflag:s23] =	ssyncadd.s32 $0xFFFFD600  }
.Ltmp2:
0x1a2: {  	s0 =	sor.u32 $0x1C04, s0;
	[bflag:$0x0] =	sbarrier.arrive $0xFFFF;
	(pc) =	sbr.rel @p0 .LBB2_1-.Ltmp2, $4  }
0x1a3: {  	[hbm:s10], [sflag:s0] =	dma.local [spmem:s12], $0x3100  }
0x1a4: {  	_ =	swait.ge [sflag:s17], $0x3100  }
0x1a5: {  	[sflag:s17] =	ssyncset.done $0x0  }
0x1a6: {  	[sflag:s17] =	ssyncadd.s32 $0xFFFFCF00  }
0x1a7: {  	_ =	sfence.sel $0x180000  }
0x1a8: {  	[bflag:$0x0] =	sbarrier.arrive $0xFFFF  }
0x1a9: {  	_ =	strace $0x9000004A  }
0x1aa: {  	s0 =	stileid.u32;
	[bflag:$0x2] =	sbarrier.arrive $0xFFFF  }
0x1ab: {  	p0 =	sne.s32 s0, $0x0;
	s0 =	rddreg [dreg:$0x2]  }
0x1ac: {  	s0 =	sadd.s32 @!p0 $0x100000, s0  }
0x1ad: {  	[sflag:s0] =	ssyncadd.tile.s32 @!p0 $0x1;
	_ =	shalt  }
.Lfunc_end2:
_tile_overlayer_lowered:
.L_overlay_start_2:
0x1ae: {  	(tag) =	ssettag $0x2  }
0x1af: {  	s0 =	rddreg [dreg:$0x0];
	s2 =	stileid.u32  }
0x1b0: {  	s1 =	rddreg [dreg:$0x1];
	p0 =	sne.s32 s2, $0x0  }
0x1b1: {  	s3 =	rddreg [dreg:$0x2];
	[bflag:$0x3] =	sbarrier.arrive $0xFFFF;
	s2 =	simm.s32 @!p0 $0x1C04  }
0x1b2: {  	[timem:s3], [sflag:s2] =	dma.local @!p0 [hbm:s0], s1  }
0x1b3: {  	s0 =	simm.s32 @!p0 $0x4  }
0x1b4: {  	_ =	swait.ge @!p0 [sflag:s0], s1  }
0x1b5: {  	s1 =	ssub.s32 @!p0 $0x0, s1;
	[sflag:s0] =	ssyncset.done @!p0 $0x0  }
0x1b6: {  	[sflag:s0] =	ssyncadd.s32 @!p0 s1  }
0x1b7: {  	[bflag:$0x3] =	sbarrier.arrive $0xFFFF  }
0x1b8: {  	_ =	shalt  }

// kernel: kernel.15.cloned.1.call-start
scs
__scs_entry_jumppad:
0x0: {  	(pc) =	sbr.rel $0x88, $3  }
0x1: {  	(tag) =	ssettag $0x0;
	lr =	simm.s32 $0x1  }
0x2: {  	[smem:$0x3F9B] =	sst lr;
	_ =	strace $0xD0000000  }
0x3: {  	_ = 	snop  }
0x4: {  	_ = 	snop  }
0x5: {  	_ = 	snop  }
0x6: {  	_ = 	snop  }
0x7: {  	_ = 	snop  }
__scs_overlays_trampoline_lowered:
0x8: {  	[smem:$0x3FAA] =	sst s0  }
0x9: {  	[smem:$0x3FAB] =	sst s1  }
0xa: {  	[smem:$0x3FAC] =	sst s2  }
0xb: {  	[smem:$0x3FAD] =	sst s3  }
0xc: {  	[smem:$0x3FAE] =	sst s4  }
0xd: {  	[smem:$0x3FAF] =	sst s5  }
0xe: {  	[smem:$0x3FB0] =	sst s6  }
0xf: {  	[smem:$0x3FB1] =	sst s7  }
0x10: {  	[smem:$0x3FB2] =	sst s8  }
0x11: {  	[smem:$0x3FB3] =	sst s9;
	s0 =	simm.s32 @!p0 $0x0  }
0x12: {  	s1 =	sld [smem:$0x3F99];
	s0 =	simm.s32 @p0 $0x1  }
0x13: {  	[smem:$0x3FB4] =	sst s0;
	s0 =	simm.s32 @!p1 $0x0  }
0x14: {  	s2 =	sld [smem:$0x3F98];
	s0 =	simm.s32 @p1 $0x1  }
0x15: {  	[smem:$0x3FB5] =	sst s0;
	s0 =	simm.s32 @!p2 $0x0  }
0x16: {  	s3 =	sld [smem:$0x3FDB];
	s0 =	simm.s32 @p2 $0x1  }
0x17: {  	s4 =	simm.s32 $0x1BF5;
	[smem:$0x3FB7] =	sst s0  }
0x18: {  	s0 =	sld [smem:$0x3F9A];
	_ =	swait.ge [sflag:s4], $0x0  }
0x19: {  	s7 =	sld [smem:$0x3F9B]  }
0x1a: {  	s8 =	sadd.s32 $0xFFFFE003, lr  }
0x1b: {  	s9 =	sadd.s32 $0xFFFFFEF7, lr;
	s5 =	simm.s32 $0xFFFFFFFF;
	p2 =	slt.u32 s8, $0xFFFFF086  }
0x1c: {  	p1 =	slt.u32 s9, $0xF7A;
	s5 =	simm.s32 @!p2 $0x0  }
0x1d: {  	s5 =	simm.s32 @p1 $0x1;
	p0 =	seq.s32 s7, s2  }
0x1e: {  	s7 =	smul.u32 @!p0 $0xF7A, s2;
	p2 =	seq.s32 @!p0 s5, $0x0  }
0x1f: {  	s9 =	smul.u32 $0xF7A, s1;
	s8 =	simm.s32 @!p0 $0x1BF5;
	p2 =	por !p2, p0  }
0x20: {  	[sflag:s8] =	ssyncset.s32 @!p0 $0xFFFFF086;
	s6 =	sadd.s32 @!p0 s3, s7;
	s7 =	simm.s32 @!p0 $0x108  }
0x21: {  	s3 =	sadd.s32 s3, s9;
	s6 =	sadd.s32 @!p0 $0x88, s6;
	s7 =	simm.s32 @p2 $0x1082  }
0x22: {  	[simem:s7], [sflag:s8] =	dma.local @!p0 [hbm:s6], $0xF7A  }
0x23: {  	s9 =	sor.u32 $0xD0000000, s2;
	s6 =	simm.s32 $0x108;
	_ =	swait.ge @!p0 [sflag:s8], $0x0  }
0x24: {  	s3 =	sadd.s32 $0x88, s3;
	s6 =	simm.s32 @!p1 $0x1082;
	[sflag:s4] =	ssyncset.s32 $0xFFFFF086  }
0x25: {  	[simem:s6], [sflag:s4] =	dma.local [hbm:s3], $0xF7A  }
0x26: {  	[smem:$0x3F9B] =	sst s1;
	(tag) =	ssettag s2;
	_ =	strace s9  }
0x27: {  	s1 =	sld [smem:$0x3FAB]  }
0x28: {  	s2 =	sld [smem:$0x3FAC]  }
0x29: {  	s4 =	sld [smem:$0x3FAE]  }
0x2a: {  	p0 =	seq.s32 s5, $0x0;
	s5 =	sld [smem:$0x3FAF]  }
0x2b: {  	s6 =	sld [smem:$0x3FB0]  }
0x2c: {  	s7 =	sld [smem:$0x3FB1]  }
0x2d: {  	s3 =	simm.s32 $0x108;
	s8 =	sld [smem:$0x3FB2]  }
0x2e: {  	s3 =	simm.s32 @!p0 $0x1082;
	s9 =	sld [smem:$0x3FB3]  }
0x2f: {  	lr =	sadd.s32 s0, s3;
	s0 =	sld [smem:$0x3FAA]  }
0x30: {  	s3 =	sld [smem:$0x3FAD]  }
0x31: {  	[smem:$0x3FB6] =	sst s10  }
0x32: {  	s10 =	sld [smem:$0x3FB4];
	_ =	sdelay $0x3  }
0x33: {  	p0 =	seq.s32 s10, $0x1;
	s10 =	sld [smem:$0x3FB6];
	_ =	sdelay $0x3  }
0x34: {  	[smem:$0x3FB6] =	sst s10  }
0x35: {  	s10 =	sld [smem:$0x3FB5];
	_ =	sdelay $0x3  }
0x36: {  	p1 =	seq.s32 s10, $0x1;
	s10 =	sld [smem:$0x3FB6];
	_ =	sdelay $0x3  }
0x37: {  	[smem:$0x3FB6] =	sst s10  }
0x38: {  	s10 =	sld [smem:$0x3FB7]  }
0x39: {  	_ = 	snop;
	(pc) =	sbr.ind lr, $3  }
0x3a: {  	_ = 	snop  }
0x3b: {  	_ = 	snop  }
0x3c: {  	p2 =	seq.s32 s10, $0x1;
	s10 =	sld [smem:$0x3FB6]  }
0x3d: {  	_ =	shalt  }
0x3e: {  	_ =	shalt  }
0x3f: {  	_ =	shalt  }
0x40: {  	_ =	shalt  }
0x41: {  	_ =	shalt  }
0x42: {  	_ =	shalt  }
0x43: {  	_ =	shalt  }
0x44: {  	_ =	shalt  }
0x45: {  	_ =	shalt  }
0x46: {  	_ =	shalt  }
0x47: {  	_ =	shalt  }
0x48: {  	_ =	shalt  }
0x49: {  	_ =	shalt  }
0x4a: {  	_ =	shalt  }
0x4b: {  	_ =	shalt  }
0x4c: {  	_ =	shalt  }
0x4d: {  	_ =	shalt  }
0x4e: {  	_ =	shalt  }
0x4f: {  	_ =	shalt  }
0x50: {  	_ =	shalt  }
0x51: {  	_ =	shalt  }
0x52: {  	_ =	shalt  }
0x53: {  	_ =	shalt  }
0x54: {  	_ =	shalt  }
0x55: {  	_ =	shalt  }
0x56: {  	_ =	shalt  }
0x57: {  	_ =	shalt  }
0x58: {  	_ =	shalt  }
0x59: {  	_ =	shalt  }
0x5a: {  	_ =	shalt  }
0x5b: {  	_ =	shalt  }
0x5c: {  	_ =	shalt  }
0x5d: {  	_ =	shalt  }
0x5e: {  	_ =	shalt  }
0x5f: {  	_ =	shalt  }
0x60: {  	_ =	shalt  }
0x61: {  	_ =	shalt  }
0x62: {  	_ =	shalt  }
0x63: {  	_ =	shalt  }
0x64: {  	_ =	shalt  }
0x65: {  	_ =	shalt  }
0x66: {  	_ =	shalt  }
0x67: {  	_ =	shalt  }
0x68: {  	_ =	shalt  }
0x69: {  	_ =	shalt  }
0x6a: {  	_ =	shalt  }
0x6b: {  	_ =	shalt  }
0x6c: {  	_ =	shalt  }
0x6d: {  	_ =	shalt  }
0x6e: {  	_ =	shalt  }
0x6f: {  	_ =	shalt  }
0x70: {  	_ =	shalt  }
0x71: {  	_ =	shalt  }
0x72: {  	_ =	shalt  }
0x73: {  	_ =	shalt  }
0x74: {  	_ =	shalt  }
0x75: {  	_ =	shalt  }
0x76: {  	_ =	shalt  }
0x77: {  	_ =	shalt  }
0x78: {  	_ =	shalt  }
0x79: {  	_ =	shalt  }
0x7a: {  	_ =	shalt  }
0x7b: {  	_ =	shalt  }
0x7c: {  	_ =	shalt  }
0x7d: {  	_ =	shalt  }
0x7e: {  	_ =	shalt  }
0x7f: {  	_ =	shalt  }
0x80: {  	_ =	shalt  }
0x81: {  	_ =	shalt  }
0x82: {  	_ =	shalt  }
0x83: {  	_ =	shalt  }
0x84: {  	_ =	shalt  }
0x85: {  	_ =	shalt  }
0x86: {  	_ =	shalt  }
0x87: {  	_ =	shalt  }
.Lfunc_end0:
.L_simem_size_0:
called_computation.2_lowered:
.L_overlay_start_0:
0x88: {  	s2 =	sld [smem:$0x3FD9]  }
0x89: {  	s3 =	sld [smem:$0x3FFE];
	_ =	sdelay $0x1  }
0x8a: {  	s1 =	srdreg.scid  }
0x8b: {  	s0 =	sand.u32 $0x1, s1  }
0x8c: {  	s16 =	sshll.u32 s0, $0xA;
	s2 =	sadd.s32 s3, s2  }
0x8d: {  	s2 =	sadd.s32 s2, s16  }
0x8e: {  	[smem:$0x3FC2] =	sst s2  }
0x8f: {  	_ = 	snop  }
0x90: {  	(tm) =	ssettm $0x1  }
0x91: {  	s17 =	sld [smem:$0x3FFB];
	_ =	sdelay $0x3  }
0x92: {  	_ =	strace s17  }
0x93: {  	s2 =	sld [smem:$0x3FFC];
	_ =	sdelay $0x3  }
0x94: {  	_ =	strace s2  }
0x95: {  	s2 =	sld [smem:$0x3FFD];
	_ =	sdelay $0x3  }
0x96: {  	_ =	strace s2  }
0x97: {  	_ =	strace $0x8FFFFFFF  }
0x98: {  	s18 =	sld [smem:$0x3FDB];
	_ =	sdelay $0x1  }
0x99: {  	s19 =	simm.s32 $_scs_section_size  }
0x9a: {  	s4 =	simm.s32 $_size__tile_overlayer_lowered;
	s5 =	simm.s32 $_tile_overlayer_lowered  }
0x9b: {  	s22 =	simm.s32 $0x1BFF;
	s21 =	sshll.u32 s5, $0x1;
	s2 =	sadd.s32 s19, s18  }
0x9c: {  	s6 =	simm.s32 $0x0;
	s20 =	sshll.u32 s4, $0x1;
	s4 =	sadd.s32 s21, s2  }
0x9d: {  	[timem:s6], [sflag:s22] =	dma.local [hbm:s4], s20  }
0x9e: {  	_ =	swait.ge [sflag:s22], s20  }
0x9f: {  	s3 =	ssub.s32 $0x0, s20;
	[sflag:s22] =	ssyncset.done $0x0  }
0xa0: {  	[sflag:s22] =	ssyncadd.s32 s3;
	_ =	sdelay $0x1  }
0xa1: {  	s23 =	simm.s32 $0x1B8B  }
0xa2: {  	_ =	swait.ge [sflag:s23], $0x1  }
0xa3: {  	[sflag:s23] =	ssyncset.done $0x0  }
0xa4: {  	s25 =	simm.s32 $0x1B8E;
	s24 =	sld [smem:$0x3FFE];
	[sflag:s23] =	ssyncadd.s32 $0xFFFFFFFF  }
0xa5: {  	s26 =	simm.s32 $execute0_lowered;
	[smem:$0x3FD2] =	sst s25  }
0xa6: {  	s4 =	sshll.u32 s26, $0x1;
	_ =	strace $0x8000004C;
	[dreg:$0x1] =	wrdreg $0xFFFFFFFF  }
0xa7: {  	s28 =	simm.s32 $_size_execute0_lowered;
	s2 =	sadd.s32 s2, s4;
	[dreg:$0x0] =	wrdreg $0x0  }
0xa8: {  	s4 =	sshll.u32 s28, $0x1;
	[dreg:$0x2] =	wrdreg s2  }
0xa9: {  	[dreg:$0x3] =	wrdreg s4  }
0xaa: {  	[dreg:$0x4] =	wrdreg $0xC0  }
0xab: {  	_ =	task [dreg:s6], $0x5FFFF  }
0xac: {  	[dreg:$0x1] =	wrdreg $0xFFFFFFFF  }
0xad: {  	[dreg:$0x0] =	wrdreg $0x60  }
0xae: {  	[dreg:$0x2] =	wrdreg s24  }
0xaf: {  	[dreg:$0x3] =	wrdreg $0x5D400  }
0xb0: {  	[dreg:$0x4] =	wrdreg $0x9  }
0xb1: {  	_ =	task.clear_ibuf [dreg:s6], $0x5FFFF;
	_ =	strace $0x9000004C  }
0xb2: {  	s29 =	simm.s32 $0x9;
	_ =	strace $0x8000004E  }
0xb3: {  	_ =	swait.ge [sflag:s29], $0x1  }
0xb4: {  	[sflag:s29] =	ssyncadd.s32 $0xFFFFFFFF  }
0xb5: {  	_ =	strace $0x9000004E  }
0xb6: {  	_ =	sfence  }
0xb7: {  	s30 =	sld [smem:$0x0];
	_ =	sdelay $0x2  }
0xb8: {  	s31 =	sshll.u32 s1, $0xD;
	s1 =	sshrl.u32 s1, $0x2  }
0xb9: {  	s3 =	sand.u32 $0x4000, s31;
	s1 =	sadd.s32 s1, s30  }
0xba: {  	s0 =	sor.u32 s3, s0;
	s1 =	sshll.u32 s1, $0x11  }
0xbb: {  	s0 =	sor.u32 s1, s0  }
0xbc: {  	s0 =	sadd.s32 $0x8F2B, s0  }
0xbd: {  	[sflag:s0] =	ssyncadd.remote.s32 $0x1  }
0xbe: {  	_ =	sfence.sel $0xFFFF  }
0xbf: {  	[dreg:$0x0] =	wrdreg $0xFFFFFFFF;
	(pc) =	sbr.abs _section_cstart, $3  }
0xc0: {  	[dreg:$0x1] =	wrdreg $0xFFFFFFFF  }
0xc1: {  	_ =	task.clear_ibuf [dreg:s6], $0x2FFFF;
	_ =	strace $0x9FFFFFFF  }
0xc2: {  	(tm) =	ssettm $0x7FFFFFFF  }
0xc3: {  	_ =	shalt  }
tec
execute0_lowered:
.L_overlay_start_1:
0x0: {  	(tag) =	ssettag $0x1  }
0x1: {  	s1 =	srdreg.scid;
	s13 =	stileid.u32  }
0x2: {  	s1 =	sand.u32 $0x1, s1;
	s7 =	smul.u32 $0x18800, s13  }
0x3: {  	s6 =	smul.u32 $0x188000, s1  }
0x4: {  	s12 =	smul.u32 $0x62000, s13  }
0x5: {  	s0 =	rddreg [dreg:$0x0];
	s6 =	sadd.s32 s7, s6  }
0x6: {  	s2 =	rddreg [dreg:$0x1];
	s25 =	sshrl.u32 s12, $0x2;
	s8 =	sshrl.u32 s6, $0x3  }
0x7: {  	s3 =	simm.s32 $0x0;
	s10 =	sadd.s32 s8, s0;
	s8 =	sadd.s32 s25, s2  }
0x8: {  	[smem:$0x7FF] =	sst s3;
	s26 =	sadd.s32 $0x800, s8  }
0x9: {  	_ =	strace $0x8000004D;
	s29 =	sadd.s32 $0x1000, s8;
	[dreg:$0x3] =	wrdreg s26  }
0xa: {  	s31 =	sadd.s32 $0x1800, s8;
	[dreg:$0x4] =	wrdreg s29  }
0xb: {  	s12 =	sadd.s32 $0x2000, s8;
	[dreg:$0x5] =	wrdreg s31  }
0xc: {  	s14 =	sadd.s32 $0x2800, s8;
	[dreg:$0x6] =	wrdreg s12  }
0xd: {  	s15 =	sadd.s32 $0x3000, s8;
	[dreg:$0x7] =	wrdreg s14  }
0xe: {  	s4 =	sadd.s32 $0xC5C00, s0;
	s16 =	sadd.s32 $0x3800, s8;
	[dreg:$0x8] =	wrdreg s15  }
0xf: {  	s5 =	sadd.s32 $0x2400, s0;
	s18 =	sadd.s32 $0x4000, s8;
	[dreg:$0x9] =	wrdreg s16  }
0x10: {  	s24 =	sshll.u32 s13, $0x1;
	s19 =	sadd.s32 $0x4800, s8;
	[dreg:$0xa] =	wrdreg s18  }
0x11: {  	s9 =	ssub.s32 $0x2, s1;
	s20 =	sadd.s32 $0x5000, s8;
	[dreg:$0xb] =	wrdreg s19  }
0x12: {  	s23 =	sshrl.u32 s9, $0x1;
	s21 =	sadd.s32 $0x5800, s8;
	[dreg:$0xc] =	wrdreg s20  }
0x13: {  	s11 =	ssub.s32 s9, s23;
	s22 =	sadd.s32 $0x6000, s8;
	[dreg:$0xd] =	wrdreg s21  }
0x14: {  	s6 =	sadd.s32 $0x64000, s0;
	s23 =	sadd.s32 $0x6800, s8;
	[dreg:$0xe] =	wrdreg s22  }
0x15: {  	s0 =	sor.u32 s1, s24;
	s24 =	sadd.s32 $0x7000, s8;
	[dreg:$0xf] =	wrdreg s23  }
0x16: {  	s25 =	sadd.s32 $0x7800, s8;
	[dreg:$0x10] =	wrdreg s24  }
0x17: {  	s9 =	sadd.s32 $0x9800, s8;
	[dreg:$0x11] =	wrdreg s25  }
0x18: {  	s17 =	smul.u32 $0x30D40, s13;
	s13 =	sadd.s32 $0xA000, s8;
	[dreg:$0x15] =	wrdreg s9  }
0x19: {  	s26 =	sadd.s32 $0x8000, s8;
	[dreg:$0x16] =	wrdreg s13  }
0x1a: {  	s29 =	sadd.s32 $0x8800, s8;
	[dreg:$0x12] =	wrdreg s26  }
0x1b: {  	s31 =	sadd.s32 $0x9000, s8;
	[dreg:$0x13] =	wrdreg s29  }
0x1c: {  	s14 =	sadd.s32 $0xA800, s8;
	[dreg:$0x14] =	wrdreg s31  }
0x1d: {  	s1 =	smul.u32 $0x186A0, s1;
	s15 =	sadd.s32 $0xB000, s8;
	[dreg:$0x17] =	wrdreg s14  }
0x1e: {  	s16 =	sadd.s32 $0xB800, s8;
	[dreg:$0x18] =	wrdreg s15  }
0x1f: {  	s12 =	sadd.s32 s1, s17;
	s17 =	sadd.s32 $0xC000, s8;
	[dreg:$0x19] =	wrdreg s16  }
0x20: {  	s18 =	sadd.s32 $0xC800, s8;
	[dreg:$0x1a] =	wrdreg s17  }
0x21: {  	s19 =	sadd.s32 $0xD000, s8;
	[dreg:$0x1b] =	wrdreg s18  }
0x22: {  	s20 =	sadd.s32 $0xD800, s8;
	[dreg:$0x1c] =	wrdreg s19  }
0x23: {  	s21 =	sadd.s32 $0xE000, s8;
	[dreg:$0x1d] =	wrdreg s20  }
0x24: {  	s22 =	sadd.s32 $0xE800, s8;
	[dreg:$0x1e] =	wrdreg s21  }
0x25: {  	s23 =	sadd.s32 $0xF000, s8;
	[dreg:$0x1f] =	wrdreg s22  }
0x26: {  	s24 =	sadd.s32 $0xF800, s8;
	[smem:$0x7EA] =	sst s23  }
0x27: {  	s25 =	sadd.s32 $0x10000, s8;
	[smem:$0x7EB] =	sst s24  }
0x28: {  	s9 =	sadd.s32 $0x12000, s8;
	[smem:$0x7EC] =	sst s25  }
0x29: {  	s13 =	sadd.s32 $0x12800, s8;
	[smem:$0x7F0] =	sst s9  }
0x2a: {  	s26 =	sadd.s32 $0x10800, s8;
	[smem:$0x7F1] =	sst s13  }
0x2b: {  	s29 =	sadd.s32 $0x11000, s8;
	[smem:$0x7ED] =	sst s26  }
0x2c: {  	s31 =	sadd.s32 $0x11800, s8;
	[smem:$0x7EE] =	sst s29  }
0x2d: {  	s14 =	sadd.s32 $0x13000, s8;
	[smem:$0x7EF] =	sst s31  }
0x2e: {  	s15 =	sadd.s32 $0x13800, s8;
	[smem:$0x7F2] =	sst s14  }
0x2f: {  	s16 =	sadd.s32 $0x14000, s8;
	[smem:$0x7F3] =	sst s15  }
0x30: {  	s17 =	sadd.s32 $0x14800, s8;
	[smem:$0x7F4] =	sst s16  }
0x31: {  	s18 =	sadd.s32 $0x15000, s8;
	[smem:$0x7F5] =	sst s17  }
0x32: {  	s28 =	simm.s32 $0x0;
	s19 =	sadd.s32 $0x15800, s8;
	[smem:$0x7F6] =	sst s18  }
0x33: {  	s7 =	sadd.s32 s7, s2;
	s20 =	sadd.s32 $0x16000, s8;
	[smem:$0x7F7] =	sst s19  }
0x34: {  	s11 =	smax.u32 s11, $0x1;
	s21 =	sadd.s32 $0x16800, s8;
	[smem:$0x7F8] =	sst s20  }
0x35: {  	s0 =	smul.u32 $0x186A0, s0;
	s22 =	sadd.s32 $0x17000, s8;
	[smem:$0x7F9] =	sst s21  }
0x36: {  	s10 =	sadd.s32 $0xF6C00, s10;
	s23 =	sadd.s32 $0x17800, s8;
	[smem:$0x7FA] =	sst s22  }
0x37: {  	s1 =	sshrl.u32 s0, $0x3;
	s24 =	sadd.s32 $0x18000, s8;
	[smem:$0x7FB] =	sst s23  }
0x38: {  	s30 =	sadd.s32 $0x800, s12;
	[smem:$0x7FC] =	sst s24;
	s25 =	sadd.s32 $0x3080, s1  }
0x39: {  	s26 =	sadd.s32 s5, s1;
	s1 =	sadd.s32 s6, s1;
	s29 =	sadd.s32 $0x400, s12  }
0x3a: {  	s15 =	simm.s32 $0x5540;
	s16 =	simm.s32 $0x2;
	s17 =	simm.s32 $0x4  }
0x3b: {  	s18 =	simm.s32 $0x400;
	s19 =	simm.s32 $0x800;
	s20 =	simm.s32 $0x1  }
0x3c: {  	s21 =	simm.s32 $0x4800;
	s22 =	simm.s32 $0x4C00;
	s23 =	simm.s32 $0x3  }
0x3d: {  	s24 =	simm.s32 $0x5000;
	[smem:$0x7FD] =	sst s26;
	s8 =	sadd.s32 s5, s25  }
0x3e: {  	s9 =	sadd.s32 s6, s25;
	s31 =	sshrl.u32 s29, $0x3;
	s25 =	simm.s32 $0x52A0  }
0x3f: {  	v0 =	vimm.f32 $0.0e+00;
	s26 =	simm.s32 $0x2A0;
	s13 =	sadd.s32 s31, s6;
	s14 =	sadd.s32 s31, s5  }
.LBB2_1:
0x40: {  	s12 =	simm.s32 $0x40;
	s29 =	simm.s32 $0x0  }
.LBB2_2:
0x41: {  	p0 =	sne.s32 s12, $0x1FC0;
	[tilespmem:s29+$0x5540] =	vst v0;
	s29 =	smov.u32 s12;
	s12 =	sadd.s32 $0x40, s12  }
.Ltmp0:
0x42: {  	(pc) =	sbr.rel @p0 .LBB2_2-.Ltmp0, $2  }
0x43: {  	_ =	sdelay $0x2  }
0x44: {  	s29 =	sshra.s32 s29, $0x2  }
0x45: {  	[tilespmem:s29+$0x5540] =	vst v0;
	s0 =	rddreg [dreg:$0x3]  }
0x46: {  	[spmem:s7] =	stream.linear.scatter [tilespmem:s15], [sflag:$0x2], $0x800, $0x38;
	[tilespmem:$0x1E540] =	vst v63  }
0x47: {  	s12 =	rddreg [dreg:$0x4]  }
0x48: {  	[spmem:s0] =	stream.linear.scatter [tilespmem:s15], [sflag:$0x2], $0x800, $0x38;
	[tilespmem:$0x1E540] =	vst v63  }
0x49: {  	s31 =	rddreg [dreg:$0x5]  }
0x4a: {  	[spmem:s12] =	stream.linear.scatter [tilespmem:s15], [sflag:$0x2], $0x800, $0x38;
	[tilespmem:$0x1E540] =	vst v63  }
0x4b: {  	s12 =	rddreg [dreg:$0x6]  }
0x4c: {  	[spmem:s31] =	stream.linear.scatter [tilespmem:s15], [sflag:$0x2], $0x800, $0x38;
	[tilespmem:$0x1E540] =	vst v63  }
0x4d: {  	s31 =	rddreg [dreg:$0x7]  }
0x4e: {  	[spmem:s12] =	stream.linear.scatter [tilespmem:s15], [sflag:$0x2], $0x800, $0x38;
	[tilespmem:$0x1E540] =	vst v63  }
0x4f: {  	s12 =	rddreg [dreg:$0x8]  }
0x50: {  	[spmem:s31] =	stream.linear.scatter [tilespmem:s15], [sflag:$0x2], $0x800, $0x38;
	[tilespmem:$0x1E540] =	vst v63  }
0x51: {  	s31 =	rddreg [dreg:$0x9]  }
0x52: {  	[spmem:s12] =	stream.linear.scatter [tilespmem:s15], [sflag:$0x2], $0x800, $0x38;
	[tilespmem:$0x1E540] =	vst v63  }
0x53: {  	s12 =	rddreg [dreg:$0xa]  }
0x54: {  	[spmem:s31] =	stream.linear.scatter [tilespmem:s15], [sflag:$0x2], $0x800, $0x38;
	[tilespmem:$0x1E540] =	vst v63  }
0x55: {  	s31 =	rddreg [dreg:$0xb]  }
0x56: {  	[spmem:s12] =	stream.linear.scatter [tilespmem:s15], [sflag:$0x2], $0x800, $0x38;
	[tilespmem:$0x1E540] =	vst v63  }
0x57: {  	s12 =	rddreg [dreg:$0xc]  }
0x58: {  	[spmem:s31] =	stream.linear.scatter [tilespmem:s15], [sflag:$0x2], $0x800, $0x38;
	[tilespmem:$0x1E540] =	vst v63  }
0x59: {  	s31 =	rddreg [dreg:$0xd]  }
0x5a: {  	[spmem:s12] =	stream.linear.scatter [tilespmem:s15], [sflag:$0x2], $0x800, $0x38;
	[tilespmem:$0x1E540] =	vst v63  }
0x5b: {  	s12 =	rddreg [dreg:$0xe]  }
0x5c: {  	[spmem:s31] =	stream.linear.scatter [tilespmem:s15], [sflag:$0x2], $0x800, $0x38;
	[tilespmem:$0x1E540] =	vst v63  }
0x5d: {  	s31 =	rddreg [dreg:$0xf]  }
0x5e: {  	[spmem:s12] =	stream.linear.scatter [tilespmem:s15], [sflag:$0x2], $0x800, $0x38;
	[tilespmem:$0x1E540] =	vst v63  }
0x5f: {  	s12 =	rddreg [dreg:$0x10]  }
0x60: {  	[spmem:s31] =	stream.linear.scatter [tilespmem:s15], [sflag:$0x2], $0x800, $0x38;
	[tilespmem:$0x1E540] =	vst v63  }
0x61: {  	s31 =	rddreg [dreg:$0x11]  }
0x62: {  	[spmem:s12] =	stream.linear.scatter [tilespmem:s15], [sflag:$0x2], $0x800, $0x38;
	[tilespmem:$0x1E540] =	vst v63  }
0x63: {  	s12 =	rddreg [dreg:$0x12]  }
0x64: {  	[spmem:s31] =	stream.linear.scatter [tilespmem:s15], [sflag:$0x2], $0x800, $0x38;
	[tilespmem:$0x1E540] =	vst v63  }
0x65: {  	s31 =	rddreg [dreg:$0x13]  }
0x66: {  	[spmem:s12] =	stream.linear.scatter [tilespmem:s15], [sflag:$0x2], $0x800, $0x38;
	[tilespmem:$0x1E540] =	vst v63  }
0x67: {  	s12 =	rddreg [dreg:$0x14]  }
0x68: {  	[spmem:s31] =	stream.linear.scatter [tilespmem:s15], [sflag:$0x2], $0x800, $0x38;
	[tilespmem:$0x1E540] =	vst v63  }
0x69: {  	s31 =	rddreg [dreg:$0x15]  }
0x6a: {  	[spmem:s12] =	stream.linear.scatter [tilespmem:s15], [sflag:$0x2], $0x800, $0x38;
	[tilespmem:$0x1E540] =	vst v63  }
0x6b: {  	s12 =	rddreg [dreg:$0x16]  }
0x6c: {  	[spmem:s31] =	stream.linear.scatter [tilespmem:s15], [sflag:$0x2], $0x800, $0x38;
	[tilespmem:$0x1E540] =	vst v63  }
0x6d: {  	s31 =	rddreg [dreg:$0x17]  }
0x6e: {  	[spmem:s12] =	stream.linear.scatter [tilespmem:s15], [sflag:$0x2], $0x800, $0x38;
	[tilespmem:$0x1E540] =	vst v63  }
0x6f: {  	s12 =	rddreg [dreg:$0x18]  }
0x70: {  	[spmem:s31] =	stream.linear.scatter [tilespmem:s15], [sflag:$0x2], $0x800, $0x38;
	[tilespmem:$0x1E540] =	vst v63  }
0x71: {  	s31 =	rddreg [dreg:$0x19]  }
0x72: {  	[spmem:s12] =	stream.linear.scatter [tilespmem:s15], [sflag:$0x2], $0x800, $0x38;
	[tilespmem:$0x1E540] =	vst v63  }
0x73: {  	s12 =	rddreg [dreg:$0x1a]  }
0x74: {  	[spmem:s31] =	stream.linear.scatter [tilespmem:s15], [sflag:$0x2], $0x800, $0x38;
	[tilespmem:$0x1E540] =	vst v63  }
0x75: {  	s31 =	rddreg [dreg:$0x1b]  }
0x76: {  	[spmem:s12] =	stream.linear.scatter [tilespmem:s15], [sflag:$0x2], $0x800, $0x38;
	[tilespmem:$0x1E540] =	vst v63  }
0x77: {  	s12 =	rddreg [dreg:$0x1c]  }
0x78: {  	[spmem:s31] =	stream.linear.scatter [tilespmem:s15], [sflag:$0x2], $0x800, $0x38;
	[tilespmem:$0x1E540] =	vst v63  }
0x79: {  	s31 =	rddreg [dreg:$0x1d]  }
0x7a: {  	[spmem:s12] =	stream.linear.scatter [tilespmem:s15], [sflag:$0x2], $0x800, $0x38;
	[tilespmem:$0x1E540] =	vst v63  }
0x7b: {  	s12 =	rddreg [dreg:$0x1e]  }
0x7c: {  	[spmem:s31] =	stream.linear.scatter [tilespmem:s15], [sflag:$0x2], $0x800, $0x38;
	[tilespmem:$0x1E540] =	vst v63  }
0x7d: {  	s31 =	rddreg [dreg:$0x1f]  }
0x7e: {  	[spmem:s12] =	stream.linear.scatter [tilespmem:s15], [sflag:$0x2], $0x800, $0x38;
	[tilespmem:$0x1E540] =	vst v63  }
0x7f: {  	s12 =	sld [smem:$0x7EA]  }
0x80: {  	[spmem:s31] =	stream.linear.scatter [tilespmem:s15], [sflag:$0x2], $0x800, $0x38;
	[tilespmem:$0x1E540] =	vst v63  }
0x81: {  	s31 =	sld [smem:$0x7EB]  }
0x82: {  	[spmem:s12] =	stream.linear.scatter [tilespmem:s15], [sflag:$0x2], $0x800, $0x38;
	[tilespmem:$0x1E540] =	vst v63  }
0x83: {  	s12 =	sld [smem:$0x7EC]  }
0x84: {  	[spmem:s31] =	stream.linear.scatter [tilespmem:s15], [sflag:$0x2], $0x800, $0x38;
	[tilespmem:$0x1E540] =	vst v63  }
0x85: {  	s31 =	sld [smem:$0x7ED]  }
0x86: {  	[spmem:s12] =	stream.linear.scatter [tilespmem:s15], [sflag:$0x2], $0x800, $0x38;
	[tilespmem:$0x1E540] =	vst v63  }
0x87: {  	s12 =	sld [smem:$0x7EE]  }
0x88: {  	[spmem:s31] =	stream.linear.scatter [tilespmem:s15], [sflag:$0x2], $0x800, $0x38;
	[tilespmem:$0x1E540] =	vst v63  }
0x89: {  	s31 =	sld [smem:$0x7EF]  }
0x8a: {  	[spmem:s12] =	stream.linear.scatter [tilespmem:s15], [sflag:$0x2], $0x800, $0x38;
	[tilespmem:$0x1E540] =	vst v63  }
0x8b: {  	s12 =	sld [smem:$0x7F0]  }
0x8c: {  	[spmem:s31] =	stream.linear.scatter [tilespmem:s15], [sflag:$0x2], $0x800, $0x38;
	[tilespmem:$0x1E540] =	vst v63  }
0x8d: {  	s31 =	sld [smem:$0x7F1]  }
0x8e: {  	[spmem:s12] =	stream.linear.scatter [tilespmem:s15], [sflag:$0x2], $0x800, $0x38;
	[tilespmem:$0x1E540] =	vst v63  }
0x8f: {  	s12 =	sld [smem:$0x7F2]  }
0x90: {  	[spmem:s31] =	stream.linear.scatter [tilespmem:s15], [sflag:$0x2], $0x800, $0x38;
	[tilespmem:$0x1E540] =	vst v63  }
0x91: {  	s31 =	sld [smem:$0x7F3]  }
0x92: {  	[spmem:s12] =	stream.linear.scatter [tilespmem:s15], [sflag:$0x2], $0x800, $0x38;
	[tilespmem:$0x1E540] =	vst v63  }
0x93: {  	s12 =	sld [smem:$0x7F4]  }
0x94: {  	[spmem:s31] =	stream.linear.scatter [tilespmem:s15], [sflag:$0x2], $0x800, $0x38;
	[tilespmem:$0x1E540] =	vst v63  }
0x95: {  	s31 =	sld [smem:$0x7F5]  }
0x96: {  	[spmem:s12] =	stream.linear.scatter [tilespmem:s15], [sflag:$0x2], $0x800, $0x38;
	[tilespmem:$0x1E540] =	vst v63  }
0x97: {  	s12 =	sld [smem:$0x7F6]  }
0x98: {  	[spmem:s31] =	stream.linear.scatter [tilespmem:s15], [sflag:$0x2], $0x800, $0x38;
	[tilespmem:$0x1E540] =	vst v63  }
0x99: {  	s31 =	sld [smem:$0x7F7]  }
0x9a: {  	[spmem:s12] =	stream.linear.scatter [tilespmem:s15], [sflag:$0x2], $0x800, $0x38;
	[tilespmem:$0x1E540] =	vst v63  }
0x9b: {  	s12 =	sld [smem:$0x7F8]  }
0x9c: {  	[spmem:s31] =	stream.linear.scatter [tilespmem:s15], [sflag:$0x2], $0x800, $0x38;
	[tilespmem:$0x1E540] =	vst v63  }
0x9d: {  	s31 =	sld [smem:$0x7F9]  }
0x9e: {  	[spmem:s12] =	stream.linear.scatter [tilespmem:s15], [sflag:$0x2], $0x800, $0x38;
	[tilespmem:$0x1E540] =	vst v63  }
0x9f: {  	s12 =	sld [smem:$0x7FA]  }
0xa0: {  	[spmem:s31] =	stream.linear.scatter [tilespmem:s15], [sflag:$0x2], $0x800, $0x38;
	[tilespmem:$0x1E540] =	vst v63  }
0xa1: {  	s31 =	sld [smem:$0x7FB]  }
0xa2: {  	[spmem:s12] =	stream.linear.scatter [tilespmem:s15], [sflag:$0x2], $0x800, $0x38;
	[tilespmem:$0x1E540] =	vst v63  }
0xa3: {  	s12 =	sld [smem:$0x7FC]  }
0xa4: {  	[spmem:s31] =	stream.linear.scatter [tilespmem:s15], [sflag:$0x2], $0x800, $0x38;
	[tilespmem:$0x1E540] =	vst v63  }
0xa5: {  	_ = 	snop  }
0xa6: {  	[spmem:s12] =	stream.linear.scatter [tilespmem:s15], [sflag:$0x2], $0x800, $0x38;
	[tilespmem:$0x1E540] =	vst v63  }
0xa7: {  	_ =	swait.ge [sflag:s16], $0x800  }
0xa8: {  	[sflag:s16] =	ssyncset.done $0x0  }
0xa9: {  	[sflag:s16] =	ssyncadd.s32 $0xFFFFF800  }
0xaa: {  	_ =	swait.ge [sflag:s16], $0x800  }
0xab: {  	[sflag:s16] =	ssyncset.done $0x0  }
0xac: {  	[sflag:s16] =	ssyncadd.s32 $0xFFFFF800  }
0xad: {  	_ =	swait.ge [sflag:s16], $0x800  }
0xae: {  	[sflag:s16] =	ssyncset.done $0x0  }
0xaf: {  	[sflag:s16] =	ssyncadd.s32 $0xFFFFF800  }
0xb0: {  	_ =	swait.ge [sflag:s16], $0x800  }
0xb1: {  	[sflag:s16] =	ssyncset.done $0x0  }
0xb2: {  	[sflag:s16] =	ssyncadd.s32 $0xFFFFF800  }
0xb3: {  	_ =	swait.ge [sflag:s16], $0x800  }
0xb4: {  	[sflag:s16] =	ssyncset.done $0x0  }
0xb5: {  	[sflag:s16] =	ssyncadd.s32 $0xFFFFF800  }
0xb6: {  	_ =	swait.ge [sflag:s16], $0x800  }
0xb7: {  	[sflag:s16] =	ssyncset.done $0x0  }
0xb8: {  	[sflag:s16] =	ssyncadd.s32 $0xFFFFF800  }
0xb9: {  	_ =	swait.ge [sflag:s16], $0x800  }
0xba: {  	[sflag:s16] =	ssyncset.done $0x0  }
0xbb: {  	[sflag:s16] =	ssyncadd.s32 $0xFFFFF800  }
0xbc: {  	_ =	swait.ge [sflag:s16], $0x800  }
0xbd: {  	[sflag:s16] =	ssyncset.done $0x0  }
0xbe: {  	[sflag:s16] =	ssyncadd.s32 $0xFFFFF800  }
0xbf: {  	_ =	swait.ge [sflag:s16], $0x800  }
0xc0: {  	[sflag:s16] =	ssyncset.done $0x0  }
0xc1: {  	[sflag:s16] =	ssyncadd.s32 $0xFFFFF800  }
0xc2: {  	_ =	swait.ge [sflag:s16], $0x800  }
0xc3: {  	[sflag:s16] =	ssyncset.done $0x0  }
0xc4: {  	[sflag:s16] =	ssyncadd.s32 $0xFFFFF800  }
0xc5: {  	_ =	swait.ge [sflag:s16], $0x800  }
0xc6: {  	[sflag:s16] =	ssyncset.done $0x0  }
0xc7: {  	[sflag:s16] =	ssyncadd.s32 $0xFFFFF800  }
0xc8: {  	_ =	swait.ge [sflag:s16], $0x800  }
0xc9: {  	[sflag:s16] =	ssyncset.done $0x0  }
0xca: {  	[sflag:s16] =	ssyncadd.s32 $0xFFFFF800  }
0xcb: {  	_ =	swait.ge [sflag:s16], $0x800  }
0xcc: {  	[sflag:s16] =	ssyncset.done $0x0  }
0xcd: {  	[sflag:s16] =	ssyncadd.s32 $0xFFFFF800  }
0xce: {  	_ =	swait.ge [sflag:s16], $0x800  }
0xcf: {  	[sflag:s16] =	ssyncset.done $0x0  }
0xd0: {  	[sflag:s16] =	ssyncadd.s32 $0xFFFFF800  }
0xd1: {  	_ =	swait.ge [sflag:s16], $0x800  }
0xd2: {  	[sflag:s16] =	ssyncset.done $0x0  }
0xd3: {  	[sflag:s16] =	ssyncadd.s32 $0xFFFFF800  }
0xd4: {  	_ =	swait.ge [sflag:s16], $0x800  }
0xd5: {  	[sflag:s16] =	ssyncset.done $0x0  }
0xd6: {  	[sflag:s16] =	ssyncadd.s32 $0xFFFFF800  }
0xd7: {  	_ =	swait.ge [sflag:s16], $0x800  }
0xd8: {  	[sflag:s16] =	ssyncset.done $0x0  }
0xd9: {  	[sflag:s16] =	ssyncadd.s32 $0xFFFFF800  }
0xda: {  	_ =	swait.ge [sflag:s16], $0x800  }
0xdb: {  	[sflag:s16] =	ssyncset.done $0x0  }
0xdc: {  	[sflag:s16] =	ssyncadd.s32 $0xFFFFF800  }
0xdd: {  	_ =	swait.ge [sflag:s16], $0x800  }
0xde: {  	[sflag:s16] =	ssyncset.done $0x0  }
0xdf: {  	[sflag:s16] =	ssyncadd.s32 $0xFFFFF800  }
0xe0: {  	_ =	swait.ge [sflag:s16], $0x800  }
0xe1: {  	[sflag:s16] =	ssyncset.done $0x0  }
0xe2: {  	[sflag:s16] =	ssyncadd.s32 $0xFFFFF800  }
0xe3: {  	_ =	swait.ge [sflag:s16], $0x800  }
0xe4: {  	[sflag:s16] =	ssyncset.done $0x0  }
0xe5: {  	[sflag:s16] =	ssyncadd.s32 $0xFFFFF800  }
0xe6: {  	_ =	swait.ge [sflag:s16], $0x800  }
0xe7: {  	[sflag:s16] =	ssyncset.done $0x0  }
0xe8: {  	[sflag:s16] =	ssyncadd.s32 $0xFFFFF800  }
0xe9: {  	_ =	swait.ge [sflag:s16], $0x800  }
0xea: {  	[sflag:s16] =	ssyncset.done $0x0  }
0xeb: {  	[sflag:s16] =	ssyncadd.s32 $0xFFFFF800  }
0xec: {  	_ =	swait.ge [sflag:s16], $0x800  }
0xed: {  	[sflag:s16] =	ssyncset.done $0x0  }
0xee: {  	[sflag:s16] =	ssyncadd.s32 $0xFFFFF800  }
0xef: {  	_ =	swait.ge [sflag:s16], $0x800  }
0xf0: {  	[sflag:s16] =	ssyncset.done $0x0  }
0xf1: {  	[sflag:s16] =	ssyncadd.s32 $0xFFFFF800  }
0xf2: {  	_ =	swait.ge [sflag:s16], $0x800  }
0xf3: {  	[sflag:s16] =	ssyncset.done $0x0  }
0xf4: {  	[sflag:s16] =	ssyncadd.s32 $0xFFFFF800  }
0xf5: {  	_ =	swait.ge [sflag:s16], $0x800  }
0xf6: {  	[sflag:s16] =	ssyncset.done $0x0  }
0xf7: {  	[sflag:s16] =	ssyncadd.s32 $0xFFFFF800  }
0xf8: {  	_ =	swait.ge [sflag:s16], $0x800  }
0xf9: {  	[sflag:s16] =	ssyncset.done $0x0  }
0xfa: {  	[sflag:s16] =	ssyncadd.s32 $0xFFFFF800  }
0xfb: {  	_ =	swait.ge [sflag:s16], $0x800  }
0xfc: {  	[sflag:s16] =	ssyncset.done $0x0  }
0xfd: {  	[sflag:s16] =	ssyncadd.s32 $0xFFFFF800  }
0xfe: {  	_ =	swait.ge [sflag:s16], $0x800  }
0xff: {  	[sflag:s16] =	ssyncset.done $0x0  }
0x100: {  	[sflag:s16] =	ssyncadd.s32 $0xFFFFF800  }
0x101: {  	_ =	swait.ge [sflag:s16], $0x800  }
0x102: {  	[sflag:s16] =	ssyncset.done $0x0  }
0x103: {  	[sflag:s16] =	ssyncadd.s32 $0xFFFFF800  }
0x104: {  	_ =	swait.ge [sflag:s16], $0x800  }
0x105: {  	[sflag:s16] =	ssyncset.done $0x0  }
0x106: {  	[sflag:s16] =	ssyncadd.s32 $0xFFFFF800  }
0x107: {  	_ =	swait.ge [sflag:s16], $0x800  }
0x108: {  	[sflag:s16] =	ssyncset.done $0x0  }
0x109: {  	[sflag:s16] =	ssyncadd.s32 $0xFFFFF800  }
0x10a: {  	_ =	swait.ge [sflag:s16], $0x800  }
0x10b: {  	[sflag:s16] =	ssyncset.done $0x0  }
0x10c: {  	[sflag:s16] =	ssyncadd.s32 $0xFFFFF800  }
0x10d: {  	_ =	swait.ge [sflag:s16], $0x800  }
0x10e: {  	[sflag:s16] =	ssyncset.done $0x0  }
0x10f: {  	[sflag:s16] =	ssyncadd.s32 $0xFFFFF800  }
0x110: {  	_ =	swait.ge [sflag:s16], $0x800  }
0x111: {  	[sflag:s16] =	ssyncset.done $0x0  }
0x112: {  	[sflag:s16] =	ssyncadd.s32 $0xFFFFF800  }
0x113: {  	_ =	swait.ge [sflag:s16], $0x800  }
0x114: {  	[sflag:s16] =	ssyncset.done $0x0  }
0x115: {  	[sflag:s16] =	ssyncadd.s32 $0xFFFFF800  }
0x116: {  	_ =	swait.ge [sflag:s16], $0x800  }
0x117: {  	[sflag:s16] =	ssyncset.done $0x0  }
0x118: {  	[sflag:s16] =	ssyncadd.s32 $0xFFFFF800  }
0x119: {  	_ =	swait.ge [sflag:s16], $0x800  }
0x11a: {  	[sflag:s16] =	ssyncset.done $0x0  }
0x11b: {  	[sflag:s16] =	ssyncadd.s32 $0xFFFFF800  }
0x11c: {  	_ =	swait.ge [sflag:s16], $0x800  }
0x11d: {  	[sflag:s16] =	ssyncset.done $0x0  }
0x11e: {  	[sflag:s16] =	ssyncadd.s32 $0xFFFFF800  }
0x11f: {  	_ =	swait.ge [sflag:s16], $0x800  }
0x120: {  	[sflag:s16] =	ssyncset.done $0x0  }
0x121: {  	[sflag:s16] =	ssyncadd.s32 $0xFFFFF800  }
0x122: {  	_ =	swait.ge [sflag:s16], $0x800  }
0x123: {  	[sflag:s16] =	ssyncset.done $0x0  }
0x124: {  	[sflag:s16] =	ssyncadd.s32 $0xFFFFF800  }
0x125: {  	_ =	swait.ge [sflag:s16], $0x800  }
0x126: {  	[sflag:s16] =	ssyncset.done $0x0  }
0x127: {  	[sflag:s16] =	ssyncadd.s32 $0xFFFFF800  }
0x128: {  	_ =	swait.ge [sflag:s16], $0x800  }
0x129: {  	[sflag:s16] =	ssyncset.done $0x0  }
0x12a: {  	[sflag:s16] =	ssyncadd.s32 $0xFFFFF800  }
0x12b: {  	_ =	swait.ge [sflag:s16], $0x800  }
0x12c: {  	[sflag:s16] =	ssyncset.done $0x0  }
0x12d: {  	[sflag:s16] =	ssyncadd.s32 $0xFFFFF800  }
0x12e: {  	_ =	swait.ge [sflag:s16], $0x800  }
0x12f: {  	[sflag:s16] =	ssyncset.done $0x0  }
0x130: {  	[sflag:s16] =	ssyncadd.s32 $0xFFFFF800  }
0x131: {  	_ =	swait.ge [sflag:s16], $0x800  }
0x132: {  	[sflag:s16] =	ssyncset.done $0x0  }
0x133: {  	[sflag:s16] =	ssyncadd.s32 $0xFFFFF800  }
0x134: {  	_ =	swait.ge [sflag:s16], $0x800  }
0x135: {  	[sflag:s16] =	ssyncset.done $0x0  }
0x136: {  	[sflag:s16] =	ssyncadd.s32 $0xFFFFF800  }
0x137: {  	_ =	swait.ge [sflag:s16], $0x800  }
0x138: {  	[sflag:s16] =	ssyncset.done $0x0  }
0x139: {  	[sflag:s16] =	ssyncadd.s32 $0xFFFFF800  }
0x13a: {  	[bflag:$0x0] =	sbarrier.arrive $0xFFFF  }
0x13b: {  	s31 =	sld [smem:$0x7FD];
	_ =	sdelay $0x1  }
0x13c: {  	s12 =	simm.s32 $0x0  }
0x13d: {  	[tilespmem:s12], [sflag:$0x4] =	stream.linear.gather [hbm4b:s31+s12], $0x400, $0x38;
	[tilespmem:$0x1E540] =	vst v63  }
0x13e: {  	_ =	swait.ge [sflag:s17], $0x400  }
0x13f: {  	[sflag:s17] =	ssyncset.done $0x0  }
0x140: {  	[sflag:s17] =	ssyncadd.s32 $0xFFFFFC00  }
0x141: {  	[tilespmem:s18], [sflag:$0x4] =	stream.linear.gather [hbm4b:s1+s12], $0x400, $0x38;
	[tilespmem:$0x1E540] =	vst v63  }
0x142: {  	_ =	swait.ge [sflag:s17], $0x400  }
0x143: {  	[sflag:s17] =	ssyncset.done $0x0  }
0x144: {  	[sflag:s17] =	ssyncadd.s32 $0xFFFFFC00  }
0x145: {  	[tilespmem:s19], [sflag:$0x1] =	stream.indirect.gather [hbm4b:s4+s18], $0x10, s3, s18, $0xb8;
	[tilespmem:$0x1E540] =	vst v63  }
0x146: {  	_ =	swait.ge [sflag:s20], $0x4000  }
0x147: {  	[sflag:s20] =	ssyncset.done $0x0  }
0x148: {  	[sflag:s20] =	ssyncadd.s32 $0xFFFFC000  }
0x149: {  	[spmem:s2] =	stream.indirect.scatter.add.f32 [tilespmem:s19], [sflag:$0x3], $0x10, s18, s18, $0xb8;
	[tilespmem:$0x1E540] =	vst v63  }
0x14a: {  	s31 =	sadd.s32 $0x0, s14  }
0x14b: {  	[tilespmem:s21], [sflag:$0x4] =	stream.linear.gather [hbm4b:s31+s3], $0x400, $0x38;
	[tilespmem:$0x1E540] =	vst v63  }
0x14c: {  	_ =	swait.ge [sflag:s17], $0x400  }
0x14d: {  	[sflag:s17] =	ssyncset.done $0x0  }
0x14e: {  	s0 =	sadd.s32 $0x0, s13;
	[sflag:s17] =	ssyncadd.s32 $0xFFFFFC00  }
0x14f: {  	[tilespmem:s22], [sflag:$0x4] =	stream.linear.gather [hbm4b:s0+s3], $0x400, $0x38;
	[tilespmem:$0x1E540] =	vst v63  }
0x150: {  	_ =	swait.ge [sflag:s17], $0x400  }
0x151: {  	[sflag:s17] =	ssyncset.done $0x0  }
0x152: {  	[sflag:s17] =	ssyncadd.s32 $0xFFFFFC00  }
0x153: {  	_ =	swait.ge [sflag:s23], $0x4000  }
0x154: {  	[sflag:s23] =	ssyncset.done $0x0  }
0x155: {  	[sflag:s23] =	ssyncadd.s32 $0xFFFFC000  }
0x156: {  	[tilespmem:s19], [sflag:$0x1] =	stream.indirect.gather [hbm4b:s4+s18], $0x10, s21, s18, $0xb8;
	[tilespmem:$0x1E540] =	vst v63  }
0x157: {  	_ =	swait.ge [sflag:s20], $0x4000  }
0x158: {  	[sflag:s20] =	ssyncset.done $0x0  }
0x159: {  	s31 =	sshrl.u32 s30, $0x3;
	[sflag:s20] =	ssyncadd.s32 $0xFFFFC000  }
0x15a: {  	[spmem:s2] =	stream.indirect.scatter.add.f32 [tilespmem:s19], [sflag:$0x3], $0x10, s22, s18, $0xb8;
	[tilespmem:$0x1E540] =	vst v63  }
0x15b: {  	s29 =	sadd.s32 s5, s31  }
0x15c: {  	[tilespmem:s3], [sflag:$0x4] =	stream.linear.gather [hbm4b:s29+s3], $0x400, $0x38;
	[tilespmem:$0x1E540] =	vst v63  }
0x15d: {  	_ =	swait.ge [sflag:s17], $0x400  }
0x15e: {  	[sflag:s17] =	ssyncset.done $0x0  }
0x15f: {  	s12 =	sadd.s32 s6, s31;
	[sflag:s17] =	ssyncadd.s32 $0xFFFFFC00  }
0x160: {  	[tilespmem:s18], [sflag:$0x4] =	stream.linear.gather [hbm4b:s12+s3], $0x400, $0x38;
	[tilespmem:$0x1E540] =	vst v63  }
0x161: {  	_ =	swait.ge [sflag:s17], $0x400  }
0x162: {  	[sflag:s17] =	ssyncset.done $0x0  }
0x163: {  	[sflag:s17] =	ssyncadd.s32 $0xFFFFFC00  }
0x164: {  	_ =	swait.ge [sflag:s23], $0x4000  }
0x165: {  	s29 =	simm.s32 $0x100;
	s12 =	smov.u32 s30;
	[sflag:s23] =	ssyncset.done $0x0  }
.LBB2_4:
0x166: {  	p0 =	sne.s32 s29, $0x2F00;
	[sflag:s23] =	ssyncadd.s32 $0xFFFFC000;
	s12 =	sadd.s32 $0x800, s12  }
0x167: {  	[tilespmem:s19], [sflag:$0x1] =	stream.indirect.gather [hbm4b:s4+s18], $0x10, s3, s18, $0xb8;
	[tilespmem:$0x1E540] =	vst v63  }
0x168: {  	s31 =	smov.u32 s29;
	s29 =	sadd.s32 $0x100, s29;
	_ =	swait.ge [sflag:s20], $0x4000  }
0x169: {  	[sflag:s20] =	ssyncset.done $0x0  }
0x16a: {  	[sflag:s20] =	ssyncadd.s32 $0xFFFFC000  }
0x16b: {  	[spmem:s2] =	stream.indirect.scatter.add.f32 [tilespmem:s19], [sflag:$0x3], $0x10, s18, s18, $0xb8;
	[tilespmem:$0x1E540] =	vst v63  }
0x16c: {  	s0 =	sadd.s32 s31, s14  }
0x16d: {  	[tilespmem:s21], [sflag:$0x4] =	stream.linear.gather [hbm4b:s0+s3], $0x400, $0x38;
	[tilespmem:$0x1E540] =	vst v63  }
0x16e: {  	_ =	swait.ge [sflag:s17], $0x400  }
0x16f: {  	[sflag:s17] =	ssyncset.done $0x0  }
0x170: {  	s0 =	sadd.s32 s31, s13;
	[sflag:s17] =	ssyncadd.s32 $0xFFFFFC00  }
0x171: {  	[tilespmem:s22], [sflag:$0x4] =	stream.linear.gather [hbm4b:s0+s3], $0x400, $0x38;
	[tilespmem:$0x1E540] =	vst v63  }
0x172: {  	_ =	swait.ge [sflag:s17], $0x400  }
0x173: {  	[sflag:s17] =	ssyncset.done $0x0  }
0x174: {  	[sflag:s17] =	ssyncadd.s32 $0xFFFFFC00  }
0x175: {  	_ =	swait.ge [sflag:s23], $0x4000  }
0x176: {  	[sflag:s23] =	ssyncset.done $0x0  }
0x177: {  	[sflag:s23] =	ssyncadd.s32 $0xFFFFC000  }
0x178: {  	[tilespmem:s19], [sflag:$0x1] =	stream.indirect.gather [hbm4b:s4+s18], $0x10, s21, s18, $0xb8;
	[tilespmem:$0x1E540] =	vst v63  }
0x179: {  	_ =	swait.ge [sflag:s20], $0x4000  }
0x17a: {  	[sflag:s20] =	ssyncset.done $0x0  }
0x17b: {  	s0 =	sshrl.u32 s12, $0x3;
	[sflag:s20] =	ssyncadd.s32 $0xFFFFC000  }
0x17c: {  	[spmem:s2] =	stream.indirect.scatter.add.f32 [tilespmem:s19], [sflag:$0x3], $0x10, s22, s18, $0xb8;
	[tilespmem:$0x1E540] =	vst v63  }
0x17d: {  	s31 =	sadd.s32 s5, s0  }
0x17e: {  	[tilespmem:s3], [sflag:$0x4] =	stream.linear.gather [hbm4b:s31+s3], $0x400, $0x38;
	[tilespmem:$0x1E540] =	vst v63  }
0x17f: {  	_ =	swait.ge [sflag:s17], $0x400  }
0x180: {  	[sflag:s17] =	ssyncset.done $0x0  }
0x181: {  	s0 =	sadd.s32 s6, s0;
	[sflag:s17] =	ssyncadd.s32 $0xFFFFFC00  }
0x182: {  	[tilespmem:s18], [sflag:$0x4] =	stream.linear.gather [hbm4b:s0+s3], $0x400, $0x38;
	[tilespmem:$0x1E540] =	vst v63  }
.Ltmp1:
0x183: {  	_ =	swait.ge [sflag:s17], $0x400;
	(pc) =	sbr.rel @p0 .LBB2_4-.Ltmp1, $4  }
0x184: {  	[sflag:s17] =	ssyncset.done $0x0  }
0x185: {  	[sflag:s17] =	ssyncadd.s32 $0xFFFFFC00  }
0x186: {  	_ =	swait.ge [sflag:s23], $0x4000  }
0x187: {  	[sflag:s23] =	ssyncset.done $0x0  }
0x188: {  	[sflag:s23] =	ssyncadd.s32 $0xFFFFC000  }
0x189: {  	[tilespmem:s19], [sflag:$0x1] =	stream.indirect.gather [hbm4b:s4+s18], $0x10, s3, s18, $0xb8;
	[tilespmem:$0x1E540] =	vst v63  }
0x18a: {  	_ =	swait.ge [sflag:s20], $0x4000  }
0x18b: {  	[sflag:s20] =	ssyncset.done $0x0  }
0x18c: {  	[sflag:s20] =	ssyncadd.s32 $0xFFFFC000  }
0x18d: {  	[spmem:s2] =	stream.indirect.scatter.add.f32 [tilespmem:s19], [sflag:$0x3], $0x10, s18, s18, $0xb8;
	[tilespmem:$0x1E540] =	vst v63  }
0x18e: {  	_ = 	snop  }
0x18f: {  	[tilespmem:s24], [sflag:$0x4] =	stream.linear.gather [hbm4b:s8+s3], $0x2A0, $0x38;
	[tilespmem:$0x1E540] =	vst v63  }
0x190: {  	_ =	swait.ge [sflag:s17], $0x2A0  }
0x191: {  	[sflag:s17] =	ssyncset.done $0x0  }
0x192: {  	[sflag:s17] =	ssyncadd.s32 $0xFFFFFD60  }
0x193: {  	[tilespmem:s25], [sflag:$0x4] =	stream.linear.gather [hbm4b:s9+s3], $0x2A0, $0x38;
	[tilespmem:$0x1E540] =	vst v63  }
0x194: {  	_ =	swait.ge [sflag:s17], $0x2A0  }
0x195: {  	[sflag:s17] =	ssyncset.done $0x0  }
0x196: {  	[sflag:s17] =	ssyncadd.s32 $0xFFFFFD60  }
0x197: {  	_ =	swait.ge [sflag:s23], $0x4000  }
0x198: {  	[sflag:s23] =	ssyncset.done $0x0  }
0x199: {  	[sflag:s23] =	ssyncadd.s32 $0xFFFFC000  }
0x19a: {  	[tilespmem:s19], [sflag:$0x1] =	stream.indirect.gather [hbm4b:s4+s26], $0x10, s24, s26, $0xb8;
	[tilespmem:$0x1E540] =	vst v63  }
0x19b: {  	_ =	swait.ge [sflag:s20], $0x2A00  }
0x19c: {  	[sflag:s20] =	ssyncset.done $0x0  }
0x19d: {  	[sflag:s20] =	ssyncadd.s32 $0xFFFFD600  }
0x19e: {  	[spmem:s2] =	stream.indirect.scatter.add.f32 [tilespmem:s19], [sflag:$0x3], $0x10, s25, s26, $0xb8;
	[tilespmem:$0x1E540] =	vst v63  }
0x19f: {  	s0 =	stileid.u32;
	_ =	swait.ge [sflag:s23], $0x2A00  }
0x1a0: {  	s12 =	sshrl.u32 s7, $0x3;
	s28 =	sadd.s32 $0x1, s28;
	[sflag:s23] =	ssyncset.done $0x0  }
0x1a1: {  	s0 =	sshll.u32 s0, $0x6;
	p0 =	sne.s32 s28, s11;
	[sflag:s23] =	ssyncadd.s32 $0xFFFFD600  }
.Ltmp2:
0x1a2: {  	s0 =	sor.u32 $0x1C04, s0;
	[bflag:$0x0] =	sbarrier.arrive $0xFFFF;
	(pc) =	sbr.rel @p0 .LBB2_1-.Ltmp2, $4  }
0x1a3: {  	[hbm:s10], [sflag:s0] =	dma.local [spmem:s12], $0x3100  }
0x1a4: {  	_ =	swait.ge [sflag:s17], $0x3100  }
0x1a5: {  	[sflag:s17] =	ssyncset.done $0x0  }
0x1a6: {  	[sflag:s17] =	ssyncadd.s32 $0xFFFFCF00  }
0x1a7: {  	_ =	sfence.sel $0x180000  }
0x1a8: {  	[bflag:$0x0] =	sbarrier.arrive $0xFFFF  }
0x1a9: {  	_ =	strace $0x9000004D  }
0x1aa: {  	s0 =	stileid.u32;
	[bflag:$0x2] =	sbarrier.arrive $0xFFFF  }
0x1ab: {  	p0 =	sne.s32 s0, $0x0;
	s0 =	rddreg [dreg:$0x2]  }
0x1ac: {  	s0 =	sadd.s32 @!p0 $0x100000, s0  }
0x1ad: {  	[sflag:s0] =	ssyncadd.tile.s32 @!p0 $0x1;
	_ =	shalt  }
.Lfunc_end2:
_tile_overlayer_lowered:
.L_overlay_start_2:
0x1ae: {  	(tag) =	ssettag $0x2  }
0x1af: {  	s0 =	rddreg [dreg:$0x0];
	s2 =	stileid.u32  }
0x1b0: {  	s1 =	rddreg [dreg:$0x1];
	p0 =	sne.s32 s2, $0x0  }
0x1b1: {  	s3 =	rddreg [dreg:$0x2];
	[bflag:$0x3] =	sbarrier.arrive $0xFFFF;
	s2 =	simm.s32 @!p0 $0x1C04  }
0x1b2: {  	[timem:s3], [sflag:s2] =	dma.local @!p0 [hbm:s0], s1  }
0x1b3: {  	s0 =	simm.s32 @!p0 $0x4  }
0x1b4: {  	_ =	swait.ge @!p0 [sflag:s0], s1  }
0x1b5: {  	s1 =	ssub.s32 @!p0 $0x0, s1;
	[sflag:s0] =	ssyncset.done @!p0 $0x0  }
0x1b6: {  	[sflag:s0] =	ssyncadd.s32 @!p0 s1  }
0x1b7: {  	[bflag:$0x3] =	sbarrier.arrive $0xFFFF  }
0x1b8: {  	_ =	shalt  }

// kernel: kernel.9.cloned.1.call-start
scs
__scs_entry_jumppad:
0x0: {  	(pc) =	sbr.rel $0x88, $3  }
0x1: {  	(tag) =	ssettag $0x0;
	lr =	simm.s32 $0x1  }
0x2: {  	[smem:$0x3F9B] =	sst lr;
	_ =	strace $0xD0000000  }
0x3: {  	_ = 	snop  }
0x4: {  	_ = 	snop  }
0x5: {  	_ = 	snop  }
0x6: {  	_ = 	snop  }
0x7: {  	_ = 	snop  }
__scs_overlays_trampoline_lowered:
0x8: {  	[smem:$0x3FAA] =	sst s0  }
0x9: {  	[smem:$0x3FAB] =	sst s1  }
0xa: {  	[smem:$0x3FAC] =	sst s2  }
0xb: {  	[smem:$0x3FAD] =	sst s3  }
0xc: {  	[smem:$0x3FAE] =	sst s4  }
0xd: {  	[smem:$0x3FAF] =	sst s5  }
0xe: {  	[smem:$0x3FB0] =	sst s6  }
0xf: {  	[smem:$0x3FB1] =	sst s7  }
0x10: {  	[smem:$0x3FB2] =	sst s8  }
0x11: {  	[smem:$0x3FB3] =	sst s9;
	s0 =	simm.s32 @!p0 $0x0  }
0x12: {  	s1 =	sld [smem:$0x3F99];
	s0 =	simm.s32 @p0 $0x1  }
0x13: {  	[smem:$0x3FB4] =	sst s0;
	s0 =	simm.s32 @!p1 $0x0  }
0x14: {  	s2 =	sld [smem:$0x3F98];
	s0 =	simm.s32 @p1 $0x1  }
0x15: {  	[smem:$0x3FB5] =	sst s0;
	s0 =	simm.s32 @!p2 $0x0  }
0x16: {  	s3 =	sld [smem:$0x3FDB];
	s0 =	simm.s32 @p2 $0x1  }
0x17: {  	s4 =	simm.s32 $0x1BF5;
	[smem:$0x3FB7] =	sst s0  }
0x18: {  	s0 =	sld [smem:$0x3F9A];
	_ =	swait.ge [sflag:s4], $0x0  }
0x19: {  	s7 =	sld [smem:$0x3F9B]  }
0x1a: {  	s8 =	sadd.s32 $0xFFFFE003, lr  }
0x1b: {  	s9 =	sadd.s32 $0xFFFFFEF7, lr;
	s5 =	simm.s32 $0xFFFFFFFF;
	p2 =	slt.u32 s8, $0xFFFFF086  }
0x1c: {  	p1 =	slt.u32 s9, $0xF7A;
	s5 =	simm.s32 @!p2 $0x0  }
0x1d: {  	s5 =	simm.s32 @p1 $0x1;
	p0 =	seq.s32 s7, s2  }
0x1e: {  	s7 =	smul.u32 @!p0 $0xF7A, s2;
	p2 =	seq.s32 @!p0 s5, $0x0  }
0x1f: {  	s9 =	smul.u32 $0xF7A, s1;
	s8 =	simm.s32 @!p0 $0x1BF5;
	p2 =	por !p2, p0  }
0x20: {  	[sflag:s8] =	ssyncset.s32 @!p0 $0xFFFFF086;
	s6 =	sadd.s32 @!p0 s3, s7;
	s7 =	simm.s32 @!p0 $0x108  }
0x21: {  	s3 =	sadd.s32 s3, s9;
	s6 =	sadd.s32 @!p0 $0x88, s6;
	s7 =	simm.s32 @p2 $0x1082  }
0x22: {  	[simem:s7], [sflag:s8] =	dma.local @!p0 [hbm:s6], $0xF7A  }
0x23: {  	s9 =	sor.u32 $0xD0000000, s2;
	s6 =	simm.s32 $0x108;
	_ =	swait.ge @!p0 [sflag:s8], $0x0  }
0x24: {  	s3 =	sadd.s32 $0x88, s3;
	s6 =	simm.s32 @!p1 $0x1082;
	[sflag:s4] =	ssyncset.s32 $0xFFFFF086  }
0x25: {  	[simem:s6], [sflag:s4] =	dma.local [hbm:s3], $0xF7A  }
0x26: {  	[smem:$0x3F9B] =	sst s1;
	(tag) =	ssettag s2;
	_ =	strace s9  }
0x27: {  	s1 =	sld [smem:$0x3FAB]  }
0x28: {  	s2 =	sld [smem:$0x3FAC]  }
0x29: {  	s4 =	sld [smem:$0x3FAE]  }
0x2a: {  	p0 =	seq.s32 s5, $0x0;
	s5 =	sld [smem:$0x3FAF]  }
0x2b: {  	s6 =	sld [smem:$0x3FB0]  }
0x2c: {  	s7 =	sld [smem:$0x3FB1]  }
0x2d: {  	s3 =	simm.s32 $0x108;
	s8 =	sld [smem:$0x3FB2]  }
0x2e: {  	s3 =	simm.s32 @!p0 $0x1082;
	s9 =	sld [smem:$0x3FB3]  }
0x2f: {  	lr =	sadd.s32 s0, s3;
	s0 =	sld [smem:$0x3FAA]  }
0x30: {  	s3 =	sld [smem:$0x3FAD]  }
0x31: {  	[smem:$0x3FB6] =	sst s10  }
0x32: {  	s10 =	sld [smem:$0x3FB4];
	_ =	sdelay $0x3  }
0x33: {  	p0 =	seq.s32 s10, $0x1;
	s10 =	sld [smem:$0x3FB6];
	_ =	sdelay $0x3  }
0x34: {  	[smem:$0x3FB6] =	sst s10  }
0x35: {  	s10 =	sld [smem:$0x3FB5];
	_ =	sdelay $0x3  }
0x36: {  	p1 =	seq.s32 s10, $0x1;
	s10 =	sld [smem:$0x3FB6];
	_ =	sdelay $0x3  }
0x37: {  	[smem:$0x3FB6] =	sst s10  }
0x38: {  	s10 =	sld [smem:$0x3FB7]  }
0x39: {  	_ = 	snop;
	(pc) =	sbr.ind lr, $3  }
0x3a: {  	_ = 	snop  }
0x3b: {  	_ = 	snop  }
0x3c: {  	p2 =	seq.s32 s10, $0x1;
	s10 =	sld [smem:$0x3FB6]  }
0x3d: {  	_ =	shalt  }
0x3e: {  	_ =	shalt  }
0x3f: {  	_ =	shalt  }
0x40: {  	_ =	shalt  }
0x41: {  	_ =	shalt  }
0x42: {  	_ =	shalt  }
0x43: {  	_ =	shalt  }
0x44: {  	_ =	shalt  }
0x45: {  	_ =	shalt  }
0x46: {  	_ =	shalt  }
0x47: {  	_ =	shalt  }
0x48: {  	_ =	shalt  }
0x49: {  	_ =	shalt  }
0x4a: {  	_ =	shalt  }
0x4b: {  	_ =	shalt  }
0x4c: {  	_ =	shalt  }
0x4d: {  	_ =	shalt  }
0x4e: {  	_ =	shalt  }
0x4f: {  	_ =	shalt  }
0x50: {  	_ =	shalt  }
0x51: {  	_ =	shalt  }
0x52: {  	_ =	shalt  }
0x53: {  	_ =	shalt  }
0x54: {  	_ =	shalt  }
0x55: {  	_ =	shalt  }
0x56: {  	_ =	shalt  }
0x57: {  	_ =	shalt  }
0x58: {  	_ =	shalt  }
0x59: {  	_ =	shalt  }
0x5a: {  	_ =	shalt  }
0x5b: {  	_ =	shalt  }
0x5c: {  	_ =	shalt  }
0x5d: {  	_ =	shalt  }
0x5e: {  	_ =	shalt  }
0x5f: {  	_ =	shalt  }
0x60: {  	_ =	shalt  }
0x61: {  	_ =	shalt  }
0x62: {  	_ =	shalt  }
0x63: {  	_ =	shalt  }
0x64: {  	_ =	shalt  }
0x65: {  	_ =	shalt  }
0x66: {  	_ =	shalt  }
0x67: {  	_ =	shalt  }
0x68: {  	_ =	shalt  }
0x69: {  	_ =	shalt  }
0x6a: {  	_ =	shalt  }
0x6b: {  	_ =	shalt  }
0x6c: {  	_ =	shalt  }
0x6d: {  	_ =	shalt  }
0x6e: {  	_ =	shalt  }
0x6f: {  	_ =	shalt  }
0x70: {  	_ =	shalt  }
0x71: {  	_ =	shalt  }
0x72: {  	_ =	shalt  }
0x73: {  	_ =	shalt  }
0x74: {  	_ =	shalt  }
0x75: {  	_ =	shalt  }
0x76: {  	_ =	shalt  }
0x77: {  	_ =	shalt  }
0x78: {  	_ =	shalt  }
0x79: {  	_ =	shalt  }
0x7a: {  	_ =	shalt  }
0x7b: {  	_ =	shalt  }
0x7c: {  	_ =	shalt  }
0x7d: {  	_ =	shalt  }
0x7e: {  	_ =	shalt  }
0x7f: {  	_ =	shalt  }
0x80: {  	_ =	shalt  }
0x81: {  	_ =	shalt  }
0x82: {  	_ =	shalt  }
0x83: {  	_ =	shalt  }
0x84: {  	_ =	shalt  }
0x85: {  	_ =	shalt  }
0x86: {  	_ =	shalt  }
0x87: {  	_ =	shalt  }
.Lfunc_end0:
.L_simem_size_0:
called_computation_lowered:
.L_overlay_start_0:
0x88: {  	s2 =	sld [smem:$0x3FD9]  }
0x89: {  	s3 =	sld [smem:$0x3FFE];
	_ =	sdelay $0x1  }
0x8a: {  	s1 =	srdreg.scid  }
0x8b: {  	s0 =	sand.u32 $0x1, s1  }
0x8c: {  	s16 =	sshll.u32 s0, $0xA;
	s2 =	sadd.s32 s3, s2  }
0x8d: {  	s2 =	sadd.s32 s2, s16  }
0x8e: {  	[smem:$0x3FC2] =	sst s2  }
0x8f: {  	_ = 	snop  }
0x90: {  	(tm) =	ssettm $0x1  }
0x91: {  	s17 =	sld [smem:$0x3FFB];
	_ =	sdelay $0x3  }
0x92: {  	_ =	strace s17  }
0x93: {  	s2 =	sld [smem:$0x3FFC];
	_ =	sdelay $0x3  }
0x94: {  	_ =	strace s2  }
0x95: {  	s2 =	sld [smem:$0x3FFD];
	_ =	sdelay $0x3  }
0x96: {  	_ =	strace s2  }
0x97: {  	_ =	strace $0x8FFFFFFF  }
0x98: {  	s18 =	sld [smem:$0x3FDB];
	_ =	sdelay $0x1  }
0x99: {  	s19 =	simm.s32 $_scs_section_size  }
0x9a: {  	s4 =	simm.s32 $_size__tile_overlayer_lowered;
	s5 =	simm.s32 $_tile_overlayer_lowered  }
0x9b: {  	s22 =	simm.s32 $0x1BFF;
	s21 =	sshll.u32 s5, $0x1;
	s2 =	sadd.s32 s19, s18  }
0x9c: {  	s6 =	simm.s32 $0x0;
	s20 =	sshll.u32 s4, $0x1;
	s4 =	sadd.s32 s21, s2  }
0x9d: {  	[timem:s6], [sflag:s22] =	dma.local [hbm:s4], s20  }
0x9e: {  	_ =	swait.ge [sflag:s22], s20  }
0x9f: {  	s3 =	ssub.s32 $0x0, s20;
	[sflag:s22] =	ssyncset.done $0x0  }
0xa0: {  	[sflag:s22] =	ssyncadd.s32 s3;
	_ =	sdelay $0x1  }
0xa1: {  	s23 =	simm.s32 $0x1B8B  }
0xa2: {  	_ =	swait.ge [sflag:s23], $0x1  }
0xa3: {  	[sflag:s23] =	ssyncset.done $0x0  }
0xa4: {  	s25 =	simm.s32 $0x1B8E;
	s24 =	sld [smem:$0x3FFE];
	[sflag:s23] =	ssyncadd.s32 $0xFFFFFFFF  }
0xa5: {  	s26 =	simm.s32 $execute0_lowered;
	[smem:$0x3FD2] =	sst s25  }
0xa6: {  	s4 =	sshll.u32 s26, $0x1;
	_ =	strace $0x80000046;
	[dreg:$0x1] =	wrdreg $0xFFFFFFFF  }
0xa7: {  	s28 =	simm.s32 $_size_execute0_lowered;
	s2 =	sadd.s32 s2, s4;
	[dreg:$0x0] =	wrdreg $0x0  }
0xa8: {  	s4 =	sshll.u32 s28, $0x1;
	[dreg:$0x2] =	wrdreg s2  }
0xa9: {  	[dreg:$0x3] =	wrdreg s4  }
0xaa: {  	[dreg:$0x4] =	wrdreg $0xC0  }
0xab: {  	_ =	task [dreg:s6], $0x5FFFF  }
0xac: {  	[dreg:$0x1] =	wrdreg $0xFFFFFFFF  }
0xad: {  	[dreg:$0x0] =	wrdreg $0x60  }
0xae: {  	[dreg:$0x2] =	wrdreg s24  }
0xaf: {  	[dreg:$0x3] =	wrdreg $0x27200  }
0xb0: {  	[dreg:$0x4] =	wrdreg $0x9  }
0xb1: {  	_ =	task.clear_ibuf [dreg:s6], $0x5FFFF;
	_ =	strace $0x90000046  }
0xb2: {  	s29 =	simm.s32 $0x9;
	_ =	strace $0x80000048  }
0xb3: {  	_ =	swait.ge [sflag:s29], $0x1  }
0xb4: {  	[sflag:s29] =	ssyncadd.s32 $0xFFFFFFFF  }
0xb5: {  	_ =	strace $0x90000048  }
0xb6: {  	_ =	sfence  }
0xb7: {  	s30 =	sld [smem:$0x0];
	_ =	sdelay $0x2  }
0xb8: {  	s31 =	sshll.u32 s1, $0xD;
	s1 =	sshrl.u32 s1, $0x2  }
0xb9: {  	s3 =	sand.u32 $0x4000, s31;
	s1 =	sadd.s32 s1, s30  }
0xba: {  	s0 =	sor.u32 s3, s0;
	s1 =	sshll.u32 s1, $0x11  }
0xbb: {  	s0 =	sor.u32 s1, s0  }
0xbc: {  	s0 =	sadd.s32 $0x8F2B, s0  }
0xbd: {  	[sflag:s0] =	ssyncadd.remote.s32 $0x1  }
0xbe: {  	_ =	sfence.sel $0xFFFF  }
0xbf: {  	[dreg:$0x0] =	wrdreg $0xFFFFFFFF;
	(pc) =	sbr.abs _section_cstart, $3  }
0xc0: {  	[dreg:$0x1] =	wrdreg $0xFFFFFFFF  }
0xc1: {  	_ =	task.clear_ibuf [dreg:s6], $0x2FFFF;
	_ =	strace $0x9FFFFFFF  }
0xc2: {  	(tm) =	ssettm $0x7FFFFFFF  }
0xc3: {  	_ =	shalt  }
tec
execute0_lowered:
.L_overlay_start_1:
0x0: {  	(tag) =	ssettag $0x1  }
0x1: {  	s5 =	rddreg [dreg:$0x0]  }
0x2: {  	s2 =	rddreg [dreg:$0x1]  }
0x3: {  	s0 =	rddreg [dreg:$0x2];
	s3 =	srdreg.scid  }
0x4: {  	s1 =	stileid.u32;
	s13 =	simm.s32 $0x3;
	s14 =	simm.s32 $0x400  }
0x5: {  	s15 =	simm.s32 $0xAA0;
	s16 =	simm.s32 $0x1;
	s17 =	simm.s32 $0x2  }
0x6: {  	s18 =	simm.s32 $0x800;
	s19 =	simm.s32 $0x2A0;
	s6 =	smul.u32 $0x1880, s1  }
0x7: {  	s20 =	simm.s32 $0x0;
	s4 =	sand.u32 $0x1, s3;
	s9 =	smul.u32 $0x30D40, s1  }
0x8: {  	s7 =	sshll.u32 s1, $0x1;
	s3 =	simm.s32 $0x0;
	s8 =	smul.u32 $0x18800, s4  }
0x9: {  	s7 =	sor.u32 s4, s7;
	[smem:$0x7FF] =	sst s3;
	s11 =	smul.u32 $0x186A0, s4  }
0xa: {  	s10 =	ssub.s32 $0x2, s4;
	s4 =	sadd.s32 $0x64000, s5;
	s7 =	smul.u32 $0x186A0, s7  }
0xb: {  	_ =	strace $0x80000047;
	s31 =	sshrl.u32 s10, $0x1;
	s8 =	sadd.s32 s6, s8  }
0xc: {  	s10 =	ssub.s32 s10, s31;
	s11 =	sadd.s32 s11, s9;
	s8 =	sshrl.u32 s8, $0x3  }
0xd: {  	s7 =	sshrl.u32 s7, $0x3;
	s9 =	sadd.s32 $0x400, s11;
	s8 =	sadd.s32 s8, s5  }
0xe: {  	s5 =	sadd.s32 s6, s2;
	s6 =	sadd.s32 s4, s7;
	s12 =	sshrl.u32 s9, $0x3  }
0xf: {  	s9 =	smax.u32 s10, $0x1;
	s10 =	sadd.s32 $0x800, s11;
	s7 =	sadd.s32 $0x3080, s6  }
0x10: {  	v0 =	vimm.f32 $0.0e+00;
	v1 =	vimm.f32 $1.000000000e+00;
	s8 =	sadd.s32 $0xC5C00, s8;
	s11 =	sadd.s32 s12, s4;
	s12 =	simm.s32 $0xEA0  }
.LBB2_1:
0x11: {  	s21 =	simm.s32 $0x0  }
.LBB2_2:
0x12: {  	p0 =	sne.s32 s21, $0x61C0  }
.Ltmp0:
0x13: {  	_ = 	snop;
	(pc) =	sbr.rel @p0 .LBB2_2-.Ltmp0, $3  }
0x14: {  	_ =	sdelay $0x1  }
0x15: {  	s22 =	sshra.s32 s21, $0x2  }
0x16: {  	s21 =	sadd.s32 $0x40, s21;
	[tilespmem:s22+$0xEA0] =	vst v0  }
0x17: {  	s21 =	simm.s32 $0x40;
	s22 =	simm.s32 $0x0  }
.LBB2_4:
0x18: {  	p0 =	sne.s32 s21, $0xFC0;
	[tilespmem:s22+$0xAA0] =	vst v1;
	s22 =	smov.u32 s21;
	s21 =	sadd.s32 $0x40, s21  }
.Ltmp1:
0x19: {  	(pc) =	sbr.rel @p0 .LBB2_4-.Ltmp1, $2  }
0x1a: {  	_ =	sdelay $0x2  }
0x1b: {  	s22 =	sshra.s32 s22, $0x2  }
0x1c: {  	[tilespmem:s22+$0xAA0] =	vst v1  }
0x1d: {  	[spmem:s5] =	stream.linear.scatter [tilespmem:s12], [sflag:$0x3], $0x1880, $0x38;
	[tilespmem:$0x3FA0] =	vst v63  }
0x1e: {  	_ =	swait.ge [sflag:s13], $0x1880  }
0x1f: {  	[sflag:s13] =	ssyncset.done $0x0  }
0x20: {  	[sflag:s13] =	ssyncadd.s32 $0xFFFFE780  }
0x21: {  	s21 =	simm.s32 $0x0;
	[bflag:$0x0] =	sbarrier.arrive $0xFFFF  }
0x22: {  	[tilespmem:s21], [sflag:$0x3] =	stream.linear.gather [hbm4b:s6+s21], $0x400, $0x38;
	[tilespmem:$0x3FA0] =	vst v63  }
0x23: {  	_ =	swait.ge [sflag:s13], $0x400  }
0x24: {  	[sflag:s13] =	ssyncset.done $0x0  }
0x25: {  	[sflag:s13] =	ssyncadd.s32 $0xFFFFFC00  }
0x26: {  	[spmem:s2] =	stream.indirect.scatter.add.f32 [tilespmem:s15], [sflag:$0x1], $0x1, s3, s14, $0xb8;
	[tilespmem:$0x3FA0] =	vst v63  }
0x27: {  	s30 =	sadd.s32 $0x0, s11  }
0x28: {  	[tilespmem:s14], [sflag:$0x3] =	stream.linear.gather [hbm4b:s30+s3], $0x400, $0x38;
	[tilespmem:$0x3FA0] =	vst v63  }
0x29: {  	_ =	swait.ge [sflag:s13], $0x400  }
0x2a: {  	[sflag:s13] =	ssyncset.done $0x0  }
0x2b: {  	[sflag:s13] =	ssyncadd.s32 $0xFFFFFC00  }
0x2c: {  	_ =	swait.ge [sflag:s16], $0x400  }
0x2d: {  	[sflag:s16] =	ssyncset.done $0x0  }
0x2e: {  	s31 =	sshrl.u32 s10, $0x3;
	[sflag:s16] =	ssyncadd.s32 $0xFFFFFC00  }
0x2f: {  	[spmem:s2] =	stream.indirect.scatter.add.f32 [tilespmem:s15], [sflag:$0x2], $0x1, s14, s14, $0xb8;
	[tilespmem:$0x3FA0] =	vst v63  }
0x30: {  	s21 =	sadd.s32 s4, s31  }
0x31: {  	[tilespmem:s3], [sflag:$0x3] =	stream.linear.gather [hbm4b:s21+s3], $0x400, $0x38;
	[tilespmem:$0x3FA0] =	vst v63  }
0x32: {  	_ =	swait.ge [sflag:s13], $0x400  }
0x33: {  	[sflag:s13] =	ssyncset.done $0x0  }
0x34: {  	[sflag:s13] =	ssyncadd.s32 $0xFFFFFC00  }
0x35: {  	_ =	swait.ge [sflag:s17], $0x400  }
0x36: {  	s22 =	smov.u32 s10;
	s21 =	simm.s32 $0x100;
	[sflag:s17] =	ssyncset.done $0x0  }
.LBB2_6:
0x37: {  	p0 =	sne.s32 s21, $0x2F00;
	[sflag:s17] =	ssyncadd.s32 $0xFFFFFC00;
	s22 =	sadd.s32 $0x800, s22  }
0x38: {  	[spmem:s2] =	stream.indirect.scatter.add.f32 [tilespmem:s15], [sflag:$0x1], $0x1, s3, s14, $0xb8;
	[tilespmem:$0x3FA0] =	vst v63  }
0x39: {  	s23 =	sadd.s32 s21, s11;
	s21 =	sadd.s32 $0x100, s21  }
0x3a: {  	[tilespmem:s14], [sflag:$0x3] =	stream.linear.gather [hbm4b:s23+s3], $0x400, $0x38;
	[tilespmem:$0x3FA0] =	vst v63  }
0x3b: {  	_ =	swait.ge [sflag:s13], $0x400  }
0x3c: {  	[sflag:s13] =	ssyncset.done $0x0  }
0x3d: {  	[sflag:s13] =	ssyncadd.s32 $0xFFFFFC00  }
0x3e: {  	_ =	swait.ge [sflag:s16], $0x400  }
0x3f: {  	[sflag:s16] =	ssyncset.done $0x0  }
0x40: {  	s23 =	sshrl.u32 s22, $0x3;
	[sflag:s16] =	ssyncadd.s32 $0xFFFFFC00  }
0x41: {  	[spmem:s2] =	stream.indirect.scatter.add.f32 [tilespmem:s15], [sflag:$0x2], $0x1, s14, s14, $0xb8;
	[tilespmem:$0x3FA0] =	vst v63  }
0x42: {  	s23 =	sadd.s32 s4, s23  }
0x43: {  	[tilespmem:s3], [sflag:$0x3] =	stream.linear.gather [hbm4b:s23+s3], $0x400, $0x38;
	[tilespmem:$0x3FA0] =	vst v63  }
.Ltmp2:
0x44: {  	_ =	swait.ge [sflag:s13], $0x400;
	(pc) =	sbr.rel @p0 .LBB2_6-.Ltmp2, $4  }
0x45: {  	[sflag:s13] =	ssyncset.done $0x0  }
0x46: {  	[sflag:s13] =	ssyncadd.s32 $0xFFFFFC00  }
0x47: {  	_ =	swait.ge [sflag:s17], $0x400  }
0x48: {  	[sflag:s17] =	ssyncset.done $0x0  }
0x49: {  	[sflag:s17] =	ssyncadd.s32 $0xFFFFFC00  }
0x4a: {  	[spmem:s2] =	stream.indirect.scatter.add.f32 [tilespmem:s15], [sflag:$0x1], $0x1, s3, s14, $0xb8;
	[tilespmem:$0x3FA0] =	vst v63  }
0x4b: {  	_ = 	snop  }
0x4c: {  	[tilespmem:s18], [sflag:$0x3] =	stream.linear.gather [hbm4b:s7+s3], $0x2A0, $0x38;
	[tilespmem:$0x3FA0] =	vst v63  }
0x4d: {  	_ =	swait.ge [sflag:s13], $0x2A0  }
0x4e: {  	[sflag:s13] =	ssyncset.done $0x0  }
0x4f: {  	[sflag:s13] =	ssyncadd.s32 $0xFFFFFD60  }
0x50: {  	_ =	swait.ge [sflag:s16], $0x400  }
0x51: {  	[sflag:s16] =	ssyncset.done $0x0  }
0x52: {  	[sflag:s16] =	ssyncadd.s32 $0xFFFFFC00  }
0x53: {  	[spmem:s2] =	stream.indirect.scatter.add.f32 [tilespmem:s15], [sflag:$0x2], $0x1, s18, s19, $0xb8;
	[tilespmem:$0x3FA0] =	vst v63  }
0x54: {  	_ =	swait.ge [sflag:s17], $0x2A0  }
0x55: {  	s21 =	sshll.u32 s1, $0x6;
	s20 =	sadd.s32 $0x1, s20;
	[sflag:s17] =	ssyncset.done $0x0  }
0x56: {  	s22 =	sshrl.u32 s5, $0x3;
	p0 =	sne.s32 s20, s9;
	[sflag:s17] =	ssyncadd.s32 $0xFFFFFD60  }
.Ltmp3:
0x57: {  	s21 =	sor.u32 $0x1C03, s21;
	[bflag:$0x0] =	sbarrier.arrive $0xFFFF;
	(pc) =	sbr.rel @p0 .LBB2_1-.Ltmp3, $4  }
0x58: {  	[hbm:s8], [sflag:s21] =	dma.local [spmem:s22], $0x310  }
0x59: {  	_ =	swait.ge [sflag:s13], $0x310  }
0x5a: {  	[sflag:s13] =	ssyncset.done $0x0  }
0x5b: {  	[sflag:s13] =	ssyncadd.s32 $0xFFFFFCF0  }
0x5c: {  	_ =	sfence.sel $0x180000  }
0x5d: {  	[bflag:$0x0] =	sbarrier.arrive $0xFFFF  }
0x5e: {  	p0 =	sne.s32 s1, $0x0;
	_ =	strace $0x90000047  }
0x5f: {  	s0 =	sadd.s32 @!p0 $0x100000, s0;
	[bflag:$0x2] =	sbarrier.arrive $0xFFFF  }
0x60: {  	[sflag:s0] =	ssyncadd.tile.s32 @!p0 $0x1;
	_ =	shalt  }
.Lfunc_end2:
_tile_overlayer_lowered:
.L_overlay_start_2:
0x61: {  	(tag) =	ssettag $0x2  }
0x62: {  	s0 =	rddreg [dreg:$0x0];
	s2 =	stileid.u32  }
0x63: {  	s1 =	rddreg [dreg:$0x1];
	p0 =	sne.s32 s2, $0x0  }
0x64: {  	s3 =	rddreg [dreg:$0x2];
	[bflag:$0x3] =	sbarrier.arrive $0xFFFF;
	s2 =	simm.s32 @!p0 $0x1C03  }
0x65: {  	[timem:s3], [sflag:s2] =	dma.local @!p0 [hbm:s0], s1  }
0x66: {  	s0 =	simm.s32 @!p0 $0x3  }
0x67: {  	_ =	swait.ge @!p0 [sflag:s0], s1  }
0x68: {  	s1 =	ssub.s32 @!p0 $0x0, s1;
	[sflag:s0] =	ssyncset.done @!p0 $0x0  }
0x69: {  	[sflag:s0] =	ssyncadd.s32 @!p0 s1  }
0x6a: {  	[bflag:$0x3] =	sbarrier.arrive $0xFFFF  }
0x6b: {  	_ =	shalt  }

</sc_bundles>
